<compile_context>
chip_gen: v7x
topology: tpu7x:2x2x1
jax: 0.10.2.dev20260603
libtpu: 0.0.44.dev20260713+nightly
codegen_flags: <defaults>
</compile_context>

<pallas_src>
import functools
import jax
import jax.numpy as jnp
import numpy as np
from jax import lax
from jax.experimental import pallas as pl
from jax.experimental.pallas import tpu as pltpu
from jax.experimental.pallas import tpu_sc as plsc

HIDDEN = 128


def _make_pos(L, H):
    pos = np.arange(L, dtype=np.float32)
    inv_freq = 1.0 / (10000.0 ** (np.arange(0, H, 2, dtype=np.float32) / H))
    ang = pos[:, None] * inv_freq[None, :]
    return jnp.asarray(np.concatenate([np.sin(ang), np.cos(ang)], axis=-1))


def _sc_body(P, L, H, idx_hbm, table_hbm, pos_hbm, out_hbm,
             idx_all, rows0, rows1, rows2, pos_v, sem_g, sem_o, sem_s):
    nc = 2
    wid = lax.axis_index("s") * nc + lax.axis_index("c")
    base = wid * (P * L)
    rows = (rows0, rows1, rows2)
    NB = 3

    def gather(p, b):
        return pltpu.make_async_copy(
            table_hbm.at[idx_all.at[pl.ds(p * L, L)]], rows[b], sem_g.at[b])

    def out_copy(p, b):
        return pltpu.make_async_copy(
            rows[b], out_hbm.at[pl.ds(base + p * L, L)], sem_o.at[b])

    def add_pos(b):
        def add_rows(l2, c):
            for r in range(2):
                for h in range(H // 16):
                    s = pl.ds(h * 16, 16)
                    rows[b][l2 * 2 + r, s] = (
                        rows[b][l2 * 2 + r, s] + pos_v[l2 * 2 + r, s])
            return c

        lax.fori_loop(0, L // 2, add_rows, 0)

    idx_head = pltpu.make_async_copy(
        idx_hbm.at[pl.ds(base, L)], idx_all.at[pl.ds(0, L)], sem_s.at[0])
    idx_tail = pltpu.make_async_copy(
        idx_hbm.at[pl.ds(base + L, (P - 1) * L)],
        idx_all.at[pl.ds(L, (P - 1) * L)], sem_s.at[1])
    pos_copy = pltpu.make_async_copy(pos_hbm, pos_v, sem_s.at[2])
    idx_head.start()
    idx_tail.start()
    pos_copy.start()

    def one_period(p, b, wait_prev, start_next):
        bn = (b + 1) % NB
        if wait_prev:
            out_copy(p - 2, bn).wait()
        if start_next:
            gather(p + 1, bn).start()
        gather(p, b).wait()
        add_pos(b)
        out_copy(p, b).start()

    idx_head.wait()
    gather(0, 0).start()
    idx_tail.wait()
    pos_copy.wait()

    for p in range(NB):
        one_period(p, p % NB, p >= 2, p + 1 < P)

    n_steady = (P - NB) // NB - 1

    def step(i, carry):
        p0 = NB + i * NB
        for j in range(NB):
            one_period(p0 + j, j, True, True)
        return carry

    lax.fori_loop(0, n_steady, step, 0)

    for p in range(NB + n_steady * NB, P):
        one_period(p, p % NB, True, p + 1 < P)

    out_copy(P - 2, (P - 2) % NB).wait()
    out_copy(P - 1, (P - 1) % NB).wait()


def kernel(tokens, emb_table):
    B, L = tokens.shape
    V, H = emb_table.shape
    NW = 32
    N = B * L
    assert N % NW == 0 and (N // NW) % L == 0 and H % 16 == 0
    P = (N // NW) // L
    assert P % 2 == 0 and L % 2 == 0

    pos = _make_pos(L, H)
    idx_flat = tokens.reshape(N).astype(jnp.int32)

    mesh = plsc.VectorSubcoreMesh(core_axis_name="c", subcore_axis_name="s")
    sc_k = functools.partial(
        pl.kernel,
        out_type=jax.ShapeDtypeStruct((N, H), jnp.float32),
        mesh=mesh,
        scratch_types=[
            pltpu.VMEM((P * L,), jnp.int32),
            pltpu.VMEM((L, H), jnp.float32),
            pltpu.VMEM((L, H), jnp.float32),
            pltpu.VMEM((L, H), jnp.float32),
            pltpu.VMEM((L, H), jnp.float32),
            pltpu.SemaphoreType.DMA((3,)),
            pltpu.SemaphoreType.DMA((3,)),
            pltpu.SemaphoreType.DMA((3,)),
        ],
    )(functools.partial(_sc_body, P, L, H))

    out = sc_k(idx_flat, emb_table, pos)
    return out.reshape(B, L, H)

# --- scband reference (transcript-rebuilt; emitter-appended) ---
"""Pipeline reference for scband-sum-embedding-22308060136277 (READ-ONLY COPY).

The authoritative reference and input builder live on the scoring server;
editing this copy changes nothing except your own understanding.
"""

import jax, jax.numpy as jnp
import numpy as np

VOCAB = 1000000
HIDDEN = 128


def sinusoidal_pos_emb(seq_len, d_model):
    pos = jnp.arange(seq_len, dtype=jnp.float32)
    inv_freq = 1.0 / (10000.0 ** (jnp.arange(0, d_model, 2, dtype=jnp.float32) / d_model))
    sinusoid = pos[:, None] * inv_freq[None, :]
    return jnp.concatenate([jnp.sin(sinusoid), jnp.cos(sinusoid)], axis=-1)


def setup_inputs(seed: int = 0) -> dict:
    key = jax.random.key(seed)
    k1, k2 = jax.random.split(key)
    tokens = jax.random.randint(k1, (4096, 200), 0, VOCAB, dtype=jnp.int64 if jax.config.jax_enable_x64 else jnp.int32)
    emb_table = jax.random.normal(k2, (VOCAB, HIDDEN), dtype=jnp.float32) * 0.02
    return {"tokens": tokens, "emb_table": emb_table}


def reference(tokens, emb_table):
    # AdaptiveEmbedding with default single cluster == standard embedding lookup
    tok_emb = jnp.take(emb_table, tokens, axis=0)  # [B, L, H] gather
    # SinusoidalPositionalEmbedding: fixed (non-learned) sin/cos by position
    pos_emb = sinusoidal_pos_emb(tokens.shape[1], emb_table.shape[1])  # [L, H]
    return tok_emb + pos_emb[None, :, :]

if __name__ == "__main__":
    import jax
    _d = setup_inputs()
    print(jax.jit(kernel)(*tuple(_d.values())))

</pallas_src>

<mosaic_0001>
#map = affine_map<(d0, d1) -> (0)>
#map1 = affine_map<(d0, d1) -> (0, 0)>
module attributes {stable_mosaic.version = 14 : i64} {
  func.func @_sc_body(%arg0: i32, %arg1: i32, %arg2: memref<819200xi32, #tpu.memory_space<hbm>>, %arg3: memref<1000000x128xf32, #tpu.memory_space<hbm>>, %arg4: memref<200x128xf32, #tpu.memory_space<hbm>>, %arg5: memref<819200x128xf32, #tpu.memory_space<hbm>>, %arg6: memref<25600xi32, #tpu.memory_space<vmem>>, %arg7: memref<200x128xf32, #tpu.memory_space<vmem>>, %arg8: memref<200x128xf32, #tpu.memory_space<vmem>>, %arg9: memref<200x128xf32, #tpu.memory_space<vmem>>, %arg10: memref<200x128xf32, #tpu.memory_space<vmem>>, %arg11: memref<3x!tpu.dma_semaphore, #tpu.memory_space<semaphore_mem>>, %arg12: memref<3x!tpu.dma_semaphore, #tpu.memory_space<semaphore_mem>>, %arg13: memref<3x!tpu.dma_semaphore, #tpu.memory_space<semaphore_mem>>) attributes {dimension_semantics = [#tpu.dimension_semantics<core_parallel>, #tpu.dimension_semantics<subcore_parallel>], iteration_bounds = array<i64: 2, 16>, scalar_prefetch = 0 : i64, scratch_operands = 8 : i64, tpu.core_type = #tpu.core_type<sc_vector_subcore>, window_params = [{transform_indices = #map}, {transform_indices = #map1}, {transform_indices = #map1}, {transform_indices = #map1}]} {
    %mul3A = arith.constant 2 : i32
    %mul3A_0 = arith.muli %arg1, %mul3A : i32
    %add3A = arith.addi %mul3A_0, %arg0 : i32
    %mul3A_1 = arith.constant 25600 : i32
    %mul3A_2 = arith.muli %add3A, %mul3A_1 : i32
    %add3A_3 = arith.constant 200 : i32
    %add3A_4 = arith.addi %mul3A_2, %add3A_3 : i32
    %dma_start3A = arith.constant 0 : i32
    %dma_start3A_5 = arith.constant 0 : i32
    %dma_start3A_6 = tpu.memref_slice %arg6[%dma_start3A_5] : memref<25600xi32, #tpu.memory_space<vmem>> -> memref<200xi32, #tpu.memory_space<vmem>>
    %dma_start3A_7 = tpu.memref_slice %arg2[%mul3A_2] : memref<819200xi32, #tpu.memory_space<hbm>> -> memref<200xi32, #tpu.memory_space<hbm>>
    %dma_start3A_8 = tpu.memref_slice %arg13[%dma_start3A] : memref<3x!tpu.dma_semaphore, #tpu.memory_space<semaphore_mem>> -> memref<1x!tpu.dma_semaphore, #tpu.memory_space<semaphore_mem>>
    %dma_start3A_9 = tpu.memref_squeeze %dma_start3A_8 : memref<1x!tpu.dma_semaphore, #tpu.memory_space<semaphore_mem>> -> memref<!tpu.dma_semaphore, #tpu.memory_space<semaphore_mem>>
    %dma_start3A_10 = arith.constant 0 : i32
    %dma_start3A_11 = tpu.memref_slice %arg6[%dma_start3A_10] : memref<25600xi32, #tpu.memory_space<vmem>> -> memref<200xi32, #tpu.memory_space<vmem>>
    %dma_start3A_12 = tpu.memref_slice %arg2[%mul3A_2] : memref<819200xi32, #tpu.memory_space<hbm>> -> memref<200xi32, #tpu.memory_space<hbm>>
    tpu.enqueue_dma source(%dma_start3A_12 : memref<200xi32, #tpu.memory_space<hbm>>) target(%dma_start3A_11 : memref<200xi32, #tpu.memory_space<vmem>>) target_semaphore(%dma_start3A_9 : memref<!tpu.dma_semaphore, #tpu.memory_space<semaphore_mem>>)
    %dma_start3A_13 = arith.constant 1 : i32
    %dma_start3A_14 = arith.constant 200 : i32
    %dma_start3A_15 = tpu.memref_slice %arg6[%dma_start3A_14] : memref<25600xi32, #tpu.memory_space<vmem>> -> memref<25400xi32, #tpu.memory_space<vmem>>
    %dma_start3A_16 = tpu.memref_slice %arg2[%add3A_4] : memref<819200xi32, #tpu.memory_space<hbm>> -> memref<25400xi32, #tpu.memory_space<hbm>>
    %dma_start3A_17 = tpu.memref_slice %arg13[%dma_start3A_13] : memref<3x!tpu.dma_semaphore, #tpu.memory_space<semaphore_mem>> -> memref<1x!tpu.dma_semaphore, #tpu.memory_space<semaphore_mem>>
    %dma_start3A_18 = tpu.memref_squeeze %dma_start3A_17 : memref<1x!tpu.dma_semaphore, #tpu.memory_space<semaphore_mem>> -> memref<!tpu.dma_semaphore, #tpu.memory_space<semaphore_mem>>
    %dma_start3A_19 = arith.constant 200 : i32
    %dma_start3A_20 = tpu.memref_slice %arg6[%dma_start3A_19] : memref<25600xi32, #tpu.memory_space<vmem>> -> memref<25400xi32, #tpu.memory_space<vmem>>
    %dma_start3A_21 = tpu.memref_slice %arg2[%add3A_4] : memref<819200xi32, #tpu.memory_space<hbm>> -> memref<25400xi32, #tpu.memory_space<hbm>>
    tpu.enqueue_dma source(%dma_start3A_21 : memref<25400xi32, #tpu.memory_space<hbm>>) target(%dma_start3A_20 : memref<25400xi32, #tpu.memory_space<vmem>>) target_semaphore(%dma_start3A_18 : memref<!tpu.dma_semaphore, #tpu.memory_space<semaphore_mem>>)
    %dma_start3A_22 = arith.constant 2 : i32
    %dma_start3A_23 = tpu.memref_slice %arg13[%dma_start3A_22] : memref<3x!tpu.dma_semaphore, #tpu.memory_space<semaphore_mem>> -> memref<1x!tpu.dma_semaphore, #tpu.memory_space<semaphore_mem>>
    %dma_start3A_24 = tpu.memref_squeeze %dma_start3A_23 : memref<1x!tpu.dma_semaphore, #tpu.memory_space<semaphore_mem>> -> memref<!tpu.dma_semaphore, #tpu.memory_space<semaphore_mem>>
    tpu.enqueue_dma source(%arg4 : memref<200x128xf32, #tpu.memory_space<hbm>>) target(%arg10 : memref<200x128xf32, #tpu.memory_space<vmem>>) target_semaphore(%dma_start3A_24 : memref<!tpu.dma_semaphore, #tpu.memory_space<semaphore_mem>>)
    %dma_wait3A = arith.constant 0 : i32
    %dma_wait3A_25 = arith.constant 0 : i32
    %dma_wait3A_26 = tpu.memref_slice %arg6[%dma_wait3A_25] : memref<25600xi32, #tpu.memory_space<vmem>> -> memref<200xi32, #tpu.memory_space<vmem>>
    %dma_wait3A_27 = tpu.memref_slice %arg2[%mul3A_2] : memref<819200xi32, #tpu.memory_space<hbm>> -> memref<200xi32, #tpu.memory_space<hbm>>
    %dma_wait3A_28 = tpu.memref_slice %arg13[%dma_wait3A] : memref<3x!tpu.dma_semaphore, #tpu.memory_space<semaphore_mem>> -> memref<1x!tpu.dma_semaphore, #tpu.memory_space<semaphore_mem>>
    %dma_wait3A_29 = tpu.memref_squeeze %dma_wait3A_28 : memref<1x!tpu.dma_semaphore, #tpu.memory_space<semaphore_mem>> -> memref<!tpu.dma_semaphore, #tpu.memory_space<semaphore_mem>>
    %dma_wait3A_30 = arith.constant 0 : i32
    %dma_wait3A_31 = tpu.memref_slice %arg6[%dma_wait3A_30] : memref<25600xi32, #tpu.memory_space<vmem>> -> memref<200xi32, #tpu.memory_space<vmem>>
    %dma_wait3A_32 = tpu.memref_slice %arg2[%mul3A_2] : memref<819200xi32, #tpu.memory_space<hbm>> -> memref<200xi32, #tpu.memory_space<hbm>>
    tpu.wait_dma2 semaphore(%dma_wait3A_29 : memref<!tpu.dma_semaphore, #tpu.memory_space<semaphore_mem>>) src(%dma_wait3A_32 : memref<200xi32, #tpu.memory_space<hbm>>) dst(%dma_wait3A_31 : memref<200xi32, #tpu.memory_space<vmem>>)
    %dma_start3A_33 = arith.constant 0 : i32
    %dma_start3A_34 = arith.constant 0 : i32
    %dma_start3A_35 = tpu.memref_slice %arg6[%dma_start3A_34] : memref<25600xi32, #tpu.memory_space<vmem>> -> memref<200xi32, #tpu.memory_space<vmem>>
    %dma_start3A_36 = arith.constant 0 : i32
    %dma_start3A_37 = arith.constant 0 : i32
    %dma_start3A_38 = tpu.memref_slice %arg3[%dma_start3A_36, %dma_start3A_37] : memref<1000000x128xf32, #tpu.memory_space<hbm>> -> memref<1000000x128xf32, #tpu.memory_space<hbm>>
    %dma_start3A_39 = tpu.memref_slice %arg11[%dma_start3A_33] : memref<3x!tpu.dma_semaphore, #tpu.memory_space<semaphore_mem>> -> memref<1x!tpu.dma_semaphore, #tpu.memory_space<semaphore_mem>>
    %dma_start3A_40 = tpu.memref_squeeze %dma_start3A_39 : memref<1x!tpu.dma_semaphore, #tpu.memory_space<semaphore_mem>> -> memref<!tpu.dma_semaphore, #tpu.memory_space<semaphore_mem>>
    tpu.enqueue_indirect_dma source(%dma_start3A_38 : memref<1000000x128xf32, #tpu.memory_space<hbm>>) target(%arg7 : memref<200x128xf32, #tpu.memory_space<vmem>>) offsets(%dma_start3A_35 : memref<200xi32, #tpu.memory_space<vmem>>) semaphore(%dma_start3A_40 : memref<!tpu.dma_semaphore, #tpu.memory_space<semaphore_mem>>)
    %dma_wait3A_41 = arith.constant 1 : i32
    %dma_wait3A_42 = arith.constant 200 : i32
    %dma_wait3A_43 = tpu.memref_slice %arg6[%dma_wait3A_42] : memref<25600xi32, #tpu.memory_space<vmem>> -> memref<25400xi32, #tpu.memory_space<vmem>>
    %dma_wait3A_44 = tpu.memref_slice %arg2[%add3A_4] : memref<819200xi32, #tpu.memory_space<hbm>> -> memref<25400xi32, #tpu.memory_space<hbm>>
    %dma_wait3A_45 = tpu.memref_slice %arg13[%dma_wait3A_41] : memref<3x!tpu.dma_semaphore, #tpu.memory_space<semaphore_mem>> -> memref<1x!tpu.dma_semaphore, #tpu.memory_space<semaphore_mem>>
    %dma_wait3A_46 = tpu.memref_squeeze %dma_wait3A_45 : memref<1x!tpu.dma_semaphore, #tpu.memory_space<semaphore_mem>> -> memref<!tpu.dma_semaphore, #tpu.memory_space<semaphore_mem>>
    %dma_wait3A_47 = arith.constant 200 : i32
    %dma_wait3A_48 = tpu.memref_slice %arg6[%dma_wait3A_47] : memref<25600xi32, #tpu.memory_space<vmem>> -> memref<25400xi32, #tpu.memory_space<vmem>>
    %dma_wait3A_49 = tpu.memref_slice %arg2[%add3A_4] : memref<819200xi32, #tpu.memory_space<hbm>> -> memref<25400xi32, #tpu.memory_space<hbm>>
    tpu.wait_dma2 semaphore(%dma_wait3A_46 : memref<!tpu.dma_semaphore, #tpu.memory_space<semaphore_mem>>) src(%dma_wait3A_49 : memref<25400xi32, #tpu.memory_space<hbm>>) dst(%dma_wait3A_48 : memref<25400xi32, #tpu.memory_space<vmem>>)
    %dma_wait3A_50 = arith.constant 2 : i32
    %dma_wait3A_51 = tpu.memref_slice %arg13[%dma_wait3A_50] : memref<3x!tpu.dma_semaphore, #tpu.memory_space<semaphore_mem>> -> memref<1x!tpu.dma_semaphore, #tpu.memory_space<semaphore_mem>>
    %dma_wait3A_52 = tpu.memref_squeeze %dma_wait3A_51 : memref<1x!tpu.dma_semaphore, #tpu.memory_space<semaphore_mem>> -> memref<!tpu.dma_semaphore, #tpu.memory_space<semaphore_mem>>
    tpu.wait_dma2 semaphore(%dma_wait3A_52 : memref<!tpu.dma_semaphore, #tpu.memory_space<semaphore_mem>>) src(%arg4 : memref<200x128xf32, #tpu.memory_space<hbm>>) dst(%arg10 : memref<200x128xf32, #tpu.memory_space<vmem>>)
    %dma_start3A_53 = arith.constant 1 : i32
    %dma_start3A_54 = arith.constant 200 : i32
    %dma_start3A_55 = tpu.memref_slice %arg6[%dma_start3A_54] : memref<25600xi32, #tpu.memory_space<vmem>> -> memref<200xi32, #tpu.memory_space<vmem>>
    %dma_start3A_56 = arith.constant 0 : i32
    %dma_start3A_57 = arith.constant 0 : i32
    %dma_start3A_58 = tpu.memref_slice %arg3[%dma_start3A_56, %dma_start3A_57] : memref<1000000x128xf32, #tpu.memory_space<hbm>> -> memref<1000000x128xf32, #tpu.memory_space<hbm>>
    %dma_start3A_59 = tpu.memref_slice %arg11[%dma_start3A_53] : memref<3x!tpu.dma_semaphore, #tpu.memory_space<semaphore_mem>> -> memref<1x!tpu.dma_semaphore, #tpu.memory_space<semaphore_mem>>
    %dma_start3A_60 = tpu.memref_squeeze %dma_start3A_59 : memref<1x!tpu.dma_semaphore, #tpu.memory_space<semaphore_mem>> -> memref<!tpu.dma_semaphore, #tpu.memory_space<semaphore_mem>>
    tpu.enqueue_indirect_dma source(%dma_start3A_58 : memref<1000000x128xf32, #tpu.memory_space<hbm>>) target(%arg8 : memref<200x128xf32, #tpu.memory_space<vmem>>) offsets(%dma_start3A_55 : memref<200xi32, #tpu.memory_space<vmem>>) semaphore(%dma_start3A_60 : memref<!tpu.dma_semaphore, #tpu.memory_space<semaphore_mem>>)
    %dma_wait3A_61 = arith.constant 0 : i32
    %dma_wait3A_62 = arith.constant 0 : i32
    %dma_wait3A_63 = tpu.memref_slice %arg6[%dma_wait3A_62] : memref<25600xi32, #tpu.memory_space<vmem>> -> memref<200xi32, #tpu.memory_space<vmem>>
    %dma_wait3A_64 = arith.constant 0 : i32
    %dma_wait3A_65 = arith.constant 0 : i32
    %dma_wait3A_66 = tpu.memref_slice %arg3[%dma_wait3A_64, %dma_wait3A_65] : memref<1000000x128xf32, #tpu.memory_space<hbm>> -> memref<1000000x128xf32, #tpu.memory_space<hbm>>
    %dma_wait3A_67 = tpu.memref_slice %arg11[%dma_wait3A_61] : memref<3x!tpu.dma_semaphore, #tpu.memory_space<semaphore_mem>> -> memref<1x!tpu.dma_semaphore, #tpu.memory_space<semaphore_mem>>
    %dma_wait3A_68 = tpu.memref_squeeze %dma_wait3A_67 : memref<1x!tpu.dma_semaphore, #tpu.memory_space<semaphore_mem>> -> memref<!tpu.dma_semaphore, #tpu.memory_space<semaphore_mem>>
    tpu.wait_indirect_dma semaphore(%dma_wait3A_68 : memref<!tpu.dma_semaphore, #tpu.memory_space<semaphore_mem>>) src(%dma_wait3A_66 : memref<1000000x128xf32, #tpu.memory_space<hbm>>) dst(%arg7 : memref<200x128xf32, #tpu.memory_space<vmem>>)
    %scan3A = arith.constant 0 : i32
    %scan3A_69 = arith.constant 0 : i32
    %scan3A_70 = arith.constant 100 : i32
    %scan3A_71 = arith.addi %scan3A_69, %scan3A_70 : i32
    %scan3A_72 = arith.constant 1 : i32
    scf.for %scan3A_370 = %scan3A_69 to %scan3A_71 step %scan3A_72  : i32 {
      %mul3A_371 = arith.constant 2 : i32
      %mul3A_372 = arith.muli %scan3A_370, %mul3A_371 : i32
      %add3A_373 = arith.constant 0 : i32
      %add3A_374 = arith.addi %mul3A_372, %add3A_373 : i32
      %get3A = arith.index_cast %add3A_374 : i32 to index
      %get3A_375 = arith.constant 0 : index
      %get3A_376 = tpu.vector_load %arg7[%get3A, %get3A_375] {strides = array<i32>} : memref<200x128xf32, #tpu.memory_space<vmem>>, vector<1x16xf32>,
      %get3A_377 = vector.shape_cast %get3A_376 : vector<1x16xf32> to vector<16xf32>
      %mul3A_378 = arith.constant 2 : i32
      %mul3A_379 = arith.muli %scan3A_370, %mul3A_378 : i32
      %add3A_380 = arith.constant 0 : i32
      %add3A_381 = arith.addi %mul3A_379, %add3A_380 : i32
      %get3A_382 = arith.index_cast %add3A_381 : i32 to index
      %get3A_383 = arith.constant 0 : index
      %get3A_384 = tpu.vector_load %arg10[%get3A_382, %get3A_383] {strides = array<i32>} : memref<200x128xf32, #tpu.memory_space<vmem>>, vector<1x16xf32>,
      %get3A_385 = vector.shape_cast %get3A_384 : vector<1x16xf32> to vector<16xf32>
      %add3A_386 = arith.addf %get3A_377, %get3A_385 : vector<16xf32>
      %mul3A_387 = arith.constant 2 : i32
      %mul3A_388 = arith.muli %scan3A_370, %mul3A_387 : i32
      %add3A_389 = arith.constant 0 : i32
      %add3A_390 = arith.addi %mul3A_388, %add3A_389 : i32
      %swap3A = arith.index_cast %add3A_390 : i32 to index
      %swap3A_391 = arith.constant 0 : index
      %swap3A_392 = tpu.vector_load %arg7[%swap3A, %swap3A_391] {strides = array<i32>} : memref<200x128xf32, #tpu.memory_space<vmem>>, vector<1x16xf32>,
      %swap3A_393 = vector.shape_cast %swap3A_392 : vector<1x16xf32> to vector<16xf32>
      %swap3A_394 = vector.shape_cast %add3A_386 : vector<16xf32> to vector<1x16xf32>
      tpu.vector_store %arg7[%swap3A, %swap3A_391], %swap3A_394 {strides = array<i32>} : memref<200x128xf32, #tpu.memory_space<vmem>>, vector<1x16xf32>,
      %mul3A_395 = arith.constant 2 : i32
      %mul3A_396 = arith.muli %scan3A_370, %mul3A_395 : i32
      %add3A_397 = arith.constant 0 : i32
      %add3A_398 = arith.addi %mul3A_396, %add3A_397 : i32
      %get3A_399 = arith.index_cast %add3A_398 : i32 to index
      %get3A_400 = arith.constant 16 : index
      %get3A_401 = tpu.vector_load %arg7[%get3A_399, %get3A_400] {strides = array<i32>} : memref<200x128xf32, #tpu.memory_space<vmem>>, vector<1x16xf32>,
      %get3A_402 = vector.shape_cast %get3A_401 : vector<1x16xf32> to vector<16xf32>
      %mul3A_403 = arith.constant 2 : i32
      %mul3A_404 = arith.muli %scan3A_370, %mul3A_403 : i32
      %add3A_405 = arith.constant 0 : i32
      %add3A_406 = arith.addi %mul3A_404, %add3A_405 : i32
      %get3A_407 = arith.index_cast %add3A_406 : i32 to index
      %get3A_408 = arith.constant 16 : index
      %get3A_409 = tpu.vector_load %arg10[%get3A_407, %get3A_408] {strides = array<i32>} : memref<200x128xf32, #tpu.memory_space<vmem>>, vector<1x16xf32>,
      %get3A_410 = vector.shape_cast %get3A_409 : vector<1x16xf32> to vector<16xf32>
      %add3A_411 = arith.addf %get3A_402, %get3A_410 : vector<16xf32>
      %mul3A_412 = arith.constant 2 : i32
      %mul3A_413 = arith.muli %scan3A_370, %mul3A_412 : i32
      %add3A_414 = arith.constant 0 : i32
      %add3A_415 = arith.addi %mul3A_413, %add3A_414 : i32
      %swap3A_416 = arith.index_cast %add3A_415 : i32 to index
      %swap3A_417 = arith.constant 16 : index
      %swap3A_418 = tpu.vector_load %arg7[%swap3A_416, %swap3A_417] {strides = array<i32>} : memref<200x128xf32, #tpu.memory_space<vmem>>, vector<1x16xf32>,
      %swap3A_419 = vector.shape_cast %swap3A_418 : vector<1x16xf32> to vector<16xf32>
      %swap3A_420 = vector.shape_cast %add3A_411 : vector<16xf32> to vector<1x16xf32>
      tpu.vector_store %arg7[%swap3A_416, %swap3A_417], %swap3A_420 {strides = array<i32>} : memref<200x128xf32, #tpu.memory_space<vmem>>, vector<1x16xf32>,
      %mul3A_421 = arith.constant 2 : i32
      %mul3A_422 = arith.muli %scan3A_370, %mul3A_421 : i32
      %add3A_423 = arith.constant 0 : i32
      %add3A_424 = arith.addi %mul3A_422, %add3A_423 : i32
      %get3A_425 = arith.index_cast %add3A_424 : i32 to index
      %get3A_426 = arith.constant 32 : index
      %get3A_427 = tpu.vector_load %arg7[%get3A_425, %get3A_426] {strides = array<i32>} : memref<200x128xf32, #tpu.memory_space<vmem>>, vector<1x16xf32>,
      %get3A_428 = vector.shape_cast %get3A_427 : vector<1x16xf32> to vector<16xf32>
      %mul3A_429 = arith.constant 2 : i32
      %mul3A_430 = arith.muli %scan3A_370, %mul3A_429 : i32
      %add3A_431 = arith.constant 0 : i32
      %add3A_432 = arith.addi %mul3A_430, %add3A_431 : i32
      %get3A_433 = arith.index_cast %add3A_432 : i32 to index
      %get3A_434 = arith.constant 32 : index
      %get3A_435 = tpu.vector_load %arg10[%get3A_433, %get3A_434] {strides = array<i32>} : memref<200x128xf32, #tpu.memory_space<vmem>>, vector<1x16xf32>,
      %get3A_436 = vector.shape_cast %get3A_435 : vector<1x16xf32> to vector<16xf32>
      %add3A_437 = arith.addf %get3A_428, %get3A_436 : vector<16xf32>
      %mul3A_438 = arith.constant 2 : i32
      %mul3A_439 = arith.muli %scan3A_370, %mul3A_438 : i32
      %add3A_440 = arith.constant 0 : i32
      %add3A_441 = arith.addi %mul3A_439, %add3A_440 : i32
      %swap3A_442 = arith.index_cast %add3A_441 : i32 to index
      %swap3A_443 = arith.constant 32 : index
      %swap3A_444 = tpu.vector_load %arg7[%swap3A_442, %swap3A_443] {strides = array<i32>} : memref<200x128xf32, #tpu.memory_space<vmem>>, vector<1x16xf32>,
      %swap3A_445 = vector.shape_cast %swap3A_444 : vector<1x16xf32> to vector<16xf32>
      %swap3A_446 = vector.shape_cast %add3A_437 : vector<16xf32> to vector<1x16xf32>
      tpu.vector_store %arg7[%swap3A_442, %swap3A_443], %swap3A_446 {strides = array<i32>} : memref<200x128xf32, #tpu.memory_space<vmem>>, vector<1x16xf32>,
      %mul3A_447 = arith.constant 2 : i32
      %mul3A_448 = arith.muli %scan3A_370, %mul3A_447 : i32
      %add3A_449 = arith.constant 0 : i32
      %add3A_450 = arith.addi %mul3A_448, %add3A_449 : i32
      %get3A_451 = arith.index_cast %add3A_450 : i32 to index
      %get3A_452 = arith.constant 48 : index
      %get3A_453 = tpu.vector_load %arg7[%get3A_451, %get3A_452] {strides = array<i32>} : memref<200x128xf32, #tpu.memory_space<vmem>>, vector<1x16xf32>,
      %get3A_454 = vector.shape_cast %get3A_453 : vector<1x16xf32> to vector<16xf32>
      %mul3A_455 = arith.constant 2 : i32
      %mul3A_456 = arith.muli %scan3A_370, %mul3A_455 : i32
      %add3A_457 = arith.constant 0 : i32
      %add3A_458 = arith.addi %mul3A_456, %add3A_457 : i32
      %get3A_459 = arith.index_cast %add3A_458 : i32 to index
      %get3A_460 = arith.constant 48 : index
      %get3A_461 = tpu.vector_load %arg10[%get3A_459, %get3A_460] {strides = array<i32>} : memref<200x128xf32, #tpu.memory_space<vmem>>, vector<1x16xf32>,
      %get3A_462 = vector.shape_cast %get3A_461 : vector<1x16xf32> to vector<16xf32>
      %add3A_463 = arith.addf %get3A_454, %get3A_462 : vector<16xf32>
      %mul3A_464 = arith.constant 2 : i32
      %mul3A_465 = arith.muli %scan3A_370, %mul3A_464 : i32
      %add3A_466 = arith.constant 0 : i32
      %add3A_467 = arith.addi %mul3A_465, %add3A_466 : i32
      %swap3A_468 = arith.index_cast %add3A_467 : i32 to index
      %swap3A_469 = arith.constant 48 : index
      %swap3A_470 = tpu.vector_load %arg7[%swap3A_468, %swap3A_469] {strides = array<i32>} : memref<200x128xf32, #tpu.memory_space<vmem>>, vector<1x16xf32>,
      %swap3A_471 = vector.shape_cast %swap3A_470 : vector<1x16xf32> to vector<16xf32>
      %swap3A_472 = vector.shape_cast %add3A_463 : vector<16xf32> to vector<1x16xf32>
      tpu.vector_store %arg7[%swap3A_468, %swap3A_469], %swap3A_472 {strides = array<i32>} : memref<200x128xf32, #tpu.memory_space<vmem>>, vector<1x16xf32>,
      %mul3A_473 = arith.constant 2 : i32
      %mul3A_474 = arith.muli %scan3A_370, %mul3A_473 : i32
      %add3A_475 = arith.constant 0 : i32
      %add3A_476 = arith.addi %mul3A_474, %add3A_475 : i32
      %get3A_477 = arith.index_cast %add3A_476 : i32 to index
      %get3A_478 = arith.constant 64 : index
      %get3A_479 = tpu.vector_load %arg7[%get3A_477, %get3A_478] {strides = array<i32>} : memref<200x128xf32, #tpu.memory_space<vmem>>, vector<1x16xf32>,
      %get3A_480 = vector.shape_cast %get3A_479 : vector<1x16xf32> to vector<16xf32>
      %mul3A_481 = arith.constant 2 : i32
      %mul3A_482 = arith.muli %scan3A_370, %mul3A_481 : i32
      %add3A_483 = arith.constant 0 : i32
      %add3A_484 = arith.addi %mul3A_482, %add3A_483 : i32
      %get3A_485 = arith.index_cast %add3A_484 : i32 to index
      %get3A_486 = arith.constant 64 : index
      %get3A_487 = tpu.vector_load %arg10[%get3A_485, %get3A_486] {strides = array<i32>} : memref<200x128xf32, #tpu.memory_space<vmem>>, vector<1x16xf32>,
      %get3A_488 = vector.shape_cast %get3A_487 : vector<1x16xf32> to vector<16xf32>
      %add3A_489 = arith.addf %get3A_480, %get3A_488 : vector<16xf32>
      %mul3A_490 = arith.constant 2 : i32
      %mul3A_491 = arith.muli %scan3A_370, %mul3A_490 : i32
      %add3A_492 = arith.constant 0 : i32
      %add3A_493 = arith.addi %mul3A_491, %add3A_492 : i32
      %swap3A_494 = arith.index_cast %add3A_493 : i32 to index
      %swap3A_495 = arith.constant 64 : index
      %swap3A_496 = tpu.vector_load %arg7[%swap3A_494, %swap3A_495] {strides = array<i32>} : memref<200x128xf32, #tpu.memory_space<vmem>>, vector<1x16xf32>,
      %swap3A_497 = vector.shape_cast %swap3A_496 : vector<1x16xf32> to vector<16xf32>
      %swap3A_498 = vector.shape_cast %add3A_489 : vector<16xf32> to vector<1x16xf32>
      tpu.vector_store %arg7[%swap3A_494, %swap3A_495], %swap3A_498 {strides = array<i32>} : memref<200x128xf32, #tpu.memory_space<vmem>>, vector<1x16xf32>,
      %mul3A_499 = arith.constant 2 : i32
      %mul3A_500 = arith.muli %scan3A_370, %mul3A_499 : i32
      %add3A_501 = arith.constant 0 : i32
      %add3A_502 = arith.addi %mul3A_500, %add3A_501 : i32
      %get3A_503 = arith.index_cast %add3A_502 : i32 to index
      %get3A_504 = arith.constant 80 : index
      %get3A_505 = tpu.vector_load %arg7[%get3A_503, %get3A_504] {strides = array<i32>} : memref<200x128xf32, #tpu.memory_space<vmem>>, vector<1x16xf32>,
      %get3A_506 = vector.shape_cast %get3A_505 : vector<1x16xf32> to vector<16xf32>
      %mul3A_507 = arith.constant 2 : i32
      %mul3A_508 = arith.muli %scan3A_370, %mul3A_507 : i32
      %add3A_509 = arith.constant 0 : i32
      %add3A_510 = arith.addi %mul3A_508, %add3A_509 : i32
      %get3A_511 = arith.index_cast %add3A_510 : i32 to index
      %get3A_512 = arith.constant 80 : index
      %get3A_513 = tpu.vector_load %arg10[%get3A_511, %get3A_512] {strides = array<i32>} : memref<200x128xf32, #tpu.memory_space<vmem>>, vector<1x16xf32>,
      %get3A_514 = vector.shape_cast %get3A_513 : vector<1x16xf32> to vector<16xf32>
      %add3A_515 = arith.addf %get3A_506, %get3A_514 : vector<16xf32>
      %mul3A_516 = arith.constant 2 : i32
      %mul3A_517 = arith.muli %scan3A_370, %mul3A_516 : i32
      %add3A_518 = arith.constant 0 : i32
      %add3A_519 = arith.addi %mul3A_517, %add3A_518 : i32
      %swap3A_520 = arith.index_cast %add3A_519 : i32 to index
      %swap3A_521 = arith.constant 80 : index
      %swap3A_522 = tpu.vector_load %arg7[%swap3A_520, %swap3A_521] {strides = array<i32>} : memref<200x128xf32, #tpu.memory_space<vmem>>, vector<1x16xf32>,
      %swap3A_523 = vector.shape_cast %swap3A_522 : vector<1x16xf32> to vector<16xf32>
      %swap3A_524 = vector.shape_cast %add3A_515 : vector<16xf32> to vector<1x16xf32>
      tpu.vector_store %arg7[%swap3A_520, %swap3A_521], %swap3A_524 {strides = array<i32>} : memref<200x128xf32, #tpu.memory_space<vmem>>, vector<1x16xf32>,
      %mul3A_525 = arith.constant 2 : i32
      %mul3A_526 = arith.muli %scan3A_370, %mul3A_525 : i32
      %add3A_527 = arith.constant 0 : i32
      %add3A_528 = arith.addi %mul3A_526, %add3A_527 : i32
      %get3A_529 = arith.index_cast %add3A_528 : i32 to index
      %get3A_530 = arith.constant 96 : index
      %get3A_531 = tpu.vector_load %arg7[%get3A_529, %get3A_530] {strides = array<i32>} : memref<200x128xf32, #tpu.memory_space<vmem>>, vector<1x16xf32>,
      %get3A_532 = vector.shape_cast %get3A_531 : vector<1x16xf32> to vector<16xf32>
      %mul3A_533 = arith.constant 2 : i32
      %mul3A_534 = arith.muli %scan3A_370, %mul3A_533 : i32
      %add3A_535 = arith.constant 0 : i32
      %add3A_536 = arith.addi %mul3A_534, %add3A_535 : i32
      %get3A_537 = arith.index_cast %add3A_536 : i32 to index
      %get3A_538 = arith.constant 96 : index
      %get3A_539 = tpu.vector_load %arg10[%get3A_537, %get3A_538] {strides = array<i32>} : memref<200x128xf32, #tpu.memory_space<vmem>>, vector<1x16xf32>,
      %get3A_540 = vector.shape_cast %get3A_539 : vector<1x16xf32> to vector<16xf32>
      %add3A_541 = arith.addf %get3A_532, %get3A_540 : vector<16xf32>
      %mul3A_542 = arith.constant 2 : i32
      %mul3A_543 = arith.muli %scan3A_370, %mul3A_542 : i32
      %add3A_544 = arith.constant 0 : i32
      %add3A_545 = arith.addi %mul3A_543, %add3A_544 : i32
      %swap3A_546 = arith.index_cast %add3A_545 : i32 to index
      %swap3A_547 = arith.constant 96 : index
      %swap3A_548 = tpu.vector_load %arg7[%swap3A_546, %swap3A_547] {strides = array<i32>} : memref<200x128xf32, #tpu.memory_space<vmem>>, vector<1x16xf32>,
      %swap3A_549 = vector.shape_cast %swap3A_548 : vector<1x16xf32> to vector<16xf32>
      %swap3A_550 = vector.shape_cast %add3A_541 : vector<16xf32> to vector<1x16xf32>
      tpu.vector_store %arg7[%swap3A_546, %swap3A_547], %swap3A_550 {strides = array<i32>} : memref<200x128xf32, #tpu.memory_space<vmem>>, vector<1x16xf32>,
      %mul3A_551 = arith.constant 2 : i32
      %mul3A_552 = arith.muli %scan3A_370, %mul3A_551 : i32
      %add3A_553 = arith.constant 0 : i32
      %add3A_554 = arith.addi %mul3A_552, %add3A_553 : i32
      %get3A_555 = arith.index_cast %add3A_554 : i32 to index
      %get3A_556 = arith.constant 112 : index
      %get3A_557 = tpu.vector_load %arg7[%get3A_555, %get3A_556] {strides = array<i32>} : memref<200x128xf32, #tpu.memory_space<vmem>>, vector<1x16xf32>,
      %get3A_558 = vector.shape_cast %get3A_557 : vector<1x16xf32> to vector<16xf32>
      %mul3A_559 = arith.constant 2 : i32
      %mul3A_560 = arith.muli %scan3A_370, %mul3A_559 : i32
      %add3A_561 = arith.constant 0 : i32
      %add3A_562 = arith.addi %mul3A_560, %add3A_561 : i32
      %get3A_563 = arith.index_cast %add3A_562 : i32 to index
      %get3A_564 = arith.constant 112 : index
      %get3A_565 = tpu.vector_load %arg10[%get3A_563, %get3A_564] {strides = array<i32>} : memref<200x128xf32, #tpu.memory_space<vmem>>, vector<1x16xf32>,
      %get3A_566 = vector.shape_cast %get3A_565 : vector<1x16xf32> to vector<16xf32>
      %add3A_567 = arith.addf %get3A_558, %get3A_566 : vector<16xf32>
      %mul3A_568 = arith.constant 2 : i32
      %mul3A_569 = arith.muli %scan3A_370, %mul3A_568 : i32
      %add3A_570 = arith.constant 0 : i32
      %add3A_571 = arith.addi %mul3A_569, %add3A_570 : i32
      %swap3A_572 = arith.index_cast %add3A_571 : i32 to index
      %swap3A_573 = arith.constant 112 : index
      %swap3A_574 = tpu.vector_load %arg7[%swap3A_572, %swap3A_573] {strides = array<i32>} : memref<200x128xf32, #tpu.memory_space<vmem>>, vector<1x16xf32>,
      %swap3A_575 = vector.shape_cast %swap3A_574 : vector<1x16xf32> to vector<16xf32>
      %swap3A_576 = vector.shape_cast %add3A_567 : vector<16xf32> to vector<1x16xf32>
      tpu.vector_store %arg7[%swap3A_572, %swap3A_573], %swap3A_576 {strides = array<i32>} : memref<200x128xf32, #tpu.memory_space<vmem>>, vector<1x16xf32>,
      %mul3A_577 = arith.constant 2 : i32
      %mul3A_578 = arith.muli %scan3A_370, %mul3A_577 : i32
      %add3A_579 = arith.constant 1 : i32
      %add3A_580 = arith.addi %mul3A_578, %add3A_579 : i32
      %get3A_581 = arith.index_cast %add3A_580 : i32 to index
      %get3A_582 = arith.constant 0 : index
      %get3A_583 = tpu.vector_load %arg7[%get3A_581, %get3A_582] {strides = array<i32>} : memref<200x128xf32, #tpu.memory_space<vmem>>, vector<1x16xf32>,
      %get3A_584 = vector.shape_cast %get3A_583 : vector<1x16xf32> to vector<16xf32>
      %mul3A_585 = arith.constant 2 : i32
      %mul3A_586 = arith.muli %scan3A_370, %mul3A_585 : i32
      %add3A_587 = arith.constant 1 : i32
      %add3A_588 = arith.addi %mul3A_586, %add3A_587 : i32
      %get3A_589 = arith.index_cast %add3A_588 : i32 to index
      %get3A_590 = arith.constant 0 : index
      %get3A_591 = tpu.vector_load %arg10[%get3A_589, %get3A_590] {strides = array<i32>} : memref<200x128xf32, #tpu.memory_space<vmem>>, vector<1x16xf32>,
      %get3A_592 = vector.shape_cast %get3A_591 : vector<1x16xf32> to vector<16xf32>
      %add3A_593 = arith.addf %get3A_584, %get3A_592 : vector<16xf32>
      %mul3A_594 = arith.constant 2 : i32
      %mul3A_595 = arith.muli %scan3A_370, %mul3A_594 : i32
      %add3A_596 = arith.constant 1 : i32
      %add3A_597 = arith.addi %mul3A_595, %add3A_596 : i32
      %swap3A_598 = arith.index_cast %add3A_597 : i32 to index
      %swap3A_599 = arith.constant 0 : index
      %swap3A_600 = tpu.vector_load %arg7[%swap3A_598, %swap3A_599] {strides = array<i32>} : memref<200x128xf32, #tpu.memory_space<vmem>>, vector<1x16xf32>,
      %swap3A_601 = vector.shape_cast %swap3A_600 : vector<1x16xf32> to vector<16xf32>
      %swap3A_602 = vector.shape_cast %add3A_593 : vector<16xf32> to vector<1x16xf32>
      tpu.vector_store %arg7[%swap3A_598, %swap3A_599], %swap3A_602 {strides = array<i32>} : memref<200x128xf32, #tpu.memory_space<vmem>>, vector<1x16xf32>,
      %mul3A_603 = arith.constant 2 : i32
      %mul3A_604 = arith.muli %scan3A_370, %mul3A_603 : i32
      %add3A_605 = arith.constant 1 : i32
      %add3A_606 = arith.addi %mul3A_604, %add3A_605 : i32
      %get3A_607 = arith.index_cast %add3A_606 : i32 to index
      %get3A_608 = arith.constant 16 : index
      %get3A_609 = tpu.vector_load %arg7[%get3A_607, %get3A_608] {strides = array<i32>} : memref<200x128xf32, #tpu.memory_space<vmem>>, vector<1x16xf32>,
      %get3A_610 = vector.shape_cast %get3A_609 : vector<1x16xf32> to vector<16xf32>
      %mul3A_611 = arith.constant 2 : i32
      %mul3A_612 = arith.muli %scan3A_370, %mul3A_611 : i32
      %add3A_613 = arith.constant 1 : i32
      %add3A_614 = arith.addi %mul3A_612, %add3A_613 : i32
      %get3A_615 = arith.index_cast %add3A_614 : i32 to index
      %get3A_616 = arith.constant 16 : index
      %get3A_617 = tpu.vector_load %arg10[%get3A_615, %get3A_616] {strides = array<i32>} : memref<200x128xf32, #tpu.memory_space<vmem>>, vector<1x16xf32>,
      %get3A_618 = vector.shape_cast %get3A_617 : vector<1x16xf32> to vector<16xf32>
      %add3A_619 = arith.addf %get3A_610, %get3A_618 : vector<16xf32>
      %mul3A_620 = arith.constant 2 : i32
      %mul3A_621 = arith.muli %scan3A_370, %mul3A_620 : i32
      %add3A_622 = arith.constant 1 : i32
      %add3A_623 = arith.addi %mul3A_621, %add3A_622 : i32
      %swap3A_624 = arith.index_cast %add3A_623 : i32 to index
      %swap3A_625 = arith.constant 16 : index
      %swap3A_626 = tpu.vector_load %arg7[%swap3A_624, %swap3A_625] {strides = array<i32>} : memref<200x128xf32, #tpu.memory_space<vmem>>, vector<1x16xf32>,
      %swap3A_627 = vector.shape_cast %swap3A_626 : vector<1x16xf32> to vector<16xf32>
      %swap3A_628 = vector.shape_cast %add3A_619 : vector<16xf32> to vector<1x16xf32>
      tpu.vector_store %arg7[%swap3A_624, %swap3A_625], %swap3A_628 {strides = array<i32>} : memref<200x128xf32, #tpu.memory_space<vmem>>, vector<1x16xf32>,
      %mul3A_629 = arith.constant 2 : i32
      %mul3A_630 = arith.muli %scan3A_370, %mul3A_629 : i32
      %add3A_631 = arith.constant 1 : i32
      %add3A_632 = arith.addi %mul3A_630, %add3A_631 : i32
      %get3A_633 = arith.index_cast %add3A_632 : i32 to index
      %get3A_634 = arith.constant 32 : index
      %get3A_635 = tpu.vector_load %arg7[%get3A_633, %get3A_634] {strides = array<i32>} : memref<200x128xf32, #tpu.memory_space<vmem>>, vector<1x16xf32>,
      %get3A_636 = vector.shape_cast %get3A_635 : vector<1x16xf32> to vector<16xf32>
      %mul3A_637 = arith.constant 2 : i32
      %mul3A_638 = arith.muli %scan3A_370, %mul3A_637 : i32
      %add3A_639 = arith.constant 1 : i32
      %add3A_640 = arith.addi %mul3A_638, %add3A_639 : i32
      %get3A_641 = arith.index_cast %add3A_640 : i32 to index
      %get3A_642 = arith.constant 32 : index
      %get3A_643 = tpu.vector_load %arg10[%get3A_641, %get3A_642] {strides = array<i32>} : memref<200x128xf32, #tpu.memory_space<vmem>>, vector<1x16xf32>,
      %get3A_644 = vector.shape_cast %get3A_643 : vector<1x16xf32> to vector<16xf32>
      %add3A_645 = arith.addf %get3A_636, %get3A_644 : vector<16xf32>
      %mul3A_646 = arith.constant 2 : i32
      %mul3A_647 = arith.muli %scan3A_370, %mul3A_646 : i32
      %add3A_648 = arith.constant 1 : i32
      %add3A_649 = arith.addi %mul3A_647, %add3A_648 : i32
      %swap3A_650 = arith.index_cast %add3A_649 : i32 to index
      %swap3A_651 = arith.constant 32 : index
      %swap3A_652 = tpu.vector_load %arg7[%swap3A_650, %swap3A_651] {strides = array<i32>} : memref<200x128xf32, #tpu.memory_space<vmem>>, vector<1x16xf32>,
      %swap3A_653 = vector.shape_cast %swap3A_652 : vector<1x16xf32> to vector<16xf32>
      %swap3A_654 = vector.shape_cast %add3A_645 : vector<16xf32> to vector<1x16xf32>
      tpu.vector_store %arg7[%swap3A_650, %swap3A_651], %swap3A_654 {strides = array<i32>} : memref<200x128xf32, #tpu.memory_space<vmem>>, vector<1x16xf32>,
      %mul3A_655 = arith.constant 2 : i32
      %mul3A_656 = arith.muli %scan3A_370, %mul3A_655 : i32
      %add3A_657 = arith.constant 1 : i32
      %add3A_658 = arith.addi %mul3A_656, %add3A_657 : i32
      %get3A_659 = arith.index_cast %add3A_658 : i32 to index
      %get3A_660 = arith.constant 48 : index
      %get3A_661 = tpu.vector_load %arg7[%get3A_659, %get3A_660] {strides = array<i32>} : memref<200x128xf32, #tpu.memory_space<vmem>>, vector<1x16xf32>,
      %get3A_662 = vector.shape_cast %get3A_661 : vector<1x16xf32> to vector<16xf32>
      %mul3A_663 = arith.constant 2 : i32
      %mul3A_664 = arith.muli %scan3A_370, %mul3A_663 : i32
      %add3A_665 = arith.constant 1 : i32
      %add3A_666 = arith.addi %mul3A_664, %add3A_665 : i32
      %get3A_667 = arith.index_cast %add3A_666 : i32 to index
      %get3A_668 = arith.constant 48 : index
      %get3A_669 = tpu.vector_load %arg10[%get3A_667, %get3A_668] {strides = array<i32>} : memref<200x128xf32, #tpu.memory_space<vmem>>, vector<1x16xf32>,
      %get3A_670 = vector.shape_cast %get3A_669 : vector<1x16xf32> to vector<16xf32>
      %add3A_671 = arith.addf %get3A_662, %get3A_670 : vector<16xf32>
      %mul3A_672 = arith.constant 2 : i32
      %mul3A_673 = arith.muli %scan3A_370, %mul3A_672 : i32
      %add3A_674 = arith.constant 1 : i32
      %add3A_675 = arith.addi %mul3A_673, %add3A_674 : i32
      %swap3A_676 = arith.index_cast %add3A_675 : i32 to index
      %swap3A_677 = arith.constant 48 : index
      %swap3A_678 = tpu.vector_load %arg7[%swap3A_676, %swap3A_677] {strides = array<i32>} : memref<200x128xf32, #tpu.memory_space<vmem>>, vector<1x16xf32>,
      %swap3A_679 = vector.shape_cast %swap3A_678 : vector<1x16xf32> to vector<16xf32>
      %swap3A_680 = vector.shape_cast %add3A_671 : vector<16xf32> to vector<1x16xf32>
      tpu.vector_store %arg7[%swap3A_676, %swap3A_677], %swap3A_680 {strides = array<i32>} : memref<200x128xf32, #tpu.memory_space<vmem>>, vector<1x16xf32>,
      %mul3A_681 = arith.constant 2 : i32
      %mul3A_682 = arith.muli %scan3A_370, %mul3A_681 : i32
      %add3A_683 = arith.constant 1 : i32
      %add3A_684 = arith.addi %mul3A_682, %add3A_683 : i32
      %get3A_685 = arith.index_cast %add3A_684 : i32 to index
      %get3A_686 = arith.constant 64 : index
      %get3A_687 = tpu.vector_load %arg7[%get3A_685, %get3A_686] {strides = array<i32>} : memref<200x128xf32, #tpu.memory_space<vmem>>, vector<1x16xf32>,
      %get3A_688 = vector.shape_cast %get3A_687 : vector<1x16xf32> to vector<16xf32>
      %mul3A_689 = arith.constant 2 : i32
      %mul3A_690 = arith.muli %scan3A_370, %mul3A_689 : i32
      %add3A_691 = arith.constant 1 : i32
      %add3A_692 = arith.addi %mul3A_690, %add3A_691 : i32
      %get3A_693 = arith.index_cast %add3A_692 : i32 to index
      %get3A_694 = arith.constant 64 : index
      %get3A_695 = tpu.vector_load %arg10[%get3A_693, %get3A_694] {strides = array<i32>} : memref<200x128xf32, #tpu.memory_space<vmem>>, vector<1x16xf32>,
      %get3A_696 = vector.shape_cast %get3A_695 : vector<1x16xf32> to vector<16xf32>
      %add3A_697 = arith.addf %get3A_688, %get3A_696 : vector<16xf32>
      %mul3A_698 = arith.constant 2 : i32
      %mul3A_699 = arith.muli %scan3A_370, %mul3A_698 : i32
      %add3A_700 = arith.constant 1 : i32
      %add3A_701 = arith.addi %mul3A_699, %add3A_700 : i32
      %swap3A_702 = arith.index_cast %add3A_701 : i32 to index
      %swap3A_703 = arith.constant 64 : index
      %swap3A_704 = tpu.vector_load %arg7[%swap3A_702, %swap3A_703] {strides = array<i32>} : memref<200x128xf32, #tpu.memory_space<vmem>>, vector<1x16xf32>,
      %swap3A_705 = vector.shape_cast %swap3A_704 : vector<1x16xf32> to vector<16xf32>
      %swap3A_706 = vector.shape_cast %add3A_697 : vector<16xf32> to vector<1x16xf32>
      tpu.vector_store %arg7[%swap3A_702, %swap3A_703], %swap3A_706 {strides = array<i32>} : memref<200x128xf32, #tpu.memory_space<vmem>>, vector<1x16xf32>,
      %mul3A_707 = arith.constant 2 : i32
      %mul3A_708 = arith.muli %scan3A_370, %mul3A_707 : i32
      %add3A_709 = arith.constant 1 : i32
      %add3A_710 = arith.addi %mul3A_708, %add3A_709 : i32
      %get3A_711 = arith.index_cast %add3A_710 : i32 to index
      %get3A_712 = arith.constant 80 : index
      %get3A_713 = tpu.vector_load %arg7[%get3A_711, %get3A_712] {strides = array<i32>} : memref<200x128xf32, #tpu.memory_space<vmem>>, vector<1x16xf32>,
      %get3A_714 = vector.shape_cast %get3A_713 : vector<1x16xf32> to vector<16xf32>
      %mul3A_715 = arith.constant 2 : i32
      %mul3A_716 = arith.muli %scan3A_370, %mul3A_715 : i32
      %add3A_717 = arith.constant 1 : i32
      %add3A_718 = arith.addi %mul3A_716, %add3A_717 : i32
      %get3A_719 = arith.index_cast %add3A_718 : i32 to index
      %get3A_720 = arith.constant 80 : index
      %get3A_721 = tpu.vector_load %arg10[%get3A_719, %get3A_720] {strides = array<i32>} : memref<200x128xf32, #tpu.memory_space<vmem>>, vector<1x16xf32>,
      %get3A_722 = vector.shape_cast %get3A_721 : vector<1x16xf32> to vector<16xf32>
      %add3A_723 = arith.addf %get3A_714, %get3A_722 : vector<16xf32>
      %mul3A_724 = arith.constant 2 : i32
      %mul3A_725 = arith.muli %scan3A_370, %mul3A_724 : i32
      %add3A_726 = arith.constant 1 : i32
      %add3A_727 = arith.addi %mul3A_725, %add3A_726 : i32
      %swap3A_728 = arith.index_cast %add3A_727 : i32 to index
      %swap3A_729 = arith.constant 80 : index
      %swap3A_730 = tpu.vector_load %arg7[%swap3A_728, %swap3A_729] {strides = array<i32>} : memref<200x128xf32, #tpu.memory_space<vmem>>, vector<1x16xf32>,
      %swap3A_731 = vector.shape_cast %swap3A_730 : vector<1x16xf32> to vector<16xf32>
      %swap3A_732 = vector.shape_cast %add3A_723 : vector<16xf32> to vector<1x16xf32>
      tpu.vector_store %arg7[%swap3A_728, %swap3A_729], %swap3A_732 {strides = array<i32>} : memref<200x128xf32, #tpu.memory_space<vmem>>, vector<1x16xf32>,
      %mul3A_733 = arith.constant 2 : i32
      %mul3A_734 = arith.muli %scan3A_370, %mul3A_733 : i32
      %add3A_735 = arith.constant 1 : i32
      %add3A_736 = arith.addi %mul3A_734, %add3A_735 : i32
      %get3A_737 = arith.index_cast %add3A_736 : i32 to index
      %get3A_738 = arith.constant 96 : index
      %get3A_739 = tpu.vector_load %arg7[%get3A_737, %get3A_738] {strides = array<i32>} : memref<200x128xf32, #tpu.memory_space<vmem>>, vector<1x16xf32>,
      %get3A_740 = vector.shape_cast %get3A_739 : vector<1x16xf32> to vector<16xf32>
      %mul3A_741 = arith.constant 2 : i32
      %mul3A_742 = arith.muli %scan3A_370, %mul3A_741 : i32
      %add3A_743 = arith.constant 1 : i32
      %add3A_744 = arith.addi %mul3A_742, %add3A_743 : i32
      %get3A_745 = arith.index_cast %add3A_744 : i32 to index
      %get3A_746 = arith.constant 96 : index
      %get3A_747 = tpu.vector_load %arg10[%get3A_745, %get3A_746] {strides = array<i32>} : memref<200x128xf32, #tpu.memory_space<vmem>>, vector<1x16xf32>,
      %get3A_748 = vector.shape_cast %get3A_747 : vector<1x16xf32> to vector<16xf32>
      %add3A_749 = arith.addf %get3A_740, %get3A_748 : vector<16xf32>
      %mul3A_750 = arith.constant 2 : i32
      %mul3A_751 = arith.muli %scan3A_370, %mul3A_750 : i32
      %add3A_752 = arith.constant 1 : i32
      %add3A_753 = arith.addi %mul3A_751, %add3A_752 : i32
      %swap3A_754 = arith.index_cast %add3A_753 : i32 to index
      %swap3A_755 = arith.constant 96 : index
      %swap3A_756 = tpu.vector_load %arg7[%swap3A_754, %swap3A_755] {strides = array<i32>} : memref<200x128xf32, #tpu.memory_space<vmem>>, vector<1x16xf32>,
      %swap3A_757 = vector.shape_cast %swap3A_756 : vector<1x16xf32> to vector<16xf32>
      %swap3A_758 = vector.shape_cast %add3A_749 : vector<16xf32> to vector<1x16xf32>
      tpu.vector_store %arg7[%swap3A_754, %swap3A_755], %swap3A_758 {strides = array<i32>} : memref<200x128xf32, #tpu.memory_space<vmem>>, vector<1x16xf32>,
      %mul3A_759 = arith.constant 2 : i32
      %mul3A_760 = arith.muli %scan3A_370, %mul3A_759 : i32
      %add3A_761 = arith.constant 1 : i32
      %add3A_762 = arith.addi %mul3A_760, %add3A_761 : i32
      %get3A_763 = arith.index_cast %add3A_762 : i32 to index
      %get3A_764 = arith.constant 112 : index
      %get3A_765 = tpu.vector_load %arg7[%get3A_763, %get3A_764] {strides = array<i32>} : memref<200x128xf32, #tpu.memory_space<vmem>>, vector<1x16xf32>,
      %get3A_766 = vector.shape_cast %get3A_765 : vector<1x16xf32> to vector<16xf32>
      %mul3A_767 = arith.constant 2 : i32
      %mul3A_768 = arith.muli %scan3A_370, %mul3A_767 : i32
      %add3A_769 = arith.constant 1 : i32
      %add3A_770 = arith.addi %mul3A_768, %add3A_769 : i32
      %get3A_771 = arith.index_cast %add3A_770 : i32 to index
      %get3A_772 = arith.constant 112 : index
      %get3A_773 = tpu.vector_load %arg10[%get3A_771, %get3A_772] {strides = array<i32>} : memref<200x128xf32, #tpu.memory_space<vmem>>, vector<1x16xf32>,
      %get3A_774 = vector.shape_cast %get3A_773 : vector<1x16xf32> to vector<16xf32>
      %add3A_775 = arith.addf %get3A_766, %get3A_774 : vector<16xf32>
      %mul3A_776 = arith.constant 2 : i32
      %mul3A_777 = arith.muli %scan3A_370, %mul3A_776 : i32
      %add3A_778 = arith.constant 1 : i32
      %add3A_779 = arith.addi %mul3A_777, %add3A_778 : i32
      %swap3A_780 = arith.index_cast %add3A_779 : i32 to index
      %swap3A_781 = arith.constant 112 : index
      %swap3A_782 = tpu.vector_load %arg7[%swap3A_780, %swap3A_781] {strides = array<i32>} : memref<200x128xf32, #tpu.memory_space<vmem>>, vector<1x16xf32>,
      %swap3A_783 = vector.shape_cast %swap3A_782 : vector<1x16xf32> to vector<16xf32>
      %swap3A_784 = vector.shape_cast %add3A_775 : vector<16xf32> to vector<1x16xf32>
      tpu.vector_store %arg7[%swap3A_780, %swap3A_781], %swap3A_784 {strides = array<i32>} : memref<200x128xf32, #tpu.memory_space<vmem>>, vector<1x16xf32>,
    }
    %scan3A_73 = arith.constant 100 : i32
    %add3A_74 = arith.constant 0 : i32
    %add3A_75 = arith.addi %mul3A_2, %add3A_74 : i32
    %dma_start3A_76 = arith.constant 0 : i32
    %dma_start3A_77 = arith.constant 0 : i32
    %dma_start3A_78 = tpu.memref_slice %arg5[%add3A_75, %dma_start3A_77] : memref<819200x128xf32, #tpu.memory_space<hbm>> -> memref<200x128xf32, #tpu.memory_space<hbm>>
    %dma_start3A_79 = tpu.memref_slice %arg12[%dma_start3A_76] : memref<3x!tpu.dma_semaphore, #tpu.memory_space<semaphore_mem>> -> memref<1x!tpu.dma_semaphore, #tpu.memory_space<semaphore_mem>>
    %dma_start3A_80 = tpu.memref_squeeze %dma_start3A_79 : memref<1x!tpu.dma_semaphore, #tpu.memory_space<semaphore_mem>> -> memref<!tpu.dma_semaphore, #tpu.memory_space<semaphore_mem>>
    %dma_start3A_81 = arith.constant 0 : i32
    %dma_start3A_82 = tpu.memref_slice %arg5[%add3A_75, %dma_start3A_81] : memref<819200x128xf32, #tpu.memory_space<hbm>> -> memref<200x128xf32, #tpu.memory_space<hbm>>
    tpu.enqueue_dma source(%arg7 : memref<200x128xf32, #tpu.memory_space<vmem>>) target(%dma_start3A_82 : memref<200x128xf32, #tpu.memory_space<hbm>>) target_semaphore(%dma_start3A_80 : memref<!tpu.dma_semaphore, #tpu.memory_space<semaphore_mem>>)
    %dma_start3A_83 = arith.constant 2 : i32
    %dma_start3A_84 = arith.constant 400 : i32
    %dma_start3A_85 = tpu.memref_slice %arg6[%dma_start3A_84] : memref<25600xi32, #tpu.memory_space<vmem>> -> memref<200xi32, #tpu.memory_space<vmem>>
    %dma_start3A_86 = arith.constant 0 : i32
    %dma_start3A_87 = arith.constant 0 : i32
    %dma_start3A_88 = tpu.memref_slice %arg3[%dma_start3A_86, %dma_start3A_87] : memref<1000000x128xf32, #tpu.memory_space<hbm>> -> memref<1000000x128xf32, #tpu.memory_space<hbm>>
    %dma_start3A_89 = tpu.memref_slice %arg11[%dma_start3A_83] : memref<3x!tpu.dma_semaphore, #tpu.memory_space<semaphore_mem>> -> memref<1x!tpu.dma_semaphore, #tpu.memory_space<semaphore_mem>>
    %dma_start3A_90 = tpu.memref_squeeze %dma_start3A_89 : memref<1x!tpu.dma_semaphore, #tpu.memory_space<semaphore_mem>> -> memref<!tpu.dma_semaphore, #tpu.memory_space<semaphore_mem>>
    tpu.enqueue_indirect_dma source(%dma_start3A_88 : memref<1000000x128xf32, #tpu.memory_space<hbm>>) target(%arg9 : memref<200x128xf32, #tpu.memory_space<vmem>>) offsets(%dma_start3A_85 : memref<200xi32, #tpu.memory_space<vmem>>) semaphore(%dma_start3A_90 : memref<!tpu.dma_semaphore, #tpu.memory_space<semaphore_mem>>)
    %dma_wait3A_91 = arith.constant 1 : i32
    %dma_wait3A_92 = arith.constant 200 : i32
    %dma_wait3A_93 = tpu.memref_slice %arg6[%dma_wait3A_92] : memref<25600xi32, #tpu.memory_space<vmem>> -> memref<200xi32, #tpu.memory_space<vmem>>
    %dma_wait3A_94 = arith.constant 0 : i32
    %dma_wait3A_95 = arith.constant 0 : i32
    %dma_wait3A_96 = tpu.memref_slice %arg3[%dma_wait3A_94, %dma_wait3A_95] : memref<1000000x128xf32, #tpu.memory_space<hbm>> -> memref<1000000x128xf32, #tpu.memory_space<hbm>>
    %dma_wait3A_97 = tpu.memref_slice %arg11[%dma_wait3A_91] : memref<3x!tpu.dma_semaphore, #tpu.memory_space<semaphore_mem>> -> memref<1x!tpu.dma_semaphore, #tpu.memory_space<semaphore_mem>>
    %dma_wait3A_98 = tpu.memref_squeeze %dma_wait3A_97 : memref<1x!tpu.dma_semaphore, #tpu.memory_space<semaphore_mem>> -> memref<!tpu.dma_semaphore, #tpu.memory_space<semaphore_mem>>
    tpu.wait_indirect_dma semaphore(%dma_wait3A_98 : memref<!tpu.dma_semaphore, #tpu.memory_space<semaphore_mem>>) src(%dma_wait3A_96 : memref<1000000x128xf32, #tpu.memory_space<hbm>>) dst(%arg8 : memref<200x128xf32, #tpu.memory_space<vmem>>)
    %scan3A_99 = arith.constant 0 : i32
    %scan3A_100 = arith.constant 0 : i32
    %scan3A_101 = arith.constant 100 : i32
    %scan3A_102 = arith.addi %scan3A_100, %scan3A_101 : i32
    %scan3A_103 = arith.constant 1 : i32
    scf.for %scan3A_370 = %scan3A_100 to %scan3A_102 step %scan3A_103  : i32 {
      %mul3A_371 = arith.constant 2 : i32
      %mul3A_372 = arith.muli %scan3A_370, %mul3A_371 : i32
      %add3A_373 = arith.constant 0 : i32
      %add3A_374 = arith.addi %mul3A_372, %add3A_373 : i32
      %get3A = arith.index_cast %add3A_374 : i32 to index
      %get3A_375 = arith.constant 0 : index
      %get3A_376 = tpu.vector_load %arg8[%get3A, %get3A_375] {strides = array<i32>} : memref<200x128xf32, #tpu.memory_space<vmem>>, vector<1x16xf32>,
      %get3A_377 = vector.shape_cast %get3A_376 : vector<1x16xf32> to vector<16xf32>
      %mul3A_378 = arith.constant 2 : i32
      %mul3A_379 = arith.muli %scan3A_370, %mul3A_378 : i32
      %add3A_380 = arith.constant 0 : i32
      %add3A_381 = arith.addi %mul3A_379, %add3A_380 : i32
      %get3A_382 = arith.index_cast %add3A_381 : i32 to index
      %get3A_383 = arith.constant 0 : index
      %get3A_384 = tpu.vector_load %arg10[%get3A_382, %get3A_383] {strides = array<i32>} : memref<200x128xf32, #tpu.memory_space<vmem>>, vector<1x16xf32>,
      %get3A_385 = vector.shape_cast %get3A_384 : vector<1x16xf32> to vector<16xf32>
      %add3A_386 = arith.addf %get3A_377, %get3A_385 : vector<16xf32>
      %mul3A_387 = arith.constant 2 : i32
      %mul3A_388 = arith.muli %scan3A_370, %mul3A_387 : i32
      %add3A_389 = arith.constant 0 : i32
      %add3A_390 = arith.addi %mul3A_388, %add3A_389 : i32
      %swap3A = arith.index_cast %add3A_390 : i32 to index
      %swap3A_391 = arith.constant 0 : index
      %swap3A_392 = tpu.vector_load %arg8[%swap3A, %swap3A_391] {strides = array<i32>} : memref<200x128xf32, #tpu.memory_space<vmem>>, vector<1x16xf32>,
      %swap3A_393 = vector.shape_cast %swap3A_392 : vector<1x16xf32> to vector<16xf32>
      %swap3A_394 = vector.shape_cast %add3A_386 : vector<16xf32> to vector<1x16xf32>
      tpu.vector_store %arg8[%swap3A, %swap3A_391], %swap3A_394 {strides = array<i32>} : memref<200x128xf32, #tpu.memory_space<vmem>>, vector<1x16xf32>,
      %mul3A_395 = arith.constant 2 : i32
      %mul3A_396 = arith.muli %scan3A_370, %mul3A_395 : i32
      %add3A_397 = arith.constant 0 : i32
      %add3A_398 = arith.addi %mul3A_396, %add3A_397 : i32
      %get3A_399 = arith.index_cast %add3A_398 : i32 to index
      %get3A_400 = arith.constant 16 : index
      %get3A_401 = tpu.vector_load %arg8[%get3A_399, %get3A_400] {strides = array<i32>} : memref<200x128xf32, #tpu.memory_space<vmem>>, vector<1x16xf32>,
      %get3A_402 = vector.shape_cast %get3A_401 : vector<1x16xf32> to vector<16xf32>
      %mul3A_403 = arith.constant 2 : i32
      %mul3A_404 = arith.muli %scan3A_370, %mul3A_403 : i32
      %add3A_405 = arith.constant 0 : i32
      %add3A_406 = arith.addi %mul3A_404, %add3A_405 : i32
      %get3A_407 = arith.index_cast %add3A_406 : i32 to index
      %get3A_408 = arith.constant 16 : index
      %get3A_409 = tpu.vector_load %arg10[%get3A_407, %get3A_408] {strides = array<i32>} : memref<200x128xf32, #tpu.memory_space<vmem>>, vector<1x16xf32>,
      %get3A_410 = vector.shape_cast %get3A_409 : vector<1x16xf32> to vector<16xf32>
      %add3A_411 = arith.addf %get3A_402, %get3A_410 : vector<16xf32>
      %mul3A_412 = arith.constant 2 : i32
      %mul3A_413 = arith.muli %scan3A_370, %mul3A_412 : i32
      %add3A_414 = arith.constant 0 : i32
      %add3A_415 = arith.addi %mul3A_413, %add3A_414 : i32
      %swap3A_416 = arith.index_cast %add3A_415 : i32 to index
      %swap3A_417 = arith.constant 16 : index
      %swap3A_418 = tpu.vector_load %arg8[%swap3A_416, %swap3A_417] {strides = array<i32>} : memref<200x128xf32, #tpu.memory_space<vmem>>, vector<1x16xf32>,
      %swap3A_419 = vector.shape_cast %swap3A_418 : vector<1x16xf32> to vector<16xf32>
      %swap3A_420 = vector.shape_cast %add3A_411 : vector<16xf32> to vector<1x16xf32>
      tpu.vector_store %arg8[%swap3A_416, %swap3A_417], %swap3A_420 {strides = array<i32>} : memref<200x128xf32, #tpu.memory_space<vmem>>, vector<1x16xf32>,
      %mul3A_421 = arith.constant 2 : i32
      %mul3A_422 = arith.muli %scan3A_370, %mul3A_421 : i32
      %add3A_423 = arith.constant 0 : i32
      %add3A_424 = arith.addi %mul3A_422, %add3A_423 : i32
      %get3A_425 = arith.index_cast %add3A_424 : i32 to index
      %get3A_426 = arith.constant 32 : index
      %get3A_427 = tpu.vector_load %arg8[%get3A_425, %get3A_426] {strides = array<i32>} : memref<200x128xf32, #tpu.memory_space<vmem>>, vector<1x16xf32>,
      %get3A_428 = vector.shape_cast %get3A_427 : vector<1x16xf32> to vector<16xf32>
      %mul3A_429 = arith.constant 2 : i32
      %mul3A_430 = arith.muli %scan3A_370, %mul3A_429 : i32
      %add3A_431 = arith.constant 0 : i32
      %add3A_432 = arith.addi %mul3A_430, %add3A_431 : i32
      %get3A_433 = arith.index_cast %add3A_432 : i32 to index
      %get3A_434 = arith.constant 32 : index
      %get3A_435 = tpu.vector_load %arg10[%get3A_433, %get3A_434] {strides = array<i32>} : memref<200x128xf32, #tpu.memory_space<vmem>>, vector<1x16xf32>,
      %get3A_436 = vector.shape_cast %get3A_435 : vector<1x16xf32> to vector<16xf32>
      %add3A_437 = arith.addf %get3A_428, %get3A_436 : vector<16xf32>
      %mul3A_438 = arith.constant 2 : i32
      %mul3A_439 = arith.muli %scan3A_370, %mul3A_438 : i32
      %add3A_440 = arith.constant 0 : i32
      %add3A_441 = arith.addi %mul3A_439, %add3A_440 : i32
      %swap3A_442 = arith.index_cast %add3A_441 : i32 to index
      %swap3A_443 = arith.constant 32 : index
      %swap3A_444 = tpu.vector_load %arg8[%swap3A_442, %swap3A_443] {strides = array<i32>} : memref<200x128xf32, #tpu.memory_space<vmem>>, vector<1x16xf32>,
      %swap3A_445 = vector.shape_cast %swap3A_444 : vector<1x16xf32> to vector<16xf32>
      %swap3A_446 = vector.shape_cast %add3A_437 : vector<16xf32> to vector<1x16xf32>
      tpu.vector_store %arg8[%swap3A_442, %swap3A_443], %swap3A_446 {strides = array<i32>} : memref<200x128xf32, #tpu.memory_space<vmem>>, vector<1x16xf32>,
      %mul3A_447 = arith.constant 2 : i32
      %mul3A_448 = arith.muli %scan3A_370, %mul3A_447 : i32
      %add3A_449 = arith.constant 0 : i32
      %add3A_450 = arith.addi %mul3A_448, %add3A_449 : i32
      %get3A_451 = arith.index_cast %add3A_450 : i32 to index
      %get3A_452 = arith.constant 48 : index
      %get3A_453 = tpu.vector_load %arg8[%get3A_451, %get3A_452] {strides = array<i32>} : memref<200x128xf32, #tpu.memory_space<vmem>>, vector<1x16xf32>,
      %get3A_454 = vector.shape_cast %get3A_453 : vector<1x16xf32> to vector<16xf32>
      %mul3A_455 = arith.constant 2 : i32
      %mul3A_456 = arith.muli %scan3A_370, %mul3A_455 : i32
      %add3A_457 = arith.constant 0 : i32
      %add3A_458 = arith.addi %mul3A_456, %add3A_457 : i32
      %get3A_459 = arith.index_cast %add3A_458 : i32 to index
      %get3A_460 = arith.constant 48 : index
      %get3A_461 = tpu.vector_load %arg10[%get3A_459, %get3A_460] {strides = array<i32>} : memref<200x128xf32, #tpu.memory_space<vmem>>, vector<1x16xf32>,
      %get3A_462 = vector.shape_cast %get3A_461 : vector<1x16xf32> to vector<16xf32>
      %add3A_463 = arith.addf %get3A_454, %get3A_462 : vector<16xf32>
      %mul3A_464 = arith.constant 2 : i32
      %mul3A_465 = arith.muli %scan3A_370, %mul3A_464 : i32
      %add3A_466 = arith.constant 0 : i32
      %add3A_467 = arith.addi %mul3A_465, %add3A_466 : i32
      %swap3A_468 = arith.index_cast %add3A_467 : i32 to index
      %swap3A_469 = arith.constant 48 : index
      %swap3A_470 = tpu.vector_load %arg8[%swap3A_468, %swap3A_469] {strides = array<i32>} : memref<200x128xf32, #tpu.memory_space<vmem>>, vector<1x16xf32>,
      %swap3A_471 = vector.shape_cast %swap3A_470 : vector<1x16xf32> to vector<16xf32>
      %swap3A_472 = vector.shape_cast %add3A_463 : vector<16xf32> to vector<1x16xf32>
      tpu.vector_store %arg8[%swap3A_468, %swap3A_469], %swap3A_472 {strides = array<i32>} : memref<200x128xf32, #tpu.memory_space<vmem>>, vector<1x16xf32>,
      %mul3A_473 = arith.constant 2 : i32
      %mul3A_474 = arith.muli %scan3A_370, %mul3A_473 : i32
      %add3A_475 = arith.constant 0 : i32
      %add3A_476 = arith.addi %mul3A_474, %add3A_475 : i32
      %get3A_477 = arith.index_cast %add3A_476 : i32 to index
      %get3A_478 = arith.constant 64 : index
      %get3A_479 = tpu.vector_load %arg8[%get3A_477, %get3A_478] {strides = array<i32>} : memref<200x128xf32, #tpu.memory_space<vmem>>, vector<1x16xf32>,
      %get3A_480 = vector.shape_cast %get3A_479 : vector<1x16xf32> to vector<16xf32>
      %mul3A_481 = arith.constant 2 : i32
      %mul3A_482 = arith.muli %scan3A_370, %mul3A_481 : i32
      %add3A_483 = arith.constant 0 : i32
      %add3A_484 = arith.addi %mul3A_482, %add3A_483 : i32
      %get3A_485 = arith.index_cast %add3A_484 : i32 to index
      %get3A_486 = arith.constant 64 : index
      %get3A_487 = tpu.vector_load %arg10[%get3A_485, %get3A_486] {strides = array<i32>} : memref<200x128xf32, #tpu.memory_space<vmem>>, vector<1x16xf32>,
      %get3A_488 = vector.shape_cast %get3A_487 : vector<1x16xf32> to vector<16xf32>
      %add3A_489 = arith.addf %get3A_480, %get3A_488 : vector<16xf32>
      %mul3A_490 = arith.constant 2 : i32
      %mul3A_491 = arith.muli %scan3A_370, %mul3A_490 : i32
      %add3A_492 = arith.constant 0 : i32
      %add3A_493 = arith.addi %mul3A_491, %add3A_492 : i32
      %swap3A_494 = arith.index_cast %add3A_493 : i32 to index
      %swap3A_495 = arith.constant 64 : index
      %swap3A_496 = tpu.vector_load %arg8[%swap3A_494, %swap3A_495] {strides = array<i32>} : memref<200x128xf32, #tpu.memory_space<vmem>>, vector<1x16xf32>,
      %swap3A_497 = vector.shape_cast %swap3A_496 : vector<1x16xf32> to vector<16xf32>
      %swap3A_498 = vector.shape_cast %add3A_489 : vector<16xf32> to vector<1x16xf32>
      tpu.vector_store %arg8[%swap3A_494, %swap3A_495], %swap3A_498 {strides = array<i32>} : memref<200x128xf32, #tpu.memory_space<vmem>>, vector<1x16xf32>,
      %mul3A_499 = arith.constant 2 : i32
      %mul3A_500 = arith.muli %scan3A_370, %mul3A_499 : i32
      %add3A_501 = arith.constant 0 : i32
      %add3A_502 = arith.addi %mul3A_500, %add3A_501 : i32
      %get3A_503 = arith.index_cast %add3A_502 : i32 to index
      %get3A_504 = arith.constant 80 : index
      %get3A_505 = tpu.vector_load %arg8[%get3A_503, %get3A_504] {strides = array<i32>} : memref<200x128xf32, #tpu.memory_space<vmem>>, vector<1x16xf32>,
      %get3A_506 = vector.shape_cast %get3A_505 : vector<1x16xf32> to vector<16xf32>
      %mul3A_507 = arith.constant 2 : i32
      %mul3A_508 = arith.muli %scan3A_370, %mul3A_507 : i32
      %add3A_509 = arith.constant 0 : i32
      %add3A_510 = arith.addi %mul3A_508, %add3A_509 : i32
      %get3A_511 = arith.index_cast %add3A_510 : i32 to index
      %get3A_512 = arith.constant 80 : index
      %get3A_513 = tpu.vector_load %arg10[%get3A_511, %get3A_512] {strides = array<i32>} : memref<200x128xf32, #tpu.memory_space<vmem>>, vector<1x16xf32>,
      %get3A_514 = vector.shape_cast %get3A_513 : vector<1x16xf32> to vector<16xf32>
      %add3A_515 = arith.addf %get3A_506, %get3A_514 : vector<16xf32>
      %mul3A_516 = arith.constant 2 : i32
      %mul3A_517 = arith.muli %scan3A_370, %mul3A_516 : i32
      %add3A_518 = arith.constant 0 : i32
      %add3A_519 = arith.addi %mul3A_517, %add3A_518 : i32
      %swap3A_520 = arith.index_cast %add3A_519 : i32 to index
      %swap3A_521 = arith.constant 80 : index
      %swap3A_522 = tpu.vector_load %arg8[%swap3A_520, %swap3A_521] {strides = array<i32>} : memref<200x128xf32, #tpu.memory_space<vmem>>, vector<1x16xf32>,
      %swap3A_523 = vector.shape_cast %swap3A_522 : vector<1x16xf32> to vector<16xf32>
      %swap3A_524 = vector.shape_cast %add3A_515 : vector<16xf32> to vector<1x16xf32>
      tpu.vector_store %arg8[%swap3A_520, %swap3A_521], %swap3A_524 {strides = array<i32>} : memref<200x128xf32, #tpu.memory_space<vmem>>, vector<1x16xf32>,
      %mul3A_525 = arith.constant 2 : i32
      %mul3A_526 = arith.muli %scan3A_370, %mul3A_525 : i32
      %add3A_527 = arith.constant 0 : i32
      %add3A_528 = arith.addi %mul3A_526, %add3A_527 : i32
      %get3A_529 = arith.index_cast %add3A_528 : i32 to index
      %get3A_530 = arith.constant 96 : index
      %get3A_531 = tpu.vector_load %arg8[%get3A_529, %get3A_530] {strides = array<i32>} : memref<200x128xf32, #tpu.memory_space<vmem>>, vector<1x16xf32>,
      %get3A_532 = vector.shape_cast %get3A_531 : vector<1x16xf32> to vector<16xf32>
      %mul3A_533 = arith.constant 2 : i32
      %mul3A_534 = arith.muli %scan3A_370, %mul3A_533 : i32
      %add3A_535 = arith.constant 0 : i32
      %add3A_536 = arith.addi %mul3A_534, %add3A_535 : i32
      %get3A_537 = arith.index_cast %add3A_536 : i32 to index
      %get3A_538 = arith.constant 96 : index
      %get3A_539 = tpu.vector_load %arg10[%get3A_537, %get3A_538] {strides = array<i32>} : memref<200x128xf32, #tpu.memory_space<vmem>>, vector<1x16xf32>,
      %get3A_540 = vector.shape_cast %get3A_539 : vector<1x16xf32> to vector<16xf32>
      %add3A_541 = arith.addf %get3A_532, %get3A_540 : vector<16xf32>
      %mul3A_542 = arith.constant 2 : i32
      %mul3A_543 = arith.muli %scan3A_370, %mul3A_542 : i32
      %add3A_544 = arith.constant 0 : i32
      %add3A_545 = arith.addi %mul3A_543, %add3A_544 : i32
      %swap3A_546 = arith.index_cast %add3A_545 : i32 to index
      %swap3A_547 = arith.constant 96 : index
      %swap3A_548 = tpu.vector_load %arg8[%swap3A_546, %swap3A_547] {strides = array<i32>} : memref<200x128xf32, #tpu.memory_space<vmem>>, vector<1x16xf32>,
      %swap3A_549 = vector.shape_cast %swap3A_548 : vector<1x16xf32> to vector<16xf32>
      %swap3A_550 = vector.shape_cast %add3A_541 : vector<16xf32> to vector<1x16xf32>
      tpu.vector_store %arg8[%swap3A_546, %swap3A_547], %swap3A_550 {strides = array<i32>} : memref<200x128xf32, #tpu.memory_space<vmem>>, vector<1x16xf32>,
      %mul3A_551 = arith.constant 2 : i32
      %mul3A_552 = arith.muli %scan3A_370, %mul3A_551 : i32
      %add3A_553 = arith.constant 0 : i32
      %add3A_554 = arith.addi %mul3A_552, %add3A_553 : i32
      %get3A_555 = arith.index_cast %add3A_554 : i32 to index
      %get3A_556 = arith.constant 112 : index
      %get3A_557 = tpu.vector_load %arg8[%get3A_555, %get3A_556] {strides = array<i32>} : memref<200x128xf32, #tpu.memory_space<vmem>>, vector<1x16xf32>,
      %get3A_558 = vector.shape_cast %get3A_557 : vector<1x16xf32> to vector<16xf32>
      %mul3A_559 = arith.constant 2 : i32
      %mul3A_560 = arith.muli %scan3A_370, %mul3A_559 : i32
      %add3A_561 = arith.constant 0 : i32
      %add3A_562 = arith.addi %mul3A_560, %add3A_561 : i32
      %get3A_563 = arith.index_cast %add3A_562 : i32 to index
      %get3A_564 = arith.constant 112 : index
      %get3A_565 = tpu.vector_load %arg10[%get3A_563, %get3A_564] {strides = array<i32>} : memref<200x128xf32, #tpu.memory_space<vmem>>, vector<1x16xf32>,
      %get3A_566 = vector.shape_cast %get3A_565 : vector<1x16xf32> to vector<16xf32>
      %add3A_567 = arith.addf %get3A_558, %get3A_566 : vector<16xf32>
      %mul3A_568 = arith.constant 2 : i32
      %mul3A_569 = arith.muli %scan3A_370, %mul3A_568 : i32
      %add3A_570 = arith.constant 0 : i32
      %add3A_571 = arith.addi %mul3A_569, %add3A_570 : i32
      %swap3A_572 = arith.index_cast %add3A_571 : i32 to index
      %swap3A_573 = arith.constant 112 : index
      %swap3A_574 = tpu.vector_load %arg8[%swap3A_572, %swap3A_573] {strides = array<i32>} : memref<200x128xf32, #tpu.memory_space<vmem>>, vector<1x16xf32>,
      %swap3A_575 = vector.shape_cast %swap3A_574 : vector<1x16xf32> to vector<16xf32>
      %swap3A_576 = vector.shape_cast %add3A_567 : vector<16xf32> to vector<1x16xf32>
      tpu.vector_store %arg8[%swap3A_572, %swap3A_573], %swap3A_576 {strides = array<i32>} : memref<200x128xf32, #tpu.memory_space<vmem>>, vector<1x16xf32>,
      %mul3A_577 = arith.constant 2 : i32
      %mul3A_578 = arith.muli %scan3A_370, %mul3A_577 : i32
      %add3A_579 = arith.constant 1 : i32
      %add3A_580 = arith.addi %mul3A_578, %add3A_579 : i32
      %get3A_581 = arith.index_cast %add3A_580 : i32 to index
      %get3A_582 = arith.constant 0 : index
      %get3A_583 = tpu.vector_load %arg8[%get3A_581, %get3A_582] {strides = array<i32>} : memref<200x128xf32, #tpu.memory_space<vmem>>, vector<1x16xf32>,
      %get3A_584 = vector.shape_cast %get3A_583 : vector<1x16xf32> to vector<16xf32>
      %mul3A_585 = arith.constant 2 : i32
      %mul3A_586 = arith.muli %scan3A_370, %mul3A_585 : i32
      %add3A_587 = arith.constant 1 : i32
      %add3A_588 = arith.addi %mul3A_586, %add3A_587 : i32
      %get3A_589 = arith.index_cast %add3A_588 : i32 to index
      %get3A_590 = arith.constant 0 : index
      %get3A_591 = tpu.vector_load %arg10[%get3A_589, %get3A_590] {strides = array<i32>} : memref<200x128xf32, #tpu.memory_space<vmem>>, vector<1x16xf32>,
      %get3A_592 = vector.shape_cast %get3A_591 : vector<1x16xf32> to vector<16xf32>
      %add3A_593 = arith.addf %get3A_584, %get3A_592 : vector<16xf32>
      %mul3A_594 = arith.constant 2 : i32
      %mul3A_595 = arith.muli %scan3A_370, %mul3A_594 : i32
      %add3A_596 = arith.constant 1 : i32
      %add3A_597 = arith.addi %mul3A_595, %add3A_596 : i32
      %swap3A_598 = arith.index_cast %add3A_597 : i32 to index
      %swap3A_599 = arith.constant 0 : index
      %swap3A_600 = tpu.vector_load %arg8[%swap3A_598, %swap3A_599] {strides = array<i32>} : memref<200x128xf32, #tpu.memory_space<vmem>>, vector<1x16xf32>,
      %swap3A_601 = vector.shape_cast %swap3A_600 : vector<1x16xf32> to vector<16xf32>
      %swap3A_602 = vector.shape_cast %add3A_593 : vector<16xf32> to vector<1x16xf32>
      tpu.vector_store %arg8[%swap3A_598, %swap3A_599], %swap3A_602 {strides = array<i32>} : memref<200x128xf32, #tpu.memory_space<vmem>>, vector<1x16xf32>,
      %mul3A_603 = arith.constant 2 : i32
      %mul3A_604 = arith.muli %scan3A_370, %mul3A_603 : i32
      %add3A_605 = arith.constant 1 : i32
      %add3A_606 = arith.addi %mul3A_604, %add3A_605 : i32
      %get3A_607 = arith.index_cast %add3A_606 : i32 to index
      %get3A_608 = arith.constant 16 : index
      %get3A_609 = tpu.vector_load %arg8[%get3A_607, %get3A_608] {strides = array<i32>} : memref<200x128xf32, #tpu.memory_space<vmem>>, vector<1x16xf32>,
      %get3A_610 = vector.shape_cast %get3A_609 : vector<1x16xf32> to vector<16xf32>
      %mul3A_611 = arith.constant 2 : i32
      %mul3A_612 = arith.muli %scan3A_370, %mul3A_611 : i32
      %add3A_613 = arith.constant 1 : i32
      %add3A_614 = arith.addi %mul3A_612, %add3A_613 : i32
      %get3A_615 = arith.index_cast %add3A_614 : i32 to index
      %get3A_616 = arith.constant 16 : index
      %get3A_617 = tpu.vector_load %arg10[%get3A_615, %get3A_616] {strides = array<i32>} : memref<200x128xf32, #tpu.memory_space<vmem>>, vector<1x16xf32>,
      %get3A_618 = vector.shape_cast %get3A_617 : vector<1x16xf32> to vector<16xf32>
      %add3A_619 = arith.addf %get3A_610, %get3A_618 : vector<16xf32>
      %mul3A_620 = arith.constant 2 : i32
      %mul3A_621 = arith.muli %scan3A_370, %mul3A_620 : i32
      %add3A_622 = arith.constant 1 : i32
      %add3A_623 = arith.addi %mul3A_621, %add3A_622 : i32
      %swap3A_624 = arith.index_cast %add3A_623 : i32 to index
      %swap3A_625 = arith.constant 16 : index
      %swap3A_626 = tpu.vector_load %arg8[%swap3A_624, %swap3A_625] {strides = array<i32>} : memref<200x128xf32, #tpu.memory_space<vmem>>, vector<1x16xf32>,
      %swap3A_627 = vector.shape_cast %swap3A_626 : vector<1x16xf32> to vector<16xf32>
      %swap3A_628 = vector.shape_cast %add3A_619 : vector<16xf32> to vector<1x16xf32>
      tpu.vector_store %arg8[%swap3A_624, %swap3A_625], %swap3A_628 {strides = array<i32>} : memref<200x128xf32, #tpu.memory_space<vmem>>, vector<1x16xf32>,
      %mul3A_629 = arith.constant 2 : i32
      %mul3A_630 = arith.muli %scan3A_370, %mul3A_629 : i32
      %add3A_631 = arith.constant 1 : i32
      %add3A_632 = arith.addi %mul3A_630, %add3A_631 : i32
      %get3A_633 = arith.index_cast %add3A_632 : i32 to index
      %get3A_634 = arith.constant 32 : index
      %get3A_635 = tpu.vector_load %arg8[%get3A_633, %get3A_634] {strides = array<i32>} : memref<200x128xf32, #tpu.memory_space<vmem>>, vector<1x16xf32>,
      %get3A_636 = vector.shape_cast %get3A_635 : vector<1x16xf32> to vector<16xf32>
      %mul3A_637 = arith.constant 2 : i32
      %mul3A_638 = arith.muli %scan3A_370, %mul3A_637 : i32
      %add3A_639 = arith.constant 1 : i32
      %add3A_640 = arith.addi %mul3A_638, %add3A_639 : i32
      %get3A_641 = arith.index_cast %add3A_640 : i32 to index
      %get3A_642 = arith.constant 32 : index
      %get3A_643 = tpu.vector_load %arg10[%get3A_641, %get3A_642] {strides = array<i32>} : memref<200x128xf32, #tpu.memory_space<vmem>>, vector<1x16xf32>,
      %get3A_644 = vector.shape_cast %get3A_643 : vector<1x16xf32> to vector<16xf32>
      %add3A_645 = arith.addf %get3A_636, %get3A_644 : vector<16xf32>
      %mul3A_646 = arith.constant 2 : i32
      %mul3A_647 = arith.muli %scan3A_370, %mul3A_646 : i32
      %add3A_648 = arith.constant 1 : i32
      %add3A_649 = arith.addi %mul3A_647, %add3A_648 : i32
      %swap3A_650 = arith.index_cast %add3A_649 : i32 to index
      %swap3A_651 = arith.constant 32 : index
      %swap3A_652 = tpu.vector_load %arg8[%swap3A_650, %swap3A_651] {strides = array<i32>} : memref<200x128xf32, #tpu.memory_space<vmem>>, vector<1x16xf32>,
      %swap3A_653 = vector.shape_cast %swap3A_652 : vector<1x16xf32> to vector<16xf32>
      %swap3A_654 = vector.shape_cast %add3A_645 : vector<16xf32> to vector<1x16xf32>
      tpu.vector_store %arg8[%swap3A_650, %swap3A_651], %swap3A_654 {strides = array<i32>} : memref<200x128xf32, #tpu.memory_space<vmem>>, vector<1x16xf32>,
      %mul3A_655 = arith.constant 2 : i32
      %mul3A_656 = arith.muli %scan3A_370, %mul3A_655 : i32
      %add3A_657 = arith.constant 1 : i32
      %add3A_658 = arith.addi %mul3A_656, %add3A_657 : i32
      %get3A_659 = arith.index_cast %add3A_658 : i32 to index
      %get3A_660 = arith.constant 48 : index
      %get3A_661 = tpu.vector_load %arg8[%get3A_659, %get3A_660] {strides = array<i32>} : memref<200x128xf32, #tpu.memory_space<vmem>>, vector<1x16xf32>,
      %get3A_662 = vector.shape_cast %get3A_661 : vector<1x16xf32> to vector<16xf32>
      %mul3A_663 = arith.constant 2 : i32
      %mul3A_664 = arith.muli %scan3A_370, %mul3A_663 : i32
      %add3A_665 = arith.constant 1 : i32
      %add3A_666 = arith.addi %mul3A_664, %add3A_665 : i32
      %get3A_667 = arith.index_cast %add3A_666 : i32 to index
      %get3A_668 = arith.constant 48 : index
      %get3A_669 = tpu.vector_load %arg10[%get3A_667, %get3A_668] {strides = array<i32>} : memref<200x128xf32, #tpu.memory_space<vmem>>, vector<1x16xf32>,
      %get3A_670 = vector.shape_cast %get3A_669 : vector<1x16xf32> to vector<16xf32>
      %add3A_671 = arith.addf %get3A_662, %get3A_670 : vector<16xf32>
      %mul3A_672 = arith.constant 2 : i32
      %mul3A_673 = arith.muli %scan3A_370, %mul3A_672 : i32
      %add3A_674 = arith.constant 1 : i32
      %add3A_675 = arith.addi %mul3A_673, %add3A_674 : i32
      %swap3A_676 = arith.index_cast %add3A_675 : i32 to index
      %swap3A_677 = arith.constant 48 : index
      %swap3A_678 = tpu.vector_load %arg8[%swap3A_676, %swap3A_677] {strides = array<i32>} : memref<200x128xf32, #tpu.memory_space<vmem>>, vector<1x16xf32>,
      %swap3A_679 = vector.shape_cast %swap3A_678 : vector<1x16xf32> to vector<16xf32>
      %swap3A_680 = vector.shape_cast %add3A_671 : vector<16xf32> to vector<1x16xf32>
      tpu.vector_store %arg8[%swap3A_676, %swap3A_677], %swap3A_680 {strides = array<i32>} : memref<200x128xf32, #tpu.memory_space<vmem>>, vector<1x16xf32>,
      %mul3A_681 = arith.constant 2 : i32
      %mul3A_682 = arith.muli %scan3A_370, %mul3A_681 : i32
      %add3A_683 = arith.constant 1 : i32
      %add3A_684 = arith.addi %mul3A_682, %add3A_683 : i32
      %get3A_685 = arith.index_cast %add3A_684 : i32 to index
      %get3A_686 = arith.constant 64 : index
      %get3A_687 = tpu.vector_load %arg8[%get3A_685, %get3A_686] {strides = array<i32>} : memref<200x128xf32, #tpu.memory_space<vmem>>, vector<1x16xf32>,
      %get3A_688 = vector.shape_cast %get3A_687 : vector<1x16xf32> to vector<16xf32>
      %mul3A_689 = arith.constant 2 : i32
      %mul3A_690 = arith.muli %scan3A_370, %mul3A_689 : i32
      %add3A_691 = arith.constant 1 : i32
      %add3A_692 = arith.addi %mul3A_690, %add3A_691 : i32
      %get3A_693 = arith.index_cast %add3A_692 : i32 to index
      %get3A_694 = arith.constant 64 : index
      %get3A_695 = tpu.vector_load %arg10[%get3A_693, %get3A_694] {strides = array<i32>} : memref<200x128xf32, #tpu.memory_space<vmem>>, vector<1x16xf32>,
      %get3A_696 = vector.shape_cast %get3A_695 : vector<1x16xf32> to vector<16xf32>
      %add3A_697 = arith.addf %get3A_688, %get3A_696 : vector<16xf32>
      %mul3A_698 = arith.constant 2 : i32
      %mul3A_699 = arith.muli %scan3A_370, %mul3A_698 : i32
      %add3A_700 = arith.constant 1 : i32
      %add3A_701 = arith.addi %mul3A_699, %add3A_700 : i32
      %swap3A_702 = arith.index_cast %add3A_701 : i32 to index
      %swap3A_703 = arith.constant 64 : index
      %swap3A_704 = tpu.vector_load %arg8[%swap3A_702, %swap3A_703] {strides = array<i32>} : memref<200x128xf32, #tpu.memory_space<vmem>>, vector<1x16xf32>,
      %swap3A_705 = vector.shape_cast %swap3A_704 : vector<1x16xf32> to vector<16xf32>
      %swap3A_706 = vector.shape_cast %add3A_697 : vector<16xf32> to vector<1x16xf32>
      tpu.vector_store %arg8[%swap3A_702, %swap3A_703], %swap3A_706 {strides = array<i32>} : memref<200x128xf32, #tpu.memory_space<vmem>>, vector<1x16xf32>,
      %mul3A_707 = arith.constant 2 : i32
      %mul3A_708 = arith.muli %scan3A_370, %mul3A_707 : i32
      %add3A_709 = arith.constant 1 : i32
      %add3A_710 = arith.addi %mul3A_708, %add3A_709 : i32
      %get3A_711 = arith.index_cast %add3A_710 : i32 to index
      %get3A_712 = arith.constant 80 : index
      %get3A_713 = tpu.vector_load %arg8[%get3A_711, %get3A_712] {strides = array<i32>} : memref<200x128xf32, #tpu.memory_space<vmem>>, vector<1x16xf32>,
      %get3A_714 = vector.shape_cast %get3A_713 : vector<1x16xf32> to vector<16xf32>
      %mul3A_715 = arith.constant 2 : i32
      %mul3A_716 = arith.muli %scan3A_370, %mul3A_715 : i32
      %add3A_717 = arith.constant 1 : i32
      %add3A_718 = arith.addi %mul3A_716, %add3A_717 : i32
      %get3A_719 = arith.index_cast %add3A_718 : i32 to index
      %get3A_720 = arith.constant 80 : index
      %get3A_721 = tpu.vector_load %arg10[%get3A_719, %get3A_720] {strides = array<i32>} : memref<200x128xf32, #tpu.memory_space<vmem>>, vector<1x16xf32>,
      %get3A_722 = vector.shape_cast %get3A_721 : vector<1x16xf32> to vector<16xf32>
      %add3A_723 = arith.addf %get3A_714, %get3A_722 : vector<16xf32>
      %mul3A_724 = arith.constant 2 : i32
      %mul3A_725 = arith.muli %scan3A_370, %mul3A_724 : i32
      %add3A_726 = arith.constant 1 : i32
      %add3A_727 = arith.addi %mul3A_725, %add3A_726 : i32
      %swap3A_728 = arith.index_cast %add3A_727 : i32 to index
      %swap3A_729 = arith.constant 80 : index
      %swap3A_730 = tpu.vector_load %arg8[%swap3A_728, %swap3A_729] {strides = array<i32>} : memref<200x128xf32, #tpu.memory_space<vmem>>, vector<1x16xf32>,
      %swap3A_731 = vector.shape_cast %swap3A_730 : vector<1x16xf32> to vector<16xf32>
      %swap3A_732 = vector.shape_cast %add3A_723 : vector<16xf32> to vector<1x16xf32>
      tpu.vector_store %arg8[%swap3A_728, %swap3A_729], %swap3A_732 {strides = array<i32>} : memref<200x128xf32, #tpu.memory_space<vmem>>, vector<1x16xf32>,
      %mul3A_733 = arith.constant 2 : i32
      %mul3A_734 = arith.muli %scan3A_370, %mul3A_733 : i32
      %add3A_735 = arith.constant 1 : i32
      %add3A_736 = arith.addi %mul3A_734, %add3A_735 : i32
      %get3A_737 = arith.index_cast %add3A_736 : i32 to index
      %get3A_738 = arith.constant 96 : index
      %get3A_739 = tpu.vector_load %arg8[%get3A_737, %get3A_738] {strides = array<i32>} : memref<200x128xf32, #tpu.memory_space<vmem>>, vector<1x16xf32>,
      %get3A_740 = vector.shape_cast %get3A_739 : vector<1x16xf32> to vector<16xf32>
      %mul3A_741 = arith.constant 2 : i32
      %mul3A_742 = arith.muli %scan3A_370, %mul3A_741 : i32
      %add3A_743 = arith.constant 1 : i32
      %add3A_744 = arith.addi %mul3A_742, %add3A_743 : i32
      %get3A_745 = arith.index_cast %add3A_744 : i32 to index
      %get3A_746 = arith.constant 96 : index
      %get3A_747 = tpu.vector_load %arg10[%get3A_745, %get3A_746] {strides = array<i32>} : memref<200x128xf32, #tpu.memory_space<vmem>>, vector<1x16xf32>,
      %get3A_748 = vector.shape_cast %get3A_747 : vector<1x16xf32> to vector<16xf32>
      %add3A_749 = arith.addf %get3A_740, %get3A_748 : vector<16xf32>
      %mul3A_750 = arith.constant 2 : i32
      %mul3A_751 = arith.muli %scan3A_370, %mul3A_750 : i32
      %add3A_752 = arith.constant 1 : i32
      %add3A_753 = arith.addi %mul3A_751, %add3A_752 : i32
      %swap3A_754 = arith.index_cast %add3A_753 : i32 to index
      %swap3A_755 = arith.constant 96 : index
      %swap3A_756 = tpu.vector_load %arg8[%swap3A_754, %swap3A_755] {strides = array<i32>} : memref<200x128xf32, #tpu.memory_space<vmem>>, vector<1x16xf32>,
      %swap3A_757 = vector.shape_cast %swap3A_756 : vector<1x16xf32> to vector<16xf32>
      %swap3A_758 = vector.shape_cast %add3A_749 : vector<16xf32> to vector<1x16xf32>
      tpu.vector_store %arg8[%swap3A_754, %swap3A_755], %swap3A_758 {strides = array<i32>} : memref<200x128xf32, #tpu.memory_space<vmem>>, vector<1x16xf32>,
      %mul3A_759 = arith.constant 2 : i32
      %mul3A_760 = arith.muli %scan3A_370, %mul3A_759 : i32
      %add3A_761 = arith.constant 1 : i32
      %add3A_762 = arith.addi %mul3A_760, %add3A_761 : i32
      %get3A_763 = arith.index_cast %add3A_762 : i32 to index
      %get3A_764 = arith.constant 112 : index
      %get3A_765 = tpu.vector_load %arg8[%get3A_763, %get3A_764] {strides = array<i32>} : memref<200x128xf32, #tpu.memory_space<vmem>>, vector<1x16xf32>,
      %get3A_766 = vector.shape_cast %get3A_765 : vector<1x16xf32> to vector<16xf32>
      %mul3A_767 = arith.constant 2 : i32
      %mul3A_768 = arith.muli %scan3A_370, %mul3A_767 : i32
      %add3A_769 = arith.constant 1 : i32
      %add3A_770 = arith.addi %mul3A_768, %add3A_769 : i32
      %get3A_771 = arith.index_cast %add3A_770 : i32 to index
      %get3A_772 = arith.constant 112 : index
      %get3A_773 = tpu.vector_load %arg10[%get3A_771, %get3A_772] {strides = array<i32>} : memref<200x128xf32, #tpu.memory_space<vmem>>, vector<1x16xf32>,
      %get3A_774 = vector.shape_cast %get3A_773 : vector<1x16xf32> to vector<16xf32>
      %add3A_775 = arith.addf %get3A_766, %get3A_774 : vector<16xf32>
      %mul3A_776 = arith.constant 2 : i32
      %mul3A_777 = arith.muli %scan3A_370, %mul3A_776 : i32
      %add3A_778 = arith.constant 1 : i32
      %add3A_779 = arith.addi %mul3A_777, %add3A_778 : i32
      %swap3A_780 = arith.index_cast %add3A_779 : i32 to index
      %swap3A_781 = arith.constant 112 : index
      %swap3A_782 = tpu.vector_load %arg8[%swap3A_780, %swap3A_781] {strides = array<i32>} : memref<200x128xf32, #tpu.memory_space<vmem>>, vector<1x16xf32>,
      %swap3A_783 = vector.shape_cast %swap3A_782 : vector<1x16xf32> to vector<16xf32>
      %swap3A_784 = vector.shape_cast %add3A_775 : vector<16xf32> to vector<1x16xf32>
      tpu.vector_store %arg8[%swap3A_780, %swap3A_781], %swap3A_784 {strides = array<i32>} : memref<200x128xf32, #tpu.memory_space<vmem>>, vector<1x16xf32>,
    }
    %scan3A_104 = arith.constant 100 : i32
    %add3A_105 = arith.constant 200 : i32
    %add3A_106 = arith.addi %mul3A_2, %add3A_105 : i32
    %dma_start3A_107 = arith.constant 1 : i32
    %dma_start3A_108 = arith.constant 0 : i32
    %dma_start3A_109 = tpu.memref_slice %arg5[%add3A_106, %dma_start3A_108] : memref<819200x128xf32, #tpu.memory_space<hbm>> -> memref<200x128xf32, #tpu.memory_space<hbm>>
    %dma_start3A_110 = tpu.memref_slice %arg12[%dma_start3A_107] : memref<3x!tpu.dma_semaphore, #tpu.memory_space<semaphore_mem>> -> memref<1x!tpu.dma_semaphore, #tpu.memory_space<semaphore_mem>>
    %dma_start3A_111 = tpu.memref_squeeze %dma_start3A_110 : memref<1x!tpu.dma_semaphore, #tpu.memory_space<semaphore_mem>> -> memref<!tpu.dma_semaphore, #tpu.memory_space<semaphore_mem>>
    %dma_start3A_112 = arith.constant 0 : i32
    %dma_start3A_113 = tpu.memref_slice %arg5[%add3A_106, %dma_start3A_112] : memref<819200x128xf32, #tpu.memory_space<hbm>> -> memref<200x128xf32, #tpu.memory_space<hbm>>
    tpu.enqueue_dma source(%arg8 : memref<200x128xf32, #tpu.memory_space<vmem>>) target(%dma_start3A_113 : memref<200x128xf32, #tpu.memory_space<hbm>>) target_semaphore(%dma_start3A_111 : memref<!tpu.dma_semaphore, #tpu.memory_space<semaphore_mem>>)
    %add3A_114 = arith.constant 0 : i32
    %add3A_115 = arith.addi %mul3A_2, %add3A_114 : i32
    %dma_wait3A_116 = arith.constant 0 : i32
    %dma_wait3A_117 = arith.constant 0 : i32
    %dma_wait3A_118 = tpu.memref_slice %arg5[%add3A_115, %dma_wait3A_117] : memref<819200x128xf32, #tpu.memory_space<hbm>> -> memref<200x128xf32, #tpu.memory_space<hbm>>
    %dma_wait3A_119 = tpu.memref_slice %arg12[%dma_wait3A_116] : memref<3x!tpu.dma_semaphore, #tpu.memory_space<semaphore_mem>> -> memref<1x!tpu.dma_semaphore, #tpu.memory_space<semaphore_mem>>
    %dma_wait3A_120 = tpu.memref_squeeze %dma_wait3A_119 : memref<1x!tpu.dma_semaphore, #tpu.memory_space<semaphore_mem>> -> memref<!tpu.dma_semaphore, #tpu.memory_space<semaphore_mem>>
    %dma_wait3A_121 = arith.constant 0 : i32
    %dma_wait3A_122 = tpu.memref_slice %arg5[%add3A_115, %dma_wait3A_121] : memref<819200x128xf32, #tpu.memory_space<hbm>> -> memref<200x128xf32, #tpu.memory_space<hbm>>
    tpu.wait_dma2 semaphore(%dma_wait3A_120 : memref<!tpu.dma_semaphore, #tpu.memory_space<semaphore_mem>>) src(%arg7 : memref<200x128xf32, #tpu.memory_space<vmem>>) dst(%dma_wait3A_122 : memref<200x128xf32, #tpu.memory_space<hbm>>)
    %dma_start3A_123 = arith.constant 0 : i32
    %dma_start3A_124 = arith.constant 600 : i32
    %dma_start3A_125 = tpu.memref_slice %arg6[%dma_start3A_124] : memref<25600xi32, #tpu.memory_space<vmem>> -> memref<200xi32, #tpu.memory_space<vmem>>
    %dma_start3A_126 = arith.constant 0 : i32
    %dma_start3A_127 = arith.constant 0 : i32
    %dma_start3A_128 = tpu.memref_slice %arg3[%dma_start3A_126, %dma_start3A_127] : memref<1000000x128xf32, #tpu.memory_space<hbm>> -> memref<1000000x128xf32, #tpu.memory_space<hbm>>
    %dma_start3A_129 = tpu.memref_slice %arg11[%dma_start3A_123] : memref<3x!tpu.dma_semaphore, #tpu.memory_space<semaphore_mem>> -> memref<1x!tpu.dma_semaphore, #tpu.memory_space<semaphore_mem>>
    %dma_start3A_130 = tpu.memref_squeeze %dma_start3A_129 : memref<1x!tpu.dma_semaphore, #tpu.memory_space<semaphore_mem>> -> memref<!tpu.dma_semaphore, #tpu.memory_space<semaphore_mem>>
    tpu.enqueue_indirect_dma source(%dma_start3A_128 : memref<1000000x128xf32, #tpu.memory_space<hbm>>) target(%arg7 : memref<200x128xf32, #tpu.memory_space<vmem>>) offsets(%dma_start3A_125 : memref<200xi32, #tpu.memory_space<vmem>>) semaphore(%dma_start3A_130 : memref<!tpu.dma_semaphore, #tpu.memory_space<semaphore_mem>>)
    %dma_wait3A_131 = arith.constant 2 : i32
    %dma_wait3A_132 = arith.constant 400 : i32
    %dma_wait3A_133 = tpu.memref_slice %arg6[%dma_wait3A_132] : memref<25600xi32, #tpu.memory_space<vmem>> -> memref<200xi32, #tpu.memory_space<vmem>>
    %dma_wait3A_134 = arith.constant 0 : i32
    %dma_wait3A_135 = arith.constant 0 : i32
    %dma_wait3A_136 = tpu.memref_slice %arg3[%dma_wait3A_134, %dma_wait3A_135] : memref<1000000x128xf32, #tpu.memory_space<hbm>> -> memref<1000000x128xf32, #tpu.memory_space<hbm>>
    %dma_wait3A_137 = tpu.memref_slice %arg11[%dma_wait3A_131] : memref<3x!tpu.dma_semaphore, #tpu.memory_space<semaphore_mem>> -> memref<1x!tpu.dma_semaphore, #tpu.memory_space<semaphore_mem>>
    %dma_wait3A_138 = tpu.memref_squeeze %dma_wait3A_137 : memref<1x!tpu.dma_semaphore, #tpu.memory_space<semaphore_mem>> -> memref<!tpu.dma_semaphore, #tpu.memory_space<semaphore_mem>>
    tpu.wait_indirect_dma semaphore(%dma_wait3A_138 : memref<!tpu.dma_semaphore, #tpu.memory_space<semaphore_mem>>) src(%dma_wait3A_136 : memref<1000000x128xf32, #tpu.memory_space<hbm>>) dst(%arg9 : memref<200x128xf32, #tpu.memory_space<vmem>>)
    %scan3A_139 = arith.constant 0 : i32
    %scan3A_140 = arith.constant 0 : i32
    %scan3A_141 = arith.constant 100 : i32
    %scan3A_142 = arith.addi %scan3A_140, %scan3A_141 : i32
    %scan3A_143 = arith.constant 1 : i32
    scf.for %scan3A_370 = %scan3A_140 to %scan3A_142 step %scan3A_143  : i32 {
      %mul3A_371 = arith.constant 2 : i32
      %mul3A_372 = arith.muli %scan3A_370, %mul3A_371 : i32
      %add3A_373 = arith.constant 0 : i32
      %add3A_374 = arith.addi %mul3A_372, %add3A_373 : i32
      %get3A = arith.index_cast %add3A_374 : i32 to index
      %get3A_375 = arith.constant 0 : index
      %get3A_376 = tpu.vector_load %arg9[%get3A, %get3A_375] {strides = array<i32>} : memref<200x128xf32, #tpu.memory_space<vmem>>, vector<1x16xf32>,
      %get3A_377 = vector.shape_cast %get3A_376 : vector<1x16xf32> to vector<16xf32>
      %mul3A_378 = arith.constant 2 : i32
      %mul3A_379 = arith.muli %scan3A_370, %mul3A_378 : i32
      %add3A_380 = arith.constant 0 : i32
      %add3A_381 = arith.addi %mul3A_379, %add3A_380 : i32
      %get3A_382 = arith.index_cast %add3A_381 : i32 to index
      %get3A_383 = arith.constant 0 : index
      %get3A_384 = tpu.vector_load %arg10[%get3A_382, %get3A_383] {strides = array<i32>} : memref<200x128xf32, #tpu.memory_space<vmem>>, vector<1x16xf32>,
      %get3A_385 = vector.shape_cast %get3A_384 : vector<1x16xf32> to vector<16xf32>
      %add3A_386 = arith.addf %get3A_377, %get3A_385 : vector<16xf32>
      %mul3A_387 = arith.constant 2 : i32
      %mul3A_388 = arith.muli %scan3A_370, %mul3A_387 : i32
      %add3A_389 = arith.constant 0 : i32
      %add3A_390 = arith.addi %mul3A_388, %add3A_389 : i32
      %swap3A = arith.index_cast %add3A_390 : i32 to index
      %swap3A_391 = arith.constant 0 : index
      %swap3A_392 = tpu.vector_load %arg9[%swap3A, %swap3A_391] {strides = array<i32>} : memref<200x128xf32, #tpu.memory_space<vmem>>, vector<1x16xf32>,
      %swap3A_393 = vector.shape_cast %swap3A_392 : vector<1x16xf32> to vector<16xf32>
      %swap3A_394 = vector.shape_cast %add3A_386 : vector<16xf32> to vector<1x16xf32>
      tpu.vector_store %arg9[%swap3A, %swap3A_391], %swap3A_394 {strides = array<i32>} : memref<200x128xf32, #tpu.memory_space<vmem>>, vector<1x16xf32>,
      %mul3A_395 = arith.constant 2 : i32
      %mul3A_396 = arith.muli %scan3A_370, %mul3A_395 : i32
      %add3A_397 = arith.constant 0 : i32
      %add3A_398 = arith.addi %mul3A_396, %add3A_397 : i32
      %get3A_399 = arith.index_cast %add3A_398 : i32 to index
      %get3A_400 = arith.constant 16 : index
      %get3A_401 = tpu.vector_load %arg9[%get3A_399, %get3A_400] {strides = array<i32>} : memref<200x128xf32, #tpu.memory_space<vmem>>, vector<1x16xf32>,
      %get3A_402 = vector.shape_cast %get3A_401 : vector<1x16xf32> to vector<16xf32>
      %mul3A_403 = arith.constant 2 : i32
      %mul3A_404 = arith.muli %scan3A_370, %mul3A_403 : i32
      %add3A_405 = arith.constant 0 : i32
      %add3A_406 = arith.addi %mul3A_404, %add3A_405 : i32
      %get3A_407 = arith.index_cast %add3A_406 : i32 to index
      %get3A_408 = arith.constant 16 : index
      %get3A_409 = tpu.vector_load %arg10[%get3A_407, %get3A_408] {strides = array<i32>} : memref<200x128xf32, #tpu.memory_space<vmem>>, vector<1x16xf32>,
      %get3A_410 = vector.shape_cast %get3A_409 : vector<1x16xf32> to vector<16xf32>
      %add3A_411 = arith.addf %get3A_402, %get3A_410 : vector<16xf32>
      %mul3A_412 = arith.constant 2 : i32
      %mul3A_413 = arith.muli %scan3A_370, %mul3A_412 : i32
      %add3A_414 = arith.constant 0 : i32
      %add3A_415 = arith.addi %mul3A_413, %add3A_414 : i32
      %swap3A_416 = arith.index_cast %add3A_415 : i32 to index
      %swap3A_417 = arith.constant 16 : index
      %swap3A_418 = tpu.vector_load %arg9[%swap3A_416, %swap3A_417] {strides = array<i32>} : memref<200x128xf32, #tpu.memory_space<vmem>>, vector<1x16xf32>,
      %swap3A_419 = vector.shape_cast %swap3A_418 : vector<1x16xf32> to vector<16xf32>
      %swap3A_420 = vector.shape_cast %add3A_411 : vector<16xf32> to vector<1x16xf32>
      tpu.vector_store %arg9[%swap3A_416, %swap3A_417], %swap3A_420 {strides = array<i32>} : memref<200x128xf32, #tpu.memory_space<vmem>>, vector<1x16xf32>,
      %mul3A_421 = arith.constant 2 : i32
      %mul3A_422 = arith.muli %scan3A_370, %mul3A_421 : i32
      %add3A_423 = arith.constant 0 : i32
      %add3A_424 = arith.addi %mul3A_422, %add3A_423 : i32
      %get3A_425 = arith.index_cast %add3A_424 : i32 to index
      %get3A_426 = arith.constant 32 : index
      %get3A_427 = tpu.vector_load %arg9[%get3A_425, %get3A_426] {strides = array<i32>} : memref<200x128xf32, #tpu.memory_space<vmem>>, vector<1x16xf32>,
      %get3A_428 = vector.shape_cast %get3A_427 : vector<1x16xf32> to vector<16xf32>
      %mul3A_429 = arith.constant 2 : i32
      %mul3A_430 = arith.muli %scan3A_370, %mul3A_429 : i32
      %add3A_431 = arith.constant 0 : i32
      %add3A_432 = arith.addi %mul3A_430, %add3A_431 : i32
      %get3A_433 = arith.index_cast %add3A_432 : i32 to index
      %get3A_434 = arith.constant 32 : index
      %get3A_435 = tpu.vector_load %arg10[%get3A_433, %get3A_434] {strides = array<i32>} : memref<200x128xf32, #tpu.memory_space<vmem>>, vector<1x16xf32>,
      %get3A_436 = vector.shape_cast %get3A_435 : vector<1x16xf32> to vector<16xf32>
      %add3A_437 = arith.addf %get3A_428, %get3A_436 : vector<16xf32>
      %mul3A_438 = arith.constant 2 : i32
      %mul3A_439 = arith.muli %scan3A_370, %mul3A_438 : i32
      %add3A_440 = arith.constant 0 : i32
      %add3A_441 = arith.addi %mul3A_439, %add3A_440 : i32
      %swap3A_442 = arith.index_cast %add3A_441 : i32 to index
      %swap3A_443 = arith.constant 32 : index
      %swap3A_444 = tpu.vector_load %arg9[%swap3A_442, %swap3A_443] {strides = array<i32>} : memref<200x128xf32, #tpu.memory_space<vmem>>, vector<1x16xf32>,
      %swap3A_445 = vector.shape_cast %swap3A_444 : vector<1x16xf32> to vector<16xf32>
      %swap3A_446 = vector.shape_cast %add3A_437 : vector<16xf32> to vector<1x16xf32>
      tpu.vector_store %arg9[%swap3A_442, %swap3A_443], %swap3A_446 {strides = array<i32>} : memref<200x128xf32, #tpu.memory_space<vmem>>, vector<1x16xf32>,
      %mul3A_447 = arith.constant 2 : i32
      %mul3A_448 = arith.muli %scan3A_370, %mul3A_447 : i32
      %add3A_449 = arith.constant 0 : i32
      %add3A_450 = arith.addi %mul3A_448, %add3A_449 : i32
      %get3A_451 = arith.index_cast %add3A_450 : i32 to index
      %get3A_452 = arith.constant 48 : index
      %get3A_453 = tpu.vector_load %arg9[%get3A_451, %get3A_452] {strides = array<i32>} : memref<200x128xf32, #tpu.memory_space<vmem>>, vector<1x16xf32>,
      %get3A_454 = vector.shape_cast %get3A_453 : vector<1x16xf32> to vector<16xf32>
      %mul3A_455 = arith.constant 2 : i32
      %mul3A_456 = arith.muli %scan3A_370, %mul3A_455 : i32
      %add3A_457 = arith.constant 0 : i32
      %add3A_458 = arith.addi %mul3A_456, %add3A_457 : i32
      %get3A_459 = arith.index_cast %add3A_458 : i32 to index
      %get3A_460 = arith.constant 48 : index
      %get3A_461 = tpu.vector_load %arg10[%get3A_459, %get3A_460] {strides = array<i32>} : memref<200x128xf32, #tpu.memory_space<vmem>>, vector<1x16xf32>,
      %get3A_462 = vector.shape_cast %get3A_461 : vector<1x16xf32> to vector<16xf32>
      %add3A_463 = arith.addf %get3A_454, %get3A_462 : vector<16xf32>
      %mul3A_464 = arith.constant 2 : i32
      %mul3A_465 = arith.muli %scan3A_370, %mul3A_464 : i32
      %add3A_466 = arith.constant 0 : i32
      %add3A_467 = arith.addi %mul3A_465, %add3A_466 : i32
      %swap3A_468 = arith.index_cast %add3A_467 : i32 to index
      %swap3A_469 = arith.constant 48 : index
      %swap3A_470 = tpu.vector_load %arg9[%swap3A_468, %swap3A_469] {strides = array<i32>} : memref<200x128xf32, #tpu.memory_space<vmem>>, vector<1x16xf32>,
      %swap3A_471 = vector.shape_cast %swap3A_470 : vector<1x16xf32> to vector<16xf32>
      %swap3A_472 = vector.shape_cast %add3A_463 : vector<16xf32> to vector<1x16xf32>
      tpu.vector_store %arg9[%swap3A_468, %swap3A_469], %swap3A_472 {strides = array<i32>} : memref<200x128xf32, #tpu.memory_space<vmem>>, vector<1x16xf32>,
      %mul3A_473 = arith.constant 2 : i32
      %mul3A_474 = arith.muli %scan3A_370, %mul3A_473 : i32
      %add3A_475 = arith.constant 0 : i32
      %add3A_476 = arith.addi %mul3A_474, %add3A_475 : i32
      %get3A_477 = arith.index_cast %add3A_476 : i32 to index
      %get3A_478 = arith.constant 64 : index
      %get3A_479 = tpu.vector_load %arg9[%get3A_477, %get3A_478] {strides = array<i32>} : memref<200x128xf32, #tpu.memory_space<vmem>>, vector<1x16xf32>,
      %get3A_480 = vector.shape_cast %get3A_479 : vector<1x16xf32> to vector<16xf32>
      %mul3A_481 = arith.constant 2 : i32
      %mul3A_482 = arith.muli %scan3A_370, %mul3A_481 : i32
      %add3A_483 = arith.constant 0 : i32
      %add3A_484 = arith.addi %mul3A_482, %add3A_483 : i32
      %get3A_485 = arith.index_cast %add3A_484 : i32 to index
      %get3A_486 = arith.constant 64 : index
      %get3A_487 = tpu.vector_load %arg10[%get3A_485, %get3A_486] {strides = array<i32>} : memref<200x128xf32, #tpu.memory_space<vmem>>, vector<1x16xf32>,
      %get3A_488 = vector.shape_cast %get3A_487 : vector<1x16xf32> to vector<16xf32>
      %add3A_489 = arith.addf %get3A_480, %get3A_488 : vector<16xf32>
      %mul3A_490 = arith.constant 2 : i32
      %mul3A_491 = arith.muli %scan3A_370, %mul3A_490 : i32
      %add3A_492 = arith.constant 0 : i32
      %add3A_493 = arith.addi %mul3A_491, %add3A_492 : i32
      %swap3A_494 = arith.index_cast %add3A_493 : i32 to index
      %swap3A_495 = arith.constant 64 : index
      %swap3A_496 = tpu.vector_load %arg9[%swap3A_494, %swap3A_495] {strides = array<i32>} : memref<200x128xf32, #tpu.memory_space<vmem>>, vector<1x16xf32>,
      %swap3A_497 = vector.shape_cast %swap3A_496 : vector<1x16xf32> to vector<16xf32>
      %swap3A_498 = vector.shape_cast %add3A_489 : vector<16xf32> to vector<1x16xf32>
      tpu.vector_store %arg9[%swap3A_494, %swap3A_495], %swap3A_498 {strides = array<i32>} : memref<200x128xf32, #tpu.memory_space<vmem>>, vector<1x16xf32>,
      %mul3A_499 = arith.constant 2 : i32
      %mul3A_500 = arith.muli %scan3A_370, %mul3A_499 : i32
      %add3A_501 = arith.constant 0 : i32
      %add3A_502 = arith.addi %mul3A_500, %add3A_501 : i32
      %get3A_503 = arith.index_cast %add3A_502 : i32 to index
      %get3A_504 = arith.constant 80 : index
      %get3A_505 = tpu.vector_load %arg9[%get3A_503, %get3A_504] {strides = array<i32>} : memref<200x128xf32, #tpu.memory_space<vmem>>, vector<1x16xf32>,
      %get3A_506 = vector.shape_cast %get3A_505 : vector<1x16xf32> to vector<16xf32>
      %mul3A_507 = arith.constant 2 : i32
      %mul3A_508 = arith.muli %scan3A_370, %mul3A_507 : i32
      %add3A_509 = arith.constant 0 : i32
      %add3A_510 = arith.addi %mul3A_508, %add3A_509 : i32
      %get3A_511 = arith.index_cast %add3A_510 : i32 to index
      %get3A_512 = arith.constant 80 : index
      %get3A_513 = tpu.vector_load %arg10[%get3A_511, %get3A_512] {strides = array<i32>} : memref<200x128xf32, #tpu.memory_space<vmem>>, vector<1x16xf32>,
      %get3A_514 = vector.shape_cast %get3A_513 : vector<1x16xf32> to vector<16xf32>
      %add3A_515 = arith.addf %get3A_506, %get3A_514 : vector<16xf32>
      %mul3A_516 = arith.constant 2 : i32
      %mul3A_517 = arith.muli %scan3A_370, %mul3A_516 : i32
      %add3A_518 = arith.constant 0 : i32
      %add3A_519 = arith.addi %mul3A_517, %add3A_518 : i32
      %swap3A_520 = arith.index_cast %add3A_519 : i32 to index
      %swap3A_521 = arith.constant 80 : index
      %swap3A_522 = tpu.vector_load %arg9[%swap3A_520, %swap3A_521] {strides = array<i32>} : memref<200x128xf32, #tpu.memory_space<vmem>>, vector<1x16xf32>,
      %swap3A_523 = vector.shape_cast %swap3A_522 : vector<1x16xf32> to vector<16xf32>
      %swap3A_524 = vector.shape_cast %add3A_515 : vector<16xf32> to vector<1x16xf32>
      tpu.vector_store %arg9[%swap3A_520, %swap3A_521], %swap3A_524 {strides = array<i32>} : memref<200x128xf32, #tpu.memory_space<vmem>>, vector<1x16xf32>,
      %mul3A_525 = arith.constant 2 : i32
      %mul3A_526 = arith.muli %scan3A_370, %mul3A_525 : i32
      %add3A_527 = arith.constant 0 : i32
      %add3A_528 = arith.addi %mul3A_526, %add3A_527 : i32
      %get3A_529 = arith.index_cast %add3A_528 : i32 to index
      %get3A_530 = arith.constant 96 : index
      %get3A_531 = tpu.vector_load %arg9[%get3A_529, %get3A_530] {strides = array<i32>} : memref<200x128xf32, #tpu.memory_space<vmem>>, vector<1x16xf32>,
      %get3A_532 = vector.shape_cast %get3A_531 : vector<1x16xf32> to vector<16xf32>
      %mul3A_533 = arith.constant 2 : i32
      %mul3A_534 = arith.muli %scan3A_370, %mul3A_533 : i32
      %add3A_535 = arith.constant 0 : i32
      %add3A_536 = arith.addi %mul3A_534, %add3A_535 : i32
      %get3A_537 = arith.index_cast %add3A_536 : i32 to index
      %get3A_538 = arith.constant 96 : index
      %get3A_539 = tpu.vector_load %arg10[%get3A_537, %get3A_538] {strides = array<i32>} : memref<200x128xf32, #tpu.memory_space<vmem>>, vector<1x16xf32>,
      %get3A_540 = vector.shape_cast %get3A_539 : vector<1x16xf32> to vector<16xf32>
      %add3A_541 = arith.addf %get3A_532, %get3A_540 : vector<16xf32>
      %mul3A_542 = arith.constant 2 : i32
      %mul3A_543 = arith.muli %scan3A_370, %mul3A_542 : i32
      %add3A_544 = arith.constant 0 : i32
      %add3A_545 = arith.addi %mul3A_543, %add3A_544 : i32
      %swap3A_546 = arith.index_cast %add3A_545 : i32 to index
      %swap3A_547 = arith.constant 96 : index
      %swap3A_548 = tpu.vector_load %arg9[%swap3A_546, %swap3A_547] {strides = array<i32>} : memref<200x128xf32, #tpu.memory_space<vmem>>, vector<1x16xf32>,
      %swap3A_549 = vector.shape_cast %swap3A_548 : vector<1x16xf32> to vector<16xf32>
      %swap3A_550 = vector.shape_cast %add3A_541 : vector<16xf32> to vector<1x16xf32>
      tpu.vector_store %arg9[%swap3A_546, %swap3A_547], %swap3A_550 {strides = array<i32>} : memref<200x128xf32, #tpu.memory_space<vmem>>, vector<1x16xf32>,
      %mul3A_551 = arith.constant 2 : i32
      %mul3A_552 = arith.muli %scan3A_370, %mul3A_551 : i32
      %add3A_553 = arith.constant 0 : i32
      %add3A_554 = arith.addi %mul3A_552, %add3A_553 : i32
      %get3A_555 = arith.index_cast %add3A_554 : i32 to index
      %get3A_556 = arith.constant 112 : index
      %get3A_557 = tpu.vector_load %arg9[%get3A_555, %get3A_556] {strides = array<i32>} : memref<200x128xf32, #tpu.memory_space<vmem>>, vector<1x16xf32>,
      %get3A_558 = vector.shape_cast %get3A_557 : vector<1x16xf32> to vector<16xf32>
      %mul3A_559 = arith.constant 2 : i32
      %mul3A_560 = arith.muli %scan3A_370, %mul3A_559 : i32
      %add3A_561 = arith.constant 0 : i32
      %add3A_562 = arith.addi %mul3A_560, %add3A_561 : i32
      %get3A_563 = arith.index_cast %add3A_562 : i32 to index
      %get3A_564 = arith.constant 112 : index
      %get3A_565 = tpu.vector_load %arg10[%get3A_563, %get3A_564] {strides = array<i32>} : memref<200x128xf32, #tpu.memory_space<vmem>>, vector<1x16xf32>,
      %get3A_566 = vector.shape_cast %get3A_565 : vector<1x16xf32> to vector<16xf32>
      %add3A_567 = arith.addf %get3A_558, %get3A_566 : vector<16xf32>
      %mul3A_568 = arith.constant 2 : i32
      %mul3A_569 = arith.muli %scan3A_370, %mul3A_568 : i32
      %add3A_570 = arith.constant 0 : i32
      %add3A_571 = arith.addi %mul3A_569, %add3A_570 : i32
      %swap3A_572 = arith.index_cast %add3A_571 : i32 to index
      %swap3A_573 = arith.constant 112 : index
      %swap3A_574 = tpu.vector_load %arg9[%swap3A_572, %swap3A_573] {strides = array<i32>} : memref<200x128xf32, #tpu.memory_space<vmem>>, vector<1x16xf32>,
      %swap3A_575 = vector.shape_cast %swap3A_574 : vector<1x16xf32> to vector<16xf32>
      %swap3A_576 = vector.shape_cast %add3A_567 : vector<16xf32> to vector<1x16xf32>
      tpu.vector_store %arg9[%swap3A_572, %swap3A_573], %swap3A_576 {strides = array<i32>} : memref<200x128xf32, #tpu.memory_space<vmem>>, vector<1x16xf32>,
      %mul3A_577 = arith.constant 2 : i32
      %mul3A_578 = arith.muli %scan3A_370, %mul3A_577 : i32
      %add3A_579 = arith.constant 1 : i32
      %add3A_580 = arith.addi %mul3A_578, %add3A_579 : i32
      %get3A_581 = arith.index_cast %add3A_580 : i32 to index
      %get3A_582 = arith.constant 0 : index
      %get3A_583 = tpu.vector_load %arg9[%get3A_581, %get3A_582] {strides = array<i32>} : memref<200x128xf32, #tpu.memory_space<vmem>>, vector<1x16xf32>,
      %get3A_584 = vector.shape_cast %get3A_583 : vector<1x16xf32> to vector<16xf32>
      %mul3A_585 = arith.constant 2 : i32
      %mul3A_586 = arith.muli %scan3A_370, %mul3A_585 : i32
      %add3A_587 = arith.constant 1 : i32
      %add3A_588 = arith.addi %mul3A_586, %add3A_587 : i32
      %get3A_589 = arith.index_cast %add3A_588 : i32 to index
      %get3A_590 = arith.constant 0 : index
      %get3A_591 = tpu.vector_load %arg10[%get3A_589, %get3A_590] {strides = array<i32>} : memref<200x128xf32, #tpu.memory_space<vmem>>, vector<1x16xf32>,
      %get3A_592 = vector.shape_cast %get3A_591 : vector<1x16xf32> to vector<16xf32>
      %add3A_593 = arith.addf %get3A_584, %get3A_592 : vector<16xf32>
      %mul3A_594 = arith.constant 2 : i32
      %mul3A_595 = arith.muli %scan3A_370, %mul3A_594 : i32
      %add3A_596 = arith.constant 1 : i32
      %add3A_597 = arith.addi %mul3A_595, %add3A_596 : i32
      %swap3A_598 = arith.index_cast %add3A_597 : i32 to index
      %swap3A_599 = arith.constant 0 : index
      %swap3A_600 = tpu.vector_load %arg9[%swap3A_598, %swap3A_599] {strides = array<i32>} : memref<200x128xf32, #tpu.memory_space<vmem>>, vector<1x16xf32>,
      %swap3A_601 = vector.shape_cast %swap3A_600 : vector<1x16xf32> to vector<16xf32>
      %swap3A_602 = vector.shape_cast %add3A_593 : vector<16xf32> to vector<1x16xf32>
      tpu.vector_store %arg9[%swap3A_598, %swap3A_599], %swap3A_602 {strides = array<i32>} : memref<200x128xf32, #tpu.memory_space<vmem>>, vector<1x16xf32>,
      %mul3A_603 = arith.constant 2 : i32
      %mul3A_604 = arith.muli %scan3A_370, %mul3A_603 : i32
      %add3A_605 = arith.constant 1 : i32
      %add3A_606 = arith.addi %mul3A_604, %add3A_605 : i32
      %get3A_607 = arith.index_cast %add3A_606 : i32 to index
      %get3A_608 = arith.constant 16 : index
      %get3A_609 = tpu.vector_load %arg9[%get3A_607, %get3A_608] {strides = array<i32>} : memref<200x128xf32, #tpu.memory_space<vmem>>, vector<1x16xf32>,
      %get3A_610 = vector.shape_cast %get3A_609 : vector<1x16xf32> to vector<16xf32>
      %mul3A_611 = arith.constant 2 : i32
      %mul3A_612 = arith.muli %scan3A_370, %mul3A_611 : i32
      %add3A_613 = arith.constant 1 : i32
      %add3A_614 = arith.addi %mul3A_612, %add3A_613 : i32
      %get3A_615 = arith.index_cast %add3A_614 : i32 to index
      %get3A_616 = arith.constant 16 : index
      %get3A_617 = tpu.vector_load %arg10[%get3A_615, %get3A_616] {strides = array<i32>} : memref<200x128xf32, #tpu.memory_space<vmem>>, vector<1x16xf32>,
      %get3A_618 = vector.shape_cast %get3A_617 : vector<1x16xf32> to vector<16xf32>
      %add3A_619 = arith.addf %get3A_610, %get3A_618 : vector<16xf32>
      %mul3A_620 = arith.constant 2 : i32
      %mul3A_621 = arith.muli %scan3A_370, %mul3A_620 : i32
      %add3A_622 = arith.constant 1 : i32
      %add3A_623 = arith.addi %mul3A_621, %add3A_622 : i32
      %swap3A_624 = arith.index_cast %add3A_623 : i32 to index
      %swap3A_625 = arith.constant 16 : index
      %swap3A_626 = tpu.vector_load %arg9[%swap3A_624, %swap3A_625] {strides = array<i32>} : memref<200x128xf32, #tpu.memory_space<vmem>>, vector<1x16xf32>,
      %swap3A_627 = vector.shape_cast %swap3A_626 : vector<1x16xf32> to vector<16xf32>
      %swap3A_628 = vector.shape_cast %add3A_619 : vector<16xf32> to vector<1x16xf32>
      tpu.vector_store %arg9[%swap3A_624, %swap3A_625], %swap3A_628 {strides = array<i32>} : memref<200x128xf32, #tpu.memory_space<vmem>>, vector<1x16xf32>,
      %mul3A_629 = arith.constant 2 : i32
      %mul3A_630 = arith.muli %scan3A_370, %mul3A_629 : i32
      %add3A_631 = arith.constant 1 : i32
      %add3A_632 = arith.addi %mul3A_630, %add3A_631 : i32
      %get3A_633 = arith.index_cast %add3A_632 : i32 to index
      %get3A_634 = arith.constant 32 : index
      %get3A_635 = tpu.vector_load %arg9[%get3A_633, %get3A_634] {strides = array<i32>} : memref<200x128xf32, #tpu.memory_space<vmem>>, vector<1x16xf32>,
      %get3A_636 = vector.shape_cast %get3A_635 : vector<1x16xf32> to vector<16xf32>
      %mul3A_637 = arith.constant 2 : i32
      %mul3A_638 = arith.muli %scan3A_370, %mul3A_637 : i32
      %add3A_639 = arith.constant 1 : i32
      %add3A_640 = arith.addi %mul3A_638, %add3A_639 : i32
      %get3A_641 = arith.index_cast %add3A_640 : i32 to index
      %get3A_642 = arith.constant 32 : index
      %get3A_643 = tpu.vector_load %arg10[%get3A_641, %get3A_642] {strides = array<i32>} : memref<200x128xf32, #tpu.memory_space<vmem>>, vector<1x16xf32>,
      %get3A_644 = vector.shape_cast %get3A_643 : vector<1x16xf32> to vector<16xf32>
      %add3A_645 = arith.addf %get3A_636, %get3A_644 : vector<16xf32>
      %mul3A_646 = arith.constant 2 : i32
      %mul3A_647 = arith.muli %scan3A_370, %mul3A_646 : i32
      %add3A_648 = arith.constant 1 : i32
      %add3A_649 = arith.addi %mul3A_647, %add3A_648 : i32
      %swap3A_650 = arith.index_cast %add3A_649 : i32 to index
      %swap3A_651 = arith.constant 32 : index
      %swap3A_652 = tpu.vector_load %arg9[%swap3A_650, %swap3A_651] {strides = array<i32>} : memref<200x128xf32, #tpu.memory_space<vmem>>, vector<1x16xf32>,
      %swap3A_653 = vector.shape_cast %swap3A_652 : vector<1x16xf32> to vector<16xf32>
      %swap3A_654 = vector.shape_cast %add3A_645 : vector<16xf32> to vector<1x16xf32>
      tpu.vector_store %arg9[%swap3A_650, %swap3A_651], %swap3A_654 {strides = array<i32>} : memref<200x128xf32, #tpu.memory_space<vmem>>, vector<1x16xf32>,
      %mul3A_655 = arith.constant 2 : i32
      %mul3A_656 = arith.muli %scan3A_370, %mul3A_655 : i32
      %add3A_657 = arith.constant 1 : i32
      %add3A_658 = arith.addi %mul3A_656, %add3A_657 : i32
      %get3A_659 = arith.index_cast %add3A_658 : i32 to index
      %get3A_660 = arith.constant 48 : index
      %get3A_661 = tpu.vector_load %arg9[%get3A_659, %get3A_660] {strides = array<i32>} : memref<200x128xf32, #tpu.memory_space<vmem>>, vector<1x16xf32>,
      %get3A_662 = vector.shape_cast %get3A_661 : vector<1x16xf32> to vector<16xf32>
      %mul3A_663 = arith.constant 2 : i32
      %mul3A_664 = arith.muli %scan3A_370, %mul3A_663 : i32
      %add3A_665 = arith.constant 1 : i32
      %add3A_666 = arith.addi %mul3A_664, %add3A_665 : i32
      %get3A_667 = arith.index_cast %add3A_666 : i32 to index
      %get3A_668 = arith.constant 48 : index
      %get3A_669 = tpu.vector_load %arg10[%get3A_667, %get3A_668] {strides = array<i32>} : memref<200x128xf32, #tpu.memory_space<vmem>>, vector<1x16xf32>,
      %get3A_670 = vector.shape_cast %get3A_669 : vector<1x16xf32> to vector<16xf32>
      %add3A_671 = arith.addf %get3A_662, %get3A_670 : vector<16xf32>
      %mul3A_672 = arith.constant 2 : i32
      %mul3A_673 = arith.muli %scan3A_370, %mul3A_672 : i32
      %add3A_674 = arith.constant 1 : i32
      %add3A_675 = arith.addi %mul3A_673, %add3A_674 : i32
      %swap3A_676 = arith.index_cast %add3A_675 : i32 to index
      %swap3A_677 = arith.constant 48 : index
      %swap3A_678 = tpu.vector_load %arg9[%swap3A_676, %swap3A_677] {strides = array<i32>} : memref<200x128xf32, #tpu.memory_space<vmem>>, vector<1x16xf32>,
      %swap3A_679 = vector.shape_cast %swap3A_678 : vector<1x16xf32> to vector<16xf32>
      %swap3A_680 = vector.shape_cast %add3A_671 : vector<16xf32> to vector<1x16xf32>
      tpu.vector_store %arg9[%swap3A_676, %swap3A_677], %swap3A_680 {strides = array<i32>} : memref<200x128xf32, #tpu.memory_space<vmem>>, vector<1x16xf32>,
      %mul3A_681 = arith.constant 2 : i32
      %mul3A_682 = arith.muli %scan3A_370, %mul3A_681 : i32
      %add3A_683 = arith.constant 1 : i32
      %add3A_684 = arith.addi %mul3A_682, %add3A_683 : i32
      %get3A_685 = arith.index_cast %add3A_684 : i32 to index
      %get3A_686 = arith.constant 64 : index
      %get3A_687 = tpu.vector_load %arg9[%get3A_685, %get3A_686] {strides = array<i32>} : memref<200x128xf32, #tpu.memory_space<vmem>>, vector<1x16xf32>,
      %get3A_688 = vector.shape_cast %get3A_687 : vector<1x16xf32> to vector<16xf32>
      %mul3A_689 = arith.constant 2 : i32
      %mul3A_690 = arith.muli %scan3A_370, %mul3A_689 : i32
      %add3A_691 = arith.constant 1 : i32
      %add3A_692 = arith.addi %mul3A_690, %add3A_691 : i32
      %get3A_693 = arith.index_cast %add3A_692 : i32 to index
      %get3A_694 = arith.constant 64 : index
      %get3A_695 = tpu.vector_load %arg10[%get3A_693, %get3A_694] {strides = array<i32>} : memref<200x128xf32, #tpu.memory_space<vmem>>, vector<1x16xf32>,
      %get3A_696 = vector.shape_cast %get3A_695 : vector<1x16xf32> to vector<16xf32>
      %add3A_697 = arith.addf %get3A_688, %get3A_696 : vector<16xf32>
      %mul3A_698 = arith.constant 2 : i32
      %mul3A_699 = arith.muli %scan3A_370, %mul3A_698 : i32
      %add3A_700 = arith.constant 1 : i32
      %add3A_701 = arith.addi %mul3A_699, %add3A_700 : i32
      %swap3A_702 = arith.index_cast %add3A_701 : i32 to index
      %swap3A_703 = arith.constant 64 : index
      %swap3A_704 = tpu.vector_load %arg9[%swap3A_702, %swap3A_703] {strides = array<i32>} : memref<200x128xf32, #tpu.memory_space<vmem>>, vector<1x16xf32>,
      %swap3A_705 = vector.shape_cast %swap3A_704 : vector<1x16xf32> to vector<16xf32>
      %swap3A_706 = vector.shape_cast %add3A_697 : vector<16xf32> to vector<1x16xf32>
      tpu.vector_store %arg9[%swap3A_702, %swap3A_703], %swap3A_706 {strides = array<i32>} : memref<200x128xf32, #tpu.memory_space<vmem>>, vector<1x16xf32>,
      %mul3A_707 = arith.constant 2 : i32
      %mul3A_708 = arith.muli %scan3A_370, %mul3A_707 : i32
      %add3A_709 = arith.constant 1 : i32
      %add3A_710 = arith.addi %mul3A_708, %add3A_709 : i32
      %get3A_711 = arith.index_cast %add3A_710 : i32 to index
      %get3A_712 = arith.constant 80 : index
      %get3A_713 = tpu.vector_load %arg9[%get3A_711, %get3A_712] {strides = array<i32>} : memref<200x128xf32, #tpu.memory_space<vmem>>, vector<1x16xf32>,
      %get3A_714 = vector.shape_cast %get3A_713 : vector<1x16xf32> to vector<16xf32>
      %mul3A_715 = arith.constant 2 : i32
      %mul3A_716 = arith.muli %scan3A_370, %mul3A_715 : i32
      %add3A_717 = arith.constant 1 : i32
      %add3A_718 = arith.addi %mul3A_716, %add3A_717 : i32
      %get3A_719 = arith.index_cast %add3A_718 : i32 to index
      %get3A_720 = arith.constant 80 : index
      %get3A_721 = tpu.vector_load %arg10[%get3A_719, %get3A_720] {strides = array<i32>} : memref<200x128xf32, #tpu.memory_space<vmem>>, vector<1x16xf32>,
      %get3A_722 = vector.shape_cast %get3A_721 : vector<1x16xf32> to vector<16xf32>
      %add3A_723 = arith.addf %get3A_714, %get3A_722 : vector<16xf32>
      %mul3A_724 = arith.constant 2 : i32
      %mul3A_725 = arith.muli %scan3A_370, %mul3A_724 : i32
      %add3A_726 = arith.constant 1 : i32
      %add3A_727 = arith.addi %mul3A_725, %add3A_726 : i32
      %swap3A_728 = arith.index_cast %add3A_727 : i32 to index
      %swap3A_729 = arith.constant 80 : index
      %swap3A_730 = tpu.vector_load %arg9[%swap3A_728, %swap3A_729] {strides = array<i32>} : memref<200x128xf32, #tpu.memory_space<vmem>>, vector<1x16xf32>,
      %swap3A_731 = vector.shape_cast %swap3A_730 : vector<1x16xf32> to vector<16xf32>
      %swap3A_732 = vector.shape_cast %add3A_723 : vector<16xf32> to vector<1x16xf32>
      tpu.vector_store %arg9[%swap3A_728, %swap3A_729], %swap3A_732 {strides = array<i32>} : memref<200x128xf32, #tpu.memory_space<vmem>>, vector<1x16xf32>,
      %mul3A_733 = arith.constant 2 : i32
      %mul3A_734 = arith.muli %scan3A_370, %mul3A_733 : i32
      %add3A_735 = arith.constant 1 : i32
      %add3A_736 = arith.addi %mul3A_734, %add3A_735 : i32
      %get3A_737 = arith.index_cast %add3A_736 : i32 to index
      %get3A_738 = arith.constant 96 : index
      %get3A_739 = tpu.vector_load %arg9[%get3A_737, %get3A_738] {strides = array<i32>} : memref<200x128xf32, #tpu.memory_space<vmem>>, vector<1x16xf32>,
      %get3A_740 = vector.shape_cast %get3A_739 : vector<1x16xf32> to vector<16xf32>
      %mul3A_741 = arith.constant 2 : i32
      %mul3A_742 = arith.muli %scan3A_370, %mul3A_741 : i32
      %add3A_743 = arith.constant 1 : i32
      %add3A_744 = arith.addi %mul3A_742, %add3A_743 : i32
      %get3A_745 = arith.index_cast %add3A_744 : i32 to index
      %get3A_746 = arith.constant 96 : index
      %get3A_747 = tpu.vector_load %arg10[%get3A_745, %get3A_746] {strides = array<i32>} : memref<200x128xf32, #tpu.memory_space<vmem>>, vector<1x16xf32>,
      %get3A_748 = vector.shape_cast %get3A_747 : vector<1x16xf32> to vector<16xf32>
      %add3A_749 = arith.addf %get3A_740, %get3A_748 : vector<16xf32>
      %mul3A_750 = arith.constant 2 : i32
      %mul3A_751 = arith.muli %scan3A_370, %mul3A_750 : i32
      %add3A_752 = arith.constant 1 : i32
      %add3A_753 = arith.addi %mul3A_751, %add3A_752 : i32
      %swap3A_754 = arith.index_cast %add3A_753 : i32 to index
      %swap3A_755 = arith.constant 96 : index
      %swap3A_756 = tpu.vector_load %arg9[%swap3A_754, %swap3A_755] {strides = array<i32>} : memref<200x128xf32, #tpu.memory_space<vmem>>, vector<1x16xf32>,
      %swap3A_757 = vector.shape_cast %swap3A_756 : vector<1x16xf32> to vector<16xf32>
      %swap3A_758 = vector.shape_cast %add3A_749 : vector<16xf32> to vector<1x16xf32>
      tpu.vector_store %arg9[%swap3A_754, %swap3A_755], %swap3A_758 {strides = array<i32>} : memref<200x128xf32, #tpu.memory_space<vmem>>, vector<1x16xf32>,
      %mul3A_759 = arith.constant 2 : i32
      %mul3A_760 = arith.muli %scan3A_370, %mul3A_759 : i32
      %add3A_761 = arith.constant 1 : i32
      %add3A_762 = arith.addi %mul3A_760, %add3A_761 : i32
      %get3A_763 = arith.index_cast %add3A_762 : i32 to index
      %get3A_764 = arith.constant 112 : index
      %get3A_765 = tpu.vector_load %arg9[%get3A_763, %get3A_764] {strides = array<i32>} : memref<200x128xf32, #tpu.memory_space<vmem>>, vector<1x16xf32>,
      %get3A_766 = vector.shape_cast %get3A_765 : vector<1x16xf32> to vector<16xf32>
      %mul3A_767 = arith.constant 2 : i32
      %mul3A_768 = arith.muli %scan3A_370, %mul3A_767 : i32
      %add3A_769 = arith.constant 1 : i32
      %add3A_770 = arith.addi %mul3A_768, %add3A_769 : i32
      %get3A_771 = arith.index_cast %add3A_770 : i32 to index
      %get3A_772 = arith.constant 112 : index
      %get3A_773 = tpu.vector_load %arg10[%get3A_771, %get3A_772] {strides = array<i32>} : memref<200x128xf32, #tpu.memory_space<vmem>>, vector<1x16xf32>,
      %get3A_774 = vector.shape_cast %get3A_773 : vector<1x16xf32> to vector<16xf32>
      %add3A_775 = arith.addf %get3A_766, %get3A_774 : vector<16xf32>
      %mul3A_776 = arith.constant 2 : i32
      %mul3A_777 = arith.muli %scan3A_370, %mul3A_776 : i32
      %add3A_778 = arith.constant 1 : i32
      %add3A_779 = arith.addi %mul3A_777, %add3A_778 : i32
      %swap3A_780 = arith.index_cast %add3A_779 : i32 to index
      %swap3A_781 = arith.constant 112 : index
      %swap3A_782 = tpu.vector_load %arg9[%swap3A_780, %swap3A_781] {strides = array<i32>} : memref<200x128xf32, #tpu.memory_space<vmem>>, vector<1x16xf32>,
      %swap3A_783 = vector.shape_cast %swap3A_782 : vector<1x16xf32> to vector<16xf32>
      %swap3A_784 = vector.shape_cast %add3A_775 : vector<16xf32> to vector<1x16xf32>
      tpu.vector_store %arg9[%swap3A_780, %swap3A_781], %swap3A_784 {strides = array<i32>} : memref<200x128xf32, #tpu.memory_space<vmem>>, vector<1x16xf32>,
    }
    %scan3A_144 = arith.constant 100 : i32
    %add3A_145 = arith.constant 400 : i32
    %add3A_146 = arith.addi %mul3A_2, %add3A_145 : i32
    %dma_start3A_147 = arith.constant 2 : i32
    %dma_start3A_148 = arith.constant 0 : i32
    %dma_start3A_149 = tpu.memref_slice %arg5[%add3A_146, %dma_start3A_148] : memref<819200x128xf32, #tpu.memory_space<hbm>> -> memref<200x128xf32, #tpu.memory_space<hbm>>
    %dma_start3A_150 = tpu.memref_slice %arg12[%dma_start3A_147] : memref<3x!tpu.dma_semaphore, #tpu.memory_space<semaphore_mem>> -> memref<1x!tpu.dma_semaphore, #tpu.memory_space<semaphore_mem>>
    %dma_start3A_151 = tpu.memref_squeeze %dma_start3A_150 : memref<1x!tpu.dma_semaphore, #tpu.memory_space<semaphore_mem>> -> memref<!tpu.dma_semaphore, #tpu.memory_space<semaphore_mem>>
    %dma_start3A_152 = arith.constant 0 : i32
    %dma_start3A_153 = tpu.memref_slice %arg5[%add3A_146, %dma_start3A_152] : memref<819200x128xf32, #tpu.memory_space<hbm>> -> memref<200x128xf32, #tpu.memory_space<hbm>>
    tpu.enqueue_dma source(%arg9 : memref<200x128xf32, #tpu.memory_space<vmem>>) target(%dma_start3A_153 : memref<200x128xf32, #tpu.memory_space<hbm>>) target_semaphore(%dma_start3A_151 : memref<!tpu.dma_semaphore, #tpu.memory_space<semaphore_mem>>)
    %scan3A_154 = arith.constant 0 : i32
    %scan3A_155 = arith.constant 0 : i32
    %scan3A_156 = arith.constant 40 : i32
    %scan3A_157 = arith.addi %scan3A_155, %scan3A_156 : i32
    %scan3A_158 = arith.constant 1 : i32
    scf.for %scan3A_370 = %scan3A_155 to %scan3A_157 step %scan3A_158  : i32 {
      %mul3A_371 = arith.constant 3 : i32
      %mul3A_372 = arith.muli %scan3A_370, %mul3A_371 : i32
      %add3A_373 = arith.constant 3 : i32
      %add3A_374 = arith.addi %add3A_373, %mul3A_372 : i32
      %add3A_375 = arith.constant 0 : i32
      %add3A_376 = arith.addi %add3A_374, %add3A_375 : i32
      %sub3A = arith.constant 2 : i32
      %sub3A_377 = arith.subi %add3A_376, %sub3A : i32
      %mul3A_378 = arith.constant 200 : i32
      %mul3A_379 = arith.muli %sub3A_377, %mul3A_378 : i32
      %add3A_380 = arith.addi %mul3A_2, %mul3A_379 : i32
      %dma_wait3A_381 = arith.constant 1 : i32
      %dma_wait3A_382 = arith.constant 0 : i32
      %dma_wait3A_383 = tpu.memref_slice %arg5[%add3A_380, %dma_wait3A_382] : memref<819200x128xf32, #tpu.memory_space<hbm>> -> memref<200x128xf32, #tpu.memory_space<hbm>>
      %dma_wait3A_384 = tpu.memref_slice %arg12[%dma_wait3A_381] : memref<3x!tpu.dma_semaphore, #tpu.memory_space<semaphore_mem>> -> memref<1x!tpu.dma_semaphore, #tpu.memory_space<semaphore_mem>>
      %dma_wait3A_385 = tpu.memref_squeeze %dma_wait3A_384 : memref<1x!tpu.dma_semaphore, #tpu.memory_space<semaphore_mem>> -> memref<!tpu.dma_semaphore, #tpu.memory_space<semaphore_mem>>
      %dma_wait3A_386 = arith.constant 0 : i32
      %dma_wait3A_387 = tpu.memref_slice %arg5[%add3A_380, %dma_wait3A_386] : memref<819200x128xf32, #tpu.memory_space<hbm>> -> memref<200x128xf32, #tpu.memory_space<hbm>>
      tpu.wait_dma2 semaphore(%dma_wait3A_385 : memref<!tpu.dma_semaphore, #tpu.memory_space<semaphore_mem>>) src(%arg8 : memref<200x128xf32, #tpu.memory_space<vmem>>) dst(%dma_wait3A_387 : memref<200x128xf32, #tpu.memory_space<hbm>>)
      %add3A_388 = arith.constant 1 : i32
      %add3A_389 = arith.addi %add3A_376, %add3A_388 : i32
      %mul3A_390 = arith.constant 200 : i32
      %mul3A_391 = arith.muli %add3A_389, %mul3A_390 : i32
      %dma_start3A_392 = arith.constant 1 : i32
      %dma_start3A_393 = tpu.memref_slice %arg6[%mul3A_391] : memref<25600xi32, #tpu.memory_space<vmem>> -> memref<200xi32, #tpu.memory_space<vmem>>
      %dma_start3A_394 = arith.constant 0 : i32
      %dma_start3A_395 = arith.constant 0 : i32
      %dma_start3A_396 = tpu.memref_slice %arg3[%dma_start3A_394, %dma_start3A_395] : memref<1000000x128xf32, #tpu.memory_space<hbm>> -> memref<1000000x128xf32, #tpu.memory_space<hbm>>
      %dma_start3A_397 = tpu.memref_slice %arg11[%dma_start3A_392] : memref<3x!tpu.dma_semaphore, #tpu.memory_space<semaphore_mem>> -> memref<1x!tpu.dma_semaphore, #tpu.memory_space<semaphore_mem>>
      %dma_start3A_398 = tpu.memref_squeeze %dma_start3A_397 : memref<1x!tpu.dma_semaphore, #tpu.memory_space<semaphore_mem>> -> memref<!tpu.dma_semaphore, #tpu.memory_space<semaphore_mem>>
      tpu.enqueue_indirect_dma source(%dma_start3A_396 : memref<1000000x128xf32, #tpu.memory_space<hbm>>) target(%arg8 : memref<200x128xf32, #tpu.memory_space<vmem>>) offsets(%dma_start3A_393 : memref<200xi32, #tpu.memory_space<vmem>>) semaphore(%dma_start3A_398 : memref<!tpu.dma_semaphore, #tpu.memory_space<semaphore_mem>>)
      %mul3A_399 = arith.constant 200 : i32
      %mul3A_400 = arith.muli %add3A_376, %mul3A_399 : i32
      %dma_wait3A_401 = arith.constant 0 : i32
      %dma_wait3A_402 = tpu.memref_slice %arg6[%mul3A_400] : memref<25600xi32, #tpu.memory_space<vmem>> -> memref<200xi32, #tpu.memory_space<vmem>>
      %dma_wait3A_403 = arith.constant 0 : i32
      %dma_wait3A_404 = arith.constant 0 : i32
      %dma_wait3A_405 = tpu.memref_slice %arg3[%dma_wait3A_403, %dma_wait3A_404] : memref<1000000x128xf32, #tpu.memory_space<hbm>> -> memref<1000000x128xf32, #tpu.memory_space<hbm>>
      %dma_wait3A_406 = tpu.memref_slice %arg11[%dma_wait3A_401] : memref<3x!tpu.dma_semaphore, #tpu.memory_space<semaphore_mem>> -> memref<1x!tpu.dma_semaphore, #tpu.memory_space<semaphore_mem>>
      %dma_wait3A_407 = tpu.memref_squeeze %dma_wait3A_406 : memref<1x!tpu.dma_semaphore, #tpu.memory_space<semaphore_mem>> -> memref<!tpu.dma_semaphore, #tpu.memory_space<semaphore_mem>>
      tpu.wait_indirect_dma semaphore(%dma_wait3A_407 : memref<!tpu.dma_semaphore, #tpu.memory_space<semaphore_mem>>) src(%dma_wait3A_405 : memref<1000000x128xf32, #tpu.memory_space<hbm>>) dst(%arg7 : memref<200x128xf32, #tpu.memory_space<vmem>>)
      %scan3A_408 = arith.constant 0 : i32
      %scan3A_409 = arith.constant 0 : i32
      %scan3A_410 = arith.constant 100 : i32
      %scan3A_411 = arith.addi %scan3A_409, %scan3A_410 : i32
      %scan3A_412 = arith.constant 1 : i32
      scf.for %scan3A_524 = %scan3A_409 to %scan3A_411 step %scan3A_412  : i32 {
        %mul3A_525 = arith.constant 2 : i32
        %mul3A_526 = arith.muli %scan3A_524, %mul3A_525 : i32
        %add3A_527 = arith.constant 0 : i32
        %add3A_528 = arith.addi %mul3A_526, %add3A_527 : i32
        %get3A = arith.index_cast %add3A_528 : i32 to index
        %get3A_529 = arith.constant 0 : index
        %get3A_530 = tpu.vector_load %arg7[%get3A, %get3A_529] {strides = array<i32>} : memref<200x128xf32, #tpu.memory_space<vmem>>, vector<1x16xf32>,
        %get3A_531 = vector.shape_cast %get3A_530 : vector<1x16xf32> to vector<16xf32>
        %mul3A_532 = arith.constant 2 : i32
        %mul3A_533 = arith.muli %scan3A_524, %mul3A_532 : i32
        %add3A_534 = arith.constant 0 : i32
        %add3A_535 = arith.addi %mul3A_533, %add3A_534 : i32
        %get3A_536 = arith.index_cast %add3A_535 : i32 to index
        %get3A_537 = arith.constant 0 : index
        %get3A_538 = tpu.vector_load %arg10[%get3A_536, %get3A_537] {strides = array<i32>} : memref<200x128xf32, #tpu.memory_space<vmem>>, vector<1x16xf32>,
        %get3A_539 = vector.shape_cast %get3A_538 : vector<1x16xf32> to vector<16xf32>
        %add3A_540 = arith.addf %get3A_531, %get3A_539 : vector<16xf32>
        %mul3A_541 = arith.constant 2 : i32
        %mul3A_542 = arith.muli %scan3A_524, %mul3A_541 : i32
        %add3A_543 = arith.constant 0 : i32
        %add3A_544 = arith.addi %mul3A_542, %add3A_543 : i32
        %swap3A = arith.index_cast %add3A_544 : i32 to index
        %swap3A_545 = arith.constant 0 : index
        %swap3A_546 = tpu.vector_load %arg7[%swap3A, %swap3A_545] {strides = array<i32>} : memref<200x128xf32, #tpu.memory_space<vmem>>, vector<1x16xf32>,
        %swap3A_547 = vector.shape_cast %swap3A_546 : vector<1x16xf32> to vector<16xf32>
        %swap3A_548 = vector.shape_cast %add3A_540 : vector<16xf32> to vector<1x16xf32>
        tpu.vector_store %arg7[%swap3A, %swap3A_545], %swap3A_548 {strides = array<i32>} : memref<200x128xf32, #tpu.memory_space<vmem>>, vector<1x16xf32>,
        %mul3A_549 = arith.constant 2 : i32
        %mul3A_550 = arith.muli %scan3A_524, %mul3A_549 : i32
        %add3A_551 = arith.constant 0 : i32
        %add3A_552 = arith.addi %mul3A_550, %add3A_551 : i32
        %get3A_553 = arith.index_cast %add3A_552 : i32 to index
        %get3A_554 = arith.constant 16 : index
        %get3A_555 = tpu.vector_load %arg7[%get3A_553, %get3A_554] {strides = array<i32>} : memref<200x128xf32, #tpu.memory_space<vmem>>, vector<1x16xf32>,
        %get3A_556 = vector.shape_cast %get3A_555 : vector<1x16xf32> to vector<16xf32>
        %mul3A_557 = arith.constant 2 : i32
        %mul3A_558 = arith.muli %scan3A_524, %mul3A_557 : i32
        %add3A_559 = arith.constant 0 : i32
        %add3A_560 = arith.addi %mul3A_558, %add3A_559 : i32
        %get3A_561 = arith.index_cast %add3A_560 : i32 to index
        %get3A_562 = arith.constant 16 : index
        %get3A_563 = tpu.vector_load %arg10[%get3A_561, %get3A_562] {strides = array<i32>} : memref<200x128xf32, #tpu.memory_space<vmem>>, vector<1x16xf32>,
        %get3A_564 = vector.shape_cast %get3A_563 : vector<1x16xf32> to vector<16xf32>
        %add3A_565 = arith.addf %get3A_556, %get3A_564 : vector<16xf32>
        %mul3A_566 = arith.constant 2 : i32
        %mul3A_567 = arith.muli %scan3A_524, %mul3A_566 : i32
        %add3A_568 = arith.constant 0 : i32
        %add3A_569 = arith.addi %mul3A_567, %add3A_568 : i32
        %swap3A_570 = arith.index_cast %add3A_569 : i32 to index
        %swap3A_571 = arith.constant 16 : index
        %swap3A_572 = tpu.vector_load %arg7[%swap3A_570, %swap3A_571] {strides = array<i32>} : memref<200x128xf32, #tpu.memory_space<vmem>>, vector<1x16xf32>,
        %swap3A_573 = vector.shape_cast %swap3A_572 : vector<1x16xf32> to vector<16xf32>
        %swap3A_574 = vector.shape_cast %add3A_565 : vector<16xf32> to vector<1x16xf32>
        tpu.vector_store %arg7[%swap3A_570, %swap3A_571], %swap3A_574 {strides = array<i32>} : memref<200x128xf32, #tpu.memory_space<vmem>>, vector<1x16xf32>,
        %mul3A_575 = arith.constant 2 : i32
        %mul3A_576 = arith.muli %scan3A_524, %mul3A_575 : i32
        %add3A_577 = arith.constant 0 : i32
        %add3A_578 = arith.addi %mul3A_576, %add3A_577 : i32
        %get3A_579 = arith.index_cast %add3A_578 : i32 to index
        %get3A_580 = arith.constant 32 : index
        %get3A_581 = tpu.vector_load %arg7[%get3A_579, %get3A_580] {strides = array<i32>} : memref<200x128xf32, #tpu.memory_space<vmem>>, vector<1x16xf32>,
        %get3A_582 = vector.shape_cast %get3A_581 : vector<1x16xf32> to vector<16xf32>
        %mul3A_583 = arith.constant 2 : i32
        %mul3A_584 = arith.muli %scan3A_524, %mul3A_583 : i32
        %add3A_585 = arith.constant 0 : i32
        %add3A_586 = arith.addi %mul3A_584, %add3A_585 : i32
        %get3A_587 = arith.index_cast %add3A_586 : i32 to index
        %get3A_588 = arith.constant 32 : index
        %get3A_589 = tpu.vector_load %arg10[%get3A_587, %get3A_588] {strides = array<i32>} : memref<200x128xf32, #tpu.memory_space<vmem>>, vector<1x16xf32>,
        %get3A_590 = vector.shape_cast %get3A_589 : vector<1x16xf32> to vector<16xf32>
        %add3A_591 = arith.addf %get3A_582, %get3A_590 : vector<16xf32>
        %mul3A_592 = arith.constant 2 : i32
        %mul3A_593 = arith.muli %scan3A_524, %mul3A_592 : i32
        %add3A_594 = arith.constant 0 : i32
        %add3A_595 = arith.addi %mul3A_593, %add3A_594 : i32
        %swap3A_596 = arith.index_cast %add3A_595 : i32 to index
        %swap3A_597 = arith.constant 32 : index
        %swap3A_598 = tpu.vector_load %arg7[%swap3A_596, %swap3A_597] {strides = array<i32>} : memref<200x128xf32, #tpu.memory_space<vmem>>, vector<1x16xf32>,
        %swap3A_599 = vector.shape_cast %swap3A_598 : vector<1x16xf32> to vector<16xf32>
        %swap3A_600 = vector.shape_cast %add3A_591 : vector<16xf32> to vector<1x16xf32>
        tpu.vector_store %arg7[%swap3A_596, %swap3A_597], %swap3A_600 {strides = array<i32>} : memref<200x128xf32, #tpu.memory_space<vmem>>, vector<1x16xf32>,
        %mul3A_601 = arith.constant 2 : i32
        %mul3A_602 = arith.muli %scan3A_524, %mul3A_601 : i32
        %add3A_603 = arith.constant 0 : i32
        %add3A_604 = arith.addi %mul3A_602, %add3A_603 : i32
        %get3A_605 = arith.index_cast %add3A_604 : i32 to index
        %get3A_606 = arith.constant 48 : index
        %get3A_607 = tpu.vector_load %arg7[%get3A_605, %get3A_606] {strides = array<i32>} : memref<200x128xf32, #tpu.memory_space<vmem>>, vector<1x16xf32>,
        %get3A_608 = vector.shape_cast %get3A_607 : vector<1x16xf32> to vector<16xf32>
        %mul3A_609 = arith.constant 2 : i32
        %mul3A_610 = arith.muli %scan3A_524, %mul3A_609 : i32
        %add3A_611 = arith.constant 0 : i32
        %add3A_612 = arith.addi %mul3A_610, %add3A_611 : i32
        %get3A_613 = arith.index_cast %add3A_612 : i32 to index
        %get3A_614 = arith.constant 48 : index
        %get3A_615 = tpu.vector_load %arg10[%get3A_613, %get3A_614] {strides = array<i32>} : memref<200x128xf32, #tpu.memory_space<vmem>>, vector<1x16xf32>,
        %get3A_616 = vector.shape_cast %get3A_615 : vector<1x16xf32> to vector<16xf32>
        %add3A_617 = arith.addf %get3A_608, %get3A_616 : vector<16xf32>
        %mul3A_618 = arith.constant 2 : i32
        %mul3A_619 = arith.muli %scan3A_524, %mul3A_618 : i32
        %add3A_620 = arith.constant 0 : i32
        %add3A_621 = arith.addi %mul3A_619, %add3A_620 : i32
        %swap3A_622 = arith.index_cast %add3A_621 : i32 to index
        %swap3A_623 = arith.constant 48 : index
        %swap3A_624 = tpu.vector_load %arg7[%swap3A_622, %swap3A_623] {strides = array<i32>} : memref<200x128xf32, #tpu.memory_space<vmem>>, vector<1x16xf32>,
        %swap3A_625 = vector.shape_cast %swap3A_624 : vector<1x16xf32> to vector<16xf32>
        %swap3A_626 = vector.shape_cast %add3A_617 : vector<16xf32> to vector<1x16xf32>
        tpu.vector_store %arg7[%swap3A_622, %swap3A_623], %swap3A_626 {strides = array<i32>} : memref<200x128xf32, #tpu.memory_space<vmem>>, vector<1x16xf32>,
        %mul3A_627 = arith.constant 2 : i32
        %mul3A_628 = arith.muli %scan3A_524, %mul3A_627 : i32
        %add3A_629 = arith.constant 0 : i32
        %add3A_630 = arith.addi %mul3A_628, %add3A_629 : i32
        %get3A_631 = arith.index_cast %add3A_630 : i32 to index
        %get3A_632 = arith.constant 64 : index
        %get3A_633 = tpu.vector_load %arg7[%get3A_631, %get3A_632] {strides = array<i32>} : memref<200x128xf32, #tpu.memory_space<vmem>>, vector<1x16xf32>,
        %get3A_634 = vector.shape_cast %get3A_633 : vector<1x16xf32> to vector<16xf32>
        %mul3A_635 = arith.constant 2 : i32
        %mul3A_636 = arith.muli %scan3A_524, %mul3A_635 : i32
        %add3A_637 = arith.constant 0 : i32
        %add3A_638 = arith.addi %mul3A_636, %add3A_637 : i32
        %get3A_639 = arith.index_cast %add3A_638 : i32 to index
        %get3A_640 = arith.constant 64 : index
        %get3A_641 = tpu.vector_load %arg10[%get3A_639, %get3A_640] {strides = array<i32>} : memref<200x128xf32, #tpu.memory_space<vmem>>, vector<1x16xf32>,
        %get3A_642 = vector.shape_cast %get3A_641 : vector<1x16xf32> to vector<16xf32>
        %add3A_643 = arith.addf %get3A_634, %get3A_642 : vector<16xf32>
        %mul3A_644 = arith.constant 2 : i32
        %mul3A_645 = arith.muli %scan3A_524, %mul3A_644 : i32
        %add3A_646 = arith.constant 0 : i32
        %add3A_647 = arith.addi %mul3A_645, %add3A_646 : i32
        %swap3A_648 = arith.index_cast %add3A_647 : i32 to index
        %swap3A_649 = arith.constant 64 : index
        %swap3A_650 = tpu.vector_load %arg7[%swap3A_648, %swap3A_649] {strides = array<i32>} : memref<200x128xf32, #tpu.memory_space<vmem>>, vector<1x16xf32>,
        %swap3A_651 = vector.shape_cast %swap3A_650 : vector<1x16xf32> to vector<16xf32>
        %swap3A_652 = vector.shape_cast %add3A_643 : vector<16xf32> to vector<1x16xf32>
        tpu.vector_store %arg7[%swap3A_648, %swap3A_649], %swap3A_652 {strides = array<i32>} : memref<200x128xf32, #tpu.memory_space<vmem>>, vector<1x16xf32>,
        %mul3A_653 = arith.constant 2 : i32
        %mul3A_654 = arith.muli %scan3A_524, %mul3A_653 : i32
        %add3A_655 = arith.constant 0 : i32
        %add3A_656 = arith.addi %mul3A_654, %add3A_655 : i32
        %get3A_657 = arith.index_cast %add3A_656 : i32 to index
        %get3A_658 = arith.constant 80 : index
        %get3A_659 = tpu.vector_load %arg7[%get3A_657, %get3A_658] {strides = array<i32>} : memref<200x128xf32, #tpu.memory_space<vmem>>, vector<1x16xf32>,
        %get3A_660 = vector.shape_cast %get3A_659 : vector<1x16xf32> to vector<16xf32>
        %mul3A_661 = arith.constant 2 : i32
        %mul3A_662 = arith.muli %scan3A_524, %mul3A_661 : i32
        %add3A_663 = arith.constant 0 : i32
        %add3A_664 = arith.addi %mul3A_662, %add3A_663 : i32
        %get3A_665 = arith.index_cast %add3A_664 : i32 to index
        %get3A_666 = arith.constant 80 : index
        %get3A_667 = tpu.vector_load %arg10[%get3A_665, %get3A_666] {strides = array<i32>} : memref<200x128xf32, #tpu.memory_space<vmem>>, vector<1x16xf32>,
        %get3A_668 = vector.shape_cast %get3A_667 : vector<1x16xf32> to vector<16xf32>
        %add3A_669 = arith.addf %get3A_660, %get3A_668 : vector<16xf32>
        %mul3A_670 = arith.constant 2 : i32
        %mul3A_671 = arith.muli %scan3A_524, %mul3A_670 : i32
        %add3A_672 = arith.constant 0 : i32
        %add3A_673 = arith.addi %mul3A_671, %add3A_672 : i32
        %swap3A_674 = arith.index_cast %add3A_673 : i32 to index
        %swap3A_675 = arith.constant 80 : index
        %swap3A_676 = tpu.vector_load %arg7[%swap3A_674, %swap3A_675] {strides = array<i32>} : memref<200x128xf32, #tpu.memory_space<vmem>>, vector<1x16xf32>,
        %swap3A_677 = vector.shape_cast %swap3A_676 : vector<1x16xf32> to vector<16xf32>
        %swap3A_678 = vector.shape_cast %add3A_669 : vector<16xf32> to vector<1x16xf32>
        tpu.vector_store %arg7[%swap3A_674, %swap3A_675], %swap3A_678 {strides = array<i32>} : memref<200x128xf32, #tpu.memory_space<vmem>>, vector<1x16xf32>,
        %mul3A_679 = arith.constant 2 : i32
        %mul3A_680 = arith.muli %scan3A_524, %mul3A_679 : i32
        %add3A_681 = arith.constant 0 : i32
        %add3A_682 = arith.addi %mul3A_680, %add3A_681 : i32
        %get3A_683 = arith.index_cast %add3A_682 : i32 to index
        %get3A_684 = arith.constant 96 : index
        %get3A_685 = tpu.vector_load %arg7[%get3A_683, %get3A_684] {strides = array<i32>} : memref<200x128xf32, #tpu.memory_space<vmem>>, vector<1x16xf32>,
        %get3A_686 = vector.shape_cast %get3A_685 : vector<1x16xf32> to vector<16xf32>
        %mul3A_687 = arith.constant 2 : i32
        %mul3A_688 = arith.muli %scan3A_524, %mul3A_687 : i32
        %add3A_689 = arith.constant 0 : i32
        %add3A_690 = arith.addi %mul3A_688, %add3A_689 : i32
        %get3A_691 = arith.index_cast %add3A_690 : i32 to index
        %get3A_692 = arith.constant 96 : index
        %get3A_693 = tpu.vector_load %arg10[%get3A_691, %get3A_692] {strides = array<i32>} : memref<200x128xf32, #tpu.memory_space<vmem>>, vector<1x16xf32>,
        %get3A_694 = vector.shape_cast %get3A_693 : vector<1x16xf32> to vector<16xf32>
        %add3A_695 = arith.addf %get3A_686, %get3A_694 : vector<16xf32>
        %mul3A_696 = arith.constant 2 : i32
        %mul3A_697 = arith.muli %scan3A_524, %mul3A_696 : i32
        %add3A_698 = arith.constant 0 : i32
        %add3A_699 = arith.addi %mul3A_697, %add3A_698 : i32
        %swap3A_700 = arith.index_cast %add3A_699 : i32 to index
        %swap3A_701 = arith.constant 96 : index
        %swap3A_702 = tpu.vector_load %arg7[%swap3A_700, %swap3A_701] {strides = array<i32>} : memref<200x128xf32, #tpu.memory_space<vmem>>, vector<1x16xf32>,
        %swap3A_703 = vector.shape_cast %swap3A_702 : vector<1x16xf32> to vector<16xf32>
        %swap3A_704 = vector.shape_cast %add3A_695 : vector<16xf32> to vector<1x16xf32>
        tpu.vector_store %arg7[%swap3A_700, %swap3A_701], %swap3A_704 {strides = array<i32>} : memref<200x128xf32, #tpu.memory_space<vmem>>, vector<1x16xf32>,
        %mul3A_705 = arith.constant 2 : i32
        %mul3A_706 = arith.muli %scan3A_524, %mul3A_705 : i32
        %add3A_707 = arith.constant 0 : i32
        %add3A_708 = arith.addi %mul3A_706, %add3A_707 : i32
        %get3A_709 = arith.index_cast %add3A_708 : i32 to index
        %get3A_710 = arith.constant 112 : index
        %get3A_711 = tpu.vector_load %arg7[%get3A_709, %get3A_710] {strides = array<i32>} : memref<200x128xf32, #tpu.memory_space<vmem>>, vector<1x16xf32>,
        %get3A_712 = vector.shape_cast %get3A_711 : vector<1x16xf32> to vector<16xf32>
        %mul3A_713 = arith.constant 2 : i32
        %mul3A_714 = arith.muli %scan3A_524, %mul3A_713 : i32
        %add3A_715 = arith.constant 0 : i32
        %add3A_716 = arith.addi %mul3A_714, %add3A_715 : i32
        %get3A_717 = arith.index_cast %add3A_716 : i32 to index
        %get3A_718 = arith.constant 112 : index
        %get3A_719 = tpu.vector_load %arg10[%get3A_717, %get3A_718] {strides = array<i32>} : memref<200x128xf32, #tpu.memory_space<vmem>>, vector<1x16xf32>,
        %get3A_720 = vector.shape_cast %get3A_719 : vector<1x16xf32> to vector<16xf32>
        %add3A_721 = arith.addf %get3A_712, %get3A_720 : vector<16xf32>
        %mul3A_722 = arith.constant 2 : i32
        %mul3A_723 = arith.muli %scan3A_524, %mul3A_722 : i32
        %add3A_724 = arith.constant 0 : i32
        %add3A_725 = arith.addi %mul3A_723, %add3A_724 : i32
        %swap3A_726 = arith.index_cast %add3A_725 : i32 to index
        %swap3A_727 = arith.constant 112 : index
        %swap3A_728 = tpu.vector_load %arg7[%swap3A_726, %swap3A_727] {strides = array<i32>} : memref<200x128xf32, #tpu.memory_space<vmem>>, vector<1x16xf32>,
        %swap3A_729 = vector.shape_cast %swap3A_728 : vector<1x16xf32> to vector<16xf32>
        %swap3A_730 = vector.shape_cast %add3A_721 : vector<16xf32> to vector<1x16xf32>
        tpu.vector_store %arg7[%swap3A_726, %swap3A_727], %swap3A_730 {strides = array<i32>} : memref<200x128xf32, #tpu.memory_space<vmem>>, vector<1x16xf32>,
        %mul3A_731 = arith.constant 2 : i32
        %mul3A_732 = arith.muli %scan3A_524, %mul3A_731 : i32
        %add3A_733 = arith.constant 1 : i32
        %add3A_734 = arith.addi %mul3A_732, %add3A_733 : i32
        %get3A_735 = arith.index_cast %add3A_734 : i32 to index
        %get3A_736 = arith.constant 0 : index
        %get3A_737 = tpu.vector_load %arg7[%get3A_735, %get3A_736] {strides = array<i32>} : memref<200x128xf32, #tpu.memory_space<vmem>>, vector<1x16xf32>,
        %get3A_738 = vector.shape_cast %get3A_737 : vector<1x16xf32> to vector<16xf32>
        %mul3A_739 = arith.constant 2 : i32
        %mul3A_740 = arith.muli %scan3A_524, %mul3A_739 : i32
        %add3A_741 = arith.constant 1 : i32
        %add3A_742 = arith.addi %mul3A_740, %add3A_741 : i32
        %get3A_743 = arith.index_cast %add3A_742 : i32 to index
        %get3A_744 = arith.constant 0 : index
        %get3A_745 = tpu.vector_load %arg10[%get3A_743, %get3A_744] {strides = array<i32>} : memref<200x128xf32, #tpu.memory_space<vmem>>, vector<1x16xf32>,
        %get3A_746 = vector.shape_cast %get3A_745 : vector<1x16xf32> to vector<16xf32>
        %add3A_747 = arith.addf %get3A_738, %get3A_746 : vector<16xf32>
        %mul3A_748 = arith.constant 2 : i32
        %mul3A_749 = arith.muli %scan3A_524, %mul3A_748 : i32
        %add3A_750 = arith.constant 1 : i32
        %add3A_751 = arith.addi %mul3A_749, %add3A_750 : i32
        %swap3A_752 = arith.index_cast %add3A_751 : i32 to index
        %swap3A_753 = arith.constant 0 : index
        %swap3A_754 = tpu.vector_load %arg7[%swap3A_752, %swap3A_753] {strides = array<i32>} : memref<200x128xf32, #tpu.memory_space<vmem>>, vector<1x16xf32>,
        %swap3A_755 = vector.shape_cast %swap3A_754 : vector<1x16xf32> to vector<16xf32>
        %swap3A_756 = vector.shape_cast %add3A_747 : vector<16xf32> to vector<1x16xf32>
        tpu.vector_store %arg7[%swap3A_752, %swap3A_753], %swap3A_756 {strides = array<i32>} : memref<200x128xf32, #tpu.memory_space<vmem>>, vector<1x16xf32>,
        %mul3A_757 = arith.constant 2 : i32
        %mul3A_758 = arith.muli %scan3A_524, %mul3A_757 : i32
        %add3A_759 = arith.constant 1 : i32
        %add3A_760 = arith.addi %mul3A_758, %add3A_759 : i32
        %get3A_761 = arith.index_cast %add3A_760 : i32 to index
        %get3A_762 = arith.constant 16 : index
        %get3A_763 = tpu.vector_load %arg7[%get3A_761, %get3A_762] {strides = array<i32>} : memref<200x128xf32, #tpu.memory_space<vmem>>, vector<1x16xf32>,
        %get3A_764 = vector.shape_cast %get3A_763 : vector<1x16xf32> to vector<16xf32>
        %mul3A_765 = arith.constant 2 : i32
        %mul3A_766 = arith.muli %scan3A_524, %mul3A_765 : i32
        %add3A_767 = arith.constant 1 : i32
        %add3A_768 = arith.addi %mul3A_766, %add3A_767 : i32
        %get3A_769 = arith.index_cast %add3A_768 : i32 to index
        %get3A_770 = arith.constant 16 : index
        %get3A_771 = tpu.vector_load %arg10[%get3A_769, %get3A_770] {strides = array<i32>} : memref<200x128xf32, #tpu.memory_space<vmem>>, vector<1x16xf32>,
        %get3A_772 = vector.shape_cast %get3A_771 : vector<1x16xf32> to vector<16xf32>
        %add3A_773 = arith.addf %get3A_764, %get3A_772 : vector<16xf32>
        %mul3A_774 = arith.constant 2 : i32
        %mul3A_775 = arith.muli %scan3A_524, %mul3A_774 : i32
        %add3A_776 = arith.constant 1 : i32
        %add3A_777 = arith.addi %mul3A_775, %add3A_776 : i32
        %swap3A_778 = arith.index_cast %add3A_777 : i32 to index
        %swap3A_779 = arith.constant 16 : index
        %swap3A_780 = tpu.vector_load %arg7[%swap3A_778, %swap3A_779] {strides = array<i32>} : memref<200x128xf32, #tpu.memory_space<vmem>>, vector<1x16xf32>,
        %swap3A_781 = vector.shape_cast %swap3A_780 : vector<1x16xf32> to vector<16xf32>
        %swap3A_782 = vector.shape_cast %add3A_773 : vector<16xf32> to vector<1x16xf32>
        tpu.vector_store %arg7[%swap3A_778, %swap3A_779], %swap3A_782 {strides = array<i32>} : memref<200x128xf32, #tpu.memory_space<vmem>>, vector<1x16xf32>,
        %mul3A_783 = arith.constant 2 : i32
        %mul3A_784 = arith.muli %scan3A_524, %mul3A_783 : i32
        %add3A_785 = arith.constant 1 : i32
        %add3A_786 = arith.addi %mul3A_784, %add3A_785 : i32
        %get3A_787 = arith.index_cast %add3A_786 : i32 to index
        %get3A_788 = arith.constant 32 : index
        %get3A_789 = tpu.vector_load %arg7[%get3A_787, %get3A_788] {strides = array<i32>} : memref<200x128xf32, #tpu.memory_space<vmem>>, vector<1x16xf32>,
        %get3A_790 = vector.shape_cast %get3A_789 : vector<1x16xf32> to vector<16xf32>
        %mul3A_791 = arith.constant 2 : i32
        %mul3A_792 = arith.muli %scan3A_524, %mul3A_791 : i32
        %add3A_793 = arith.constant 1 : i32
        %add3A_794 = arith.addi %mul3A_792, %add3A_793 : i32
        %get3A_795 = arith.index_cast %add3A_794 : i32 to index
        %get3A_796 = arith.constant 32 : index
        %get3A_797 = tpu.vector_load %arg10[%get3A_795, %get3A_796] {strides = array<i32>} : memref<200x128xf32, #tpu.memory_space<vmem>>, vector<1x16xf32>,
        %get3A_798 = vector.shape_cast %get3A_797 : vector<1x16xf32> to vector<16xf32>
        %add3A_799 = arith.addf %get3A_790, %get3A_798 : vector<16xf32>
        %mul3A_800 = arith.constant 2 : i32
        %mul3A_801 = arith.muli %scan3A_524, %mul3A_800 : i32
        %add3A_802 = arith.constant 1 : i32
        %add3A_803 = arith.addi %mul3A_801, %add3A_802 : i32
        %swap3A_804 = arith.index_cast %add3A_803 : i32 to index
        %swap3A_805 = arith.constant 32 : index
        %swap3A_806 = tpu.vector_load %arg7[%swap3A_804, %swap3A_805] {strides = array<i32>} : memref<200x128xf32, #tpu.memory_space<vmem>>, vector<1x16xf32>,
        %swap3A_807 = vector.shape_cast %swap3A_806 : vector<1x16xf32> to vector<16xf32>
        %swap3A_808 = vector.shape_cast %add3A_799 : vector<16xf32> to vector<1x16xf32>
        tpu.vector_store %arg7[%swap3A_804, %swap3A_805], %swap3A_808 {strides = array<i32>} : memref<200x128xf32, #tpu.memory_space<vmem>>, vector<1x16xf32>,
        %mul3A_809 = arith.constant 2 : i32
        %mul3A_810 = arith.muli %scan3A_524, %mul3A_809 : i32
        %add3A_811 = arith.constant 1 : i32
        %add3A_812 = arith.addi %mul3A_810, %add3A_811 : i32
        %get3A_813 = arith.index_cast %add3A_812 : i32 to index
        %get3A_814 = arith.constant 48 : index
        %get3A_815 = tpu.vector_load %arg7[%get3A_813, %get3A_814] {strides = array<i32>} : memref<200x128xf32, #tpu.memory_space<vmem>>, vector<1x16xf32>,
        %get3A_816 = vector.shape_cast %get3A_815 : vector<1x16xf32> to vector<16xf32>
        %mul3A_817 = arith.constant 2 : i32
        %mul3A_818 = arith.muli %scan3A_524, %mul3A_817 : i32
        %add3A_819 = arith.constant 1 : i32
        %add3A_820 = arith.addi %mul3A_818, %add3A_819 : i32
        %get3A_821 = arith.index_cast %add3A_820 : i32 to index
        %get3A_822 = arith.constant 48 : index
        %get3A_823 = tpu.vector_load %arg10[%get3A_821, %get3A_822] {strides = array<i32>} : memref<200x128xf32, #tpu.memory_space<vmem>>, vector<1x16xf32>,
        %get3A_824 = vector.shape_cast %get3A_823 : vector<1x16xf32> to vector<16xf32>
        %add3A_825 = arith.addf %get3A_816, %get3A_824 : vector<16xf32>
        %mul3A_826 = arith.constant 2 : i32
        %mul3A_827 = arith.muli %scan3A_524, %mul3A_826 : i32
        %add3A_828 = arith.constant 1 : i32
        %add3A_829 = arith.addi %mul3A_827, %add3A_828 : i32
        %swap3A_830 = arith.index_cast %add3A_829 : i32 to index
        %swap3A_831 = arith.constant 48 : index
        %swap3A_832 = tpu.vector_load %arg7[%swap3A_830, %swap3A_831] {strides = array<i32>} : memref<200x128xf32, #tpu.memory_space<vmem>>, vector<1x16xf32>,
        %swap3A_833 = vector.shape_cast %swap3A_832 : vector<1x16xf32> to vector<16xf32>
        %swap3A_834 = vector.shape_cast %add3A_825 : vector<16xf32> to vector<1x16xf32>
        tpu.vector_store %arg7[%swap3A_830, %swap3A_831], %swap3A_834 {strides = array<i32>} : memref<200x128xf32, #tpu.memory_space<vmem>>, vector<1x16xf32>,
        %mul3A_835 = arith.constant 2 : i32
        %mul3A_836 = arith.muli %scan3A_524, %mul3A_835 : i32
        %add3A_837 = arith.constant 1 : i32
        %add3A_838 = arith.addi %mul3A_836, %add3A_837 : i32
        %get3A_839 = arith.index_cast %add3A_838 : i32 to index
        %get3A_840 = arith.constant 64 : index
        %get3A_841 = tpu.vector_load %arg7[%get3A_839, %get3A_840] {strides = array<i32>} : memref<200x128xf32, #tpu.memory_space<vmem>>, vector<1x16xf32>,
        %get3A_842 = vector.shape_cast %get3A_841 : vector<1x16xf32> to vector<16xf32>
        %mul3A_843 = arith.constant 2 : i32
        %mul3A_844 = arith.muli %scan3A_524, %mul3A_843 : i32
        %add3A_845 = arith.constant 1 : i32
        %add3A_846 = arith.addi %mul3A_844, %add3A_845 : i32
        %get3A_847 = arith.index_cast %add3A_846 : i32 to index
        %get3A_848 = arith.constant 64 : index
        %get3A_849 = tpu.vector_load %arg10[%get3A_847, %get3A_848] {strides = array<i32>} : memref<200x128xf32, #tpu.memory_space<vmem>>, vector<1x16xf32>,
        %get3A_850 = vector.shape_cast %get3A_849 : vector<1x16xf32> to vector<16xf32>
        %add3A_851 = arith.addf %get3A_842, %get3A_850 : vector<16xf32>
        %mul3A_852 = arith.constant 2 : i32
        %mul3A_853 = arith.muli %scan3A_524, %mul3A_852 : i32
        %add3A_854 = arith.constant 1 : i32
        %add3A_855 = arith.addi %mul3A_853, %add3A_854 : i32
        %swap3A_856 = arith.index_cast %add3A_855 : i32 to index
        %swap3A_857 = arith.constant 64 : index
        %swap3A_858 = tpu.vector_load %arg7[%swap3A_856, %swap3A_857] {strides = array<i32>} : memref<200x128xf32, #tpu.memory_space<vmem>>, vector<1x16xf32>,
        %swap3A_859 = vector.shape_cast %swap3A_858 : vector<1x16xf32> to vector<16xf32>
        %swap3A_860 = vector.shape_cast %add3A_851 : vector<16xf32> to vector<1x16xf32>
        tpu.vector_store %arg7[%swap3A_856, %swap3A_857], %swap3A_860 {strides = array<i32>} : memref<200x128xf32, #tpu.memory_space<vmem>>, vector<1x16xf32>,
        %mul3A_861 = arith.constant 2 : i32
        %mul3A_862 = arith.muli %scan3A_524, %mul3A_861 : i32
        %add3A_863 = arith.constant 1 : i32
        %add3A_864 = arith.addi %mul3A_862, %add3A_863 : i32
        %get3A_865 = arith.index_cast %add3A_864 : i32 to index
        %get3A_866 = arith.constant 80 : index
        %get3A_867 = tpu.vector_load %arg7[%get3A_865, %get3A_866] {strides = array<i32>} : memref<200x128xf32, #tpu.memory_space<vmem>>, vector<1x16xf32>,
        %get3A_868 = vector.shape_cast %get3A_867 : vector<1x16xf32> to vector<16xf32>
        %mul3A_869 = arith.constant 2 : i32
        %mul3A_870 = arith.muli %scan3A_524, %mul3A_869 : i32
        %add3A_871 = arith.constant 1 : i32
        %add3A_872 = arith.addi %mul3A_870, %add3A_871 : i32
        %get3A_873 = arith.index_cast %add3A_872 : i32 to index
        %get3A_874 = arith.constant 80 : index
        %get3A_875 = tpu.vector_load %arg10[%get3A_873, %get3A_874] {strides = array<i32>} : memref<200x128xf32, #tpu.memory_space<vmem>>, vector<1x16xf32>,
        %get3A_876 = vector.shape_cast %get3A_875 : vector<1x16xf32> to vector<16xf32>
        %add3A_877 = arith.addf %get3A_868, %get3A_876 : vector<16xf32>
        %mul3A_878 = arith.constant 2 : i32
        %mul3A_879 = arith.muli %scan3A_524, %mul3A_878 : i32
        %add3A_880 = arith.constant 1 : i32
        %add3A_881 = arith.addi %mul3A_879, %add3A_880 : i32
        %swap3A_882 = arith.index_cast %add3A_881 : i32 to index
        %swap3A_883 = arith.constant 80 : index
        %swap3A_884 = tpu.vector_load %arg7[%swap3A_882, %swap3A_883] {strides = array<i32>} : memref<200x128xf32, #tpu.memory_space<vmem>>, vector<1x16xf32>,
        %swap3A_885 = vector.shape_cast %swap3A_884 : vector<1x16xf32> to vector<16xf32>
        %swap3A_886 = vector.shape_cast %add3A_877 : vector<16xf32> to vector<1x16xf32>
        tpu.vector_store %arg7[%swap3A_882, %swap3A_883], %swap3A_886 {strides = array<i32>} : memref<200x128xf32, #tpu.memory_space<vmem>>, vector<1x16xf32>,
        %mul3A_887 = arith.constant 2 : i32
        %mul3A_888 = arith.muli %scan3A_524, %mul3A_887 : i32
        %add3A_889 = arith.constant 1 : i32
        %add3A_890 = arith.addi %mul3A_888, %add3A_889 : i32
        %get3A_891 = arith.index_cast %add3A_890 : i32 to index
        %get3A_892 = arith.constant 96 : index
        %get3A_893 = tpu.vector_load %arg7[%get3A_891, %get3A_892] {strides = array<i32>} : memref<200x128xf32, #tpu.memory_space<vmem>>, vector<1x16xf32>,
        %get3A_894 = vector.shape_cast %get3A_893 : vector<1x16xf32> to vector<16xf32>
        %mul3A_895 = arith.constant 2 : i32
        %mul3A_896 = arith.muli %scan3A_524, %mul3A_895 : i32
        %add3A_897 = arith.constant 1 : i32
        %add3A_898 = arith.addi %mul3A_896, %add3A_897 : i32
        %get3A_899 = arith.index_cast %add3A_898 : i32 to index
        %get3A_900 = arith.constant 96 : index
        %get3A_901 = tpu.vector_load %arg10[%get3A_899, %get3A_900] {strides = array<i32>} : memref<200x128xf32, #tpu.memory_space<vmem>>, vector<1x16xf32>,
        %get3A_902 = vector.shape_cast %get3A_901 : vector<1x16xf32> to vector<16xf32>
        %add3A_903 = arith.addf %get3A_894, %get3A_902 : vector<16xf32>
        %mul3A_904 = arith.constant 2 : i32
        %mul3A_905 = arith.muli %scan3A_524, %mul3A_904 : i32
        %add3A_906 = arith.constant 1 : i32
        %add3A_907 = arith.addi %mul3A_905, %add3A_906 : i32
        %swap3A_908 = arith.index_cast %add3A_907 : i32 to index
        %swap3A_909 = arith.constant 96 : index
        %swap3A_910 = tpu.vector_load %arg7[%swap3A_908, %swap3A_909] {strides = array<i32>} : memref<200x128xf32, #tpu.memory_space<vmem>>, vector<1x16xf32>,
        %swap3A_911 = vector.shape_cast %swap3A_910 : vector<1x16xf32> to vector<16xf32>
        %swap3A_912 = vector.shape_cast %add3A_903 : vector<16xf32> to vector<1x16xf32>
        tpu.vector_store %arg7[%swap3A_908, %swap3A_909], %swap3A_912 {strides = array<i32>} : memref<200x128xf32, #tpu.memory_space<vmem>>, vector<1x16xf32>,
        %mul3A_913 = arith.constant 2 : i32
        %mul3A_914 = arith.muli %scan3A_524, %mul3A_913 : i32
        %add3A_915 = arith.constant 1 : i32
        %add3A_916 = arith.addi %mul3A_914, %add3A_915 : i32
        %get3A_917 = arith.index_cast %add3A_916 : i32 to index
        %get3A_918 = arith.constant 112 : index
        %get3A_919 = tpu.vector_load %arg7[%get3A_917, %get3A_918] {strides = array<i32>} : memref<200x128xf32, #tpu.memory_space<vmem>>, vector<1x16xf32>,
        %get3A_920 = vector.shape_cast %get3A_919 : vector<1x16xf32> to vector<16xf32>
        %mul3A_921 = arith.constant 2 : i32
        %mul3A_922 = arith.muli %scan3A_524, %mul3A_921 : i32
        %add3A_923 = arith.constant 1 : i32
        %add3A_924 = arith.addi %mul3A_922, %add3A_923 : i32
        %get3A_925 = arith.index_cast %add3A_924 : i32 to index
        %get3A_926 = arith.constant 112 : index
        %get3A_927 = tpu.vector_load %arg10[%get3A_925, %get3A_926] {strides = array<i32>} : memref<200x128xf32, #tpu.memory_space<vmem>>, vector<1x16xf32>,
        %get3A_928 = vector.shape_cast %get3A_927 : vector<1x16xf32> to vector<16xf32>
        %add3A_929 = arith.addf %get3A_920, %get3A_928 : vector<16xf32>
        %mul3A_930 = arith.constant 2 : i32
        %mul3A_931 = arith.muli %scan3A_524, %mul3A_930 : i32
        %add3A_932 = arith.constant 1 : i32
        %add3A_933 = arith.addi %mul3A_931, %add3A_932 : i32
        %swap3A_934 = arith.index_cast %add3A_933 : i32 to index
        %swap3A_935 = arith.constant 112 : index
        %swap3A_936 = tpu.vector_load %arg7[%swap3A_934, %swap3A_935] {strides = array<i32>} : memref<200x128xf32, #tpu.memory_space<vmem>>, vector<1x16xf32>,
        %swap3A_937 = vector.shape_cast %swap3A_936 : vector<1x16xf32> to vector<16xf32>
        %swap3A_938 = vector.shape_cast %add3A_929 : vector<16xf32> to vector<1x16xf32>
        tpu.vector_store %arg7[%swap3A_934, %swap3A_935], %swap3A_938 {strides = array<i32>} : memref<200x128xf32, #tpu.memory_space<vmem>>, vector<1x16xf32>,
      }
      %scan3A_413 = arith.constant 100 : i32
      %mul3A_414 = arith.constant 200 : i32
      %mul3A_415 = arith.muli %add3A_376, %mul3A_414 : i32
      %add3A_416 = arith.addi %mul3A_2, %mul3A_415 : i32
      %dma_start3A_417 = arith.constant 0 : i32
      %dma_start3A_418 = arith.constant 0 : i32
      %dma_start3A_419 = tpu.memref_slice %arg5[%add3A_416, %dma_start3A_418] : memref<819200x128xf32, #tpu.memory_space<hbm>> -> memref<200x128xf32, #tpu.memory_space<hbm>>
      %dma_start3A_420 = tpu.memref_slice %arg12[%dma_start3A_417] : memref<3x!tpu.dma_semaphore, #tpu.memory_space<semaphore_mem>> -> memref<1x!tpu.dma_semaphore, #tpu.memory_space<semaphore_mem>>
      %dma_start3A_421 = tpu.memref_squeeze %dma_start3A_420 : memref<1x!tpu.dma_semaphore, #tpu.memory_space<semaphore_mem>> -> memref<!tpu.dma_semaphore, #tpu.memory_space<semaphore_mem>>
      %dma_start3A_422 = arith.constant 0 : i32
      %dma_start3A_423 = tpu.memref_slice %arg5[%add3A_416, %dma_start3A_422] : memref<819200x128xf32, #tpu.memory_space<hbm>> -> memref<200x128xf32, #tpu.memory_space<hbm>>
      tpu.enqueue_dma source(%arg7 : memref<200x128xf32, #tpu.memory_space<vmem>>) target(%dma_start3A_423 : memref<200x128xf32, #tpu.memory_space<hbm>>) target_semaphore(%dma_start3A_421 : memref<!tpu.dma_semaphore, #tpu.memory_space<semaphore_mem>>)
      %add3A_424 = arith.constant 1 : i32
      %add3A_425 = arith.addi %add3A_374, %add3A_424 : i32
      %sub3A_426 = arith.constant 2 : i32
      %sub3A_427 = arith.subi %add3A_425, %sub3A_426 : i32
      %mul3A_428 = arith.constant 200 : i32
      %mul3A_429 = arith.muli %sub3A_427, %mul3A_428 : i32
      %add3A_430 = arith.addi %mul3A_2, %mul3A_429 : i32
      %dma_wait3A_431 = arith.constant 2 : i32
      %dma_wait3A_432 = arith.constant 0 : i32
      %dma_wait3A_433 = tpu.memref_slice %arg5[%add3A_430, %dma_wait3A_432] : memref<819200x128xf32, #tpu.memory_space<hbm>> -> memref<200x128xf32, #tpu.memory_space<hbm>>
      %dma_wait3A_434 = tpu.memref_slice %arg12[%dma_wait3A_431] : memref<3x!tpu.dma_semaphore, #tpu.memory_space<semaphore_mem>> -> memref<1x!tpu.dma_semaphore, #tpu.memory_space<semaphore_mem>>
      %dma_wait3A_435 = tpu.memref_squeeze %dma_wait3A_434 : memref<1x!tpu.dma_semaphore, #tpu.memory_space<semaphore_mem>> -> memref<!tpu.dma_semaphore, #tpu.memory_space<semaphore_mem>>
      %dma_wait3A_436 = arith.constant 0 : i32
      %dma_wait3A_437 = tpu.memref_slice %arg5[%add3A_430, %dma_wait3A_436] : memref<819200x128xf32, #tpu.memory_space<hbm>> -> memref<200x128xf32, #tpu.memory_space<hbm>>
      tpu.wait_dma2 semaphore(%dma_wait3A_435 : memref<!tpu.dma_semaphore, #tpu.memory_space<semaphore_mem>>) src(%arg9 : memref<200x128xf32, #tpu.memory_space<vmem>>) dst(%dma_wait3A_437 : memref<200x128xf32, #tpu.memory_space<hbm>>)
      %add3A_438 = arith.constant 1 : i32
      %add3A_439 = arith.addi %add3A_425, %add3A_438 : i32
      %mul3A_440 = arith.constant 200 : i32
      %mul3A_441 = arith.muli %add3A_439, %mul3A_440 : i32
      %dma_start3A_442 = arith.constant 2 : i32
      %dma_start3A_443 = tpu.memref_slice %arg6[%mul3A_441] : memref<25600xi32, #tpu.memory_space<vmem>> -> memref<200xi32, #tpu.memory_space<vmem>>
      %dma_start3A_444 = arith.constant 0 : i32
      %dma_start3A_445 = arith.constant 0 : i32
      %dma_start3A_446 = tpu.memref_slice %arg3[%dma_start3A_444, %dma_start3A_445] : memref<1000000x128xf32, #tpu.memory_space<hbm>> -> memref<1000000x128xf32, #tpu.memory_space<hbm>>
      %dma_start3A_447 = tpu.memref_slice %arg11[%dma_start3A_442] : memref<3x!tpu.dma_semaphore, #tpu.memory_space<semaphore_mem>> -> memref<1x!tpu.dma_semaphore, #tpu.memory_space<semaphore_mem>>
      %dma_start3A_448 = tpu.memref_squeeze %dma_start3A_447 : memref<1x!tpu.dma_semaphore, #tpu.memory_space<semaphore_mem>> -> memref<!tpu.dma_semaphore, #tpu.memory_space<semaphore_mem>>
      tpu.enqueue_indirect_dma source(%dma_start3A_446 : memref<1000000x128xf32, #tpu.memory_space<hbm>>) target(%arg9 : memref<200x128xf32, #tpu.memory_space<vmem>>) offsets(%dma_start3A_443 : memref<200xi32, #tpu.memory_space<vmem>>) semaphore(%dma_start3A_448 : memref<!tpu.dma_semaphore, #tpu.memory_space<semaphore_mem>>)
      %mul3A_449 = arith.constant 200 : i32
      %mul3A_450 = arith.muli %add3A_425, %mul3A_449 : i32
      %dma_wait3A_451 = arith.constant 1 : i32
      %dma_wait3A_452 = tpu.memref_slice %arg6[%mul3A_450] : memref<25600xi32, #tpu.memory_space<vmem>> -> memref<200xi32, #tpu.memory_space<vmem>>
      %dma_wait3A_453 = arith.constant 0 : i32
      %dma_wait3A_454 = arith.constant 0 : i32
      %dma_wait3A_455 = tpu.memref_slice %arg3[%dma_wait3A_453, %dma_wait3A_454] : memref<1000000x128xf32, #tpu.memory_space<hbm>> -> memref<1000000x128xf32, #tpu.memory_space<hbm>>
      %dma_wait3A_456 = tpu.memref_slice %arg11[%dma_wait3A_451] : memref<3x!tpu.dma_semaphore, #tpu.memory_space<semaphore_mem>> -> memref<1x!tpu.dma_semaphore, #tpu.memory_space<semaphore_mem>>
      %dma_wait3A_457 = tpu.memref_squeeze %dma_wait3A_456 : memref<1x!tpu.dma_semaphore, #tpu.memory_space<semaphore_mem>> -> memref<!tpu.dma_semaphore, #tpu.memory_space<semaphore_mem>>
      tpu.wait_indirect_dma semaphore(%dma_wait3A_457 : memref<!tpu.dma_semaphore, #tpu.memory_space<semaphore_mem>>) src(%dma_wait3A_455 : memref<1000000x128xf32, #tpu.memory_space<hbm>>) dst(%arg8 : memref<200x128xf32, #tpu.memory_space<vmem>>)
      %scan3A_458 = arith.constant 0 : i32
      %scan3A_459 = arith.constant 0 : i32
      %scan3A_460 = arith.constant 100 : i32
      %scan3A_461 = arith.addi %scan3A_459, %scan3A_460 : i32
      %scan3A_462 = arith.constant 1 : i32
      scf.for %scan3A_524 = %scan3A_459 to %scan3A_461 step %scan3A_462  : i32 {
        %mul3A_525 = arith.constant 2 : i32
        %mul3A_526 = arith.muli %scan3A_524, %mul3A_525 : i32
        %add3A_527 = arith.constant 0 : i32
        %add3A_528 = arith.addi %mul3A_526, %add3A_527 : i32
        %get3A = arith.index_cast %add3A_528 : i32 to index
        %get3A_529 = arith.constant 0 : index
        %get3A_530 = tpu.vector_load %arg8[%get3A, %get3A_529] {strides = array<i32>} : memref<200x128xf32, #tpu.memory_space<vmem>>, vector<1x16xf32>,
        %get3A_531 = vector.shape_cast %get3A_530 : vector<1x16xf32> to vector<16xf32>
        %mul3A_532 = arith.constant 2 : i32
        %mul3A_533 = arith.muli %scan3A_524, %mul3A_532 : i32
        %add3A_534 = arith.constant 0 : i32
        %add3A_535 = arith.addi %mul3A_533, %add3A_534 : i32
        %get3A_536 = arith.index_cast %add3A_535 : i32 to index
        %get3A_537 = arith.constant 0 : index
        %get3A_538 = tpu.vector_load %arg10[%get3A_536, %get3A_537] {strides = array<i32>} : memref<200x128xf32, #tpu.memory_space<vmem>>, vector<1x16xf32>,
        %get3A_539 = vector.shape_cast %get3A_538 : vector<1x16xf32> to vector<16xf32>
        %add3A_540 = arith.addf %get3A_531, %get3A_539 : vector<16xf32>
        %mul3A_541 = arith.constant 2 : i32
        %mul3A_542 = arith.muli %scan3A_524, %mul3A_541 : i32
        %add3A_543 = arith.constant 0 : i32
        %add3A_544 = arith.addi %mul3A_542, %add3A_543 : i32
        %swap3A = arith.index_cast %add3A_544 : i32 to index
        %swap3A_545 = arith.constant 0 : index
        %swap3A_546 = tpu.vector_load %arg8[%swap3A, %swap3A_545] {strides = array<i32>} : memref<200x128xf32, #tpu.memory_space<vmem>>, vector<1x16xf32>,
        %swap3A_547 = vector.shape_cast %swap3A_546 : vector<1x16xf32> to vector<16xf32>
        %swap3A_548 = vector.shape_cast %add3A_540 : vector<16xf32> to vector<1x16xf32>
        tpu.vector_store %arg8[%swap3A, %swap3A_545], %swap3A_548 {strides = array<i32>} : memref<200x128xf32, #tpu.memory_space<vmem>>, vector<1x16xf32>,
        %mul3A_549 = arith.constant 2 : i32
        %mul3A_550 = arith.muli %scan3A_524, %mul3A_549 : i32
        %add3A_551 = arith.constant 0 : i32
        %add3A_552 = arith.addi %mul3A_550, %add3A_551 : i32
        %get3A_553 = arith.index_cast %add3A_552 : i32 to index
        %get3A_554 = arith.constant 16 : index
        %get3A_555 = tpu.vector_load %arg8[%get3A_553, %get3A_554] {strides = array<i32>} : memref<200x128xf32, #tpu.memory_space<vmem>>, vector<1x16xf32>,
        %get3A_556 = vector.shape_cast %get3A_555 : vector<1x16xf32> to vector<16xf32>
        %mul3A_557 = arith.constant 2 : i32
        %mul3A_558 = arith.muli %scan3A_524, %mul3A_557 : i32
        %add3A_559 = arith.constant 0 : i32
        %add3A_560 = arith.addi %mul3A_558, %add3A_559 : i32
        %get3A_561 = arith.index_cast %add3A_560 : i32 to index
        %get3A_562 = arith.constant 16 : index
        %get3A_563 = tpu.vector_load %arg10[%get3A_561, %get3A_562] {strides = array<i32>} : memref<200x128xf32, #tpu.memory_space<vmem>>, vector<1x16xf32>,
        %get3A_564 = vector.shape_cast %get3A_563 : vector<1x16xf32> to vector<16xf32>
        %add3A_565 = arith.addf %get3A_556, %get3A_564 : vector<16xf32>
        %mul3A_566 = arith.constant 2 : i32
        %mul3A_567 = arith.muli %scan3A_524, %mul3A_566 : i32
        %add3A_568 = arith.constant 0 : i32
        %add3A_569 = arith.addi %mul3A_567, %add3A_568 : i32
        %swap3A_570 = arith.index_cast %add3A_569 : i32 to index
        %swap3A_571 = arith.constant 16 : index
        %swap3A_572 = tpu.vector_load %arg8[%swap3A_570, %swap3A_571] {strides = array<i32>} : memref<200x128xf32, #tpu.memory_space<vmem>>, vector<1x16xf32>,
        %swap3A_573 = vector.shape_cast %swap3A_572 : vector<1x16xf32> to vector<16xf32>
        %swap3A_574 = vector.shape_cast %add3A_565 : vector<16xf32> to vector<1x16xf32>
        tpu.vector_store %arg8[%swap3A_570, %swap3A_571], %swap3A_574 {strides = array<i32>} : memref<200x128xf32, #tpu.memory_space<vmem>>, vector<1x16xf32>,
        %mul3A_575 = arith.constant 2 : i32
        %mul3A_576 = arith.muli %scan3A_524, %mul3A_575 : i32
        %add3A_577 = arith.constant 0 : i32
        %add3A_578 = arith.addi %mul3A_576, %add3A_577 : i32
        %get3A_579 = arith.index_cast %add3A_578 : i32 to index
        %get3A_580 = arith.constant 32 : index
        %get3A_581 = tpu.vector_load %arg8[%get3A_579, %get3A_580] {strides = array<i32>} : memref<200x128xf32, #tpu.memory_space<vmem>>, vector<1x16xf32>,
        %get3A_582 = vector.shape_cast %get3A_581 : vector<1x16xf32> to vector<16xf32>
        %mul3A_583 = arith.constant 2 : i32
        %mul3A_584 = arith.muli %scan3A_524, %mul3A_583 : i32
        %add3A_585 = arith.constant 0 : i32
        %add3A_586 = arith.addi %mul3A_584, %add3A_585 : i32
        %get3A_587 = arith.index_cast %add3A_586 : i32 to index
        %get3A_588 = arith.constant 32 : index
        %get3A_589 = tpu.vector_load %arg10[%get3A_587, %get3A_588] {strides = array<i32>} : memref<200x128xf32, #tpu.memory_space<vmem>>, vector<1x16xf32>,
        %get3A_590 = vector.shape_cast %get3A_589 : vector<1x16xf32> to vector<16xf32>
        %add3A_591 = arith.addf %get3A_582, %get3A_590 : vector<16xf32>
        %mul3A_592 = arith.constant 2 : i32
        %mul3A_593 = arith.muli %scan3A_524, %mul3A_592 : i32
        %add3A_594 = arith.constant 0 : i32
        %add3A_595 = arith.addi %mul3A_593, %add3A_594 : i32
        %swap3A_596 = arith.index_cast %add3A_595 : i32 to index
        %swap3A_597 = arith.constant 32 : index
        %swap3A_598 = tpu.vector_load %arg8[%swap3A_596, %swap3A_597] {strides = array<i32>} : memref<200x128xf32, #tpu.memory_space<vmem>>, vector<1x16xf32>,
        %swap3A_599 = vector.shape_cast %swap3A_598 : vector<1x16xf32> to vector<16xf32>
        %swap3A_600 = vector.shape_cast %add3A_591 : vector<16xf32> to vector<1x16xf32>
        tpu.vector_store %arg8[%swap3A_596, %swap3A_597], %swap3A_600 {strides = array<i32>} : memref<200x128xf32, #tpu.memory_space<vmem>>, vector<1x16xf32>,
        %mul3A_601 = arith.constant 2 : i32
        %mul3A_602 = arith.muli %scan3A_524, %mul3A_601 : i32
        %add3A_603 = arith.constant 0 : i32
        %add3A_604 = arith.addi %mul3A_602, %add3A_603 : i32
        %get3A_605 = arith.index_cast %add3A_604 : i32 to index
        %get3A_606 = arith.constant 48 : index
        %get3A_607 = tpu.vector_load %arg8[%get3A_605, %get3A_606] {strides = array<i32>} : memref<200x128xf32, #tpu.memory_space<vmem>>, vector<1x16xf32>,
        %get3A_608 = vector.shape_cast %get3A_607 : vector<1x16xf32> to vector<16xf32>
        %mul3A_609 = arith.constant 2 : i32
        %mul3A_610 = arith.muli %scan3A_524, %mul3A_609 : i32
        %add3A_611 = arith.constant 0 : i32
        %add3A_612 = arith.addi %mul3A_610, %add3A_611 : i32
        %get3A_613 = arith.index_cast %add3A_612 : i32 to index
        %get3A_614 = arith.constant 48 : index
        %get3A_615 = tpu.vector_load %arg10[%get3A_613, %get3A_614] {strides = array<i32>} : memref<200x128xf32, #tpu.memory_space<vmem>>, vector<1x16xf32>,
        %get3A_616 = vector.shape_cast %get3A_615 : vector<1x16xf32> to vector<16xf32>
        %add3A_617 = arith.addf %get3A_608, %get3A_616 : vector<16xf32>
        %mul3A_618 = arith.constant 2 : i32
        %mul3A_619 = arith.muli %scan3A_524, %mul3A_618 : i32
        %add3A_620 = arith.constant 0 : i32
        %add3A_621 = arith.addi %mul3A_619, %add3A_620 : i32
        %swap3A_622 = arith.index_cast %add3A_621 : i32 to index
        %swap3A_623 = arith.constant 48 : index
        %swap3A_624 = tpu.vector_load %arg8[%swap3A_622, %swap3A_623] {strides = array<i32>} : memref<200x128xf32, #tpu.memory_space<vmem>>, vector<1x16xf32>,
        %swap3A_625 = vector.shape_cast %swap3A_624 : vector<1x16xf32> to vector<16xf32>
        %swap3A_626 = vector.shape_cast %add3A_617 : vector<16xf32> to vector<1x16xf32>
        tpu.vector_store %arg8[%swap3A_622, %swap3A_623], %swap3A_626 {strides = array<i32>} : memref<200x128xf32, #tpu.memory_space<vmem>>, vector<1x16xf32>,
        %mul3A_627 = arith.constant 2 : i32
        %mul3A_628 = arith.muli %scan3A_524, %mul3A_627 : i32
        %add3A_629 = arith.constant 0 : i32
        %add3A_630 = arith.addi %mul3A_628, %add3A_629 : i32
        %get3A_631 = arith.index_cast %add3A_630 : i32 to index
        %get3A_632 = arith.constant 64 : index
        %get3A_633 = tpu.vector_load %arg8[%get3A_631, %get3A_632] {strides = array<i32>} : memref<200x128xf32, #tpu.memory_space<vmem>>, vector<1x16xf32>,
        %get3A_634 = vector.shape_cast %get3A_633 : vector<1x16xf32> to vector<16xf32>
        %mul3A_635 = arith.constant 2 : i32
        %mul3A_636 = arith.muli %scan3A_524, %mul3A_635 : i32
        %add3A_637 = arith.constant 0 : i32
        %add3A_638 = arith.addi %mul3A_636, %add3A_637 : i32
        %get3A_639 = arith.index_cast %add3A_638 : i32 to index
        %get3A_640 = arith.constant 64 : index
        %get3A_641 = tpu.vector_load %arg10[%get3A_639, %get3A_640] {strides = array<i32>} : memref<200x128xf32, #tpu.memory_space<vmem>>, vector<1x16xf32>,
        %get3A_642 = vector.shape_cast %get3A_641 : vector<1x16xf32> to vector<16xf32>
        %add3A_643 = arith.addf %get3A_634, %get3A_642 : vector<16xf32>
        %mul3A_644 = arith.constant 2 : i32
        %mul3A_645 = arith.muli %scan3A_524, %mul3A_644 : i32
        %add3A_646 = arith.constant 0 : i32
        %add3A_647 = arith.addi %mul3A_645, %add3A_646 : i32
        %swap3A_648 = arith.index_cast %add3A_647 : i32 to index
        %swap3A_649 = arith.constant 64 : index
        %swap3A_650 = tpu.vector_load %arg8[%swap3A_648, %swap3A_649] {strides = array<i32>} : memref<200x128xf32, #tpu.memory_space<vmem>>, vector<1x16xf32>,
        %swap3A_651 = vector.shape_cast %swap3A_650 : vector<1x16xf32> to vector<16xf32>
        %swap3A_652 = vector.shape_cast %add3A_643 : vector<16xf32> to vector<1x16xf32>
        tpu.vector_store %arg8[%swap3A_648, %swap3A_649], %swap3A_652 {strides = array<i32>} : memref<200x128xf32, #tpu.memory_space<vmem>>, vector<1x16xf32>,
        %mul3A_653 = arith.constant 2 : i32
        %mul3A_654 = arith.muli %scan3A_524, %mul3A_653 : i32
        %add3A_655 = arith.constant 0 : i32
        %add3A_656 = arith.addi %mul3A_654, %add3A_655 : i32
        %get3A_657 = arith.index_cast %add3A_656 : i32 to index
        %get3A_658 = arith.constant 80 : index
        %get3A_659 = tpu.vector_load %arg8[%get3A_657, %get3A_658] {strides = array<i32>} : memref<200x128xf32, #tpu.memory_space<vmem>>, vector<1x16xf32>,
        %get3A_660 = vector.shape_cast %get3A_659 : vector<1x16xf32> to vector<16xf32>
        %mul3A_661 = arith.constant 2 : i32
        %mul3A_662 = arith.muli %scan3A_524, %mul3A_661 : i32
        %add3A_663 = arith.constant 0 : i32
        %add3A_664 = arith.addi %mul3A_662, %add3A_663 : i32
        %get3A_665 = arith.index_cast %add3A_664 : i32 to index
        %get3A_666 = arith.constant 80 : index
        %get3A_667 = tpu.vector_load %arg10[%get3A_665, %get3A_666] {strides = array<i32>} : memref<200x128xf32, #tpu.memory_space<vmem>>, vector<1x16xf32>,
        %get3A_668 = vector.shape_cast %get3A_667 : vector<1x16xf32> to vector<16xf32>
        %add3A_669 = arith.addf %get3A_660, %get3A_668 : vector<16xf32>
        %mul3A_670 = arith.constant 2 : i32
        %mul3A_671 = arith.muli %scan3A_524, %mul3A_670 : i32
        %add3A_672 = arith.constant 0 : i32
        %add3A_673 = arith.addi %mul3A_671, %add3A_672 : i32
        %swap3A_674 = arith.index_cast %add3A_673 : i32 to index
        %swap3A_675 = arith.constant 80 : index
        %swap3A_676 = tpu.vector_load %arg8[%swap3A_674, %swap3A_675] {strides = array<i32>} : memref<200x128xf32, #tpu.memory_space<vmem>>, vector<1x16xf32>,
        %swap3A_677 = vector.shape_cast %swap3A_676 : vector<1x16xf32> to vector<16xf32>
        %swap3A_678 = vector.shape_cast %add3A_669 : vector<16xf32> to vector<1x16xf32>
        tpu.vector_store %arg8[%swap3A_674, %swap3A_675], %swap3A_678 {strides = array<i32>} : memref<200x128xf32, #tpu.memory_space<vmem>>, vector<1x16xf32>,
        %mul3A_679 = arith.constant 2 : i32
        %mul3A_680 = arith.muli %scan3A_524, %mul3A_679 : i32
        %add3A_681 = arith.constant 0 : i32
        %add3A_682 = arith.addi %mul3A_680, %add3A_681 : i32
        %get3A_683 = arith.index_cast %add3A_682 : i32 to index
        %get3A_684 = arith.constant 96 : index
        %get3A_685 = tpu.vector_load %arg8[%get3A_683, %get3A_684] {strides = array<i32>} : memref<200x128xf32, #tpu.memory_space<vmem>>, vector<1x16xf32>,
        %get3A_686 = vector.shape_cast %get3A_685 : vector<1x16xf32> to vector<16xf32>
        %mul3A_687 = arith.constant 2 : i32
        %mul3A_688 = arith.muli %scan3A_524, %mul3A_687 : i32
        %add3A_689 = arith.constant 0 : i32
        %add3A_690 = arith.addi %mul3A_688, %add3A_689 : i32
        %get3A_691 = arith.index_cast %add3A_690 : i32 to index
        %get3A_692 = arith.constant 96 : index
        %get3A_693 = tpu.vector_load %arg10[%get3A_691, %get3A_692] {strides = array<i32>} : memref<200x128xf32, #tpu.memory_space<vmem>>, vector<1x16xf32>,
        %get3A_694 = vector.shape_cast %get3A_693 : vector<1x16xf32> to vector<16xf32>
        %add3A_695 = arith.addf %get3A_686, %get3A_694 : vector<16xf32>
        %mul3A_696 = arith.constant 2 : i32
        %mul3A_697 = arith.muli %scan3A_524, %mul3A_696 : i32
        %add3A_698 = arith.constant 0 : i32
        %add3A_699 = arith.addi %mul3A_697, %add3A_698 : i32
        %swap3A_700 = arith.index_cast %add3A_699 : i32 to index
        %swap3A_701 = arith.constant 96 : index
        %swap3A_702 = tpu.vector_load %arg8[%swap3A_700, %swap3A_701] {strides = array<i32>} : memref<200x128xf32, #tpu.memory_space<vmem>>, vector<1x16xf32>,
        %swap3A_703 = vector.shape_cast %swap3A_702 : vector<1x16xf32> to vector<16xf32>
        %swap3A_704 = vector.shape_cast %add3A_695 : vector<16xf32> to vector<1x16xf32>
        tpu.vector_store %arg8[%swap3A_700, %swap3A_701], %swap3A_704 {strides = array<i32>} : memref<200x128xf32, #tpu.memory_space<vmem>>, vector<1x16xf32>,
        %mul3A_705 = arith.constant 2 : i32
        %mul3A_706 = arith.muli %scan3A_524, %mul3A_705 : i32
        %add3A_707 = arith.constant 0 : i32
        %add3A_708 = arith.addi %mul3A_706, %add3A_707 : i32
        %get3A_709 = arith.index_cast %add3A_708 : i32 to index
        %get3A_710 = arith.constant 112 : index
        %get3A_711 = tpu.vector_load %arg8[%get3A_709, %get3A_710] {strides = array<i32>} : memref<200x128xf32, #tpu.memory_space<vmem>>, vector<1x16xf32>,
        %get3A_712 = vector.shape_cast %get3A_711 : vector<1x16xf32> to vector<16xf32>
        %mul3A_713 = arith.constant 2 : i32
        %mul3A_714 = arith.muli %scan3A_524, %mul3A_713 : i32
        %add3A_715 = arith.constant 0 : i32
        %add3A_716 = arith.addi %mul3A_714, %add3A_715 : i32
        %get3A_717 = arith.index_cast %add3A_716 : i32 to index
        %get3A_718 = arith.constant 112 : index
        %get3A_719 = tpu.vector_load %arg10[%get3A_717, %get3A_718] {strides = array<i32>} : memref<200x128xf32, #tpu.memory_space<vmem>>, vector<1x16xf32>,
        %get3A_720 = vector.shape_cast %get3A_719 : vector<1x16xf32> to vector<16xf32>
        %add3A_721 = arith.addf %get3A_712, %get3A_720 : vector<16xf32>
        %mul3A_722 = arith.constant 2 : i32
        %mul3A_723 = arith.muli %scan3A_524, %mul3A_722 : i32
        %add3A_724 = arith.constant 0 : i32
        %add3A_725 = arith.addi %mul3A_723, %add3A_724 : i32
        %swap3A_726 = arith.index_cast %add3A_725 : i32 to index
        %swap3A_727 = arith.constant 112 : index
        %swap3A_728 = tpu.vector_load %arg8[%swap3A_726, %swap3A_727] {strides = array<i32>} : memref<200x128xf32, #tpu.memory_space<vmem>>, vector<1x16xf32>,
        %swap3A_729 = vector.shape_cast %swap3A_728 : vector<1x16xf32> to vector<16xf32>
        %swap3A_730 = vector.shape_cast %add3A_721 : vector<16xf32> to vector<1x16xf32>
        tpu.vector_store %arg8[%swap3A_726, %swap3A_727], %swap3A_730 {strides = array<i32>} : memref<200x128xf32, #tpu.memory_space<vmem>>, vector<1x16xf32>,
        %mul3A_731 = arith.constant 2 : i32
        %mul3A_732 = arith.muli %scan3A_524, %mul3A_731 : i32
        %add3A_733 = arith.constant 1 : i32
        %add3A_734 = arith.addi %mul3A_732, %add3A_733 : i32
        %get3A_735 = arith.index_cast %add3A_734 : i32 to index
        %get3A_736 = arith.constant 0 : index
        %get3A_737 = tpu.vector_load %arg8[%get3A_735, %get3A_736] {strides = array<i32>} : memref<200x128xf32, #tpu.memory_space<vmem>>, vector<1x16xf32>,
        %get3A_738 = vector.shape_cast %get3A_737 : vector<1x16xf32> to vector<16xf32>
        %mul3A_739 = arith.constant 2 : i32
        %mul3A_740 = arith.muli %scan3A_524, %mul3A_739 : i32
        %add3A_741 = arith.constant 1 : i32
        %add3A_742 = arith.addi %mul3A_740, %add3A_741 : i32
        %get3A_743 = arith.index_cast %add3A_742 : i32 to index
        %get3A_744 = arith.constant 0 : index
        %get3A_745 = tpu.vector_load %arg10[%get3A_743, %get3A_744] {strides = array<i32>} : memref<200x128xf32, #tpu.memory_space<vmem>>, vector<1x16xf32>,
        %get3A_746 = vector.shape_cast %get3A_745 : vector<1x16xf32> to vector<16xf32>
        %add3A_747 = arith.addf %get3A_738, %get3A_746 : vector<16xf32>
        %mul3A_748 = arith.constant 2 : i32
        %mul3A_749 = arith.muli %scan3A_524, %mul3A_748 : i32
        %add3A_750 = arith.constant 1 : i32
        %add3A_751 = arith.addi %mul3A_749, %add3A_750 : i32
        %swap3A_752 = arith.index_cast %add3A_751 : i32 to index
        %swap3A_753 = arith.constant 0 : index
        %swap3A_754 = tpu.vector_load %arg8[%swap3A_752, %swap3A_753] {strides = array<i32>} : memref<200x128xf32, #tpu.memory_space<vmem>>, vector<1x16xf32>,
        %swap3A_755 = vector.shape_cast %swap3A_754 : vector<1x16xf32> to vector<16xf32>
        %swap3A_756 = vector.shape_cast %add3A_747 : vector<16xf32> to vector<1x16xf32>
        tpu.vector_store %arg8[%swap3A_752, %swap3A_753], %swap3A_756 {strides = array<i32>} : memref<200x128xf32, #tpu.memory_space<vmem>>, vector<1x16xf32>,
        %mul3A_757 = arith.constant 2 : i32
        %mul3A_758 = arith.muli %scan3A_524, %mul3A_757 : i32
        %add3A_759 = arith.constant 1 : i32
        %add3A_760 = arith.addi %mul3A_758, %add3A_759 : i32
        %get3A_761 = arith.index_cast %add3A_760 : i32 to index
        %get3A_762 = arith.constant 16 : index
        %get3A_763 = tpu.vector_load %arg8[%get3A_761, %get3A_762] {strides = array<i32>} : memref<200x128xf32, #tpu.memory_space<vmem>>, vector<1x16xf32>,
        %get3A_764 = vector.shape_cast %get3A_763 : vector<1x16xf32> to vector<16xf32>
        %mul3A_765 = arith.constant 2 : i32
        %mul3A_766 = arith.muli %scan3A_524, %mul3A_765 : i32
        %add3A_767 = arith.constant 1 : i32
        %add3A_768 = arith.addi %mul3A_766, %add3A_767 : i32
        %get3A_769 = arith.index_cast %add3A_768 : i32 to index
        %get3A_770 = arith.constant 16 : index
        %get3A_771 = tpu.vector_load %arg10[%get3A_769, %get3A_770] {strides = array<i32>} : memref<200x128xf32, #tpu.memory_space<vmem>>, vector<1x16xf32>,
        %get3A_772 = vector.shape_cast %get3A_771 : vector<1x16xf32> to vector<16xf32>
        %add3A_773 = arith.addf %get3A_764, %get3A_772 : vector<16xf32>
        %mul3A_774 = arith.constant 2 : i32
        %mul3A_775 = arith.muli %scan3A_524, %mul3A_774 : i32
        %add3A_776 = arith.constant 1 : i32
        %add3A_777 = arith.addi %mul3A_775, %add3A_776 : i32
        %swap3A_778 = arith.index_cast %add3A_777 : i32 to index
        %swap3A_779 = arith.constant 16 : index
        %swap3A_780 = tpu.vector_load %arg8[%swap3A_778, %swap3A_779] {strides = array<i32>} : memref<200x128xf32, #tpu.memory_space<vmem>>, vector<1x16xf32>,
        %swap3A_781 = vector.shape_cast %swap3A_780 : vector<1x16xf32> to vector<16xf32>
        %swap3A_782 = vector.shape_cast %add3A_773 : vector<16xf32> to vector<1x16xf32>
        tpu.vector_store %arg8[%swap3A_778, %swap3A_779], %swap3A_782 {strides = array<i32>} : memref<200x128xf32, #tpu.memory_space<vmem>>, vector<1x16xf32>,
        %mul3A_783 = arith.constant 2 : i32
        %mul3A_784 = arith.muli %scan3A_524, %mul3A_783 : i32
        %add3A_785 = arith.constant 1 : i32
        %add3A_786 = arith.addi %mul3A_784, %add3A_785 : i32
        %get3A_787 = arith.index_cast %add3A_786 : i32 to index
        %get3A_788 = arith.constant 32 : index
        %get3A_789 = tpu.vector_load %arg8[%get3A_787, %get3A_788] {strides = array<i32>} : memref<200x128xf32, #tpu.memory_space<vmem>>, vector<1x16xf32>,
        %get3A_790 = vector.shape_cast %get3A_789 : vector<1x16xf32> to vector<16xf32>
        %mul3A_791 = arith.constant 2 : i32
        %mul3A_792 = arith.muli %scan3A_524, %mul3A_791 : i32
        %add3A_793 = arith.constant 1 : i32
        %add3A_794 = arith.addi %mul3A_792, %add3A_793 : i32
        %get3A_795 = arith.index_cast %add3A_794 : i32 to index
        %get3A_796 = arith.constant 32 : index
        %get3A_797 = tpu.vector_load %arg10[%get3A_795, %get3A_796] {strides = array<i32>} : memref<200x128xf32, #tpu.memory_space<vmem>>, vector<1x16xf32>,
        %get3A_798 = vector.shape_cast %get3A_797 : vector<1x16xf32> to vector<16xf32>
        %add3A_799 = arith.addf %get3A_790, %get3A_798 : vector<16xf32>
        %mul3A_800 = arith.constant 2 : i32
        %mul3A_801 = arith.muli %scan3A_524, %mul3A_800 : i32
        %add3A_802 = arith.constant 1 : i32
        %add3A_803 = arith.addi %mul3A_801, %add3A_802 : i32
        %swap3A_804 = arith.index_cast %add3A_803 : i32 to index
        %swap3A_805 = arith.constant 32 : index
        %swap3A_806 = tpu.vector_load %arg8[%swap3A_804, %swap3A_805] {strides = array<i32>} : memref<200x128xf32, #tpu.memory_space<vmem>>, vector<1x16xf32>,
        %swap3A_807 = vector.shape_cast %swap3A_806 : vector<1x16xf32> to vector<16xf32>
        %swap3A_808 = vector.shape_cast %add3A_799 : vector<16xf32> to vector<1x16xf32>
        tpu.vector_store %arg8[%swap3A_804, %swap3A_805], %swap3A_808 {strides = array<i32>} : memref<200x128xf32, #tpu.memory_space<vmem>>, vector<1x16xf32>,
        %mul3A_809 = arith.constant 2 : i32
        %mul3A_810 = arith.muli %scan3A_524, %mul3A_809 : i32
        %add3A_811 = arith.constant 1 : i32
        %add3A_812 = arith.addi %mul3A_810, %add3A_811 : i32
        %get3A_813 = arith.index_cast %add3A_812 : i32 to index
        %get3A_814 = arith.constant 48 : index
        %get3A_815 = tpu.vector_load %arg8[%get3A_813, %get3A_814] {strides = array<i32>} : memref<200x128xf32, #tpu.memory_space<vmem>>, vector<1x16xf32>,
        %get3A_816 = vector.shape_cast %get3A_815 : vector<1x16xf32> to vector<16xf32>
        %mul3A_817 = arith.constant 2 : i32
        %mul3A_818 = arith.muli %scan3A_524, %mul3A_817 : i32
        %add3A_819 = arith.constant 1 : i32
        %add3A_820 = arith.addi %mul3A_818, %add3A_819 : i32
        %get3A_821 = arith.index_cast %add3A_820 : i32 to index
        %get3A_822 = arith.constant 48 : index
        %get3A_823 = tpu.vector_load %arg10[%get3A_821, %get3A_822] {strides = array<i32>} : memref<200x128xf32, #tpu.memory_space<vmem>>, vector<1x16xf32>,
        %get3A_824 = vector.shape_cast %get3A_823 : vector<1x16xf32> to vector<16xf32>
        %add3A_825 = arith.addf %get3A_816, %get3A_824 : vector<16xf32>
        %mul3A_826 = arith.constant 2 : i32
        %mul3A_827 = arith.muli %scan3A_524, %mul3A_826 : i32
        %add3A_828 = arith.constant 1 : i32
        %add3A_829 = arith.addi %mul3A_827, %add3A_828 : i32
        %swap3A_830 = arith.index_cast %add3A_829 : i32 to index
        %swap3A_831 = arith.constant 48 : index
        %swap3A_832 = tpu.vector_load %arg8[%swap3A_830, %swap3A_831] {strides = array<i32>} : memref<200x128xf32, #tpu.memory_space<vmem>>, vector<1x16xf32>,
        %swap3A_833 = vector.shape_cast %swap3A_832 : vector<1x16xf32> to vector<16xf32>
        %swap3A_834 = vector.shape_cast %add3A_825 : vector<16xf32> to vector<1x16xf32>
        tpu.vector_store %arg8[%swap3A_830, %swap3A_831], %swap3A_834 {strides = array<i32>} : memref<200x128xf32, #tpu.memory_space<vmem>>, vector<1x16xf32>,
        %mul3A_835 = arith.constant 2 : i32
        %mul3A_836 = arith.muli %scan3A_524, %mul3A_835 : i32
        %add3A_837 = arith.constant 1 : i32
        %add3A_838 = arith.addi %mul3A_836, %add3A_837 : i32
        %get3A_839 = arith.index_cast %add3A_838 : i32 to index
        %get3A_840 = arith.constant 64 : index
        %get3A_841 = tpu.vector_load %arg8[%get3A_839, %get3A_840] {strides = array<i32>} : memref<200x128xf32, #tpu.memory_space<vmem>>, vector<1x16xf32>,
        %get3A_842 = vector.shape_cast %get3A_841 : vector<1x16xf32> to vector<16xf32>
        %mul3A_843 = arith.constant 2 : i32
        %mul3A_844 = arith.muli %scan3A_524, %mul3A_843 : i32
        %add3A_845 = arith.constant 1 : i32
        %add3A_846 = arith.addi %mul3A_844, %add3A_845 : i32
        %get3A_847 = arith.index_cast %add3A_846 : i32 to index
        %get3A_848 = arith.constant 64 : index
        %get3A_849 = tpu.vector_load %arg10[%get3A_847, %get3A_848] {strides = array<i32>} : memref<200x128xf32, #tpu.memory_space<vmem>>, vector<1x16xf32>,
        %get3A_850 = vector.shape_cast %get3A_849 : vector<1x16xf32> to vector<16xf32>
        %add3A_851 = arith.addf %get3A_842, %get3A_850 : vector<16xf32>
        %mul3A_852 = arith.constant 2 : i32
        %mul3A_853 = arith.muli %scan3A_524, %mul3A_852 : i32
        %add3A_854 = arith.constant 1 : i32
        %add3A_855 = arith.addi %mul3A_853, %add3A_854 : i32
        %swap3A_856 = arith.index_cast %add3A_855 : i32 to index
        %swap3A_857 = arith.constant 64 : index
        %swap3A_858 = tpu.vector_load %arg8[%swap3A_856, %swap3A_857] {strides = array<i32>} : memref<200x128xf32, #tpu.memory_space<vmem>>, vector<1x16xf32>,
        %swap3A_859 = vector.shape_cast %swap3A_858 : vector<1x16xf32> to vector<16xf32>
        %swap3A_860 = vector.shape_cast %add3A_851 : vector<16xf32> to vector<1x16xf32>
        tpu.vector_store %arg8[%swap3A_856, %swap3A_857], %swap3A_860 {strides = array<i32>} : memref<200x128xf32, #tpu.memory_space<vmem>>, vector<1x16xf32>,
        %mul3A_861 = arith.constant 2 : i32
        %mul3A_862 = arith.muli %scan3A_524, %mul3A_861 : i32
        %add3A_863 = arith.constant 1 : i32
        %add3A_864 = arith.addi %mul3A_862, %add3A_863 : i32
        %get3A_865 = arith.index_cast %add3A_864 : i32 to index
        %get3A_866 = arith.constant 80 : index
        %get3A_867 = tpu.vector_load %arg8[%get3A_865, %get3A_866] {strides = array<i32>} : memref<200x128xf32, #tpu.memory_space<vmem>>, vector<1x16xf32>,
        %get3A_868 = vector.shape_cast %get3A_867 : vector<1x16xf32> to vector<16xf32>
        %mul3A_869 = arith.constant 2 : i32
        %mul3A_870 = arith.muli %scan3A_524, %mul3A_869 : i32
        %add3A_871 = arith.constant 1 : i32
        %add3A_872 = arith.addi %mul3A_870, %add3A_871 : i32
        %get3A_873 = arith.index_cast %add3A_872 : i32 to index
        %get3A_874 = arith.constant 80 : index
        %get3A_875 = tpu.vector_load %arg10[%get3A_873, %get3A_874] {strides = array<i32>} : memref<200x128xf32, #tpu.memory_space<vmem>>, vector<1x16xf32>,
        %get3A_876 = vector.shape_cast %get3A_875 : vector<1x16xf32> to vector<16xf32>
        %add3A_877 = arith.addf %get3A_868, %get3A_876 : vector<16xf32>
        %mul3A_878 = arith.constant 2 : i32
        %mul3A_879 = arith.muli %scan3A_524, %mul3A_878 : i32
        %add3A_880 = arith.constant 1 : i32
        %add3A_881 = arith.addi %mul3A_879, %add3A_880 : i32
        %swap3A_882 = arith.index_cast %add3A_881 : i32 to index
        %swap3A_883 = arith.constant 80 : index
        %swap3A_884 = tpu.vector_load %arg8[%swap3A_882, %swap3A_883] {strides = array<i32>} : memref<200x128xf32, #tpu.memory_space<vmem>>, vector<1x16xf32>,
        %swap3A_885 = vector.shape_cast %swap3A_884 : vector<1x16xf32> to vector<16xf32>
        %swap3A_886 = vector.shape_cast %add3A_877 : vector<16xf32> to vector<1x16xf32>
        tpu.vector_store %arg8[%swap3A_882, %swap3A_883], %swap3A_886 {strides = array<i32>} : memref<200x128xf32, #tpu.memory_space<vmem>>, vector<1x16xf32>,
        %mul3A_887 = arith.constant 2 : i32
        %mul3A_888 = arith.muli %scan3A_524, %mul3A_887 : i32
        %add3A_889 = arith.constant 1 : i32
        %add3A_890 = arith.addi %mul3A_888, %add3A_889 : i32
        %get3A_891 = arith.index_cast %add3A_890 : i32 to index
        %get3A_892 = arith.constant 96 : index
        %get3A_893 = tpu.vector_load %arg8[%get3A_891, %get3A_892] {strides = array<i32>} : memref<200x128xf32, #tpu.memory_space<vmem>>, vector<1x16xf32>,
        %get3A_894 = vector.shape_cast %get3A_893 : vector<1x16xf32> to vector<16xf32>
        %mul3A_895 = arith.constant 2 : i32
        %mul3A_896 = arith.muli %scan3A_524, %mul3A_895 : i32
        %add3A_897 = arith.constant 1 : i32
        %add3A_898 = arith.addi %mul3A_896, %add3A_897 : i32
        %get3A_899 = arith.index_cast %add3A_898 : i32 to index
        %get3A_900 = arith.constant 96 : index
        %get3A_901 = tpu.vector_load %arg10[%get3A_899, %get3A_900] {strides = array<i32>} : memref<200x128xf32, #tpu.memory_space<vmem>>, vector<1x16xf32>,
        %get3A_902 = vector.shape_cast %get3A_901 : vector<1x16xf32> to vector<16xf32>
        %add3A_903 = arith.addf %get3A_894, %get3A_902 : vector<16xf32>
        %mul3A_904 = arith.constant 2 : i32
        %mul3A_905 = arith.muli %scan3A_524, %mul3A_904 : i32
        %add3A_906 = arith.constant 1 : i32
        %add3A_907 = arith.addi %mul3A_905, %add3A_906 : i32
        %swap3A_908 = arith.index_cast %add3A_907 : i32 to index
        %swap3A_909 = arith.constant 96 : index
        %swap3A_910 = tpu.vector_load %arg8[%swap3A_908, %swap3A_909] {strides = array<i32>} : memref<200x128xf32, #tpu.memory_space<vmem>>, vector<1x16xf32>,
        %swap3A_911 = vector.shape_cast %swap3A_910 : vector<1x16xf32> to vector<16xf32>
        %swap3A_912 = vector.shape_cast %add3A_903 : vector<16xf32> to vector<1x16xf32>
        tpu.vector_store %arg8[%swap3A_908, %swap3A_909], %swap3A_912 {strides = array<i32>} : memref<200x128xf32, #tpu.memory_space<vmem>>, vector<1x16xf32>,
        %mul3A_913 = arith.constant 2 : i32
        %mul3A_914 = arith.muli %scan3A_524, %mul3A_913 : i32
        %add3A_915 = arith.constant 1 : i32
        %add3A_916 = arith.addi %mul3A_914, %add3A_915 : i32
        %get3A_917 = arith.index_cast %add3A_916 : i32 to index
        %get3A_918 = arith.constant 112 : index
        %get3A_919 = tpu.vector_load %arg8[%get3A_917, %get3A_918] {strides = array<i32>} : memref<200x128xf32, #tpu.memory_space<vmem>>, vector<1x16xf32>,
        %get3A_920 = vector.shape_cast %get3A_919 : vector<1x16xf32> to vector<16xf32>
        %mul3A_921 = arith.constant 2 : i32
        %mul3A_922 = arith.muli %scan3A_524, %mul3A_921 : i32
        %add3A_923 = arith.constant 1 : i32
        %add3A_924 = arith.addi %mul3A_922, %add3A_923 : i32
        %get3A_925 = arith.index_cast %add3A_924 : i32 to index
        %get3A_926 = arith.constant 112 : index
        %get3A_927 = tpu.vector_load %arg10[%get3A_925, %get3A_926] {strides = array<i32>} : memref<200x128xf32, #tpu.memory_space<vmem>>, vector<1x16xf32>,
        %get3A_928 = vector.shape_cast %get3A_927 : vector<1x16xf32> to vector<16xf32>
        %add3A_929 = arith.addf %get3A_920, %get3A_928 : vector<16xf32>
        %mul3A_930 = arith.constant 2 : i32
        %mul3A_931 = arith.muli %scan3A_524, %mul3A_930 : i32
        %add3A_932 = arith.constant 1 : i32
        %add3A_933 = arith.addi %mul3A_931, %add3A_932 : i32
        %swap3A_934 = arith.index_cast %add3A_933 : i32 to index
        %swap3A_935 = arith.constant 112 : index
        %swap3A_936 = tpu.vector_load %arg8[%swap3A_934, %swap3A_935] {strides = array<i32>} : memref<200x128xf32, #tpu.memory_space<vmem>>, vector<1x16xf32>,
        %swap3A_937 = vector.shape_cast %swap3A_936 : vector<1x16xf32> to vector<16xf32>
        %swap3A_938 = vector.shape_cast %add3A_929 : vector<16xf32> to vector<1x16xf32>
        tpu.vector_store %arg8[%swap3A_934, %swap3A_935], %swap3A_938 {strides = array<i32>} : memref<200x128xf32, #tpu.memory_space<vmem>>, vector<1x16xf32>,
      }
      %scan3A_463 = arith.constant 100 : i32
      %mul3A_464 = arith.constant 200 : i32
      %mul3A_465 = arith.muli %add3A_425, %mul3A_464 : i32
      %add3A_466 = arith.addi %mul3A_2, %mul3A_465 : i32
      %dma_start3A_467 = arith.constant 1 : i32
      %dma_start3A_468 = arith.constant 0 : i32
      %dma_start3A_469 = tpu.memref_slice %arg5[%add3A_466, %dma_start3A_468] : memref<819200x128xf32, #tpu.memory_space<hbm>> -> memref<200x128xf32, #tpu.memory_space<hbm>>
      %dma_start3A_470 = tpu.memref_slice %arg12[%dma_start3A_467] : memref<3x!tpu.dma_semaphore, #tpu.memory_space<semaphore_mem>> -> memref<1x!tpu.dma_semaphore, #tpu.memory_space<semaphore_mem>>
      %dma_start3A_471 = tpu.memref_squeeze %dma_start3A_470 : memref<1x!tpu.dma_semaphore, #tpu.memory_space<semaphore_mem>> -> memref<!tpu.dma_semaphore, #tpu.memory_space<semaphore_mem>>
      %dma_start3A_472 = arith.constant 0 : i32
      %dma_start3A_473 = tpu.memref_slice %arg5[%add3A_466, %dma_start3A_472] : memref<819200x128xf32, #tpu.memory_space<hbm>> -> memref<200x128xf32, #tpu.memory_space<hbm>>
      tpu.enqueue_dma source(%arg8 : memref<200x128xf32, #tpu.memory_space<vmem>>) target(%dma_start3A_473 : memref<200x128xf32, #tpu.memory_space<hbm>>) target_semaphore(%dma_start3A_471 : memref<!tpu.dma_semaphore, #tpu.memory_space<semaphore_mem>>)
      %add3A_474 = arith.constant 2 : i32
      %add3A_475 = arith.addi %add3A_374, %add3A_474 : i32
      %sub3A_476 = arith.constant 2 : i32
      %sub3A_477 = arith.subi %add3A_475, %sub3A_476 : i32
      %mul3A_478 = arith.constant 200 : i32
      %mul3A_479 = arith.muli %sub3A_477, %mul3A_478 : i32
      %add3A_480 = arith.addi %mul3A_2, %mul3A_479 : i32
      %dma_wait3A_481 = arith.constant 0 : i32
      %dma_wait3A_482 = arith.constant 0 : i32
      %dma_wait3A_483 = tpu.memref_slice %arg5[%add3A_480, %dma_wait3A_482] : memref<819200x128xf32, #tpu.memory_space<hbm>> -> memref<200x128xf32, #tpu.memory_space<hbm>>
      %dma_wait3A_484 = tpu.memref_slice %arg12[%dma_wait3A_481] : memref<3x!tpu.dma_semaphore, #tpu.memory_space<semaphore_mem>> -> memref<1x!tpu.dma_semaphore, #tpu.memory_space<semaphore_mem>>
      %dma_wait3A_485 = tpu.memref_squeeze %dma_wait3A_484 : memref<1x!tpu.dma_semaphore, #tpu.memory_space<semaphore_mem>> -> memref<!tpu.dma_semaphore, #tpu.memory_space<semaphore_mem>>
      %dma_wait3A_486 = arith.constant 0 : i32
      %dma_wait3A_487 = tpu.memref_slice %arg5[%add3A_480, %dma_wait3A_486] : memref<819200x128xf32, #tpu.memory_space<hbm>> -> memref<200x128xf32, #tpu.memory_space<hbm>>
      tpu.wait_dma2 semaphore(%dma_wait3A_485 : memref<!tpu.dma_semaphore, #tpu.memory_space<semaphore_mem>>) src(%arg7 : memref<200x128xf32, #tpu.memory_space<vmem>>) dst(%dma_wait3A_487 : memref<200x128xf32, #tpu.memory_space<hbm>>)
      %add3A_488 = arith.constant 1 : i32
      %add3A_489 = arith.addi %add3A_475, %add3A_488 : i32
      %mul3A_490 = arith.constant 200 : i32
      %mul3A_491 = arith.muli %add3A_489, %mul3A_490 : i32
      %dma_start3A_492 = arith.constant 0 : i32
      %dma_start3A_493 = tpu.memref_slice %arg6[%mul3A_491] : memref<25600xi32, #tpu.memory_space<vmem>> -> memref<200xi32, #tpu.memory_space<vmem>>
      %dma_start3A_494 = arith.constant 0 : i32
      %dma_start3A_495 = arith.constant 0 : i32
      %dma_start3A_496 = tpu.memref_slice %arg3[%dma_start3A_494, %dma_start3A_495] : memref<1000000x128xf32, #tpu.memory_space<hbm>> -> memref<1000000x128xf32, #tpu.memory_space<hbm>>
      %dma_start3A_497 = tpu.memref_slice %arg11[%dma_start3A_492] : memref<3x!tpu.dma_semaphore, #tpu.memory_space<semaphore_mem>> -> memref<1x!tpu.dma_semaphore, #tpu.memory_space<semaphore_mem>>
      %dma_start3A_498 = tpu.memref_squeeze %dma_start3A_497 : memref<1x!tpu.dma_semaphore, #tpu.memory_space<semaphore_mem>> -> memref<!tpu.dma_semaphore, #tpu.memory_space<semaphore_mem>>
      tpu.enqueue_indirect_dma source(%dma_start3A_496 : memref<1000000x128xf32, #tpu.memory_space<hbm>>) target(%arg7 : memref<200x128xf32, #tpu.memory_space<vmem>>) offsets(%dma_start3A_493 : memref<200xi32, #tpu.memory_space<vmem>>) semaphore(%dma_start3A_498 : memref<!tpu.dma_semaphore, #tpu.memory_space<semaphore_mem>>)
      %mul3A_499 = arith.constant 200 : i32
      %mul3A_500 = arith.muli %add3A_475, %mul3A_499 : i32
      %dma_wait3A_501 = arith.constant 2 : i32
      %dma_wait3A_502 = tpu.memref_slice %arg6[%mul3A_500] : memref<25600xi32, #tpu.memory_space<vmem>> -> memref<200xi32, #tpu.memory_space<vmem>>
      %dma_wait3A_503 = arith.constant 0 : i32
      %dma_wait3A_504 = arith.constant 0 : i32
      %dma_wait3A_505 = tpu.memref_slice %arg3[%dma_wait3A_503, %dma_wait3A_504] : memref<1000000x128xf32, #tpu.memory_space<hbm>> -> memref<1000000x128xf32, #tpu.memory_space<hbm>>
      %dma_wait3A_506 = tpu.memref_slice %arg11[%dma_wait3A_501] : memref<3x!tpu.dma_semaphore, #tpu.memory_space<semaphore_mem>> -> memref<1x!tpu.dma_semaphore, #tpu.memory_space<semaphore_mem>>
      %dma_wait3A_507 = tpu.memref_squeeze %dma_wait3A_506 : memref<1x!tpu.dma_semaphore, #tpu.memory_space<semaphore_mem>> -> memref<!tpu.dma_semaphore, #tpu.memory_space<semaphore_mem>>
      tpu.wait_indirect_dma semaphore(%dma_wait3A_507 : memref<!tpu.dma_semaphore, #tpu.memory_space<semaphore_mem>>) src(%dma_wait3A_505 : memref<1000000x128xf32, #tpu.memory_space<hbm>>) dst(%arg9 : memref<200x128xf32, #tpu.memory_space<vmem>>)
      %scan3A_508 = arith.constant 0 : i32
      %scan3A_509 = arith.constant 0 : i32
      %scan3A_510 = arith.constant 100 : i32
      %scan3A_511 = arith.addi %scan3A_509, %scan3A_510 : i32
      %scan3A_512 = arith.constant 1 : i32
      scf.for %scan3A_524 = %scan3A_509 to %scan3A_511 step %scan3A_512  : i32 {
        %mul3A_525 = arith.constant 2 : i32
        %mul3A_526 = arith.muli %scan3A_524, %mul3A_525 : i32
        %add3A_527 = arith.constant 0 : i32
        %add3A_528 = arith.addi %mul3A_526, %add3A_527 : i32
        %get3A = arith.index_cast %add3A_528 : i32 to index
        %get3A_529 = arith.constant 0 : index
        %get3A_530 = tpu.vector_load %arg9[%get3A, %get3A_529] {strides = array<i32>} : memref<200x128xf32, #tpu.memory_space<vmem>>, vector<1x16xf32>,
        %get3A_531 = vector.shape_cast %get3A_530 : vector<1x16xf32> to vector<16xf32>
        %mul3A_532 = arith.constant 2 : i32
        %mul3A_533 = arith.muli %scan3A_524, %mul3A_532 : i32
        %add3A_534 = arith.constant 0 : i32
        %add3A_535 = arith.addi %mul3A_533, %add3A_534 : i32
        %get3A_536 = arith.index_cast %add3A_535 : i32 to index
        %get3A_537 = arith.constant 0 : index
        %get3A_538 = tpu.vector_load %arg10[%get3A_536, %get3A_537] {strides = array<i32>} : memref<200x128xf32, #tpu.memory_space<vmem>>, vector<1x16xf32>,
        %get3A_539 = vector.shape_cast %get3A_538 : vector<1x16xf32> to vector<16xf32>
        %add3A_540 = arith.addf %get3A_531, %get3A_539 : vector<16xf32>
        %mul3A_541 = arith.constant 2 : i32
        %mul3A_542 = arith.muli %scan3A_524, %mul3A_541 : i32
        %add3A_543 = arith.constant 0 : i32
        %add3A_544 = arith.addi %mul3A_542, %add3A_543 : i32
        %swap3A = arith.index_cast %add3A_544 : i32 to index
        %swap3A_545 = arith.constant 0 : index
        %swap3A_546 = tpu.vector_load %arg9[%swap3A, %swap3A_545] {strides = array<i32>} : memref<200x128xf32, #tpu.memory_space<vmem>>, vector<1x16xf32>,
        %swap3A_547 = vector.shape_cast %swap3A_546 : vector<1x16xf32> to vector<16xf32>
        %swap3A_548 = vector.shape_cast %add3A_540 : vector<16xf32> to vector<1x16xf32>
        tpu.vector_store %arg9[%swap3A, %swap3A_545], %swap3A_548 {strides = array<i32>} : memref<200x128xf32, #tpu.memory_space<vmem>>, vector<1x16xf32>,
        %mul3A_549 = arith.constant 2 : i32
        %mul3A_550 = arith.muli %scan3A_524, %mul3A_549 : i32
        %add3A_551 = arith.constant 0 : i32
        %add3A_552 = arith.addi %mul3A_550, %add3A_551 : i32
        %get3A_553 = arith.index_cast %add3A_552 : i32 to index
        %get3A_554 = arith.constant 16 : index
        %get3A_555 = tpu.vector_load %arg9[%get3A_553, %get3A_554] {strides = array<i32>} : memref<200x128xf32, #tpu.memory_space<vmem>>, vector<1x16xf32>,
        %get3A_556 = vector.shape_cast %get3A_555 : vector<1x16xf32> to vector<16xf32>
        %mul3A_557 = arith.constant 2 : i32
        %mul3A_558 = arith.muli %scan3A_524, %mul3A_557 : i32
        %add3A_559 = arith.constant 0 : i32
        %add3A_560 = arith.addi %mul3A_558, %add3A_559 : i32
        %get3A_561 = arith.index_cast %add3A_560 : i32 to index
        %get3A_562 = arith.constant 16 : index
        %get3A_563 = tpu.vector_load %arg10[%get3A_561, %get3A_562] {strides = array<i32>} : memref<200x128xf32, #tpu.memory_space<vmem>>, vector<1x16xf32>,
        %get3A_564 = vector.shape_cast %get3A_563 : vector<1x16xf32> to vector<16xf32>
        %add3A_565 = arith.addf %get3A_556, %get3A_564 : vector<16xf32>
        %mul3A_566 = arith.constant 2 : i32
        %mul3A_567 = arith.muli %scan3A_524, %mul3A_566 : i32
        %add3A_568 = arith.constant 0 : i32
        %add3A_569 = arith.addi %mul3A_567, %add3A_568 : i32
        %swap3A_570 = arith.index_cast %add3A_569 : i32 to index
        %swap3A_571 = arith.constant 16 : index
        %swap3A_572 = tpu.vector_load %arg9[%swap3A_570, %swap3A_571] {strides = array<i32>} : memref<200x128xf32, #tpu.memory_space<vmem>>, vector<1x16xf32>,
        %swap3A_573 = vector.shape_cast %swap3A_572 : vector<1x16xf32> to vector<16xf32>
        %swap3A_574 = vector.shape_cast %add3A_565 : vector<16xf32> to vector<1x16xf32>
        tpu.vector_store %arg9[%swap3A_570, %swap3A_571], %swap3A_574 {strides = array<i32>} : memref<200x128xf32, #tpu.memory_space<vmem>>, vector<1x16xf32>,
        %mul3A_575 = arith.constant 2 : i32
        %mul3A_576 = arith.muli %scan3A_524, %mul3A_575 : i32
        %add3A_577 = arith.constant 0 : i32
        %add3A_578 = arith.addi %mul3A_576, %add3A_577 : i32
        %get3A_579 = arith.index_cast %add3A_578 : i32 to index
        %get3A_580 = arith.constant 32 : index
        %get3A_581 = tpu.vector_load %arg9[%get3A_579, %get3A_580] {strides = array<i32>} : memref<200x128xf32, #tpu.memory_space<vmem>>, vector<1x16xf32>,
        %get3A_582 = vector.shape_cast %get3A_581 : vector<1x16xf32> to vector<16xf32>
        %mul3A_583 = arith.constant 2 : i32
        %mul3A_584 = arith.muli %scan3A_524, %mul3A_583 : i32
        %add3A_585 = arith.constant 0 : i32
        %add3A_586 = arith.addi %mul3A_584, %add3A_585 : i32
        %get3A_587 = arith.index_cast %add3A_586 : i32 to index
        %get3A_588 = arith.constant 32 : index
        %get3A_589 = tpu.vector_load %arg10[%get3A_587, %get3A_588] {strides = array<i32>} : memref<200x128xf32, #tpu.memory_space<vmem>>, vector<1x16xf32>,
        %get3A_590 = vector.shape_cast %get3A_589 : vector<1x16xf32> to vector<16xf32>
        %add3A_591 = arith.addf %get3A_582, %get3A_590 : vector<16xf32>
        %mul3A_592 = arith.constant 2 : i32
        %mul3A_593 = arith.muli %scan3A_524, %mul3A_592 : i32
        %add3A_594 = arith.constant 0 : i32
        %add3A_595 = arith.addi %mul3A_593, %add3A_594 : i32
        %swap3A_596 = arith.index_cast %add3A_595 : i32 to index
        %swap3A_597 = arith.constant 32 : index
        %swap3A_598 = tpu.vector_load %arg9[%swap3A_596, %swap3A_597] {strides = array<i32>} : memref<200x128xf32, #tpu.memory_space<vmem>>, vector<1x16xf32>,
        %swap3A_599 = vector.shape_cast %swap3A_598 : vector<1x16xf32> to vector<16xf32>
        %swap3A_600 = vector.shape_cast %add3A_591 : vector<16xf32> to vector<1x16xf32>
        tpu.vector_store %arg9[%swap3A_596, %swap3A_597], %swap3A_600 {strides = array<i32>} : memref<200x128xf32, #tpu.memory_space<vmem>>, vector<1x16xf32>,
        %mul3A_601 = arith.constant 2 : i32
        %mul3A_602 = arith.muli %scan3A_524, %mul3A_601 : i32
        %add3A_603 = arith.constant 0 : i32
        %add3A_604 = arith.addi %mul3A_602, %add3A_603 : i32
        %get3A_605 = arith.index_cast %add3A_604 : i32 to index
        %get3A_606 = arith.constant 48 : index
        %get3A_607 = tpu.vector_load %arg9[%get3A_605, %get3A_606] {strides = array<i32>} : memref<200x128xf32, #tpu.memory_space<vmem>>, vector<1x16xf32>,
        %get3A_608 = vector.shape_cast %get3A_607 : vector<1x16xf32> to vector<16xf32>
        %mul3A_609 = arith.constant 2 : i32
        %mul3A_610 = arith.muli %scan3A_524, %mul3A_609 : i32
        %add3A_611 = arith.constant 0 : i32
        %add3A_612 = arith.addi %mul3A_610, %add3A_611 : i32
        %get3A_613 = arith.index_cast %add3A_612 : i32 to index
        %get3A_614 = arith.constant 48 : index
        %get3A_615 = tpu.vector_load %arg10[%get3A_613, %get3A_614] {strides = array<i32>} : memref<200x128xf32, #tpu.memory_space<vmem>>, vector<1x16xf32>,
        %get3A_616 = vector.shape_cast %get3A_615 : vector<1x16xf32> to vector<16xf32>
        %add3A_617 = arith.addf %get3A_608, %get3A_616 : vector<16xf32>
        %mul3A_618 = arith.constant 2 : i32
        %mul3A_619 = arith.muli %scan3A_524, %mul3A_618 : i32
        %add3A_620 = arith.constant 0 : i32
        %add3A_621 = arith.addi %mul3A_619, %add3A_620 : i32
        %swap3A_622 = arith.index_cast %add3A_621 : i32 to index
        %swap3A_623 = arith.constant 48 : index
        %swap3A_624 = tpu.vector_load %arg9[%swap3A_622, %swap3A_623] {strides = array<i32>} : memref<200x128xf32, #tpu.memory_space<vmem>>, vector<1x16xf32>,
        %swap3A_625 = vector.shape_cast %swap3A_624 : vector<1x16xf32> to vector<16xf32>
        %swap3A_626 = vector.shape_cast %add3A_617 : vector<16xf32> to vector<1x16xf32>
        tpu.vector_store %arg9[%swap3A_622, %swap3A_623], %swap3A_626 {strides = array<i32>} : memref<200x128xf32, #tpu.memory_space<vmem>>, vector<1x16xf32>,
        %mul3A_627 = arith.constant 2 : i32
        %mul3A_628 = arith.muli %scan3A_524, %mul3A_627 : i32
        %add3A_629 = arith.constant 0 : i32
        %add3A_630 = arith.addi %mul3A_628, %add3A_629 : i32
        %get3A_631 = arith.index_cast %add3A_630 : i32 to index
        %get3A_632 = arith.constant 64 : index
        %get3A_633 = tpu.vector_load %arg9[%get3A_631, %get3A_632] {strides = array<i32>} : memref<200x128xf32, #tpu.memory_space<vmem>>, vector<1x16xf32>,
        %get3A_634 = vector.shape_cast %get3A_633 : vector<1x16xf32> to vector<16xf32>
        %mul3A_635 = arith.constant 2 : i32
        %mul3A_636 = arith.muli %scan3A_524, %mul3A_635 : i32
        %add3A_637 = arith.constant 0 : i32
        %add3A_638 = arith.addi %mul3A_636, %add3A_637 : i32
        %get3A_639 = arith.index_cast %add3A_638 : i32 to index
        %get3A_640 = arith.constant 64 : index
        %get3A_641 = tpu.vector_load %arg10[%get3A_639, %get3A_640] {strides = array<i32>} : memref<200x128xf32, #tpu.memory_space<vmem>>, vector<1x16xf32>,
        %get3A_642 = vector.shape_cast %get3A_641 : vector<1x16xf32> to vector<16xf32>
        %add3A_643 = arith.addf %get3A_634, %get3A_642 : vector<16xf32>
        %mul3A_644 = arith.constant 2 : i32
        %mul3A_645 = arith.muli %scan3A_524, %mul3A_644 : i32
        %add3A_646 = arith.constant 0 : i32
        %add3A_647 = arith.addi %mul3A_645, %add3A_646 : i32
        %swap3A_648 = arith.index_cast %add3A_647 : i32 to index
        %swap3A_649 = arith.constant 64 : index
        %swap3A_650 = tpu.vector_load %arg9[%swap3A_648, %swap3A_649] {strides = array<i32>} : memref<200x128xf32, #tpu.memory_space<vmem>>, vector<1x16xf32>,
        %swap3A_651 = vector.shape_cast %swap3A_650 : vector<1x16xf32> to vector<16xf32>
        %swap3A_652 = vector.shape_cast %add3A_643 : vector<16xf32> to vector<1x16xf32>
        tpu.vector_store %arg9[%swap3A_648, %swap3A_649], %swap3A_652 {strides = array<i32>} : memref<200x128xf32, #tpu.memory_space<vmem>>, vector<1x16xf32>,
        %mul3A_653 = arith.constant 2 : i32
        %mul3A_654 = arith.muli %scan3A_524, %mul3A_653 : i32
        %add3A_655 = arith.constant 0 : i32
        %add3A_656 = arith.addi %mul3A_654, %add3A_655 : i32
        %get3A_657 = arith.index_cast %add3A_656 : i32 to index
        %get3A_658 = arith.constant 80 : index
        %get3A_659 = tpu.vector_load %arg9[%get3A_657, %get3A_658] {strides = array<i32>} : memref<200x128xf32, #tpu.memory_space<vmem>>, vector<1x16xf32>,
        %get3A_660 = vector.shape_cast %get3A_659 : vector<1x16xf32> to vector<16xf32>
        %mul3A_661 = arith.constant 2 : i32
        %mul3A_662 = arith.muli %scan3A_524, %mul3A_661 : i32
        %add3A_663 = arith.constant 0 : i32
        %add3A_664 = arith.addi %mul3A_662, %add3A_663 : i32
        %get3A_665 = arith.index_cast %add3A_664 : i32 to index
        %get3A_666 = arith.constant 80 : index
        %get3A_667 = tpu.vector_load %arg10[%get3A_665, %get3A_666] {strides = array<i32>} : memref<200x128xf32, #tpu.memory_space<vmem>>, vector<1x16xf32>,
        %get3A_668 = vector.shape_cast %get3A_667 : vector<1x16xf32> to vector<16xf32>
        %add3A_669 = arith.addf %get3A_660, %get3A_668 : vector<16xf32>
        %mul3A_670 = arith.constant 2 : i32
        %mul3A_671 = arith.muli %scan3A_524, %mul3A_670 : i32
        %add3A_672 = arith.constant 0 : i32
        %add3A_673 = arith.addi %mul3A_671, %add3A_672 : i32
        %swap3A_674 = arith.index_cast %add3A_673 : i32 to index
        %swap3A_675 = arith.constant 80 : index
        %swap3A_676 = tpu.vector_load %arg9[%swap3A_674, %swap3A_675] {strides = array<i32>} : memref<200x128xf32, #tpu.memory_space<vmem>>, vector<1x16xf32>,
        %swap3A_677 = vector.shape_cast %swap3A_676 : vector<1x16xf32> to vector<16xf32>
        %swap3A_678 = vector.shape_cast %add3A_669 : vector<16xf32> to vector<1x16xf32>
        tpu.vector_store %arg9[%swap3A_674, %swap3A_675], %swap3A_678 {strides = array<i32>} : memref<200x128xf32, #tpu.memory_space<vmem>>, vector<1x16xf32>,
        %mul3A_679 = arith.constant 2 : i32
        %mul3A_680 = arith.muli %scan3A_524, %mul3A_679 : i32
        %add3A_681 = arith.constant 0 : i32
        %add3A_682 = arith.addi %mul3A_680, %add3A_681 : i32
        %get3A_683 = arith.index_cast %add3A_682 : i32 to index
        %get3A_684 = arith.constant 96 : index
        %get3A_685 = tpu.vector_load %arg9[%get3A_683, %get3A_684] {strides = array<i32>} : memref<200x128xf32, #tpu.memory_space<vmem>>, vector<1x16xf32>,
        %get3A_686 = vector.shape_cast %get3A_685 : vector<1x16xf32> to vector<16xf32>
        %mul3A_687 = arith.constant 2 : i32
        %mul3A_688 = arith.muli %scan3A_524, %mul3A_687 : i32
        %add3A_689 = arith.constant 0 : i32
        %add3A_690 = arith.addi %mul3A_688, %add3A_689 : i32
        %get3A_691 = arith.index_cast %add3A_690 : i32 to index
        %get3A_692 = arith.constant 96 : index
        %get3A_693 = tpu.vector_load %arg10[%get3A_691, %get3A_692] {strides = array<i32>} : memref<200x128xf32, #tpu.memory_space<vmem>>, vector<1x16xf32>,
        %get3A_694 = vector.shape_cast %get3A_693 : vector<1x16xf32> to vector<16xf32>
        %add3A_695 = arith.addf %get3A_686, %get3A_694 : vector<16xf32>
        %mul3A_696 = arith.constant 2 : i32
        %mul3A_697 = arith.muli %scan3A_524, %mul3A_696 : i32
        %add3A_698 = arith.constant 0 : i32
        %add3A_699 = arith.addi %mul3A_697, %add3A_698 : i32
        %swap3A_700 = arith.index_cast %add3A_699 : i32 to index
        %swap3A_701 = arith.constant 96 : index
        %swap3A_702 = tpu.vector_load %arg9[%swap3A_700, %swap3A_701] {strides = array<i32>} : memref<200x128xf32, #tpu.memory_space<vmem>>, vector<1x16xf32>,
        %swap3A_703 = vector.shape_cast %swap3A_702 : vector<1x16xf32> to vector<16xf32>
        %swap3A_704 = vector.shape_cast %add3A_695 : vector<16xf32> to vector<1x16xf32>
        tpu.vector_store %arg9[%swap3A_700, %swap3A_701], %swap3A_704 {strides = array<i32>} : memref<200x128xf32, #tpu.memory_space<vmem>>, vector<1x16xf32>,
        %mul3A_705 = arith.constant 2 : i32
        %mul3A_706 = arith.muli %scan3A_524, %mul3A_705 : i32
        %add3A_707 = arith.constant 0 : i32
        %add3A_708 = arith.addi %mul3A_706, %add3A_707 : i32
        %get3A_709 = arith.index_cast %add3A_708 : i32 to index
        %get3A_710 = arith.constant 112 : index
        %get3A_711 = tpu.vector_load %arg9[%get3A_709, %get3A_710] {strides = array<i32>} : memref<200x128xf32, #tpu.memory_space<vmem>>, vector<1x16xf32>,
        %get3A_712 = vector.shape_cast %get3A_711 : vector<1x16xf32> to vector<16xf32>
        %mul3A_713 = arith.constant 2 : i32
        %mul3A_714 = arith.muli %scan3A_524, %mul3A_713 : i32
        %add3A_715 = arith.constant 0 : i32
        %add3A_716 = arith.addi %mul3A_714, %add3A_715 : i32
        %get3A_717 = arith.index_cast %add3A_716 : i32 to index
        %get3A_718 = arith.constant 112 : index
        %get3A_719 = tpu.vector_load %arg10[%get3A_717, %get3A_718] {strides = array<i32>} : memref<200x128xf32, #tpu.memory_space<vmem>>, vector<1x16xf32>,
        %get3A_720 = vector.shape_cast %get3A_719 : vector<1x16xf32> to vector<16xf32>
        %add3A_721 = arith.addf %get3A_712, %get3A_720 : vector<16xf32>
        %mul3A_722 = arith.constant 2 : i32
        %mul3A_723 = arith.muli %scan3A_524, %mul3A_722 : i32
        %add3A_724 = arith.constant 0 : i32
        %add3A_725 = arith.addi %mul3A_723, %add3A_724 : i32
        %swap3A_726 = arith.index_cast %add3A_725 : i32 to index
        %swap3A_727 = arith.constant 112 : index
        %swap3A_728 = tpu.vector_load %arg9[%swap3A_726, %swap3A_727] {strides = array<i32>} : memref<200x128xf32, #tpu.memory_space<vmem>>, vector<1x16xf32>,
        %swap3A_729 = vector.shape_cast %swap3A_728 : vector<1x16xf32> to vector<16xf32>
        %swap3A_730 = vector.shape_cast %add3A_721 : vector<16xf32> to vector<1x16xf32>
        tpu.vector_store %arg9[%swap3A_726, %swap3A_727], %swap3A_730 {strides = array<i32>} : memref<200x128xf32, #tpu.memory_space<vmem>>, vector<1x16xf32>,
        %mul3A_731 = arith.constant 2 : i32
        %mul3A_732 = arith.muli %scan3A_524, %mul3A_731 : i32
        %add3A_733 = arith.constant 1 : i32
        %add3A_734 = arith.addi %mul3A_732, %add3A_733 : i32
        %get3A_735 = arith.index_cast %add3A_734 : i32 to index
        %get3A_736 = arith.constant 0 : index
        %get3A_737 = tpu.vector_load %arg9[%get3A_735, %get3A_736] {strides = array<i32>} : memref<200x128xf32, #tpu.memory_space<vmem>>, vector<1x16xf32>,
        %get3A_738 = vector.shape_cast %get3A_737 : vector<1x16xf32> to vector<16xf32>
        %mul3A_739 = arith.constant 2 : i32
        %mul3A_740 = arith.muli %scan3A_524, %mul3A_739 : i32
        %add3A_741 = arith.constant 1 : i32
        %add3A_742 = arith.addi %mul3A_740, %add3A_741 : i32
        %get3A_743 = arith.index_cast %add3A_742 : i32 to index
        %get3A_744 = arith.constant 0 : index
        %get3A_745 = tpu.vector_load %arg10[%get3A_743, %get3A_744] {strides = array<i32>} : memref<200x128xf32, #tpu.memory_space<vmem>>, vector<1x16xf32>,
        %get3A_746 = vector.shape_cast %get3A_745 : vector<1x16xf32> to vector<16xf32>
        %add3A_747 = arith.addf %get3A_738, %get3A_746 : vector<16xf32>
        %mul3A_748 = arith.constant 2 : i32
        %mul3A_749 = arith.muli %scan3A_524, %mul3A_748 : i32
        %add3A_750 = arith.constant 1 : i32
        %add3A_751 = arith.addi %mul3A_749, %add3A_750 : i32
        %swap3A_752 = arith.index_cast %add3A_751 : i32 to index
        %swap3A_753 = arith.constant 0 : index
        %swap3A_754 = tpu.vector_load %arg9[%swap3A_752, %swap3A_753] {strides = array<i32>} : memref<200x128xf32, #tpu.memory_space<vmem>>, vector<1x16xf32>,
        %swap3A_755 = vector.shape_cast %swap3A_754 : vector<1x16xf32> to vector<16xf32>
        %swap3A_756 = vector.shape_cast %add3A_747 : vector<16xf32> to vector<1x16xf32>
        tpu.vector_store %arg9[%swap3A_752, %swap3A_753], %swap3A_756 {strides = array<i32>} : memref<200x128xf32, #tpu.memory_space<vmem>>, vector<1x16xf32>,
        %mul3A_757 = arith.constant 2 : i32
        %mul3A_758 = arith.muli %scan3A_524, %mul3A_757 : i32
        %add3A_759 = arith.constant 1 : i32
        %add3A_760 = arith.addi %mul3A_758, %add3A_759 : i32
        %get3A_761 = arith.index_cast %add3A_760 : i32 to index
        %get3A_762 = arith.constant 16 : index
        %get3A_763 = tpu.vector_load %arg9[%get3A_761, %get3A_762] {strides = array<i32>} : memref<200x128xf32, #tpu.memory_space<vmem>>, vector<1x16xf32>,
        %get3A_764 = vector.shape_cast %get3A_763 : vector<1x16xf32> to vector<16xf32>
        %mul3A_765 = arith.constant 2 : i32
        %mul3A_766 = arith.muli %scan3A_524, %mul3A_765 : i32
        %add3A_767 = arith.constant 1 : i32
        %add3A_768 = arith.addi %mul3A_766, %add3A_767 : i32
        %get3A_769 = arith.index_cast %add3A_768 : i32 to index
        %get3A_770 = arith.constant 16 : index
        %get3A_771 = tpu.vector_load %arg10[%get3A_769, %get3A_770] {strides = array<i32>} : memref<200x128xf32, #tpu.memory_space<vmem>>, vector<1x16xf32>,
        %get3A_772 = vector.shape_cast %get3A_771 : vector<1x16xf32> to vector<16xf32>
        %add3A_773 = arith.addf %get3A_764, %get3A_772 : vector<16xf32>
        %mul3A_774 = arith.constant 2 : i32
        %mul3A_775 = arith.muli %scan3A_524, %mul3A_774 : i32
        %add3A_776 = arith.constant 1 : i32
        %add3A_777 = arith.addi %mul3A_775, %add3A_776 : i32
        %swap3A_778 = arith.index_cast %add3A_777 : i32 to index
        %swap3A_779 = arith.constant 16 : index
        %swap3A_780 = tpu.vector_load %arg9[%swap3A_778, %swap3A_779] {strides = array<i32>} : memref<200x128xf32, #tpu.memory_space<vmem>>, vector<1x16xf32>,
        %swap3A_781 = vector.shape_cast %swap3A_780 : vector<1x16xf32> to vector<16xf32>
        %swap3A_782 = vector.shape_cast %add3A_773 : vector<16xf32> to vector<1x16xf32>
        tpu.vector_store %arg9[%swap3A_778, %swap3A_779], %swap3A_782 {strides = array<i32>} : memref<200x128xf32, #tpu.memory_space<vmem>>, vector<1x16xf32>,
        %mul3A_783 = arith.constant 2 : i32
        %mul3A_784 = arith.muli %scan3A_524, %mul3A_783 : i32
        %add3A_785 = arith.constant 1 : i32
        %add3A_786 = arith.addi %mul3A_784, %add3A_785 : i32
        %get3A_787 = arith.index_cast %add3A_786 : i32 to index
        %get3A_788 = arith.constant 32 : index
        %get3A_789 = tpu.vector_load %arg9[%get3A_787, %get3A_788] {strides = array<i32>} : memref<200x128xf32, #tpu.memory_space<vmem>>, vector<1x16xf32>,
        %get3A_790 = vector.shape_cast %get3A_789 : vector<1x16xf32> to vector<16xf32>
        %mul3A_791 = arith.constant 2 : i32
        %mul3A_792 = arith.muli %scan3A_524, %mul3A_791 : i32
        %add3A_793 = arith.constant 1 : i32
        %add3A_794 = arith.addi %mul3A_792, %add3A_793 : i32
        %get3A_795 = arith.index_cast %add3A_794 : i32 to index
        %get3A_796 = arith.constant 32 : index
        %get3A_797 = tpu.vector_load %arg10[%get3A_795, %get3A_796] {strides = array<i32>} : memref<200x128xf32, #tpu.memory_space<vmem>>, vector<1x16xf32>,
        %get3A_798 = vector.shape_cast %get3A_797 : vector<1x16xf32> to vector<16xf32>
        %add3A_799 = arith.addf %get3A_790, %get3A_798 : vector<16xf32>
        %mul3A_800 = arith.constant 2 : i32
        %mul3A_801 = arith.muli %scan3A_524, %mul3A_800 : i32
        %add3A_802 = arith.constant 1 : i32
        %add3A_803 = arith.addi %mul3A_801, %add3A_802 : i32
        %swap3A_804 = arith.index_cast %add3A_803 : i32 to index
        %swap3A_805 = arith.constant 32 : index
        %swap3A_806 = tpu.vector_load %arg9[%swap3A_804, %swap3A_805] {strides = array<i32>} : memref<200x128xf32, #tpu.memory_space<vmem>>, vector<1x16xf32>,
        %swap3A_807 = vector.shape_cast %swap3A_806 : vector<1x16xf32> to vector<16xf32>
        %swap3A_808 = vector.shape_cast %add3A_799 : vector<16xf32> to vector<1x16xf32>
        tpu.vector_store %arg9[%swap3A_804, %swap3A_805], %swap3A_808 {strides = array<i32>} : memref<200x128xf32, #tpu.memory_space<vmem>>, vector<1x16xf32>,
        %mul3A_809 = arith.constant 2 : i32
        %mul3A_810 = arith.muli %scan3A_524, %mul3A_809 : i32
        %add3A_811 = arith.constant 1 : i32
        %add3A_812 = arith.addi %mul3A_810, %add3A_811 : i32
        %get3A_813 = arith.index_cast %add3A_812 : i32 to index
        %get3A_814 = arith.constant 48 : index
        %get3A_815 = tpu.vector_load %arg9[%get3A_813, %get3A_814] {strides = array<i32>} : memref<200x128xf32, #tpu.memory_space<vmem>>, vector<1x16xf32>,
        %get3A_816 = vector.shape_cast %get3A_815 : vector<1x16xf32> to vector<16xf32>
        %mul3A_817 = arith.constant 2 : i32
        %mul3A_818 = arith.muli %scan3A_524, %mul3A_817 : i32
        %add3A_819 = arith.constant 1 : i32
        %add3A_820 = arith.addi %mul3A_818, %add3A_819 : i32
        %get3A_821 = arith.index_cast %add3A_820 : i32 to index
        %get3A_822 = arith.constant 48 : index
        %get3A_823 = tpu.vector_load %arg10[%get3A_821, %get3A_822] {strides = array<i32>} : memref<200x128xf32, #tpu.memory_space<vmem>>, vector<1x16xf32>,
        %get3A_824 = vector.shape_cast %get3A_823 : vector<1x16xf32> to vector<16xf32>
        %add3A_825 = arith.addf %get3A_816, %get3A_824 : vector<16xf32>
        %mul3A_826 = arith.constant 2 : i32
        %mul3A_827 = arith.muli %scan3A_524, %mul3A_826 : i32
        %add3A_828 = arith.constant 1 : i32
        %add3A_829 = arith.addi %mul3A_827, %add3A_828 : i32
        %swap3A_830 = arith.index_cast %add3A_829 : i32 to index
        %swap3A_831 = arith.constant 48 : index
        %swap3A_832 = tpu.vector_load %arg9[%swap3A_830, %swap3A_831] {strides = array<i32>} : memref<200x128xf32, #tpu.memory_space<vmem>>, vector<1x16xf32>,
        %swap3A_833 = vector.shape_cast %swap3A_832 : vector<1x16xf32> to vector<16xf32>
        %swap3A_834 = vector.shape_cast %add3A_825 : vector<16xf32> to vector<1x16xf32>
        tpu.vector_store %arg9[%swap3A_830, %swap3A_831], %swap3A_834 {strides = array<i32>} : memref<200x128xf32, #tpu.memory_space<vmem>>, vector<1x16xf32>,
        %mul3A_835 = arith.constant 2 : i32
        %mul3A_836 = arith.muli %scan3A_524, %mul3A_835 : i32
        %add3A_837 = arith.constant 1 : i32
        %add3A_838 = arith.addi %mul3A_836, %add3A_837 : i32
        %get3A_839 = arith.index_cast %add3A_838 : i32 to index
        %get3A_840 = arith.constant 64 : index
        %get3A_841 = tpu.vector_load %arg9[%get3A_839, %get3A_840] {strides = array<i32>} : memref<200x128xf32, #tpu.memory_space<vmem>>, vector<1x16xf32>,
        %get3A_842 = vector.shape_cast %get3A_841 : vector<1x16xf32> to vector<16xf32>
        %mul3A_843 = arith.constant 2 : i32
        %mul3A_844 = arith.muli %scan3A_524, %mul3A_843 : i32
        %add3A_845 = arith.constant 1 : i32
        %add3A_846 = arith.addi %mul3A_844, %add3A_845 : i32
        %get3A_847 = arith.index_cast %add3A_846 : i32 to index
        %get3A_848 = arith.constant 64 : index
        %get3A_849 = tpu.vector_load %arg10[%get3A_847, %get3A_848] {strides = array<i32>} : memref<200x128xf32, #tpu.memory_space<vmem>>, vector<1x16xf32>,
        %get3A_850 = vector.shape_cast %get3A_849 : vector<1x16xf32> to vector<16xf32>
        %add3A_851 = arith.addf %get3A_842, %get3A_850 : vector<16xf32>
        %mul3A_852 = arith.constant 2 : i32
        %mul3A_853 = arith.muli %scan3A_524, %mul3A_852 : i32
        %add3A_854 = arith.constant 1 : i32
        %add3A_855 = arith.addi %mul3A_853, %add3A_854 : i32
        %swap3A_856 = arith.index_cast %add3A_855 : i32 to index
        %swap3A_857 = arith.constant 64 : index
        %swap3A_858 = tpu.vector_load %arg9[%swap3A_856, %swap3A_857] {strides = array<i32>} : memref<200x128xf32, #tpu.memory_space<vmem>>, vector<1x16xf32>,
        %swap3A_859 = vector.shape_cast %swap3A_858 : vector<1x16xf32> to vector<16xf32>
        %swap3A_860 = vector.shape_cast %add3A_851 : vector<16xf32> to vector<1x16xf32>
        tpu.vector_store %arg9[%swap3A_856, %swap3A_857], %swap3A_860 {strides = array<i32>} : memref<200x128xf32, #tpu.memory_space<vmem>>, vector<1x16xf32>,
        %mul3A_861 = arith.constant 2 : i32
        %mul3A_862 = arith.muli %scan3A_524, %mul3A_861 : i32
        %add3A_863 = arith.constant 1 : i32
        %add3A_864 = arith.addi %mul3A_862, %add3A_863 : i32
        %get3A_865 = arith.index_cast %add3A_864 : i32 to index
        %get3A_866 = arith.constant 80 : index
        %get3A_867 = tpu.vector_load %arg9[%get3A_865, %get3A_866] {strides = array<i32>} : memref<200x128xf32, #tpu.memory_space<vmem>>, vector<1x16xf32>,
        %get3A_868 = vector.shape_cast %get3A_867 : vector<1x16xf32> to vector<16xf32>
        %mul3A_869 = arith.constant 2 : i32
        %mul3A_870 = arith.muli %scan3A_524, %mul3A_869 : i32
        %add3A_871 = arith.constant 1 : i32
        %add3A_872 = arith.addi %mul3A_870, %add3A_871 : i32
        %get3A_873 = arith.index_cast %add3A_872 : i32 to index
        %get3A_874 = arith.constant 80 : index
        %get3A_875 = tpu.vector_load %arg10[%get3A_873, %get3A_874] {strides = array<i32>} : memref<200x128xf32, #tpu.memory_space<vmem>>, vector<1x16xf32>,
        %get3A_876 = vector.shape_cast %get3A_875 : vector<1x16xf32> to vector<16xf32>
        %add3A_877 = arith.addf %get3A_868, %get3A_876 : vector<16xf32>
        %mul3A_878 = arith.constant 2 : i32
        %mul3A_879 = arith.muli %scan3A_524, %mul3A_878 : i32
        %add3A_880 = arith.constant 1 : i32
        %add3A_881 = arith.addi %mul3A_879, %add3A_880 : i32
        %swap3A_882 = arith.index_cast %add3A_881 : i32 to index
        %swap3A_883 = arith.constant 80 : index
        %swap3A_884 = tpu.vector_load %arg9[%swap3A_882, %swap3A_883] {strides = array<i32>} : memref<200x128xf32, #tpu.memory_space<vmem>>, vector<1x16xf32>,
        %swap3A_885 = vector.shape_cast %swap3A_884 : vector<1x16xf32> to vector<16xf32>
        %swap3A_886 = vector.shape_cast %add3A_877 : vector<16xf32> to vector<1x16xf32>
        tpu.vector_store %arg9[%swap3A_882, %swap3A_883], %swap3A_886 {strides = array<i32>} : memref<200x128xf32, #tpu.memory_space<vmem>>, vector<1x16xf32>,
        %mul3A_887 = arith.constant 2 : i32
        %mul3A_888 = arith.muli %scan3A_524, %mul3A_887 : i32
        %add3A_889 = arith.constant 1 : i32
        %add3A_890 = arith.addi %mul3A_888, %add3A_889 : i32
        %get3A_891 = arith.index_cast %add3A_890 : i32 to index
        %get3A_892 = arith.constant 96 : index
        %get3A_893 = tpu.vector_load %arg9[%get3A_891, %get3A_892] {strides = array<i32>} : memref<200x128xf32, #tpu.memory_space<vmem>>, vector<1x16xf32>,
        %get3A_894 = vector.shape_cast %get3A_893 : vector<1x16xf32> to vector<16xf32>
        %mul3A_895 = arith.constant 2 : i32
        %mul3A_896 = arith.muli %scan3A_524, %mul3A_895 : i32
        %add3A_897 = arith.constant 1 : i32
        %add3A_898 = arith.addi %mul3A_896, %add3A_897 : i32
        %get3A_899 = arith.index_cast %add3A_898 : i32 to index
        %get3A_900 = arith.constant 96 : index
        %get3A_901 = tpu.vector_load %arg10[%get3A_899, %get3A_900] {strides = array<i32>} : memref<200x128xf32, #tpu.memory_space<vmem>>, vector<1x16xf32>,
        %get3A_902 = vector.shape_cast %get3A_901 : vector<1x16xf32> to vector<16xf32>
        %add3A_903 = arith.addf %get3A_894, %get3A_902 : vector<16xf32>
        %mul3A_904 = arith.constant 2 : i32
        %mul3A_905 = arith.muli %scan3A_524, %mul3A_904 : i32
        %add3A_906 = arith.constant 1 : i32
        %add3A_907 = arith.addi %mul3A_905, %add3A_906 : i32
        %swap3A_908 = arith.index_cast %add3A_907 : i32 to index
        %swap3A_909 = arith.constant 96 : index
        %swap3A_910 = tpu.vector_load %arg9[%swap3A_908, %swap3A_909] {strides = array<i32>} : memref<200x128xf32, #tpu.memory_space<vmem>>, vector<1x16xf32>,
        %swap3A_911 = vector.shape_cast %swap3A_910 : vector<1x16xf32> to vector<16xf32>
        %swap3A_912 = vector.shape_cast %add3A_903 : vector<16xf32> to vector<1x16xf32>
        tpu.vector_store %arg9[%swap3A_908, %swap3A_909], %swap3A_912 {strides = array<i32>} : memref<200x128xf32, #tpu.memory_space<vmem>>, vector<1x16xf32>,
        %mul3A_913 = arith.constant 2 : i32
        %mul3A_914 = arith.muli %scan3A_524, %mul3A_913 : i32
        %add3A_915 = arith.constant 1 : i32
        %add3A_916 = arith.addi %mul3A_914, %add3A_915 : i32
        %get3A_917 = arith.index_cast %add3A_916 : i32 to index
        %get3A_918 = arith.constant 112 : index
        %get3A_919 = tpu.vector_load %arg9[%get3A_917, %get3A_918] {strides = array<i32>} : memref<200x128xf32, #tpu.memory_space<vmem>>, vector<1x16xf32>,
        %get3A_920 = vector.shape_cast %get3A_919 : vector<1x16xf32> to vector<16xf32>
        %mul3A_921 = arith.constant 2 : i32
        %mul3A_922 = arith.muli %scan3A_524, %mul3A_921 : i32
        %add3A_923 = arith.constant 1 : i32
        %add3A_924 = arith.addi %mul3A_922, %add3A_923 : i32
        %get3A_925 = arith.index_cast %add3A_924 : i32 to index
        %get3A_926 = arith.constant 112 : index
        %get3A_927 = tpu.vector_load %arg10[%get3A_925, %get3A_926] {strides = array<i32>} : memref<200x128xf32, #tpu.memory_space<vmem>>, vector<1x16xf32>,
        %get3A_928 = vector.shape_cast %get3A_927 : vector<1x16xf32> to vector<16xf32>
        %add3A_929 = arith.addf %get3A_920, %get3A_928 : vector<16xf32>
        %mul3A_930 = arith.constant 2 : i32
        %mul3A_931 = arith.muli %scan3A_524, %mul3A_930 : i32
        %add3A_932 = arith.constant 1 : i32
        %add3A_933 = arith.addi %mul3A_931, %add3A_932 : i32
        %swap3A_934 = arith.index_cast %add3A_933 : i32 to index
        %swap3A_935 = arith.constant 112 : index
        %swap3A_936 = tpu.vector_load %arg9[%swap3A_934, %swap3A_935] {strides = array<i32>} : memref<200x128xf32, #tpu.memory_space<vmem>>, vector<1x16xf32>,
        %swap3A_937 = vector.shape_cast %swap3A_936 : vector<1x16xf32> to vector<16xf32>
        %swap3A_938 = vector.shape_cast %add3A_929 : vector<16xf32> to vector<1x16xf32>
        tpu.vector_store %arg9[%swap3A_934, %swap3A_935], %swap3A_938 {strides = array<i32>} : memref<200x128xf32, #tpu.memory_space<vmem>>, vector<1x16xf32>,
      }
      %scan3A_513 = arith.constant 100 : i32
      %mul3A_514 = arith.constant 200 : i32
      %mul3A_515 = arith.muli %add3A_475, %mul3A_514 : i32
      %add3A_516 = arith.addi %mul3A_2, %mul3A_515 : i32
      %dma_start3A_517 = arith.constant 2 : i32
      %dma_start3A_518 = arith.constant 0 : i32
      %dma_start3A_519 = tpu.memref_slice %arg5[%add3A_516, %dma_start3A_518] : memref<819200x128xf32, #tpu.memory_space<hbm>> -> memref<200x128xf32, #tpu.memory_space<hbm>>
      %dma_start3A_520 = tpu.memref_slice %arg12[%dma_start3A_517] : memref<3x!tpu.dma_semaphore, #tpu.memory_space<semaphore_mem>> -> memref<1x!tpu.dma_semaphore, #tpu.memory_space<semaphore_mem>>
      %dma_start3A_521 = tpu.memref_squeeze %dma_start3A_520 : memref<1x!tpu.dma_semaphore, #tpu.memory_space<semaphore_mem>> -> memref<!tpu.dma_semaphore, #tpu.memory_space<semaphore_mem>>
      %dma_start3A_522 = arith.constant 0 : i32
      %dma_start3A_523 = tpu.memref_slice %arg5[%add3A_516, %dma_start3A_522] : memref<819200x128xf32, #tpu.memory_space<hbm>> -> memref<200x128xf32, #tpu.memory_space<hbm>>
      tpu.enqueue_dma source(%arg9 : memref<200x128xf32, #tpu.memory_space<vmem>>) target(%dma_start3A_523 : memref<200x128xf32, #tpu.memory_space<hbm>>) target_semaphore(%dma_start3A_521 : memref<!tpu.dma_semaphore, #tpu.memory_space<semaphore_mem>>)
    }
    %scan3A_159 = arith.constant 40 : i32
    %add3A_160 = arith.constant 24200 : i32
    %add3A_161 = arith.addi %mul3A_2, %add3A_160 : i32
    %dma_wait3A_162 = arith.constant 1 : i32
    %dma_wait3A_163 = arith.constant 0 : i32
    %dma_wait3A_164 = tpu.memref_slice %arg5[%add3A_161, %dma_wait3A_163] : memref<819200x128xf32, #tpu.memory_space<hbm>> -> memref<200x128xf32, #tpu.memory_space<hbm>>
    %dma_wait3A_165 = tpu.memref_slice %arg12[%dma_wait3A_162] : memref<3x!tpu.dma_semaphore, #tpu.memory_space<semaphore_mem>> -> memref<1x!tpu.dma_semaphore, #tpu.memory_space<semaphore_mem>>
    %dma_wait3A_166 = tpu.memref_squeeze %dma_wait3A_165 : memref<1x!tpu.dma_semaphore, #tpu.memory_space<semaphore_mem>> -> memref<!tpu.dma_semaphore, #tpu.memory_space<semaphore_mem>>
    %dma_wait3A_167 = arith.constant 0 : i32
    %dma_wait3A_168 = tpu.memref_slice %arg5[%add3A_161, %dma_wait3A_167] : memref<819200x128xf32, #tpu.memory_space<hbm>> -> memref<200x128xf32, #tpu.memory_space<hbm>>
    tpu.wait_dma2 semaphore(%dma_wait3A_166 : memref<!tpu.dma_semaphore, #tpu.memory_space<semaphore_mem>>) src(%arg8 : memref<200x128xf32, #tpu.memory_space<vmem>>) dst(%dma_wait3A_168 : memref<200x128xf32, #tpu.memory_space<hbm>>)
    %dma_start3A_169 = arith.constant 1 : i32
    %dma_start3A_170 = arith.constant 24800 : i32
    %dma_start3A_171 = tpu.memref_slice %arg6[%dma_start3A_170] : memref<25600xi32, #tpu.memory_space<vmem>> -> memref<200xi32, #tpu.memory_space<vmem>>
    %dma_start3A_172 = arith.constant 0 : i32
    %dma_start3A_173 = arith.constant 0 : i32
    %dma_start3A_174 = tpu.memref_slice %arg3[%dma_start3A_172, %dma_start3A_173] : memref<1000000x128xf32, #tpu.memory_space<hbm>> -> memref<1000000x128xf32, #tpu.memory_space<hbm>>
    %dma_start3A_175 = tpu.memref_slice %arg11[%dma_start3A_169] : memref<3x!tpu.dma_semaphore, #tpu.memory_space<semaphore_mem>> -> memref<1x!tpu.dma_semaphore, #tpu.memory_space<semaphore_mem>>
    %dma_start3A_176 = tpu.memref_squeeze %dma_start3A_175 : memref<1x!tpu.dma_semaphore, #tpu.memory_space<semaphore_mem>> -> memref<!tpu.dma_semaphore, #tpu.memory_space<semaphore_mem>>
    tpu.enqueue_indirect_dma source(%dma_start3A_174 : memref<1000000x128xf32, #tpu.memory_space<hbm>>) target(%arg8 : memref<200x128xf32, #tpu.memory_space<vmem>>) offsets(%dma_start3A_171 : memref<200xi32, #tpu.memory_space<vmem>>) semaphore(%dma_start3A_176 : memref<!tpu.dma_semaphore, #tpu.memory_space<semaphore_mem>>)
    %dma_wait3A_177 = arith.constant 0 : i32
    %dma_wait3A_178 = arith.constant 24600 : i32
    %dma_wait3A_179 = tpu.memref_slice %arg6[%dma_wait3A_178] : memref<25600xi32, #tpu.memory_space<vmem>> -> memref<200xi32, #tpu.memory_space<vmem>>
    %dma_wait3A_180 = arith.constant 0 : i32
    %dma_wait3A_181 = arith.constant 0 : i32
    %dma_wait3A_182 = tpu.memref_slice %arg3[%dma_wait3A_180, %dma_wait3A_181] : memref<1000000x128xf32, #tpu.memory_space<hbm>> -> memref<1000000x128xf32, #tpu.memory_space<hbm>>
    %dma_wait3A_183 = tpu.memref_slice %arg11[%dma_wait3A_177] : memref<3x!tpu.dma_semaphore, #tpu.memory_space<semaphore_mem>> -> memref<1x!tpu.dma_semaphore, #tpu.memory_space<semaphore_mem>>
    %dma_wait3A_184 = tpu.memref_squeeze %dma_wait3A_183 : memref<1x!tpu.dma_semaphore, #tpu.memory_space<semaphore_mem>> -> memref<!tpu.dma_semaphore, #tpu.memory_space<semaphore_mem>>
    tpu.wait_indirect_dma semaphore(%dma_wait3A_184 : memref<!tpu.dma_semaphore, #tpu.memory_space<semaphore_mem>>) src(%dma_wait3A_182 : memref<1000000x128xf32, #tpu.memory_space<hbm>>) dst(%arg7 : memref<200x128xf32, #tpu.memory_space<vmem>>)
    %scan3A_185 = arith.constant 0 : i32
    %scan3A_186 = arith.constant 0 : i32
    %scan3A_187 = arith.constant 100 : i32
    %scan3A_188 = arith.addi %scan3A_186, %scan3A_187 : i32
    %scan3A_189 = arith.constant 1 : i32
    scf.for %scan3A_370 = %scan3A_186 to %scan3A_188 step %scan3A_189  : i32 {
      %mul3A_371 = arith.constant 2 : i32
      %mul3A_372 = arith.muli %scan3A_370, %mul3A_371 : i32
      %add3A_373 = arith.constant 0 : i32
      %add3A_374 = arith.addi %mul3A_372, %add3A_373 : i32
      %get3A = arith.index_cast %add3A_374 : i32 to index
      %get3A_375 = arith.constant 0 : index
      %get3A_376 = tpu.vector_load %arg7[%get3A, %get3A_375] {strides = array<i32>} : memref<200x128xf32, #tpu.memory_space<vmem>>, vector<1x16xf32>,
      %get3A_377 = vector.shape_cast %get3A_376 : vector<1x16xf32> to vector<16xf32>
      %mul3A_378 = arith.constant 2 : i32
      %mul3A_379 = arith.muli %scan3A_370, %mul3A_378 : i32
      %add3A_380 = arith.constant 0 : i32
      %add3A_381 = arith.addi %mul3A_379, %add3A_380 : i32
      %get3A_382 = arith.index_cast %add3A_381 : i32 to index
      %get3A_383 = arith.constant 0 : index
      %get3A_384 = tpu.vector_load %arg10[%get3A_382, %get3A_383] {strides = array<i32>} : memref<200x128xf32, #tpu.memory_space<vmem>>, vector<1x16xf32>,
      %get3A_385 = vector.shape_cast %get3A_384 : vector<1x16xf32> to vector<16xf32>
      %add3A_386 = arith.addf %get3A_377, %get3A_385 : vector<16xf32>
      %mul3A_387 = arith.constant 2 : i32
      %mul3A_388 = arith.muli %scan3A_370, %mul3A_387 : i32
      %add3A_389 = arith.constant 0 : i32
      %add3A_390 = arith.addi %mul3A_388, %add3A_389 : i32
      %swap3A = arith.index_cast %add3A_390 : i32 to index
      %swap3A_391 = arith.constant 0 : index
      %swap3A_392 = tpu.vector_load %arg7[%swap3A, %swap3A_391] {strides = array<i32>} : memref<200x128xf32, #tpu.memory_space<vmem>>, vector<1x16xf32>,
      %swap3A_393 = vector.shape_cast %swap3A_392 : vector<1x16xf32> to vector<16xf32>
      %swap3A_394 = vector.shape_cast %add3A_386 : vector<16xf32> to vector<1x16xf32>
      tpu.vector_store %arg7[%swap3A, %swap3A_391], %swap3A_394 {strides = array<i32>} : memref<200x128xf32, #tpu.memory_space<vmem>>, vector<1x16xf32>,
      %mul3A_395 = arith.constant 2 : i32
      %mul3A_396 = arith.muli %scan3A_370, %mul3A_395 : i32
      %add3A_397 = arith.constant 0 : i32
      %add3A_398 = arith.addi %mul3A_396, %add3A_397 : i32
      %get3A_399 = arith.index_cast %add3A_398 : i32 to index
      %get3A_400 = arith.constant 16 : index
      %get3A_401 = tpu.vector_load %arg7[%get3A_399, %get3A_400] {strides = array<i32>} : memref<200x128xf32, #tpu.memory_space<vmem>>, vector<1x16xf32>,
      %get3A_402 = vector.shape_cast %get3A_401 : vector<1x16xf32> to vector<16xf32>
      %mul3A_403 = arith.constant 2 : i32
      %mul3A_404 = arith.muli %scan3A_370, %mul3A_403 : i32
      %add3A_405 = arith.constant 0 : i32
      %add3A_406 = arith.addi %mul3A_404, %add3A_405 : i32
      %get3A_407 = arith.index_cast %add3A_406 : i32 to index
      %get3A_408 = arith.constant 16 : index
      %get3A_409 = tpu.vector_load %arg10[%get3A_407, %get3A_408] {strides = array<i32>} : memref<200x128xf32, #tpu.memory_space<vmem>>, vector<1x16xf32>,
      %get3A_410 = vector.shape_cast %get3A_409 : vector<1x16xf32> to vector<16xf32>
      %add3A_411 = arith.addf %get3A_402, %get3A_410 : vector<16xf32>
      %mul3A_412 = arith.constant 2 : i32
      %mul3A_413 = arith.muli %scan3A_370, %mul3A_412 : i32
      %add3A_414 = arith.constant 0 : i32
      %add3A_415 = arith.addi %mul3A_413, %add3A_414 : i32
      %swap3A_416 = arith.index_cast %add3A_415 : i32 to index
      %swap3A_417 = arith.constant 16 : index
      %swap3A_418 = tpu.vector_load %arg7[%swap3A_416, %swap3A_417] {strides = array<i32>} : memref<200x128xf32, #tpu.memory_space<vmem>>, vector<1x16xf32>,
      %swap3A_419 = vector.shape_cast %swap3A_418 : vector<1x16xf32> to vector<16xf32>
      %swap3A_420 = vector.shape_cast %add3A_411 : vector<16xf32> to vector<1x16xf32>
      tpu.vector_store %arg7[%swap3A_416, %swap3A_417], %swap3A_420 {strides = array<i32>} : memref<200x128xf32, #tpu.memory_space<vmem>>, vector<1x16xf32>,
      %mul3A_421 = arith.constant 2 : i32
      %mul3A_422 = arith.muli %scan3A_370, %mul3A_421 : i32
      %add3A_423 = arith.constant 0 : i32
      %add3A_424 = arith.addi %mul3A_422, %add3A_423 : i32
      %get3A_425 = arith.index_cast %add3A_424 : i32 to index
      %get3A_426 = arith.constant 32 : index
      %get3A_427 = tpu.vector_load %arg7[%get3A_425, %get3A_426] {strides = array<i32>} : memref<200x128xf32, #tpu.memory_space<vmem>>, vector<1x16xf32>,
      %get3A_428 = vector.shape_cast %get3A_427 : vector<1x16xf32> to vector<16xf32>
      %mul3A_429 = arith.constant 2 : i32
      %mul3A_430 = arith.muli %scan3A_370, %mul3A_429 : i32
      %add3A_431 = arith.constant 0 : i32
      %add3A_432 = arith.addi %mul3A_430, %add3A_431 : i32
      %get3A_433 = arith.index_cast %add3A_432 : i32 to index
      %get3A_434 = arith.constant 32 : index
      %get3A_435 = tpu.vector_load %arg10[%get3A_433, %get3A_434] {strides = array<i32>} : memref<200x128xf32, #tpu.memory_space<vmem>>, vector<1x16xf32>,
      %get3A_436 = vector.shape_cast %get3A_435 : vector<1x16xf32> to vector<16xf32>
      %add3A_437 = arith.addf %get3A_428, %get3A_436 : vector<16xf32>
      %mul3A_438 = arith.constant 2 : i32
      %mul3A_439 = arith.muli %scan3A_370, %mul3A_438 : i32
      %add3A_440 = arith.constant 0 : i32
      %add3A_441 = arith.addi %mul3A_439, %add3A_440 : i32
      %swap3A_442 = arith.index_cast %add3A_441 : i32 to index
      %swap3A_443 = arith.constant 32 : index
      %swap3A_444 = tpu.vector_load %arg7[%swap3A_442, %swap3A_443] {strides = array<i32>} : memref<200x128xf32, #tpu.memory_space<vmem>>, vector<1x16xf32>,
      %swap3A_445 = vector.shape_cast %swap3A_444 : vector<1x16xf32> to vector<16xf32>
      %swap3A_446 = vector.shape_cast %add3A_437 : vector<16xf32> to vector<1x16xf32>
      tpu.vector_store %arg7[%swap3A_442, %swap3A_443], %swap3A_446 {strides = array<i32>} : memref<200x128xf32, #tpu.memory_space<vmem>>, vector<1x16xf32>,
      %mul3A_447 = arith.constant 2 : i32
      %mul3A_448 = arith.muli %scan3A_370, %mul3A_447 : i32
      %add3A_449 = arith.constant 0 : i32
      %add3A_450 = arith.addi %mul3A_448, %add3A_449 : i32
      %get3A_451 = arith.index_cast %add3A_450 : i32 to index
      %get3A_452 = arith.constant 48 : index
      %get3A_453 = tpu.vector_load %arg7[%get3A_451, %get3A_452] {strides = array<i32>} : memref<200x128xf32, #tpu.memory_space<vmem>>, vector<1x16xf32>,
      %get3A_454 = vector.shape_cast %get3A_453 : vector<1x16xf32> to vector<16xf32>
      %mul3A_455 = arith.constant 2 : i32
      %mul3A_456 = arith.muli %scan3A_370, %mul3A_455 : i32
      %add3A_457 = arith.constant 0 : i32
      %add3A_458 = arith.addi %mul3A_456, %add3A_457 : i32
      %get3A_459 = arith.index_cast %add3A_458 : i32 to index
      %get3A_460 = arith.constant 48 : index
      %get3A_461 = tpu.vector_load %arg10[%get3A_459, %get3A_460] {strides = array<i32>} : memref<200x128xf32, #tpu.memory_space<vmem>>, vector<1x16xf32>,
      %get3A_462 = vector.shape_cast %get3A_461 : vector<1x16xf32> to vector<16xf32>
      %add3A_463 = arith.addf %get3A_454, %get3A_462 : vector<16xf32>
      %mul3A_464 = arith.constant 2 : i32
      %mul3A_465 = arith.muli %scan3A_370, %mul3A_464 : i32
      %add3A_466 = arith.constant 0 : i32
      %add3A_467 = arith.addi %mul3A_465, %add3A_466 : i32
      %swap3A_468 = arith.index_cast %add3A_467 : i32 to index
      %swap3A_469 = arith.constant 48 : index
      %swap3A_470 = tpu.vector_load %arg7[%swap3A_468, %swap3A_469] {strides = array<i32>} : memref<200x128xf32, #tpu.memory_space<vmem>>, vector<1x16xf32>,
      %swap3A_471 = vector.shape_cast %swap3A_470 : vector<1x16xf32> to vector<16xf32>
      %swap3A_472 = vector.shape_cast %add3A_463 : vector<16xf32> to vector<1x16xf32>
      tpu.vector_store %arg7[%swap3A_468, %swap3A_469], %swap3A_472 {strides = array<i32>} : memref<200x128xf32, #tpu.memory_space<vmem>>, vector<1x16xf32>,
      %mul3A_473 = arith.constant 2 : i32
      %mul3A_474 = arith.muli %scan3A_370, %mul3A_473 : i32
      %add3A_475 = arith.constant 0 : i32
      %add3A_476 = arith.addi %mul3A_474, %add3A_475 : i32
      %get3A_477 = arith.index_cast %add3A_476 : i32 to index
      %get3A_478 = arith.constant 64 : index
      %get3A_479 = tpu.vector_load %arg7[%get3A_477, %get3A_478] {strides = array<i32>} : memref<200x128xf32, #tpu.memory_space<vmem>>, vector<1x16xf32>,
      %get3A_480 = vector.shape_cast %get3A_479 : vector<1x16xf32> to vector<16xf32>
      %mul3A_481 = arith.constant 2 : i32
      %mul3A_482 = arith.muli %scan3A_370, %mul3A_481 : i32
      %add3A_483 = arith.constant 0 : i32
      %add3A_484 = arith.addi %mul3A_482, %add3A_483 : i32
      %get3A_485 = arith.index_cast %add3A_484 : i32 to index
      %get3A_486 = arith.constant 64 : index
      %get3A_487 = tpu.vector_load %arg10[%get3A_485, %get3A_486] {strides = array<i32>} : memref<200x128xf32, #tpu.memory_space<vmem>>, vector<1x16xf32>,
      %get3A_488 = vector.shape_cast %get3A_487 : vector<1x16xf32> to vector<16xf32>
      %add3A_489 = arith.addf %get3A_480, %get3A_488 : vector<16xf32>
      %mul3A_490 = arith.constant 2 : i32
      %mul3A_491 = arith.muli %scan3A_370, %mul3A_490 : i32
      %add3A_492 = arith.constant 0 : i32
      %add3A_493 = arith.addi %mul3A_491, %add3A_492 : i32
      %swap3A_494 = arith.index_cast %add3A_493 : i32 to index
      %swap3A_495 = arith.constant 64 : index
      %swap3A_496 = tpu.vector_load %arg7[%swap3A_494, %swap3A_495] {strides = array<i32>} : memref<200x128xf32, #tpu.memory_space<vmem>>, vector<1x16xf32>,
      %swap3A_497 = vector.shape_cast %swap3A_496 : vector<1x16xf32> to vector<16xf32>
      %swap3A_498 = vector.shape_cast %add3A_489 : vector<16xf32> to vector<1x16xf32>
      tpu.vector_store %arg7[%swap3A_494, %swap3A_495], %swap3A_498 {strides = array<i32>} : memref<200x128xf32, #tpu.memory_space<vmem>>, vector<1x16xf32>,
      %mul3A_499 = arith.constant 2 : i32
      %mul3A_500 = arith.muli %scan3A_370, %mul3A_499 : i32
      %add3A_501 = arith.constant 0 : i32
      %add3A_502 = arith.addi %mul3A_500, %add3A_501 : i32
      %get3A_503 = arith.index_cast %add3A_502 : i32 to index
      %get3A_504 = arith.constant 80 : index
      %get3A_505 = tpu.vector_load %arg7[%get3A_503, %get3A_504] {strides = array<i32>} : memref<200x128xf32, #tpu.memory_space<vmem>>, vector<1x16xf32>,
      %get3A_506 = vector.shape_cast %get3A_505 : vector<1x16xf32> to vector<16xf32>
      %mul3A_507 = arith.constant 2 : i32
      %mul3A_508 = arith.muli %scan3A_370, %mul3A_507 : i32
      %add3A_509 = arith.constant 0 : i32
      %add3A_510 = arith.addi %mul3A_508, %add3A_509 : i32
      %get3A_511 = arith.index_cast %add3A_510 : i32 to index
      %get3A_512 = arith.constant 80 : index
      %get3A_513 = tpu.vector_load %arg10[%get3A_511, %get3A_512] {strides = array<i32>} : memref<200x128xf32, #tpu.memory_space<vmem>>, vector<1x16xf32>,
      %get3A_514 = vector.shape_cast %get3A_513 : vector<1x16xf32> to vector<16xf32>
      %add3A_515 = arith.addf %get3A_506, %get3A_514 : vector<16xf32>
      %mul3A_516 = arith.constant 2 : i32
      %mul3A_517 = arith.muli %scan3A_370, %mul3A_516 : i32
      %add3A_518 = arith.constant 0 : i32
      %add3A_519 = arith.addi %mul3A_517, %add3A_518 : i32
      %swap3A_520 = arith.index_cast %add3A_519 : i32 to index
      %swap3A_521 = arith.constant 80 : index
      %swap3A_522 = tpu.vector_load %arg7[%swap3A_520, %swap3A_521] {strides = array<i32>} : memref<200x128xf32, #tpu.memory_space<vmem>>, vector<1x16xf32>,
      %swap3A_523 = vector.shape_cast %swap3A_522 : vector<1x16xf32> to vector<16xf32>
      %swap3A_524 = vector.shape_cast %add3A_515 : vector<16xf32> to vector<1x16xf32>
      tpu.vector_store %arg7[%swap3A_520, %swap3A_521], %swap3A_524 {strides = array<i32>} : memref<200x128xf32, #tpu.memory_space<vmem>>, vector<1x16xf32>,
      %mul3A_525 = arith.constant 2 : i32
      %mul3A_526 = arith.muli %scan3A_370, %mul3A_525 : i32
      %add3A_527 = arith.constant 0 : i32
      %add3A_528 = arith.addi %mul3A_526, %add3A_527 : i32
      %get3A_529 = arith.index_cast %add3A_528 : i32 to index
      %get3A_530 = arith.constant 96 : index
      %get3A_531 = tpu.vector_load %arg7[%get3A_529, %get3A_530] {strides = array<i32>} : memref<200x128xf32, #tpu.memory_space<vmem>>, vector<1x16xf32>,
      %get3A_532 = vector.shape_cast %get3A_531 : vector<1x16xf32> to vector<16xf32>
      %mul3A_533 = arith.constant 2 : i32
      %mul3A_534 = arith.muli %scan3A_370, %mul3A_533 : i32
      %add3A_535 = arith.constant 0 : i32
      %add3A_536 = arith.addi %mul3A_534, %add3A_535 : i32
      %get3A_537 = arith.index_cast %add3A_536 : i32 to index
      %get3A_538 = arith.constant 96 : index
      %get3A_539 = tpu.vector_load %arg10[%get3A_537, %get3A_538] {strides = array<i32>} : memref<200x128xf32, #tpu.memory_space<vmem>>, vector<1x16xf32>,
      %get3A_540 = vector.shape_cast %get3A_539 : vector<1x16xf32> to vector<16xf32>
      %add3A_541 = arith.addf %get3A_532, %get3A_540 : vector<16xf32>
      %mul3A_542 = arith.constant 2 : i32
      %mul3A_543 = arith.muli %scan3A_370, %mul3A_542 : i32
      %add3A_544 = arith.constant 0 : i32
      %add3A_545 = arith.addi %mul3A_543, %add3A_544 : i32
      %swap3A_546 = arith.index_cast %add3A_545 : i32 to index
      %swap3A_547 = arith.constant 96 : index
      %swap3A_548 = tpu.vector_load %arg7[%swap3A_546, %swap3A_547] {strides = array<i32>} : memref<200x128xf32, #tpu.memory_space<vmem>>, vector<1x16xf32>,
      %swap3A_549 = vector.shape_cast %swap3A_548 : vector<1x16xf32> to vector<16xf32>
      %swap3A_550 = vector.shape_cast %add3A_541 : vector<16xf32> to vector<1x16xf32>
      tpu.vector_store %arg7[%swap3A_546, %swap3A_547], %swap3A_550 {strides = array<i32>} : memref<200x128xf32, #tpu.memory_space<vmem>>, vector<1x16xf32>,
      %mul3A_551 = arith.constant 2 : i32
      %mul3A_552 = arith.muli %scan3A_370, %mul3A_551 : i32
      %add3A_553 = arith.constant 0 : i32
      %add3A_554 = arith.addi %mul3A_552, %add3A_553 : i32
      %get3A_555 = arith.index_cast %add3A_554 : i32 to index
      %get3A_556 = arith.constant 112 : index
      %get3A_557 = tpu.vector_load %arg7[%get3A_555, %get3A_556] {strides = array<i32>} : memref<200x128xf32, #tpu.memory_space<vmem>>, vector<1x16xf32>,
      %get3A_558 = vector.shape_cast %get3A_557 : vector<1x16xf32> to vector<16xf32>
      %mul3A_559 = arith.constant 2 : i32
      %mul3A_560 = arith.muli %scan3A_370, %mul3A_559 : i32
      %add3A_561 = arith.constant 0 : i32
      %add3A_562 = arith.addi %mul3A_560, %add3A_561 : i32
      %get3A_563 = arith.index_cast %add3A_562 : i32 to index
      %get3A_564 = arith.constant 112 : index
      %get3A_565 = tpu.vector_load %arg10[%get3A_563, %get3A_564] {strides = array<i32>} : memref<200x128xf32, #tpu.memory_space<vmem>>, vector<1x16xf32>,
      %get3A_566 = vector.shape_cast %get3A_565 : vector<1x16xf32> to vector<16xf32>
      %add3A_567 = arith.addf %get3A_558, %get3A_566 : vector<16xf32>
      %mul3A_568 = arith.constant 2 : i32
      %mul3A_569 = arith.muli %scan3A_370, %mul3A_568 : i32
      %add3A_570 = arith.constant 0 : i32
      %add3A_571 = arith.addi %mul3A_569, %add3A_570 : i32
      %swap3A_572 = arith.index_cast %add3A_571 : i32 to index
      %swap3A_573 = arith.constant 112 : index
      %swap3A_574 = tpu.vector_load %arg7[%swap3A_572, %swap3A_573] {strides = array<i32>} : memref<200x128xf32, #tpu.memory_space<vmem>>, vector<1x16xf32>,
      %swap3A_575 = vector.shape_cast %swap3A_574 : vector<1x16xf32> to vector<16xf32>
      %swap3A_576 = vector.shape_cast %add3A_567 : vector<16xf32> to vector<1x16xf32>
      tpu.vector_store %arg7[%swap3A_572, %swap3A_573], %swap3A_576 {strides = array<i32>} : memref<200x128xf32, #tpu.memory_space<vmem>>, vector<1x16xf32>,
      %mul3A_577 = arith.constant 2 : i32
      %mul3A_578 = arith.muli %scan3A_370, %mul3A_577 : i32
      %add3A_579 = arith.constant 1 : i32
      %add3A_580 = arith.addi %mul3A_578, %add3A_579 : i32
      %get3A_581 = arith.index_cast %add3A_580 : i32 to index
      %get3A_582 = arith.constant 0 : index
      %get3A_583 = tpu.vector_load %arg7[%get3A_581, %get3A_582] {strides = array<i32>} : memref<200x128xf32, #tpu.memory_space<vmem>>, vector<1x16xf32>,
      %get3A_584 = vector.shape_cast %get3A_583 : vector<1x16xf32> to vector<16xf32>
      %mul3A_585 = arith.constant 2 : i32
      %mul3A_586 = arith.muli %scan3A_370, %mul3A_585 : i32
      %add3A_587 = arith.constant 1 : i32
      %add3A_588 = arith.addi %mul3A_586, %add3A_587 : i32
      %get3A_589 = arith.index_cast %add3A_588 : i32 to index
      %get3A_590 = arith.constant 0 : index
      %get3A_591 = tpu.vector_load %arg10[%get3A_589, %get3A_590] {strides = array<i32>} : memref<200x128xf32, #tpu.memory_space<vmem>>, vector<1x16xf32>,
      %get3A_592 = vector.shape_cast %get3A_591 : vector<1x16xf32> to vector<16xf32>
      %add3A_593 = arith.addf %get3A_584, %get3A_592 : vector<16xf32>
      %mul3A_594 = arith.constant 2 : i32
      %mul3A_595 = arith.muli %scan3A_370, %mul3A_594 : i32
      %add3A_596 = arith.constant 1 : i32
      %add3A_597 = arith.addi %mul3A_595, %add3A_596 : i32
      %swap3A_598 = arith.index_cast %add3A_597 : i32 to index
      %swap3A_599 = arith.constant 0 : index
      %swap3A_600 = tpu.vector_load %arg7[%swap3A_598, %swap3A_599] {strides = array<i32>} : memref<200x128xf32, #tpu.memory_space<vmem>>, vector<1x16xf32>,
      %swap3A_601 = vector.shape_cast %swap3A_600 : vector<1x16xf32> to vector<16xf32>
      %swap3A_602 = vector.shape_cast %add3A_593 : vector<16xf32> to vector<1x16xf32>
      tpu.vector_store %arg7[%swap3A_598, %swap3A_599], %swap3A_602 {strides = array<i32>} : memref<200x128xf32, #tpu.memory_space<vmem>>, vector<1x16xf32>,
      %mul3A_603 = arith.constant 2 : i32
      %mul3A_604 = arith.muli %scan3A_370, %mul3A_603 : i32
      %add3A_605 = arith.constant 1 : i32
      %add3A_606 = arith.addi %mul3A_604, %add3A_605 : i32
      %get3A_607 = arith.index_cast %add3A_606 : i32 to index
      %get3A_608 = arith.constant 16 : index
      %get3A_609 = tpu.vector_load %arg7[%get3A_607, %get3A_608] {strides = array<i32>} : memref<200x128xf32, #tpu.memory_space<vmem>>, vector<1x16xf32>,
      %get3A_610 = vector.shape_cast %get3A_609 : vector<1x16xf32> to vector<16xf32>
      %mul3A_611 = arith.constant 2 : i32
      %mul3A_612 = arith.muli %scan3A_370, %mul3A_611 : i32
      %add3A_613 = arith.constant 1 : i32
      %add3A_614 = arith.addi %mul3A_612, %add3A_613 : i32
      %get3A_615 = arith.index_cast %add3A_614 : i32 to index
      %get3A_616 = arith.constant 16 : index
      %get3A_617 = tpu.vector_load %arg10[%get3A_615, %get3A_616] {strides = array<i32>} : memref<200x128xf32, #tpu.memory_space<vmem>>, vector<1x16xf32>,
      %get3A_618 = vector.shape_cast %get3A_617 : vector<1x16xf32> to vector<16xf32>
      %add3A_619 = arith.addf %get3A_610, %get3A_618 : vector<16xf32>
      %mul3A_620 = arith.constant 2 : i32
      %mul3A_621 = arith.muli %scan3A_370, %mul3A_620 : i32
      %add3A_622 = arith.constant 1 : i32
      %add3A_623 = arith.addi %mul3A_621, %add3A_622 : i32
      %swap3A_624 = arith.index_cast %add3A_623 : i32 to index
      %swap3A_625 = arith.constant 16 : index
      %swap3A_626 = tpu.vector_load %arg7[%swap3A_624, %swap3A_625] {strides = array<i32>} : memref<200x128xf32, #tpu.memory_space<vmem>>, vector<1x16xf32>,
      %swap3A_627 = vector.shape_cast %swap3A_626 : vector<1x16xf32> to vector<16xf32>
      %swap3A_628 = vector.shape_cast %add3A_619 : vector<16xf32> to vector<1x16xf32>
      tpu.vector_store %arg7[%swap3A_624, %swap3A_625], %swap3A_628 {strides = array<i32>} : memref<200x128xf32, #tpu.memory_space<vmem>>, vector<1x16xf32>,
      %mul3A_629 = arith.constant 2 : i32
      %mul3A_630 = arith.muli %scan3A_370, %mul3A_629 : i32
      %add3A_631 = arith.constant 1 : i32
      %add3A_632 = arith.addi %mul3A_630, %add3A_631 : i32
      %get3A_633 = arith.index_cast %add3A_632 : i32 to index
      %get3A_634 = arith.constant 32 : index
      %get3A_635 = tpu.vector_load %arg7[%get3A_633, %get3A_634] {strides = array<i32>} : memref<200x128xf32, #tpu.memory_space<vmem>>, vector<1x16xf32>,
      %get3A_636 = vector.shape_cast %get3A_635 : vector<1x16xf32> to vector<16xf32>
      %mul3A_637 = arith.constant 2 : i32
      %mul3A_638 = arith.muli %scan3A_370, %mul3A_637 : i32
      %add3A_639 = arith.constant 1 : i32
      %add3A_640 = arith.addi %mul3A_638, %add3A_639 : i32
      %get3A_641 = arith.index_cast %add3A_640 : i32 to index
      %get3A_642 = arith.constant 32 : index
      %get3A_643 = tpu.vector_load %arg10[%get3A_641, %get3A_642] {strides = array<i32>} : memref<200x128xf32, #tpu.memory_space<vmem>>, vector<1x16xf32>,
      %get3A_644 = vector.shape_cast %get3A_643 : vector<1x16xf32> to vector<16xf32>
      %add3A_645 = arith.addf %get3A_636, %get3A_644 : vector<16xf32>
      %mul3A_646 = arith.constant 2 : i32
      %mul3A_647 = arith.muli %scan3A_370, %mul3A_646 : i32
      %add3A_648 = arith.constant 1 : i32
      %add3A_649 = arith.addi %mul3A_647, %add3A_648 : i32
      %swap3A_650 = arith.index_cast %add3A_649 : i32 to index
      %swap3A_651 = arith.constant 32 : index
      %swap3A_652 = tpu.vector_load %arg7[%swap3A_650, %swap3A_651] {strides = array<i32>} : memref<200x128xf32, #tpu.memory_space<vmem>>, vector<1x16xf32>,
      %swap3A_653 = vector.shape_cast %swap3A_652 : vector<1x16xf32> to vector<16xf32>
      %swap3A_654 = vector.shape_cast %add3A_645 : vector<16xf32> to vector<1x16xf32>
      tpu.vector_store %arg7[%swap3A_650, %swap3A_651], %swap3A_654 {strides = array<i32>} : memref<200x128xf32, #tpu.memory_space<vmem>>, vector<1x16xf32>,
      %mul3A_655 = arith.constant 2 : i32
      %mul3A_656 = arith.muli %scan3A_370, %mul3A_655 : i32
      %add3A_657 = arith.constant 1 : i32
      %add3A_658 = arith.addi %mul3A_656, %add3A_657 : i32
      %get3A_659 = arith.index_cast %add3A_658 : i32 to index
      %get3A_660 = arith.constant 48 : index
      %get3A_661 = tpu.vector_load %arg7[%get3A_659, %get3A_660] {strides = array<i32>} : memref<200x128xf32, #tpu.memory_space<vmem>>, vector<1x16xf32>,
      %get3A_662 = vector.shape_cast %get3A_661 : vector<1x16xf32> to vector<16xf32>
      %mul3A_663 = arith.constant 2 : i32
      %mul3A_664 = arith.muli %scan3A_370, %mul3A_663 : i32
      %add3A_665 = arith.constant 1 : i32
      %add3A_666 = arith.addi %mul3A_664, %add3A_665 : i32
      %get3A_667 = arith.index_cast %add3A_666 : i32 to index
      %get3A_668 = arith.constant 48 : index
      %get3A_669 = tpu.vector_load %arg10[%get3A_667, %get3A_668] {strides = array<i32>} : memref<200x128xf32, #tpu.memory_space<vmem>>, vector<1x16xf32>,
      %get3A_670 = vector.shape_cast %get3A_669 : vector<1x16xf32> to vector<16xf32>
      %add3A_671 = arith.addf %get3A_662, %get3A_670 : vector<16xf32>
      %mul3A_672 = arith.constant 2 : i32
      %mul3A_673 = arith.muli %scan3A_370, %mul3A_672 : i32
      %add3A_674 = arith.constant 1 : i32
      %add3A_675 = arith.addi %mul3A_673, %add3A_674 : i32
      %swap3A_676 = arith.index_cast %add3A_675 : i32 to index
      %swap3A_677 = arith.constant 48 : index
      %swap3A_678 = tpu.vector_load %arg7[%swap3A_676, %swap3A_677] {strides = array<i32>} : memref<200x128xf32, #tpu.memory_space<vmem>>, vector<1x16xf32>,
      %swap3A_679 = vector.shape_cast %swap3A_678 : vector<1x16xf32> to vector<16xf32>
      %swap3A_680 = vector.shape_cast %add3A_671 : vector<16xf32> to vector<1x16xf32>
      tpu.vector_store %arg7[%swap3A_676, %swap3A_677], %swap3A_680 {strides = array<i32>} : memref<200x128xf32, #tpu.memory_space<vmem>>, vector<1x16xf32>,
      %mul3A_681 = arith.constant 2 : i32
      %mul3A_682 = arith.muli %scan3A_370, %mul3A_681 : i32
      %add3A_683 = arith.constant 1 : i32
      %add3A_684 = arith.addi %mul3A_682, %add3A_683 : i32
      %get3A_685 = arith.index_cast %add3A_684 : i32 to index
      %get3A_686 = arith.constant 64 : index
      %get3A_687 = tpu.vector_load %arg7[%get3A_685, %get3A_686] {strides = array<i32>} : memref<200x128xf32, #tpu.memory_space<vmem>>, vector<1x16xf32>,
      %get3A_688 = vector.shape_cast %get3A_687 : vector<1x16xf32> to vector<16xf32>
      %mul3A_689 = arith.constant 2 : i32
      %mul3A_690 = arith.muli %scan3A_370, %mul3A_689 : i32
      %add3A_691 = arith.constant 1 : i32
      %add3A_692 = arith.addi %mul3A_690, %add3A_691 : i32
      %get3A_693 = arith.index_cast %add3A_692 : i32 to index
      %get3A_694 = arith.constant 64 : index
      %get3A_695 = tpu.vector_load %arg10[%get3A_693, %get3A_694] {strides = array<i32>} : memref<200x128xf32, #tpu.memory_space<vmem>>, vector<1x16xf32>,
      %get3A_696 = vector.shape_cast %get3A_695 : vector<1x16xf32> to vector<16xf32>
      %add3A_697 = arith.addf %get3A_688, %get3A_696 : vector<16xf32>
      %mul3A_698 = arith.constant 2 : i32
      %mul3A_699 = arith.muli %scan3A_370, %mul3A_698 : i32
      %add3A_700 = arith.constant 1 : i32
      %add3A_701 = arith.addi %mul3A_699, %add3A_700 : i32
      %swap3A_702 = arith.index_cast %add3A_701 : i32 to index
      %swap3A_703 = arith.constant 64 : index
      %swap3A_704 = tpu.vector_load %arg7[%swap3A_702, %swap3A_703] {strides = array<i32>} : memref<200x128xf32, #tpu.memory_space<vmem>>, vector<1x16xf32>,
      %swap3A_705 = vector.shape_cast %swap3A_704 : vector<1x16xf32> to vector<16xf32>
      %swap3A_706 = vector.shape_cast %add3A_697 : vector<16xf32> to vector<1x16xf32>
      tpu.vector_store %arg7[%swap3A_702, %swap3A_703], %swap3A_706 {strides = array<i32>} : memref<200x128xf32, #tpu.memory_space<vmem>>, vector<1x16xf32>,
      %mul3A_707 = arith.constant 2 : i32
      %mul3A_708 = arith.muli %scan3A_370, %mul3A_707 : i32
      %add3A_709 = arith.constant 1 : i32
      %add3A_710 = arith.addi %mul3A_708, %add3A_709 : i32
      %get3A_711 = arith.index_cast %add3A_710 : i32 to index
      %get3A_712 = arith.constant 80 : index
      %get3A_713 = tpu.vector_load %arg7[%get3A_711, %get3A_712] {strides = array<i32>} : memref<200x128xf32, #tpu.memory_space<vmem>>, vector<1x16xf32>,
      %get3A_714 = vector.shape_cast %get3A_713 : vector<1x16xf32> to vector<16xf32>
      %mul3A_715 = arith.constant 2 : i32
      %mul3A_716 = arith.muli %scan3A_370, %mul3A_715 : i32
      %add3A_717 = arith.constant 1 : i32
      %add3A_718 = arith.addi %mul3A_716, %add3A_717 : i32
      %get3A_719 = arith.index_cast %add3A_718 : i32 to index
      %get3A_720 = arith.constant 80 : index
      %get3A_721 = tpu.vector_load %arg10[%get3A_719, %get3A_720] {strides = array<i32>} : memref<200x128xf32, #tpu.memory_space<vmem>>, vector<1x16xf32>,
      %get3A_722 = vector.shape_cast %get3A_721 : vector<1x16xf32> to vector<16xf32>
      %add3A_723 = arith.addf %get3A_714, %get3A_722 : vector<16xf32>
      %mul3A_724 = arith.constant 2 : i32
      %mul3A_725 = arith.muli %scan3A_370, %mul3A_724 : i32
      %add3A_726 = arith.constant 1 : i32
      %add3A_727 = arith.addi %mul3A_725, %add3A_726 : i32
      %swap3A_728 = arith.index_cast %add3A_727 : i32 to index
      %swap3A_729 = arith.constant 80 : index
      %swap3A_730 = tpu.vector_load %arg7[%swap3A_728, %swap3A_729] {strides = array<i32>} : memref<200x128xf32, #tpu.memory_space<vmem>>, vector<1x16xf32>,
      %swap3A_731 = vector.shape_cast %swap3A_730 : vector<1x16xf32> to vector<16xf32>
      %swap3A_732 = vector.shape_cast %add3A_723 : vector<16xf32> to vector<1x16xf32>
      tpu.vector_store %arg7[%swap3A_728, %swap3A_729], %swap3A_732 {strides = array<i32>} : memref<200x128xf32, #tpu.memory_space<vmem>>, vector<1x16xf32>,
      %mul3A_733 = arith.constant 2 : i32
      %mul3A_734 = arith.muli %scan3A_370, %mul3A_733 : i32
      %add3A_735 = arith.constant 1 : i32
      %add3A_736 = arith.addi %mul3A_734, %add3A_735 : i32
      %get3A_737 = arith.index_cast %add3A_736 : i32 to index
      %get3A_738 = arith.constant 96 : index
      %get3A_739 = tpu.vector_load %arg7[%get3A_737, %get3A_738] {strides = array<i32>} : memref<200x128xf32, #tpu.memory_space<vmem>>, vector<1x16xf32>,
      %get3A_740 = vector.shape_cast %get3A_739 : vector<1x16xf32> to vector<16xf32>
      %mul3A_741 = arith.constant 2 : i32
      %mul3A_742 = arith.muli %scan3A_370, %mul3A_741 : i32
      %add3A_743 = arith.constant 1 : i32
      %add3A_744 = arith.addi %mul3A_742, %add3A_743 : i32
      %get3A_745 = arith.index_cast %add3A_744 : i32 to index
      %get3A_746 = arith.constant 96 : index
      %get3A_747 = tpu.vector_load %arg10[%get3A_745, %get3A_746] {strides = array<i32>} : memref<200x128xf32, #tpu.memory_space<vmem>>, vector<1x16xf32>,
      %get3A_748 = vector.shape_cast %get3A_747 : vector<1x16xf32> to vector<16xf32>
      %add3A_749 = arith.addf %get3A_740, %get3A_748 : vector<16xf32>
      %mul3A_750 = arith.constant 2 : i32
      %mul3A_751 = arith.muli %scan3A_370, %mul3A_750 : i32
      %add3A_752 = arith.constant 1 : i32
      %add3A_753 = arith.addi %mul3A_751, %add3A_752 : i32
      %swap3A_754 = arith.index_cast %add3A_753 : i32 to index
      %swap3A_755 = arith.constant 96 : index
      %swap3A_756 = tpu.vector_load %arg7[%swap3A_754, %swap3A_755] {strides = array<i32>} : memref<200x128xf32, #tpu.memory_space<vmem>>, vector<1x16xf32>,
      %swap3A_757 = vector.shape_cast %swap3A_756 : vector<1x16xf32> to vector<16xf32>
      %swap3A_758 = vector.shape_cast %add3A_749 : vector<16xf32> to vector<1x16xf32>
      tpu.vector_store %arg7[%swap3A_754, %swap3A_755], %swap3A_758 {strides = array<i32>} : memref<200x128xf32, #tpu.memory_space<vmem>>, vector<1x16xf32>,
      %mul3A_759 = arith.constant 2 : i32
      %mul3A_760 = arith.muli %scan3A_370, %mul3A_759 : i32
      %add3A_761 = arith.constant 1 : i32
      %add3A_762 = arith.addi %mul3A_760, %add3A_761 : i32
      %get3A_763 = arith.index_cast %add3A_762 : i32 to index
      %get3A_764 = arith.constant 112 : index
      %get3A_765 = tpu.vector_load %arg7[%get3A_763, %get3A_764] {strides = array<i32>} : memref<200x128xf32, #tpu.memory_space<vmem>>, vector<1x16xf32>,
      %get3A_766 = vector.shape_cast %get3A_765 : vector<1x16xf32> to vector<16xf32>
      %mul3A_767 = arith.constant 2 : i32
      %mul3A_768 = arith.muli %scan3A_370, %mul3A_767 : i32
      %add3A_769 = arith.constant 1 : i32
      %add3A_770 = arith.addi %mul3A_768, %add3A_769 : i32
      %get3A_771 = arith.index_cast %add3A_770 : i32 to index
      %get3A_772 = arith.constant 112 : index
      %get3A_773 = tpu.vector_load %arg10[%get3A_771, %get3A_772] {strides = array<i32>} : memref<200x128xf32, #tpu.memory_space<vmem>>, vector<1x16xf32>,
      %get3A_774 = vector.shape_cast %get3A_773 : vector<1x16xf32> to vector<16xf32>
      %add3A_775 = arith.addf %get3A_766, %get3A_774 : vector<16xf32>
      %mul3A_776 = arith.constant 2 : i32
      %mul3A_777 = arith.muli %scan3A_370, %mul3A_776 : i32
      %add3A_778 = arith.constant 1 : i32
      %add3A_779 = arith.addi %mul3A_777, %add3A_778 : i32
      %swap3A_780 = arith.index_cast %add3A_779 : i32 to index
      %swap3A_781 = arith.constant 112 : index
      %swap3A_782 = tpu.vector_load %arg7[%swap3A_780, %swap3A_781] {strides = array<i32>} : memref<200x128xf32, #tpu.memory_space<vmem>>, vector<1x16xf32>,
      %swap3A_783 = vector.shape_cast %swap3A_782 : vector<1x16xf32> to vector<16xf32>
      %swap3A_784 = vector.shape_cast %add3A_775 : vector<16xf32> to vector<1x16xf32>
      tpu.vector_store %arg7[%swap3A_780, %swap3A_781], %swap3A_784 {strides = array<i32>} : memref<200x128xf32, #tpu.memory_space<vmem>>, vector<1x16xf32>,
    }
    %scan3A_190 = arith.constant 100 : i32
    %add3A_191 = arith.constant 24600 : i32
    %add3A_192 = arith.addi %mul3A_2, %add3A_191 : i32
    %dma_start3A_193 = arith.constant 0 : i32
    %dma_start3A_194 = arith.constant 0 : i32
    %dma_start3A_195 = tpu.memref_slice %arg5[%add3A_192, %dma_start3A_194] : memref<819200x128xf32, #tpu.memory_space<hbm>> -> memref<200x128xf32, #tpu.memory_space<hbm>>
    %dma_start3A_196 = tpu.memref_slice %arg12[%dma_start3A_193] : memref<3x!tpu.dma_semaphore, #tpu.memory_space<semaphore_mem>> -> memref<1x!tpu.dma_semaphore, #tpu.memory_space<semaphore_mem>>
    %dma_start3A_197 = tpu.memref_squeeze %dma_start3A_196 : memref<1x!tpu.dma_semaphore, #tpu.memory_space<semaphore_mem>> -> memref<!tpu.dma_semaphore, #tpu.memory_space<semaphore_mem>>
    %dma_start3A_198 = arith.constant 0 : i32
    %dma_start3A_199 = tpu.memref_slice %arg5[%add3A_192, %dma_start3A_198] : memref<819200x128xf32, #tpu.memory_space<hbm>> -> memref<200x128xf32, #tpu.memory_space<hbm>>
    tpu.enqueue_dma source(%arg7 : memref<200x128xf32, #tpu.memory_space<vmem>>) target(%dma_start3A_199 : memref<200x128xf32, #tpu.memory_space<hbm>>) target_semaphore(%dma_start3A_197 : memref<!tpu.dma_semaphore, #tpu.memory_space<semaphore_mem>>)
    %add3A_200 = arith.constant 24400 : i32
    %add3A_201 = arith.addi %mul3A_2, %add3A_200 : i32
    %dma_wait3A_202 = arith.constant 2 : i32
    %dma_wait3A_203 = arith.constant 0 : i32
    %dma_wait3A_204 = tpu.memref_slice %arg5[%add3A_201, %dma_wait3A_203] : memref<819200x128xf32, #tpu.memory_space<hbm>> -> memref<200x128xf32, #tpu.memory_space<hbm>>
    %dma_wait3A_205 = tpu.memref_slice %arg12[%dma_wait3A_202] : memref<3x!tpu.dma_semaphore, #tpu.memory_space<semaphore_mem>> -> memref<1x!tpu.dma_semaphore, #tpu.memory_space<semaphore_mem>>
    %dma_wait3A_206 = tpu.memref_squeeze %dma_wait3A_205 : memref<1x!tpu.dma_semaphore, #tpu.memory_space<semaphore_mem>> -> memref<!tpu.dma_semaphore, #tpu.memory_space<semaphore_mem>>
    %dma_wait3A_207 = arith.constant 0 : i32
    %dma_wait3A_208 = tpu.memref_slice %arg5[%add3A_201, %dma_wait3A_207] : memref<819200x128xf32, #tpu.memory_space<hbm>> -> memref<200x128xf32, #tpu.memory_space<hbm>>
    tpu.wait_dma2 semaphore(%dma_wait3A_206 : memref<!tpu.dma_semaphore, #tpu.memory_space<semaphore_mem>>) src(%arg9 : memref<200x128xf32, #tpu.memory_space<vmem>>) dst(%dma_wait3A_208 : memref<200x128xf32, #tpu.memory_space<hbm>>)
    %dma_start3A_209 = arith.constant 2 : i32
    %dma_start3A_210 = arith.constant 25000 : i32
    %dma_start3A_211 = tpu.memref_slice %arg6[%dma_start3A_210] : memref<25600xi32, #tpu.memory_space<vmem>> -> memref<200xi32, #tpu.memory_space<vmem>>
    %dma_start3A_212 = arith.constant 0 : i32
    %dma_start3A_213 = arith.constant 0 : i32
    %dma_start3A_214 = tpu.memref_slice %arg3[%dma_start3A_212, %dma_start3A_213] : memref<1000000x128xf32, #tpu.memory_space<hbm>> -> memref<1000000x128xf32, #tpu.memory_space<hbm>>
    %dma_start3A_215 = tpu.memref_slice %arg11[%dma_start3A_209] : memref<3x!tpu.dma_semaphore, #tpu.memory_space<semaphore_mem>> -> memref<1x!tpu.dma_semaphore, #tpu.memory_space<semaphore_mem>>
    %dma_start3A_216 = tpu.memref_squeeze %dma_start3A_215 : memref<1x!tpu.dma_semaphore, #tpu.memory_space<semaphore_mem>> -> memref<!tpu.dma_semaphore, #tpu.memory_space<semaphore_mem>>
    tpu.enqueue_indirect_dma source(%dma_start3A_214 : memref<1000000x128xf32, #tpu.memory_space<hbm>>) target(%arg9 : memref<200x128xf32, #tpu.memory_space<vmem>>) offsets(%dma_start3A_211 : memref<200xi32, #tpu.memory_space<vmem>>) semaphore(%dma_start3A_216 : memref<!tpu.dma_semaphore, #tpu.memory_space<semaphore_mem>>)
    %dma_wait3A_217 = arith.constant 1 : i32
    %dma_wait3A_218 = arith.constant 24800 : i32
    %dma_wait3A_219 = tpu.memref_slice %arg6[%dma_wait3A_218] : memref<25600xi32, #tpu.memory_space<vmem>> -> memref<200xi32, #tpu.memory_space<vmem>>
    %dma_wait3A_220 = arith.constant 0 : i32
    %dma_wait3A_221 = arith.constant 0 : i32
    %dma_wait3A_222 = tpu.memref_slice %arg3[%dma_wait3A_220, %dma_wait3A_221] : memref<1000000x128xf32, #tpu.memory_space<hbm>> -> memref<1000000x128xf32, #tpu.memory_space<hbm>>
    %dma_wait3A_223 = tpu.memref_slice %arg11[%dma_wait3A_217] : memref<3x!tpu.dma_semaphore, #tpu.memory_space<semaphore_mem>> -> memref<1x!tpu.dma_semaphore, #tpu.memory_space<semaphore_mem>>
    %dma_wait3A_224 = tpu.memref_squeeze %dma_wait3A_223 : memref<1x!tpu.dma_semaphore, #tpu.memory_space<semaphore_mem>> -> memref<!tpu.dma_semaphore, #tpu.memory_space<semaphore_mem>>
    tpu.wait_indirect_dma semaphore(%dma_wait3A_224 : memref<!tpu.dma_semaphore, #tpu.memory_space<semaphore_mem>>) src(%dma_wait3A_222 : memref<1000000x128xf32, #tpu.memory_space<hbm>>) dst(%arg8 : memref<200x128xf32, #tpu.memory_space<vmem>>)
    %scan3A_225 = arith.constant 0 : i32
    %scan3A_226 = arith.constant 0 : i32
    %scan3A_227 = arith.constant 100 : i32
    %scan3A_228 = arith.addi %scan3A_226, %scan3A_227 : i32
    %scan3A_229 = arith.constant 1 : i32
    scf.for %scan3A_370 = %scan3A_226 to %scan3A_228 step %scan3A_229  : i32 {
      %mul3A_371 = arith.constant 2 : i32
      %mul3A_372 = arith.muli %scan3A_370, %mul3A_371 : i32
      %add3A_373 = arith.constant 0 : i32
      %add3A_374 = arith.addi %mul3A_372, %add3A_373 : i32
      %get3A = arith.index_cast %add3A_374 : i32 to index
      %get3A_375 = arith.constant 0 : index
      %get3A_376 = tpu.vector_load %arg8[%get3A, %get3A_375] {strides = array<i32>} : memref<200x128xf32, #tpu.memory_space<vmem>>, vector<1x16xf32>,
      %get3A_377 = vector.shape_cast %get3A_376 : vector<1x16xf32> to vector<16xf32>
      %mul3A_378 = arith.constant 2 : i32
      %mul3A_379 = arith.muli %scan3A_370, %mul3A_378 : i32
      %add3A_380 = arith.constant 0 : i32
      %add3A_381 = arith.addi %mul3A_379, %add3A_380 : i32
      %get3A_382 = arith.index_cast %add3A_381 : i32 to index
      %get3A_383 = arith.constant 0 : index
      %get3A_384 = tpu.vector_load %arg10[%get3A_382, %get3A_383] {strides = array<i32>} : memref<200x128xf32, #tpu.memory_space<vmem>>, vector<1x16xf32>,
      %get3A_385 = vector.shape_cast %get3A_384 : vector<1x16xf32> to vector<16xf32>
      %add3A_386 = arith.addf %get3A_377, %get3A_385 : vector<16xf32>
      %mul3A_387 = arith.constant 2 : i32
      %mul3A_388 = arith.muli %scan3A_370, %mul3A_387 : i32
      %add3A_389 = arith.constant 0 : i32
      %add3A_390 = arith.addi %mul3A_388, %add3A_389 : i32
      %swap3A = arith.index_cast %add3A_390 : i32 to index
      %swap3A_391 = arith.constant 0 : index
      %swap3A_392 = tpu.vector_load %arg8[%swap3A, %swap3A_391] {strides = array<i32>} : memref<200x128xf32, #tpu.memory_space<vmem>>, vector<1x16xf32>,
      %swap3A_393 = vector.shape_cast %swap3A_392 : vector<1x16xf32> to vector<16xf32>
      %swap3A_394 = vector.shape_cast %add3A_386 : vector<16xf32> to vector<1x16xf32>
      tpu.vector_store %arg8[%swap3A, %swap3A_391], %swap3A_394 {strides = array<i32>} : memref<200x128xf32, #tpu.memory_space<vmem>>, vector<1x16xf32>,
      %mul3A_395 = arith.constant 2 : i32
      %mul3A_396 = arith.muli %scan3A_370, %mul3A_395 : i32
      %add3A_397 = arith.constant 0 : i32
      %add3A_398 = arith.addi %mul3A_396, %add3A_397 : i32
      %get3A_399 = arith.index_cast %add3A_398 : i32 to index
      %get3A_400 = arith.constant 16 : index
      %get3A_401 = tpu.vector_load %arg8[%get3A_399, %get3A_400] {strides = array<i32>} : memref<200x128xf32, #tpu.memory_space<vmem>>, vector<1x16xf32>,
      %get3A_402 = vector.shape_cast %get3A_401 : vector<1x16xf32> to vector<16xf32>
      %mul3A_403 = arith.constant 2 : i32
      %mul3A_404 = arith.muli %scan3A_370, %mul3A_403 : i32
      %add3A_405 = arith.constant 0 : i32
      %add3A_406 = arith.addi %mul3A_404, %add3A_405 : i32
      %get3A_407 = arith.index_cast %add3A_406 : i32 to index
      %get3A_408 = arith.constant 16 : index
      %get3A_409 = tpu.vector_load %arg10[%get3A_407, %get3A_408] {strides = array<i32>} : memref<200x128xf32, #tpu.memory_space<vmem>>, vector<1x16xf32>,
      %get3A_410 = vector.shape_cast %get3A_409 : vector<1x16xf32> to vector<16xf32>
      %add3A_411 = arith.addf %get3A_402, %get3A_410 : vector<16xf32>
      %mul3A_412 = arith.constant 2 : i32
      %mul3A_413 = arith.muli %scan3A_370, %mul3A_412 : i32
      %add3A_414 = arith.constant 0 : i32
      %add3A_415 = arith.addi %mul3A_413, %add3A_414 : i32
      %swap3A_416 = arith.index_cast %add3A_415 : i32 to index
      %swap3A_417 = arith.constant 16 : index
      %swap3A_418 = tpu.vector_load %arg8[%swap3A_416, %swap3A_417] {strides = array<i32>} : memref<200x128xf32, #tpu.memory_space<vmem>>, vector<1x16xf32>,
      %swap3A_419 = vector.shape_cast %swap3A_418 : vector<1x16xf32> to vector<16xf32>
      %swap3A_420 = vector.shape_cast %add3A_411 : vector<16xf32> to vector<1x16xf32>
      tpu.vector_store %arg8[%swap3A_416, %swap3A_417], %swap3A_420 {strides = array<i32>} : memref<200x128xf32, #tpu.memory_space<vmem>>, vector<1x16xf32>,
      %mul3A_421 = arith.constant 2 : i32
      %mul3A_422 = arith.muli %scan3A_370, %mul3A_421 : i32
      %add3A_423 = arith.constant 0 : i32
      %add3A_424 = arith.addi %mul3A_422, %add3A_423 : i32
      %get3A_425 = arith.index_cast %add3A_424 : i32 to index
      %get3A_426 = arith.constant 32 : index
      %get3A_427 = tpu.vector_load %arg8[%get3A_425, %get3A_426] {strides = array<i32>} : memref<200x128xf32, #tpu.memory_space<vmem>>, vector<1x16xf32>,
      %get3A_428 = vector.shape_cast %get3A_427 : vector<1x16xf32> to vector<16xf32>
      %mul3A_429 = arith.constant 2 : i32
      %mul3A_430 = arith.muli %scan3A_370, %mul3A_429 : i32
      %add3A_431 = arith.constant 0 : i32
      %add3A_432 = arith.addi %mul3A_430, %add3A_431 : i32
      %get3A_433 = arith.index_cast %add3A_432 : i32 to index
      %get3A_434 = arith.constant 32 : index
      %get3A_435 = tpu.vector_load %arg10[%get3A_433, %get3A_434] {strides = array<i32>} : memref<200x128xf32, #tpu.memory_space<vmem>>, vector<1x16xf32>,
      %get3A_436 = vector.shape_cast %get3A_435 : vector<1x16xf32> to vector<16xf32>
      %add3A_437 = arith.addf %get3A_428, %get3A_436 : vector<16xf32>
      %mul3A_438 = arith.constant 2 : i32
      %mul3A_439 = arith.muli %scan3A_370, %mul3A_438 : i32
      %add3A_440 = arith.constant 0 : i32
      %add3A_441 = arith.addi %mul3A_439, %add3A_440 : i32
      %swap3A_442 = arith.index_cast %add3A_441 : i32 to index
      %swap3A_443 = arith.constant 32 : index
      %swap3A_444 = tpu.vector_load %arg8[%swap3A_442, %swap3A_443] {strides = array<i32>} : memref<200x128xf32, #tpu.memory_space<vmem>>, vector<1x16xf32>,
      %swap3A_445 = vector.shape_cast %swap3A_444 : vector<1x16xf32> to vector<16xf32>
      %swap3A_446 = vector.shape_cast %add3A_437 : vector<16xf32> to vector<1x16xf32>
      tpu.vector_store %arg8[%swap3A_442, %swap3A_443], %swap3A_446 {strides = array<i32>} : memref<200x128xf32, #tpu.memory_space<vmem>>, vector<1x16xf32>,
      %mul3A_447 = arith.constant 2 : i32
      %mul3A_448 = arith.muli %scan3A_370, %mul3A_447 : i32
      %add3A_449 = arith.constant 0 : i32
      %add3A_450 = arith.addi %mul3A_448, %add3A_449 : i32
      %get3A_451 = arith.index_cast %add3A_450 : i32 to index
      %get3A_452 = arith.constant 48 : index
      %get3A_453 = tpu.vector_load %arg8[%get3A_451, %get3A_452] {strides = array<i32>} : memref<200x128xf32, #tpu.memory_space<vmem>>, vector<1x16xf32>,
      %get3A_454 = vector.shape_cast %get3A_453 : vector<1x16xf32> to vector<16xf32>
      %mul3A_455 = arith.constant 2 : i32
      %mul3A_456 = arith.muli %scan3A_370, %mul3A_455 : i32
      %add3A_457 = arith.constant 0 : i32
      %add3A_458 = arith.addi %mul3A_456, %add3A_457 : i32
      %get3A_459 = arith.index_cast %add3A_458 : i32 to index
      %get3A_460 = arith.constant 48 : index
      %get3A_461 = tpu.vector_load %arg10[%get3A_459, %get3A_460] {strides = array<i32>} : memref<200x128xf32, #tpu.memory_space<vmem>>, vector<1x16xf32>,
      %get3A_462 = vector.shape_cast %get3A_461 : vector<1x16xf32> to vector<16xf32>
      %add3A_463 = arith.addf %get3A_454, %get3A_462 : vector<16xf32>
      %mul3A_464 = arith.constant 2 : i32
      %mul3A_465 = arith.muli %scan3A_370, %mul3A_464 : i32
      %add3A_466 = arith.constant 0 : i32
      %add3A_467 = arith.addi %mul3A_465, %add3A_466 : i32
      %swap3A_468 = arith.index_cast %add3A_467 : i32 to index
      %swap3A_469 = arith.constant 48 : index
      %swap3A_470 = tpu.vector_load %arg8[%swap3A_468, %swap3A_469] {strides = array<i32>} : memref<200x128xf32, #tpu.memory_space<vmem>>, vector<1x16xf32>,
      %swap3A_471 = vector.shape_cast %swap3A_470 : vector<1x16xf32> to vector<16xf32>
      %swap3A_472 = vector.shape_cast %add3A_463 : vector<16xf32> to vector<1x16xf32>
      tpu.vector_store %arg8[%swap3A_468, %swap3A_469], %swap3A_472 {strides = array<i32>} : memref<200x128xf32, #tpu.memory_space<vmem>>, vector<1x16xf32>,
      %mul3A_473 = arith.constant 2 : i32
      %mul3A_474 = arith.muli %scan3A_370, %mul3A_473 : i32
      %add3A_475 = arith.constant 0 : i32
      %add3A_476 = arith.addi %mul3A_474, %add3A_475 : i32
      %get3A_477 = arith.index_cast %add3A_476 : i32 to index
      %get3A_478 = arith.constant 64 : index
      %get3A_479 = tpu.vector_load %arg8[%get3A_477, %get3A_478] {strides = array<i32>} : memref<200x128xf32, #tpu.memory_space<vmem>>, vector<1x16xf32>,
      %get3A_480 = vector.shape_cast %get3A_479 : vector<1x16xf32> to vector<16xf32>
      %mul3A_481 = arith.constant 2 : i32
      %mul3A_482 = arith.muli %scan3A_370, %mul3A_481 : i32
      %add3A_483 = arith.constant 0 : i32
      %add3A_484 = arith.addi %mul3A_482, %add3A_483 : i32
      %get3A_485 = arith.index_cast %add3A_484 : i32 to index
      %get3A_486 = arith.constant 64 : index
      %get3A_487 = tpu.vector_load %arg10[%get3A_485, %get3A_486] {strides = array<i32>} : memref<200x128xf32, #tpu.memory_space<vmem>>, vector<1x16xf32>,
      %get3A_488 = vector.shape_cast %get3A_487 : vector<1x16xf32> to vector<16xf32>
      %add3A_489 = arith.addf %get3A_480, %get3A_488 : vector<16xf32>
      %mul3A_490 = arith.constant 2 : i32
      %mul3A_491 = arith.muli %scan3A_370, %mul3A_490 : i32
      %add3A_492 = arith.constant 0 : i32
      %add3A_493 = arith.addi %mul3A_491, %add3A_492 : i32
      %swap3A_494 = arith.index_cast %add3A_493 : i32 to index
      %swap3A_495 = arith.constant 64 : index
      %swap3A_496 = tpu.vector_load %arg8[%swap3A_494, %swap3A_495] {strides = array<i32>} : memref<200x128xf32, #tpu.memory_space<vmem>>, vector<1x16xf32>,
      %swap3A_497 = vector.shape_cast %swap3A_496 : vector<1x16xf32> to vector<16xf32>
      %swap3A_498 = vector.shape_cast %add3A_489 : vector<16xf32> to vector<1x16xf32>
      tpu.vector_store %arg8[%swap3A_494, %swap3A_495], %swap3A_498 {strides = array<i32>} : memref<200x128xf32, #tpu.memory_space<vmem>>, vector<1x16xf32>,
      %mul3A_499 = arith.constant 2 : i32
      %mul3A_500 = arith.muli %scan3A_370, %mul3A_499 : i32
      %add3A_501 = arith.constant 0 : i32
      %add3A_502 = arith.addi %mul3A_500, %add3A_501 : i32
      %get3A_503 = arith.index_cast %add3A_502 : i32 to index
      %get3A_504 = arith.constant 80 : index
      %get3A_505 = tpu.vector_load %arg8[%get3A_503, %get3A_504] {strides = array<i32>} : memref<200x128xf32, #tpu.memory_space<vmem>>, vector<1x16xf32>,
      %get3A_506 = vector.shape_cast %get3A_505 : vector<1x16xf32> to vector<16xf32>
      %mul3A_507 = arith.constant 2 : i32
      %mul3A_508 = arith.muli %scan3A_370, %mul3A_507 : i32
      %add3A_509 = arith.constant 0 : i32
      %add3A_510 = arith.addi %mul3A_508, %add3A_509 : i32
      %get3A_511 = arith.index_cast %add3A_510 : i32 to index
      %get3A_512 = arith.constant 80 : index
      %get3A_513 = tpu.vector_load %arg10[%get3A_511, %get3A_512] {strides = array<i32>} : memref<200x128xf32, #tpu.memory_space<vmem>>, vector<1x16xf32>,
      %get3A_514 = vector.shape_cast %get3A_513 : vector<1x16xf32> to vector<16xf32>
      %add3A_515 = arith.addf %get3A_506, %get3A_514 : vector<16xf32>
      %mul3A_516 = arith.constant 2 : i32
      %mul3A_517 = arith.muli %scan3A_370, %mul3A_516 : i32
      %add3A_518 = arith.constant 0 : i32
      %add3A_519 = arith.addi %mul3A_517, %add3A_518 : i32
      %swap3A_520 = arith.index_cast %add3A_519 : i32 to index
      %swap3A_521 = arith.constant 80 : index
      %swap3A_522 = tpu.vector_load %arg8[%swap3A_520, %swap3A_521] {strides = array<i32>} : memref<200x128xf32, #tpu.memory_space<vmem>>, vector<1x16xf32>,
      %swap3A_523 = vector.shape_cast %swap3A_522 : vector<1x16xf32> to vector<16xf32>
      %swap3A_524 = vector.shape_cast %add3A_515 : vector<16xf32> to vector<1x16xf32>
      tpu.vector_store %arg8[%swap3A_520, %swap3A_521], %swap3A_524 {strides = array<i32>} : memref<200x128xf32, #tpu.memory_space<vmem>>, vector<1x16xf32>,
      %mul3A_525 = arith.constant 2 : i32
      %mul3A_526 = arith.muli %scan3A_370, %mul3A_525 : i32
      %add3A_527 = arith.constant 0 : i32
      %add3A_528 = arith.addi %mul3A_526, %add3A_527 : i32
      %get3A_529 = arith.index_cast %add3A_528 : i32 to index
      %get3A_530 = arith.constant 96 : index
      %get3A_531 = tpu.vector_load %arg8[%get3A_529, %get3A_530] {strides = array<i32>} : memref<200x128xf32, #tpu.memory_space<vmem>>, vector<1x16xf32>,
      %get3A_532 = vector.shape_cast %get3A_531 : vector<1x16xf32> to vector<16xf32>
      %mul3A_533 = arith.constant 2 : i32
      %mul3A_534 = arith.muli %scan3A_370, %mul3A_533 : i32
      %add3A_535 = arith.constant 0 : i32
      %add3A_536 = arith.addi %mul3A_534, %add3A_535 : i32
      %get3A_537 = arith.index_cast %add3A_536 : i32 to index
      %get3A_538 = arith.constant 96 : index
      %get3A_539 = tpu.vector_load %arg10[%get3A_537, %get3A_538] {strides = array<i32>} : memref<200x128xf32, #tpu.memory_space<vmem>>, vector<1x16xf32>,
      %get3A_540 = vector.shape_cast %get3A_539 : vector<1x16xf32> to vector<16xf32>
      %add3A_541 = arith.addf %get3A_532, %get3A_540 : vector<16xf32>
      %mul3A_542 = arith.constant 2 : i32
      %mul3A_543 = arith.muli %scan3A_370, %mul3A_542 : i32
      %add3A_544 = arith.constant 0 : i32
      %add3A_545 = arith.addi %mul3A_543, %add3A_544 : i32
      %swap3A_546 = arith.index_cast %add3A_545 : i32 to index
      %swap3A_547 = arith.constant 96 : index
      %swap3A_548 = tpu.vector_load %arg8[%swap3A_546, %swap3A_547] {strides = array<i32>} : memref<200x128xf32, #tpu.memory_space<vmem>>, vector<1x16xf32>,
      %swap3A_549 = vector.shape_cast %swap3A_548 : vector<1x16xf32> to vector<16xf32>
      %swap3A_550 = vector.shape_cast %add3A_541 : vector<16xf32> to vector<1x16xf32>
      tpu.vector_store %arg8[%swap3A_546, %swap3A_547], %swap3A_550 {strides = array<i32>} : memref<200x128xf32, #tpu.memory_space<vmem>>, vector<1x16xf32>,
      %mul3A_551 = arith.constant 2 : i32
      %mul3A_552 = arith.muli %scan3A_370, %mul3A_551 : i32
      %add3A_553 = arith.constant 0 : i32
      %add3A_554 = arith.addi %mul3A_552, %add3A_553 : i32
      %get3A_555 = arith.index_cast %add3A_554 : i32 to index
      %get3A_556 = arith.constant 112 : index
      %get3A_557 = tpu.vector_load %arg8[%get3A_555, %get3A_556] {strides = array<i32>} : memref<200x128xf32, #tpu.memory_space<vmem>>, vector<1x16xf32>,
      %get3A_558 = vector.shape_cast %get3A_557 : vector<1x16xf32> to vector<16xf32>
      %mul3A_559 = arith.constant 2 : i32
      %mul3A_560 = arith.muli %scan3A_370, %mul3A_559 : i32
      %add3A_561 = arith.constant 0 : i32
      %add3A_562 = arith.addi %mul3A_560, %add3A_561 : i32
      %get3A_563 = arith.index_cast %add3A_562 : i32 to index
      %get3A_564 = arith.constant 112 : index
      %get3A_565 = tpu.vector_load %arg10[%get3A_563, %get3A_564] {strides = array<i32>} : memref<200x128xf32, #tpu.memory_space<vmem>>, vector<1x16xf32>,
      %get3A_566 = vector.shape_cast %get3A_565 : vector<1x16xf32> to vector<16xf32>
      %add3A_567 = arith.addf %get3A_558, %get3A_566 : vector<16xf32>
      %mul3A_568 = arith.constant 2 : i32
      %mul3A_569 = arith.muli %scan3A_370, %mul3A_568 : i32
      %add3A_570 = arith.constant 0 : i32
      %add3A_571 = arith.addi %mul3A_569, %add3A_570 : i32
      %swap3A_572 = arith.index_cast %add3A_571 : i32 to index
      %swap3A_573 = arith.constant 112 : index
      %swap3A_574 = tpu.vector_load %arg8[%swap3A_572, %swap3A_573] {strides = array<i32>} : memref<200x128xf32, #tpu.memory_space<vmem>>, vector<1x16xf32>,
      %swap3A_575 = vector.shape_cast %swap3A_574 : vector<1x16xf32> to vector<16xf32>
      %swap3A_576 = vector.shape_cast %add3A_567 : vector<16xf32> to vector<1x16xf32>
      tpu.vector_store %arg8[%swap3A_572, %swap3A_573], %swap3A_576 {strides = array<i32>} : memref<200x128xf32, #tpu.memory_space<vmem>>, vector<1x16xf32>,
      %mul3A_577 = arith.constant 2 : i32
      %mul3A_578 = arith.muli %scan3A_370, %mul3A_577 : i32
      %add3A_579 = arith.constant 1 : i32
      %add3A_580 = arith.addi %mul3A_578, %add3A_579 : i32
      %get3A_581 = arith.index_cast %add3A_580 : i32 to index
      %get3A_582 = arith.constant 0 : index
      %get3A_583 = tpu.vector_load %arg8[%get3A_581, %get3A_582] {strides = array<i32>} : memref<200x128xf32, #tpu.memory_space<vmem>>, vector<1x16xf32>,
      %get3A_584 = vector.shape_cast %get3A_583 : vector<1x16xf32> to vector<16xf32>
      %mul3A_585 = arith.constant 2 : i32
      %mul3A_586 = arith.muli %scan3A_370, %mul3A_585 : i32
      %add3A_587 = arith.constant 1 : i32
      %add3A_588 = arith.addi %mul3A_586, %add3A_587 : i32
      %get3A_589 = arith.index_cast %add3A_588 : i32 to index
      %get3A_590 = arith.constant 0 : index
      %get3A_591 = tpu.vector_load %arg10[%get3A_589, %get3A_590] {strides = array<i32>} : memref<200x128xf32, #tpu.memory_space<vmem>>, vector<1x16xf32>,
      %get3A_592 = vector.shape_cast %get3A_591 : vector<1x16xf32> to vector<16xf32>
      %add3A_593 = arith.addf %get3A_584, %get3A_592 : vector<16xf32>
      %mul3A_594 = arith.constant 2 : i32
      %mul3A_595 = arith.muli %scan3A_370, %mul3A_594 : i32
      %add3A_596 = arith.constant 1 : i32
      %add3A_597 = arith.addi %mul3A_595, %add3A_596 : i32
      %swap3A_598 = arith.index_cast %add3A_597 : i32 to index
      %swap3A_599 = arith.constant 0 : index
      %swap3A_600 = tpu.vector_load %arg8[%swap3A_598, %swap3A_599] {strides = array<i32>} : memref<200x128xf32, #tpu.memory_space<vmem>>, vector<1x16xf32>,
      %swap3A_601 = vector.shape_cast %swap3A_600 : vector<1x16xf32> to vector<16xf32>
      %swap3A_602 = vector.shape_cast %add3A_593 : vector<16xf32> to vector<1x16xf32>
      tpu.vector_store %arg8[%swap3A_598, %swap3A_599], %swap3A_602 {strides = array<i32>} : memref<200x128xf32, #tpu.memory_space<vmem>>, vector<1x16xf32>,
      %mul3A_603 = arith.constant 2 : i32
      %mul3A_604 = arith.muli %scan3A_370, %mul3A_603 : i32
      %add3A_605 = arith.constant 1 : i32
      %add3A_606 = arith.addi %mul3A_604, %add3A_605 : i32
      %get3A_607 = arith.index_cast %add3A_606 : i32 to index
      %get3A_608 = arith.constant 16 : index
      %get3A_609 = tpu.vector_load %arg8[%get3A_607, %get3A_608] {strides = array<i32>} : memref<200x128xf32, #tpu.memory_space<vmem>>, vector<1x16xf32>,
      %get3A_610 = vector.shape_cast %get3A_609 : vector<1x16xf32> to vector<16xf32>
      %mul3A_611 = arith.constant 2 : i32
      %mul3A_612 = arith.muli %scan3A_370, %mul3A_611 : i32
      %add3A_613 = arith.constant 1 : i32
      %add3A_614 = arith.addi %mul3A_612, %add3A_613 : i32
      %get3A_615 = arith.index_cast %add3A_614 : i32 to index
      %get3A_616 = arith.constant 16 : index
      %get3A_617 = tpu.vector_load %arg10[%get3A_615, %get3A_616] {strides = array<i32>} : memref<200x128xf32, #tpu.memory_space<vmem>>, vector<1x16xf32>,
      %get3A_618 = vector.shape_cast %get3A_617 : vector<1x16xf32> to vector<16xf32>
      %add3A_619 = arith.addf %get3A_610, %get3A_618 : vector<16xf32>
      %mul3A_620 = arith.constant 2 : i32
      %mul3A_621 = arith.muli %scan3A_370, %mul3A_620 : i32
      %add3A_622 = arith.constant 1 : i32
      %add3A_623 = arith.addi %mul3A_621, %add3A_622 : i32
      %swap3A_624 = arith.index_cast %add3A_623 : i32 to index
      %swap3A_625 = arith.constant 16 : index
      %swap3A_626 = tpu.vector_load %arg8[%swap3A_624, %swap3A_625] {strides = array<i32>} : memref<200x128xf32, #tpu.memory_space<vmem>>, vector<1x16xf32>,
      %swap3A_627 = vector.shape_cast %swap3A_626 : vector<1x16xf32> to vector<16xf32>
      %swap3A_628 = vector.shape_cast %add3A_619 : vector<16xf32> to vector<1x16xf32>
      tpu.vector_store %arg8[%swap3A_624, %swap3A_625], %swap3A_628 {strides = array<i32>} : memref<200x128xf32, #tpu.memory_space<vmem>>, vector<1x16xf32>,
      %mul3A_629 = arith.constant 2 : i32
      %mul3A_630 = arith.muli %scan3A_370, %mul3A_629 : i32
      %add3A_631 = arith.constant 1 : i32
      %add3A_632 = arith.addi %mul3A_630, %add3A_631 : i32
      %get3A_633 = arith.index_cast %add3A_632 : i32 to index
      %get3A_634 = arith.constant 32 : index
      %get3A_635 = tpu.vector_load %arg8[%get3A_633, %get3A_634] {strides = array<i32>} : memref<200x128xf32, #tpu.memory_space<vmem>>, vector<1x16xf32>,
      %get3A_636 = vector.shape_cast %get3A_635 : vector<1x16xf32> to vector<16xf32>
      %mul3A_637 = arith.constant 2 : i32
      %mul3A_638 = arith.muli %scan3A_370, %mul3A_637 : i32
      %add3A_639 = arith.constant 1 : i32
      %add3A_640 = arith.addi %mul3A_638, %add3A_639 : i32
      %get3A_641 = arith.index_cast %add3A_640 : i32 to index
      %get3A_642 = arith.constant 32 : index
      %get3A_643 = tpu.vector_load %arg10[%get3A_641, %get3A_642] {strides = array<i32>} : memref<200x128xf32, #tpu.memory_space<vmem>>, vector<1x16xf32>,
      %get3A_644 = vector.shape_cast %get3A_643 : vector<1x16xf32> to vector<16xf32>
      %add3A_645 = arith.addf %get3A_636, %get3A_644 : vector<16xf32>
      %mul3A_646 = arith.constant 2 : i32
      %mul3A_647 = arith.muli %scan3A_370, %mul3A_646 : i32
      %add3A_648 = arith.constant 1 : i32
      %add3A_649 = arith.addi %mul3A_647, %add3A_648 : i32
      %swap3A_650 = arith.index_cast %add3A_649 : i32 to index
      %swap3A_651 = arith.constant 32 : index
      %swap3A_652 = tpu.vector_load %arg8[%swap3A_650, %swap3A_651] {strides = array<i32>} : memref<200x128xf32, #tpu.memory_space<vmem>>, vector<1x16xf32>,
      %swap3A_653 = vector.shape_cast %swap3A_652 : vector<1x16xf32> to vector<16xf32>
      %swap3A_654 = vector.shape_cast %add3A_645 : vector<16xf32> to vector<1x16xf32>
      tpu.vector_store %arg8[%swap3A_650, %swap3A_651], %swap3A_654 {strides = array<i32>} : memref<200x128xf32, #tpu.memory_space<vmem>>, vector<1x16xf32>,
      %mul3A_655 = arith.constant 2 : i32
      %mul3A_656 = arith.muli %scan3A_370, %mul3A_655 : i32
      %add3A_657 = arith.constant 1 : i32
      %add3A_658 = arith.addi %mul3A_656, %add3A_657 : i32
      %get3A_659 = arith.index_cast %add3A_658 : i32 to index
      %get3A_660 = arith.constant 48 : index
      %get3A_661 = tpu.vector_load %arg8[%get3A_659, %get3A_660] {strides = array<i32>} : memref<200x128xf32, #tpu.memory_space<vmem>>, vector<1x16xf32>,
      %get3A_662 = vector.shape_cast %get3A_661 : vector<1x16xf32> to vector<16xf32>
      %mul3A_663 = arith.constant 2 : i32
      %mul3A_664 = arith.muli %scan3A_370, %mul3A_663 : i32
      %add3A_665 = arith.constant 1 : i32
      %add3A_666 = arith.addi %mul3A_664, %add3A_665 : i32
      %get3A_667 = arith.index_cast %add3A_666 : i32 to index
      %get3A_668 = arith.constant 48 : index
      %get3A_669 = tpu.vector_load %arg10[%get3A_667, %get3A_668] {strides = array<i32>} : memref<200x128xf32, #tpu.memory_space<vmem>>, vector<1x16xf32>,
      %get3A_670 = vector.shape_cast %get3A_669 : vector<1x16xf32> to vector<16xf32>
      %add3A_671 = arith.addf %get3A_662, %get3A_670 : vector<16xf32>
      %mul3A_672 = arith.constant 2 : i32
      %mul3A_673 = arith.muli %scan3A_370, %mul3A_672 : i32
      %add3A_674 = arith.constant 1 : i32
      %add3A_675 = arith.addi %mul3A_673, %add3A_674 : i32
      %swap3A_676 = arith.index_cast %add3A_675 : i32 to index
      %swap3A_677 = arith.constant 48 : index
      %swap3A_678 = tpu.vector_load %arg8[%swap3A_676, %swap3A_677] {strides = array<i32>} : memref<200x128xf32, #tpu.memory_space<vmem>>, vector<1x16xf32>,
      %swap3A_679 = vector.shape_cast %swap3A_678 : vector<1x16xf32> to vector<16xf32>
      %swap3A_680 = vector.shape_cast %add3A_671 : vector<16xf32> to vector<1x16xf32>
      tpu.vector_store %arg8[%swap3A_676, %swap3A_677], %swap3A_680 {strides = array<i32>} : memref<200x128xf32, #tpu.memory_space<vmem>>, vector<1x16xf32>,
      %mul3A_681 = arith.constant 2 : i32
      %mul3A_682 = arith.muli %scan3A_370, %mul3A_681 : i32
      %add3A_683 = arith.constant 1 : i32
      %add3A_684 = arith.addi %mul3A_682, %add3A_683 : i32
      %get3A_685 = arith.index_cast %add3A_684 : i32 to index
      %get3A_686 = arith.constant 64 : index
      %get3A_687 = tpu.vector_load %arg8[%get3A_685, %get3A_686] {strides = array<i32>} : memref<200x128xf32, #tpu.memory_space<vmem>>, vector<1x16xf32>,
      %get3A_688 = vector.shape_cast %get3A_687 : vector<1x16xf32> to vector<16xf32>
      %mul3A_689 = arith.constant 2 : i32
      %mul3A_690 = arith.muli %scan3A_370, %mul3A_689 : i32
      %add3A_691 = arith.constant 1 : i32
      %add3A_692 = arith.addi %mul3A_690, %add3A_691 : i32
      %get3A_693 = arith.index_cast %add3A_692 : i32 to index
      %get3A_694 = arith.constant 64 : index
      %get3A_695 = tpu.vector_load %arg10[%get3A_693, %get3A_694] {strides = array<i32>} : memref<200x128xf32, #tpu.memory_space<vmem>>, vector<1x16xf32>,
      %get3A_696 = vector.shape_cast %get3A_695 : vector<1x16xf32> to vector<16xf32>
      %add3A_697 = arith.addf %get3A_688, %get3A_696 : vector<16xf32>
      %mul3A_698 = arith.constant 2 : i32
      %mul3A_699 = arith.muli %scan3A_370, %mul3A_698 : i32
      %add3A_700 = arith.constant 1 : i32
      %add3A_701 = arith.addi %mul3A_699, %add3A_700 : i32
      %swap3A_702 = arith.index_cast %add3A_701 : i32 to index
      %swap3A_703 = arith.constant 64 : index
      %swap3A_704 = tpu.vector_load %arg8[%swap3A_702, %swap3A_703] {strides = array<i32>} : memref<200x128xf32, #tpu.memory_space<vmem>>, vector<1x16xf32>,
      %swap3A_705 = vector.shape_cast %swap3A_704 : vector<1x16xf32> to vector<16xf32>
      %swap3A_706 = vector.shape_cast %add3A_697 : vector<16xf32> to vector<1x16xf32>
      tpu.vector_store %arg8[%swap3A_702, %swap3A_703], %swap3A_706 {strides = array<i32>} : memref<200x128xf32, #tpu.memory_space<vmem>>, vector<1x16xf32>,
      %mul3A_707 = arith.constant 2 : i32
      %mul3A_708 = arith.muli %scan3A_370, %mul3A_707 : i32
      %add3A_709 = arith.constant 1 : i32
      %add3A_710 = arith.addi %mul3A_708, %add3A_709 : i32
      %get3A_711 = arith.index_cast %add3A_710 : i32 to index
      %get3A_712 = arith.constant 80 : index
      %get3A_713 = tpu.vector_load %arg8[%get3A_711, %get3A_712] {strides = array<i32>} : memref<200x128xf32, #tpu.memory_space<vmem>>, vector<1x16xf32>,
      %get3A_714 = vector.shape_cast %get3A_713 : vector<1x16xf32> to vector<16xf32>
      %mul3A_715 = arith.constant 2 : i32
      %mul3A_716 = arith.muli %scan3A_370, %mul3A_715 : i32
      %add3A_717 = arith.constant 1 : i32
      %add3A_718 = arith.addi %mul3A_716, %add3A_717 : i32
      %get3A_719 = arith.index_cast %add3A_718 : i32 to index
      %get3A_720 = arith.constant 80 : index
      %get3A_721 = tpu.vector_load %arg10[%get3A_719, %get3A_720] {strides = array<i32>} : memref<200x128xf32, #tpu.memory_space<vmem>>, vector<1x16xf32>,
      %get3A_722 = vector.shape_cast %get3A_721 : vector<1x16xf32> to vector<16xf32>
      %add3A_723 = arith.addf %get3A_714, %get3A_722 : vector<16xf32>
      %mul3A_724 = arith.constant 2 : i32
      %mul3A_725 = arith.muli %scan3A_370, %mul3A_724 : i32
      %add3A_726 = arith.constant 1 : i32
      %add3A_727 = arith.addi %mul3A_725, %add3A_726 : i32
      %swap3A_728 = arith.index_cast %add3A_727 : i32 to index
      %swap3A_729 = arith.constant 80 : index
      %swap3A_730 = tpu.vector_load %arg8[%swap3A_728, %swap3A_729] {strides = array<i32>} : memref<200x128xf32, #tpu.memory_space<vmem>>, vector<1x16xf32>,
      %swap3A_731 = vector.shape_cast %swap3A_730 : vector<1x16xf32> to vector<16xf32>
      %swap3A_732 = vector.shape_cast %add3A_723 : vector<16xf32> to vector<1x16xf32>
      tpu.vector_store %arg8[%swap3A_728, %swap3A_729], %swap3A_732 {strides = array<i32>} : memref<200x128xf32, #tpu.memory_space<vmem>>, vector<1x16xf32>,
      %mul3A_733 = arith.constant 2 : i32
      %mul3A_734 = arith.muli %scan3A_370, %mul3A_733 : i32
      %add3A_735 = arith.constant 1 : i32
      %add3A_736 = arith.addi %mul3A_734, %add3A_735 : i32
      %get3A_737 = arith.index_cast %add3A_736 : i32 to index
      %get3A_738 = arith.constant 96 : index
      %get3A_739 = tpu.vector_load %arg8[%get3A_737, %get3A_738] {strides = array<i32>} : memref<200x128xf32, #tpu.memory_space<vmem>>, vector<1x16xf32>,
      %get3A_740 = vector.shape_cast %get3A_739 : vector<1x16xf32> to vector<16xf32>
      %mul3A_741 = arith.constant 2 : i32
      %mul3A_742 = arith.muli %scan3A_370, %mul3A_741 : i32
      %add3A_743 = arith.constant 1 : i32
      %add3A_744 = arith.addi %mul3A_742, %add3A_743 : i32
      %get3A_745 = arith.index_cast %add3A_744 : i32 to index
      %get3A_746 = arith.constant 96 : index
      %get3A_747 = tpu.vector_load %arg10[%get3A_745, %get3A_746] {strides = array<i32>} : memref<200x128xf32, #tpu.memory_space<vmem>>, vector<1x16xf32>,
      %get3A_748 = vector.shape_cast %get3A_747 : vector<1x16xf32> to vector<16xf32>
      %add3A_749 = arith.addf %get3A_740, %get3A_748 : vector<16xf32>
      %mul3A_750 = arith.constant 2 : i32
      %mul3A_751 = arith.muli %scan3A_370, %mul3A_750 : i32
      %add3A_752 = arith.constant 1 : i32
      %add3A_753 = arith.addi %mul3A_751, %add3A_752 : i32
      %swap3A_754 = arith.index_cast %add3A_753 : i32 to index
      %swap3A_755 = arith.constant 96 : index
      %swap3A_756 = tpu.vector_load %arg8[%swap3A_754, %swap3A_755] {strides = array<i32>} : memref<200x128xf32, #tpu.memory_space<vmem>>, vector<1x16xf32>,
      %swap3A_757 = vector.shape_cast %swap3A_756 : vector<1x16xf32> to vector<16xf32>
      %swap3A_758 = vector.shape_cast %add3A_749 : vector<16xf32> to vector<1x16xf32>
      tpu.vector_store %arg8[%swap3A_754, %swap3A_755], %swap3A_758 {strides = array<i32>} : memref<200x128xf32, #tpu.memory_space<vmem>>, vector<1x16xf32>,
      %mul3A_759 = arith.constant 2 : i32
      %mul3A_760 = arith.muli %scan3A_370, %mul3A_759 : i32
      %add3A_761 = arith.constant 1 : i32
      %add3A_762 = arith.addi %mul3A_760, %add3A_761 : i32
      %get3A_763 = arith.index_cast %add3A_762 : i32 to index
      %get3A_764 = arith.constant 112 : index
      %get3A_765 = tpu.vector_load %arg8[%get3A_763, %get3A_764] {strides = array<i32>} : memref<200x128xf32, #tpu.memory_space<vmem>>, vector<1x16xf32>,
      %get3A_766 = vector.shape_cast %get3A_765 : vector<1x16xf32> to vector<16xf32>
      %mul3A_767 = arith.constant 2 : i32
      %mul3A_768 = arith.muli %scan3A_370, %mul3A_767 : i32
      %add3A_769 = arith.constant 1 : i32
      %add3A_770 = arith.addi %mul3A_768, %add3A_769 : i32
      %get3A_771 = arith.index_cast %add3A_770 : i32 to index
      %get3A_772 = arith.constant 112 : index
      %get3A_773 = tpu.vector_load %arg10[%get3A_771, %get3A_772] {strides = array<i32>} : memref<200x128xf32, #tpu.memory_space<vmem>>, vector<1x16xf32>,
      %get3A_774 = vector.shape_cast %get3A_773 : vector<1x16xf32> to vector<16xf32>
      %add3A_775 = arith.addf %get3A_766, %get3A_774 : vector<16xf32>
      %mul3A_776 = arith.constant 2 : i32
      %mul3A_777 = arith.muli %scan3A_370, %mul3A_776 : i32
      %add3A_778 = arith.constant 1 : i32
      %add3A_779 = arith.addi %mul3A_777, %add3A_778 : i32
      %swap3A_780 = arith.index_cast %add3A_779 : i32 to index
      %swap3A_781 = arith.constant 112 : index
      %swap3A_782 = tpu.vector_load %arg8[%swap3A_780, %swap3A_781] {strides = array<i32>} : memref<200x128xf32, #tpu.memory_space<vmem>>, vector<1x16xf32>,
      %swap3A_783 = vector.shape_cast %swap3A_782 : vector<1x16xf32> to vector<16xf32>
      %swap3A_784 = vector.shape_cast %add3A_775 : vector<16xf32> to vector<1x16xf32>
      tpu.vector_store %arg8[%swap3A_780, %swap3A_781], %swap3A_784 {strides = array<i32>} : memref<200x128xf32, #tpu.memory_space<vmem>>, vector<1x16xf32>,
    }
    %scan3A_230 = arith.constant 100 : i32
    %add3A_231 = arith.constant 24800 : i32
    %add3A_232 = arith.addi %mul3A_2, %add3A_231 : i32
    %dma_start3A_233 = arith.constant 1 : i32
    %dma_start3A_234 = arith.constant 0 : i32
    %dma_start3A_235 = tpu.memref_slice %arg5[%add3A_232, %dma_start3A_234] : memref<819200x128xf32, #tpu.memory_space<hbm>> -> memref<200x128xf32, #tpu.memory_space<hbm>>
    %dma_start3A_236 = tpu.memref_slice %arg12[%dma_start3A_233] : memref<3x!tpu.dma_semaphore, #tpu.memory_space<semaphore_mem>> -> memref<1x!tpu.dma_semaphore, #tpu.memory_space<semaphore_mem>>
    %dma_start3A_237 = tpu.memref_squeeze %dma_start3A_236 : memref<1x!tpu.dma_semaphore, #tpu.memory_space<semaphore_mem>> -> memref<!tpu.dma_semaphore, #tpu.memory_space<semaphore_mem>>
    %dma_start3A_238 = arith.constant 0 : i32
    %dma_start3A_239 = tpu.memref_slice %arg5[%add3A_232, %dma_start3A_238] : memref<819200x128xf32, #tpu.memory_space<hbm>> -> memref<200x128xf32, #tpu.memory_space<hbm>>
    tpu.enqueue_dma source(%arg8 : memref<200x128xf32, #tpu.memory_space<vmem>>) target(%dma_start3A_239 : memref<200x128xf32, #tpu.memory_space<hbm>>) target_semaphore(%dma_start3A_237 : memref<!tpu.dma_semaphore, #tpu.memory_space<semaphore_mem>>)
    %add3A_240 = arith.constant 24600 : i32
    %add3A_241 = arith.addi %mul3A_2, %add3A_240 : i32
    %dma_wait3A_242 = arith.constant 0 : i32
    %dma_wait3A_243 = arith.constant 0 : i32
    %dma_wait3A_244 = tpu.memref_slice %arg5[%add3A_241, %dma_wait3A_243] : memref<819200x128xf32, #tpu.memory_space<hbm>> -> memref<200x128xf32, #tpu.memory_space<hbm>>
    %dma_wait3A_245 = tpu.memref_slice %arg12[%dma_wait3A_242] : memref<3x!tpu.dma_semaphore, #tpu.memory_space<semaphore_mem>> -> memref<1x!tpu.dma_semaphore, #tpu.memory_space<semaphore_mem>>
    %dma_wait3A_246 = tpu.memref_squeeze %dma_wait3A_245 : memref<1x!tpu.dma_semaphore, #tpu.memory_space<semaphore_mem>> -> memref<!tpu.dma_semaphore, #tpu.memory_space<semaphore_mem>>
    %dma_wait3A_247 = arith.constant 0 : i32
    %dma_wait3A_248 = tpu.memref_slice %arg5[%add3A_241, %dma_wait3A_247] : memref<819200x128xf32, #tpu.memory_space<hbm>> -> memref<200x128xf32, #tpu.memory_space<hbm>>
    tpu.wait_dma2 semaphore(%dma_wait3A_246 : memref<!tpu.dma_semaphore, #tpu.memory_space<semaphore_mem>>) src(%arg7 : memref<200x128xf32, #tpu.memory_space<vmem>>) dst(%dma_wait3A_248 : memref<200x128xf32, #tpu.memory_space<hbm>>)
    %dma_start3A_249 = arith.constant 0 : i32
    %dma_start3A_250 = arith.constant 25200 : i32
    %dma_start3A_251 = tpu.memref_slice %arg6[%dma_start3A_250] : memref<25600xi32, #tpu.memory_space<vmem>> -> memref<200xi32, #tpu.memory_space<vmem>>
    %dma_start3A_252 = arith.constant 0 : i32
    %dma_start3A_253 = arith.constant 0 : i32
    %dma_start3A_254 = tpu.memref_slice %arg3[%dma_start3A_252, %dma_start3A_253] : memref<1000000x128xf32, #tpu.memory_space<hbm>> -> memref<1000000x128xf32, #tpu.memory_space<hbm>>
    %dma_start3A_255 = tpu.memref_slice %arg11[%dma_start3A_249] : memref<3x!tpu.dma_semaphore, #tpu.memory_space<semaphore_mem>> -> memref<1x!tpu.dma_semaphore, #tpu.memory_space<semaphore_mem>>
    %dma_start3A_256 = tpu.memref_squeeze %dma_start3A_255 : memref<1x!tpu.dma_semaphore, #tpu.memory_space<semaphore_mem>> -> memref<!tpu.dma_semaphore, #tpu.memory_space<semaphore_mem>>
    tpu.enqueue_indirect_dma source(%dma_start3A_254 : memref<1000000x128xf32, #tpu.memory_space<hbm>>) target(%arg7 : memref<200x128xf32, #tpu.memory_space<vmem>>) offsets(%dma_start3A_251 : memref<200xi32, #tpu.memory_space<vmem>>) semaphore(%dma_start3A_256 : memref<!tpu.dma_semaphore, #tpu.memory_space<semaphore_mem>>)
    %dma_wait3A_257 = arith.constant 2 : i32
    %dma_wait3A_258 = arith.constant 25000 : i32
    %dma_wait3A_259 = tpu.memref_slice %arg6[%dma_wait3A_258] : memref<25600xi32, #tpu.memory_space<vmem>> -> memref<200xi32, #tpu.memory_space<vmem>>
    %dma_wait3A_260 = arith.constant 0 : i32
    %dma_wait3A_261 = arith.constant 0 : i32
    %dma_wait3A_262 = tpu.memref_slice %arg3[%dma_wait3A_260, %dma_wait3A_261] : memref<1000000x128xf32, #tpu.memory_space<hbm>> -> memref<1000000x128xf32, #tpu.memory_space<hbm>>
    %dma_wait3A_263 = tpu.memref_slice %arg11[%dma_wait3A_257] : memref<3x!tpu.dma_semaphore, #tpu.memory_space<semaphore_mem>> -> memref<1x!tpu.dma_semaphore, #tpu.memory_space<semaphore_mem>>
    %dma_wait3A_264 = tpu.memref_squeeze %dma_wait3A_263 : memref<1x!tpu.dma_semaphore, #tpu.memory_space<semaphore_mem>> -> memref<!tpu.dma_semaphore, #tpu.memory_space<semaphore_mem>>
    tpu.wait_indirect_dma semaphore(%dma_wait3A_264 : memref<!tpu.dma_semaphore, #tpu.memory_space<semaphore_mem>>) src(%dma_wait3A_262 : memref<1000000x128xf32, #tpu.memory_space<hbm>>) dst(%arg9 : memref<200x128xf32, #tpu.memory_space<vmem>>)
    %scan3A_265 = arith.constant 0 : i32
    %scan3A_266 = arith.constant 0 : i32
    %scan3A_267 = arith.constant 100 : i32
    %scan3A_268 = arith.addi %scan3A_266, %scan3A_267 : i32
    %scan3A_269 = arith.constant 1 : i32
    scf.for %scan3A_370 = %scan3A_266 to %scan3A_268 step %scan3A_269  : i32 {
      %mul3A_371 = arith.constant 2 : i32
      %mul3A_372 = arith.muli %scan3A_370, %mul3A_371 : i32
      %add3A_373 = arith.constant 0 : i32
      %add3A_374 = arith.addi %mul3A_372, %add3A_373 : i32
      %get3A = arith.index_cast %add3A_374 : i32 to index
      %get3A_375 = arith.constant 0 : index
      %get3A_376 = tpu.vector_load %arg9[%get3A, %get3A_375] {strides = array<i32>} : memref<200x128xf32, #tpu.memory_space<vmem>>, vector<1x16xf32>,
      %get3A_377 = vector.shape_cast %get3A_376 : vector<1x16xf32> to vector<16xf32>
      %mul3A_378 = arith.constant 2 : i32
      %mul3A_379 = arith.muli %scan3A_370, %mul3A_378 : i32
      %add3A_380 = arith.constant 0 : i32
      %add3A_381 = arith.addi %mul3A_379, %add3A_380 : i32
      %get3A_382 = arith.index_cast %add3A_381 : i32 to index
      %get3A_383 = arith.constant 0 : index
      %get3A_384 = tpu.vector_load %arg10[%get3A_382, %get3A_383] {strides = array<i32>} : memref<200x128xf32, #tpu.memory_space<vmem>>, vector<1x16xf32>,
      %get3A_385 = vector.shape_cast %get3A_384 : vector<1x16xf32> to vector<16xf32>
      %add3A_386 = arith.addf %get3A_377, %get3A_385 : vector<16xf32>
      %mul3A_387 = arith.constant 2 : i32
      %mul3A_388 = arith.muli %scan3A_370, %mul3A_387 : i32
      %add3A_389 = arith.constant 0 : i32
      %add3A_390 = arith.addi %mul3A_388, %add3A_389 : i32
      %swap3A = arith.index_cast %add3A_390 : i32 to index
      %swap3A_391 = arith.constant 0 : index
      %swap3A_392 = tpu.vector_load %arg9[%swap3A, %swap3A_391] {strides = array<i32>} : memref<200x128xf32, #tpu.memory_space<vmem>>, vector<1x16xf32>,
      %swap3A_393 = vector.shape_cast %swap3A_392 : vector<1x16xf32> to vector<16xf32>
      %swap3A_394 = vector.shape_cast %add3A_386 : vector<16xf32> to vector<1x16xf32>
      tpu.vector_store %arg9[%swap3A, %swap3A_391], %swap3A_394 {strides = array<i32>} : memref<200x128xf32, #tpu.memory_space<vmem>>, vector<1x16xf32>,
      %mul3A_395 = arith.constant 2 : i32
      %mul3A_396 = arith.muli %scan3A_370, %mul3A_395 : i32
      %add3A_397 = arith.constant 0 : i32
      %add3A_398 = arith.addi %mul3A_396, %add3A_397 : i32
      %get3A_399 = arith.index_cast %add3A_398 : i32 to index
      %get3A_400 = arith.constant 16 : index
      %get3A_401 = tpu.vector_load %arg9[%get3A_399, %get3A_400] {strides = array<i32>} : memref<200x128xf32, #tpu.memory_space<vmem>>, vector<1x16xf32>,
      %get3A_402 = vector.shape_cast %get3A_401 : vector<1x16xf32> to vector<16xf32>
      %mul3A_403 = arith.constant 2 : i32
      %mul3A_404 = arith.muli %scan3A_370, %mul3A_403 : i32
      %add3A_405 = arith.constant 0 : i32
      %add3A_406 = arith.addi %mul3A_404, %add3A_405 : i32
      %get3A_407 = arith.index_cast %add3A_406 : i32 to index
      %get3A_408 = arith.constant 16 : index
      %get3A_409 = tpu.vector_load %arg10[%get3A_407, %get3A_408] {strides = array<i32>} : memref<200x128xf32, #tpu.memory_space<vmem>>, vector<1x16xf32>,
      %get3A_410 = vector.shape_cast %get3A_409 : vector<1x16xf32> to vector<16xf32>
      %add3A_411 = arith.addf %get3A_402, %get3A_410 : vector<16xf32>
      %mul3A_412 = arith.constant 2 : i32
      %mul3A_413 = arith.muli %scan3A_370, %mul3A_412 : i32
      %add3A_414 = arith.constant 0 : i32
      %add3A_415 = arith.addi %mul3A_413, %add3A_414 : i32
      %swap3A_416 = arith.index_cast %add3A_415 : i32 to index
      %swap3A_417 = arith.constant 16 : index
      %swap3A_418 = tpu.vector_load %arg9[%swap3A_416, %swap3A_417] {strides = array<i32>} : memref<200x128xf32, #tpu.memory_space<vmem>>, vector<1x16xf32>,
      %swap3A_419 = vector.shape_cast %swap3A_418 : vector<1x16xf32> to vector<16xf32>
      %swap3A_420 = vector.shape_cast %add3A_411 : vector<16xf32> to vector<1x16xf32>
      tpu.vector_store %arg9[%swap3A_416, %swap3A_417], %swap3A_420 {strides = array<i32>} : memref<200x128xf32, #tpu.memory_space<vmem>>, vector<1x16xf32>,
      %mul3A_421 = arith.constant 2 : i32
      %mul3A_422 = arith.muli %scan3A_370, %mul3A_421 : i32
      %add3A_423 = arith.constant 0 : i32
      %add3A_424 = arith.addi %mul3A_422, %add3A_423 : i32
      %get3A_425 = arith.index_cast %add3A_424 : i32 to index
      %get3A_426 = arith.constant 32 : index
      %get3A_427 = tpu.vector_load %arg9[%get3A_425, %get3A_426] {strides = array<i32>} : memref<200x128xf32, #tpu.memory_space<vmem>>, vector<1x16xf32>,
      %get3A_428 = vector.shape_cast %get3A_427 : vector<1x16xf32> to vector<16xf32>
      %mul3A_429 = arith.constant 2 : i32
      %mul3A_430 = arith.muli %scan3A_370, %mul3A_429 : i32
      %add3A_431 = arith.constant 0 : i32
      %add3A_432 = arith.addi %mul3A_430, %add3A_431 : i32
      %get3A_433 = arith.index_cast %add3A_432 : i32 to index
      %get3A_434 = arith.constant 32 : index
      %get3A_435 = tpu.vector_load %arg10[%get3A_433, %get3A_434] {strides = array<i32>} : memref<200x128xf32, #tpu.memory_space<vmem>>, vector<1x16xf32>,
      %get3A_436 = vector.shape_cast %get3A_435 : vector<1x16xf32> to vector<16xf32>
      %add3A_437 = arith.addf %get3A_428, %get3A_436 : vector<16xf32>
      %mul3A_438 = arith.constant 2 : i32
      %mul3A_439 = arith.muli %scan3A_370, %mul3A_438 : i32
      %add3A_440 = arith.constant 0 : i32
      %add3A_441 = arith.addi %mul3A_439, %add3A_440 : i32
      %swap3A_442 = arith.index_cast %add3A_441 : i32 to index
      %swap3A_443 = arith.constant 32 : index
      %swap3A_444 = tpu.vector_load %arg9[%swap3A_442, %swap3A_443] {strides = array<i32>} : memref<200x128xf32, #tpu.memory_space<vmem>>, vector<1x16xf32>,
      %swap3A_445 = vector.shape_cast %swap3A_444 : vector<1x16xf32> to vector<16xf32>
      %swap3A_446 = vector.shape_cast %add3A_437 : vector<16xf32> to vector<1x16xf32>
      tpu.vector_store %arg9[%swap3A_442, %swap3A_443], %swap3A_446 {strides = array<i32>} : memref<200x128xf32, #tpu.memory_space<vmem>>, vector<1x16xf32>,
      %mul3A_447 = arith.constant 2 : i32
      %mul3A_448 = arith.muli %scan3A_370, %mul3A_447 : i32
      %add3A_449 = arith.constant 0 : i32
      %add3A_450 = arith.addi %mul3A_448, %add3A_449 : i32
      %get3A_451 = arith.index_cast %add3A_450 : i32 to index
      %get3A_452 = arith.constant 48 : index
      %get3A_453 = tpu.vector_load %arg9[%get3A_451, %get3A_452] {strides = array<i32>} : memref<200x128xf32, #tpu.memory_space<vmem>>, vector<1x16xf32>,
      %get3A_454 = vector.shape_cast %get3A_453 : vector<1x16xf32> to vector<16xf32>
      %mul3A_455 = arith.constant 2 : i32
      %mul3A_456 = arith.muli %scan3A_370, %mul3A_455 : i32
      %add3A_457 = arith.constant 0 : i32
      %add3A_458 = arith.addi %mul3A_456, %add3A_457 : i32
      %get3A_459 = arith.index_cast %add3A_458 : i32 to index
      %get3A_460 = arith.constant 48 : index
      %get3A_461 = tpu.vector_load %arg10[%get3A_459, %get3A_460] {strides = array<i32>} : memref<200x128xf32, #tpu.memory_space<vmem>>, vector<1x16xf32>,
      %get3A_462 = vector.shape_cast %get3A_461 : vector<1x16xf32> to vector<16xf32>
      %add3A_463 = arith.addf %get3A_454, %get3A_462 : vector<16xf32>
      %mul3A_464 = arith.constant 2 : i32
      %mul3A_465 = arith.muli %scan3A_370, %mul3A_464 : i32
      %add3A_466 = arith.constant 0 : i32
      %add3A_467 = arith.addi %mul3A_465, %add3A_466 : i32
      %swap3A_468 = arith.index_cast %add3A_467 : i32 to index
      %swap3A_469 = arith.constant 48 : index
      %swap3A_470 = tpu.vector_load %arg9[%swap3A_468, %swap3A_469] {strides = array<i32>} : memref<200x128xf32, #tpu.memory_space<vmem>>, vector<1x16xf32>,
      %swap3A_471 = vector.shape_cast %swap3A_470 : vector<1x16xf32> to vector<16xf32>
      %swap3A_472 = vector.shape_cast %add3A_463 : vector<16xf32> to vector<1x16xf32>
      tpu.vector_store %arg9[%swap3A_468, %swap3A_469], %swap3A_472 {strides = array<i32>} : memref<200x128xf32, #tpu.memory_space<vmem>>, vector<1x16xf32>,
      %mul3A_473 = arith.constant 2 : i32
      %mul3A_474 = arith.muli %scan3A_370, %mul3A_473 : i32
      %add3A_475 = arith.constant 0 : i32
      %add3A_476 = arith.addi %mul3A_474, %add3A_475 : i32
      %get3A_477 = arith.index_cast %add3A_476 : i32 to index
      %get3A_478 = arith.constant 64 : index
      %get3A_479 = tpu.vector_load %arg9[%get3A_477, %get3A_478] {strides = array<i32>} : memref<200x128xf32, #tpu.memory_space<vmem>>, vector<1x16xf32>,
      %get3A_480 = vector.shape_cast %get3A_479 : vector<1x16xf32> to vector<16xf32>
      %mul3A_481 = arith.constant 2 : i32
      %mul3A_482 = arith.muli %scan3A_370, %mul3A_481 : i32
      %add3A_483 = arith.constant 0 : i32
      %add3A_484 = arith.addi %mul3A_482, %add3A_483 : i32
      %get3A_485 = arith.index_cast %add3A_484 : i32 to index
      %get3A_486 = arith.constant 64 : index
      %get3A_487 = tpu.vector_load %arg10[%get3A_485, %get3A_486] {strides = array<i32>} : memref<200x128xf32, #tpu.memory_space<vmem>>, vector<1x16xf32>,
      %get3A_488 = vector.shape_cast %get3A_487 : vector<1x16xf32> to vector<16xf32>
      %add3A_489 = arith.addf %get3A_480, %get3A_488 : vector<16xf32>
      %mul3A_490 = arith.constant 2 : i32
      %mul3A_491 = arith.muli %scan3A_370, %mul3A_490 : i32
      %add3A_492 = arith.constant 0 : i32
      %add3A_493 = arith.addi %mul3A_491, %add3A_492 : i32
      %swap3A_494 = arith.index_cast %add3A_493 : i32 to index
      %swap3A_495 = arith.constant 64 : index
      %swap3A_496 = tpu.vector_load %arg9[%swap3A_494, %swap3A_495] {strides = array<i32>} : memref<200x128xf32, #tpu.memory_space<vmem>>, vector<1x16xf32>,
      %swap3A_497 = vector.shape_cast %swap3A_496 : vector<1x16xf32> to vector<16xf32>
      %swap3A_498 = vector.shape_cast %add3A_489 : vector<16xf32> to vector<1x16xf32>
      tpu.vector_store %arg9[%swap3A_494, %swap3A_495], %swap3A_498 {strides = array<i32>} : memref<200x128xf32, #tpu.memory_space<vmem>>, vector<1x16xf32>,
      %mul3A_499 = arith.constant 2 : i32
      %mul3A_500 = arith.muli %scan3A_370, %mul3A_499 : i32
      %add3A_501 = arith.constant 0 : i32
      %add3A_502 = arith.addi %mul3A_500, %add3A_501 : i32
      %get3A_503 = arith.index_cast %add3A_502 : i32 to index
      %get3A_504 = arith.constant 80 : index
      %get3A_505 = tpu.vector_load %arg9[%get3A_503, %get3A_504] {strides = array<i32>} : memref<200x128xf32, #tpu.memory_space<vmem>>, vector<1x16xf32>,
      %get3A_506 = vector.shape_cast %get3A_505 : vector<1x16xf32> to vector<16xf32>
      %mul3A_507 = arith.constant 2 : i32
      %mul3A_508 = arith.muli %scan3A_370, %mul3A_507 : i32
      %add3A_509 = arith.constant 0 : i32
      %add3A_510 = arith.addi %mul3A_508, %add3A_509 : i32
      %get3A_511 = arith.index_cast %add3A_510 : i32 to index
      %get3A_512 = arith.constant 80 : index
      %get3A_513 = tpu.vector_load %arg10[%get3A_511, %get3A_512] {strides = array<i32>} : memref<200x128xf32, #tpu.memory_space<vmem>>, vector<1x16xf32>,
      %get3A_514 = vector.shape_cast %get3A_513 : vector<1x16xf32> to vector<16xf32>
      %add3A_515 = arith.addf %get3A_506, %get3A_514 : vector<16xf32>
      %mul3A_516 = arith.constant 2 : i32
      %mul3A_517 = arith.muli %scan3A_370, %mul3A_516 : i32
      %add3A_518 = arith.constant 0 : i32
      %add3A_519 = arith.addi %mul3A_517, %add3A_518 : i32
      %swap3A_520 = arith.index_cast %add3A_519 : i32 to index
      %swap3A_521 = arith.constant 80 : index
      %swap3A_522 = tpu.vector_load %arg9[%swap3A_520, %swap3A_521] {strides = array<i32>} : memref<200x128xf32, #tpu.memory_space<vmem>>, vector<1x16xf32>,
      %swap3A_523 = vector.shape_cast %swap3A_522 : vector<1x16xf32> to vector<16xf32>
      %swap3A_524 = vector.shape_cast %add3A_515 : vector<16xf32> to vector<1x16xf32>
      tpu.vector_store %arg9[%swap3A_520, %swap3A_521], %swap3A_524 {strides = array<i32>} : memref<200x128xf32, #tpu.memory_space<vmem>>, vector<1x16xf32>,
      %mul3A_525 = arith.constant 2 : i32
      %mul3A_526 = arith.muli %scan3A_370, %mul3A_525 : i32
      %add3A_527 = arith.constant 0 : i32
      %add3A_528 = arith.addi %mul3A_526, %add3A_527 : i32
      %get3A_529 = arith.index_cast %add3A_528 : i32 to index
      %get3A_530 = arith.constant 96 : index
      %get3A_531 = tpu.vector_load %arg9[%get3A_529, %get3A_530] {strides = array<i32>} : memref<200x128xf32, #tpu.memory_space<vmem>>, vector<1x16xf32>,
      %get3A_532 = vector.shape_cast %get3A_531 : vector<1x16xf32> to vector<16xf32>
      %mul3A_533 = arith.constant 2 : i32
      %mul3A_534 = arith.muli %scan3A_370, %mul3A_533 : i32
      %add3A_535 = arith.constant 0 : i32
      %add3A_536 = arith.addi %mul3A_534, %add3A_535 : i32
      %get3A_537 = arith.index_cast %add3A_536 : i32 to index
      %get3A_538 = arith.constant 96 : index
      %get3A_539 = tpu.vector_load %arg10[%get3A_537, %get3A_538] {strides = array<i32>} : memref<200x128xf32, #tpu.memory_space<vmem>>, vector<1x16xf32>,
      %get3A_540 = vector.shape_cast %get3A_539 : vector<1x16xf32> to vector<16xf32>
      %add3A_541 = arith.addf %get3A_532, %get3A_540 : vector<16xf32>
      %mul3A_542 = arith.constant 2 : i32
      %mul3A_543 = arith.muli %scan3A_370, %mul3A_542 : i32
      %add3A_544 = arith.constant 0 : i32
      %add3A_545 = arith.addi %mul3A_543, %add3A_544 : i32
      %swap3A_546 = arith.index_cast %add3A_545 : i32 to index
      %swap3A_547 = arith.constant 96 : index
      %swap3A_548 = tpu.vector_load %arg9[%swap3A_546, %swap3A_547] {strides = array<i32>} : memref<200x128xf32, #tpu.memory_space<vmem>>, vector<1x16xf32>,
      %swap3A_549 = vector.shape_cast %swap3A_548 : vector<1x16xf32> to vector<16xf32>
      %swap3A_550 = vector.shape_cast %add3A_541 : vector<16xf32> to vector<1x16xf32>
      tpu.vector_store %arg9[%swap3A_546, %swap3A_547], %swap3A_550 {strides = array<i32>} : memref<200x128xf32, #tpu.memory_space<vmem>>, vector<1x16xf32>,
      %mul3A_551 = arith.constant 2 : i32
      %mul3A_552 = arith.muli %scan3A_370, %mul3A_551 : i32
      %add3A_553 = arith.constant 0 : i32
      %add3A_554 = arith.addi %mul3A_552, %add3A_553 : i32
      %get3A_555 = arith.index_cast %add3A_554 : i32 to index
      %get3A_556 = arith.constant 112 : index
      %get3A_557 = tpu.vector_load %arg9[%get3A_555, %get3A_556] {strides = array<i32>} : memref<200x128xf32, #tpu.memory_space<vmem>>, vector<1x16xf32>,
      %get3A_558 = vector.shape_cast %get3A_557 : vector<1x16xf32> to vector<16xf32>
      %mul3A_559 = arith.constant 2 : i32
      %mul3A_560 = arith.muli %scan3A_370, %mul3A_559 : i32
      %add3A_561 = arith.constant 0 : i32
      %add3A_562 = arith.addi %mul3A_560, %add3A_561 : i32
      %get3A_563 = arith.index_cast %add3A_562 : i32 to index
      %get3A_564 = arith.constant 112 : index
      %get3A_565 = tpu.vector_load %arg10[%get3A_563, %get3A_564] {strides = array<i32>} : memref<200x128xf32, #tpu.memory_space<vmem>>, vector<1x16xf32>,
      %get3A_566 = vector.shape_cast %get3A_565 : vector<1x16xf32> to vector<16xf32>
      %add3A_567 = arith.addf %get3A_558, %get3A_566 : vector<16xf32>
      %mul3A_568 = arith.constant 2 : i32
      %mul3A_569 = arith.muli %scan3A_370, %mul3A_568 : i32
      %add3A_570 = arith.constant 0 : i32
      %add3A_571 = arith.addi %mul3A_569, %add3A_570 : i32
      %swap3A_572 = arith.index_cast %add3A_571 : i32 to index
      %swap3A_573 = arith.constant 112 : index
      %swap3A_574 = tpu.vector_load %arg9[%swap3A_572, %swap3A_573] {strides = array<i32>} : memref<200x128xf32, #tpu.memory_space<vmem>>, vector<1x16xf32>,
      %swap3A_575 = vector.shape_cast %swap3A_574 : vector<1x16xf32> to vector<16xf32>
      %swap3A_576 = vector.shape_cast %add3A_567 : vector<16xf32> to vector<1x16xf32>
      tpu.vector_store %arg9[%swap3A_572, %swap3A_573], %swap3A_576 {strides = array<i32>} : memref<200x128xf32, #tpu.memory_space<vmem>>, vector<1x16xf32>,
      %mul3A_577 = arith.constant 2 : i32
      %mul3A_578 = arith.muli %scan3A_370, %mul3A_577 : i32
      %add3A_579 = arith.constant 1 : i32
      %add3A_580 = arith.addi %mul3A_578, %add3A_579 : i32
      %get3A_581 = arith.index_cast %add3A_580 : i32 to index
      %get3A_582 = arith.constant 0 : index
      %get3A_583 = tpu.vector_load %arg9[%get3A_581, %get3A_582] {strides = array<i32>} : memref<200x128xf32, #tpu.memory_space<vmem>>, vector<1x16xf32>,
      %get3A_584 = vector.shape_cast %get3A_583 : vector<1x16xf32> to vector<16xf32>
      %mul3A_585 = arith.constant 2 : i32
      %mul3A_586 = arith.muli %scan3A_370, %mul3A_585 : i32
      %add3A_587 = arith.constant 1 : i32
      %add3A_588 = arith.addi %mul3A_586, %add3A_587 : i32
      %get3A_589 = arith.index_cast %add3A_588 : i32 to index
      %get3A_590 = arith.constant 0 : index
      %get3A_591 = tpu.vector_load %arg10[%get3A_589, %get3A_590] {strides = array<i32>} : memref<200x128xf32, #tpu.memory_space<vmem>>, vector<1x16xf32>,
      %get3A_592 = vector.shape_cast %get3A_591 : vector<1x16xf32> to vector<16xf32>
      %add3A_593 = arith.addf %get3A_584, %get3A_592 : vector<16xf32>
      %mul3A_594 = arith.constant 2 : i32
      %mul3A_595 = arith.muli %scan3A_370, %mul3A_594 : i32
      %add3A_596 = arith.constant 1 : i32
      %add3A_597 = arith.addi %mul3A_595, %add3A_596 : i32
      %swap3A_598 = arith.index_cast %add3A_597 : i32 to index
      %swap3A_599 = arith.constant 0 : index
      %swap3A_600 = tpu.vector_load %arg9[%swap3A_598, %swap3A_599] {strides = array<i32>} : memref<200x128xf32, #tpu.memory_space<vmem>>, vector<1x16xf32>,
      %swap3A_601 = vector.shape_cast %swap3A_600 : vector<1x16xf32> to vector<16xf32>
      %swap3A_602 = vector.shape_cast %add3A_593 : vector<16xf32> to vector<1x16xf32>
      tpu.vector_store %arg9[%swap3A_598, %swap3A_599], %swap3A_602 {strides = array<i32>} : memref<200x128xf32, #tpu.memory_space<vmem>>, vector<1x16xf32>,
      %mul3A_603 = arith.constant 2 : i32
      %mul3A_604 = arith.muli %scan3A_370, %mul3A_603 : i32
      %add3A_605 = arith.constant 1 : i32
      %add3A_606 = arith.addi %mul3A_604, %add3A_605 : i32
      %get3A_607 = arith.index_cast %add3A_606 : i32 to index
      %get3A_608 = arith.constant 16 : index
      %get3A_609 = tpu.vector_load %arg9[%get3A_607, %get3A_608] {strides = array<i32>} : memref<200x128xf32, #tpu.memory_space<vmem>>, vector<1x16xf32>,
      %get3A_610 = vector.shape_cast %get3A_609 : vector<1x16xf32> to vector<16xf32>
      %mul3A_611 = arith.constant 2 : i32
      %mul3A_612 = arith.muli %scan3A_370, %mul3A_611 : i32
      %add3A_613 = arith.constant 1 : i32
      %add3A_614 = arith.addi %mul3A_612, %add3A_613 : i32
      %get3A_615 = arith.index_cast %add3A_614 : i32 to index
      %get3A_616 = arith.constant 16 : index
      %get3A_617 = tpu.vector_load %arg10[%get3A_615, %get3A_616] {strides = array<i32>} : memref<200x128xf32, #tpu.memory_space<vmem>>, vector<1x16xf32>,
      %get3A_618 = vector.shape_cast %get3A_617 : vector<1x16xf32> to vector<16xf32>
      %add3A_619 = arith.addf %get3A_610, %get3A_618 : vector<16xf32>
      %mul3A_620 = arith.constant 2 : i32
      %mul3A_621 = arith.muli %scan3A_370, %mul3A_620 : i32
      %add3A_622 = arith.constant 1 : i32
      %add3A_623 = arith.addi %mul3A_621, %add3A_622 : i32
      %swap3A_624 = arith.index_cast %add3A_623 : i32 to index
      %swap3A_625 = arith.constant 16 : index
      %swap3A_626 = tpu.vector_load %arg9[%swap3A_624, %swap3A_625] {strides = array<i32>} : memref<200x128xf32, #tpu.memory_space<vmem>>, vector<1x16xf32>,
      %swap3A_627 = vector.shape_cast %swap3A_626 : vector<1x16xf32> to vector<16xf32>
      %swap3A_628 = vector.shape_cast %add3A_619 : vector<16xf32> to vector<1x16xf32>
      tpu.vector_store %arg9[%swap3A_624, %swap3A_625], %swap3A_628 {strides = array<i32>} : memref<200x128xf32, #tpu.memory_space<vmem>>, vector<1x16xf32>,
      %mul3A_629 = arith.constant 2 : i32
      %mul3A_630 = arith.muli %scan3A_370, %mul3A_629 : i32
      %add3A_631 = arith.constant 1 : i32
      %add3A_632 = arith.addi %mul3A_630, %add3A_631 : i32
      %get3A_633 = arith.index_cast %add3A_632 : i32 to index
      %get3A_634 = arith.constant 32 : index
      %get3A_635 = tpu.vector_load %arg9[%get3A_633, %get3A_634] {strides = array<i32>} : memref<200x128xf32, #tpu.memory_space<vmem>>, vector<1x16xf32>,
      %get3A_636 = vector.shape_cast %get3A_635 : vector<1x16xf32> to vector<16xf32>
      %mul3A_637 = arith.constant 2 : i32
      %mul3A_638 = arith.muli %scan3A_370, %mul3A_637 : i32
      %add3A_639 = arith.constant 1 : i32
      %add3A_640 = arith.addi %mul3A_638, %add3A_639 : i32
      %get3A_641 = arith.index_cast %add3A_640 : i32 to index
      %get3A_642 = arith.constant 32 : index
      %get3A_643 = tpu.vector_load %arg10[%get3A_641, %get3A_642] {strides = array<i32>} : memref<200x128xf32, #tpu.memory_space<vmem>>, vector<1x16xf32>,
      %get3A_644 = vector.shape_cast %get3A_643 : vector<1x16xf32> to vector<16xf32>
      %add3A_645 = arith.addf %get3A_636, %get3A_644 : vector<16xf32>
      %mul3A_646 = arith.constant 2 : i32
      %mul3A_647 = arith.muli %scan3A_370, %mul3A_646 : i32
      %add3A_648 = arith.constant 1 : i32
      %add3A_649 = arith.addi %mul3A_647, %add3A_648 : i32
      %swap3A_650 = arith.index_cast %add3A_649 : i32 to index
      %swap3A_651 = arith.constant 32 : index
      %swap3A_652 = tpu.vector_load %arg9[%swap3A_650, %swap3A_651] {strides = array<i32>} : memref<200x128xf32, #tpu.memory_space<vmem>>, vector<1x16xf32>,
      %swap3A_653 = vector.shape_cast %swap3A_652 : vector<1x16xf32> to vector<16xf32>
      %swap3A_654 = vector.shape_cast %add3A_645 : vector<16xf32> to vector<1x16xf32>
      tpu.vector_store %arg9[%swap3A_650, %swap3A_651], %swap3A_654 {strides = array<i32>} : memref<200x128xf32, #tpu.memory_space<vmem>>, vector<1x16xf32>,
      %mul3A_655 = arith.constant 2 : i32
      %mul3A_656 = arith.muli %scan3A_370, %mul3A_655 : i32
      %add3A_657 = arith.constant 1 : i32
      %add3A_658 = arith.addi %mul3A_656, %add3A_657 : i32
      %get3A_659 = arith.index_cast %add3A_658 : i32 to index
      %get3A_660 = arith.constant 48 : index
      %get3A_661 = tpu.vector_load %arg9[%get3A_659, %get3A_660] {strides = array<i32>} : memref<200x128xf32, #tpu.memory_space<vmem>>, vector<1x16xf32>,
      %get3A_662 = vector.shape_cast %get3A_661 : vector<1x16xf32> to vector<16xf32>
      %mul3A_663 = arith.constant 2 : i32
      %mul3A_664 = arith.muli %scan3A_370, %mul3A_663 : i32
      %add3A_665 = arith.constant 1 : i32
      %add3A_666 = arith.addi %mul3A_664, %add3A_665 : i32
      %get3A_667 = arith.index_cast %add3A_666 : i32 to index
      %get3A_668 = arith.constant 48 : index
      %get3A_669 = tpu.vector_load %arg10[%get3A_667, %get3A_668] {strides = array<i32>} : memref<200x128xf32, #tpu.memory_space<vmem>>, vector<1x16xf32>,
      %get3A_670 = vector.shape_cast %get3A_669 : vector<1x16xf32> to vector<16xf32>
      %add3A_671 = arith.addf %get3A_662, %get3A_670 : vector<16xf32>
      %mul3A_672 = arith.constant 2 : i32
      %mul3A_673 = arith.muli %scan3A_370, %mul3A_672 : i32
      %add3A_674 = arith.constant 1 : i32
      %add3A_675 = arith.addi %mul3A_673, %add3A_674 : i32
      %swap3A_676 = arith.index_cast %add3A_675 : i32 to index
      %swap3A_677 = arith.constant 48 : index
      %swap3A_678 = tpu.vector_load %arg9[%swap3A_676, %swap3A_677] {strides = array<i32>} : memref<200x128xf32, #tpu.memory_space<vmem>>, vector<1x16xf32>,
      %swap3A_679 = vector.shape_cast %swap3A_678 : vector<1x16xf32> to vector<16xf32>
      %swap3A_680 = vector.shape_cast %add3A_671 : vector<16xf32> to vector<1x16xf32>
      tpu.vector_store %arg9[%swap3A_676, %swap3A_677], %swap3A_680 {strides = array<i32>} : memref<200x128xf32, #tpu.memory_space<vmem>>, vector<1x16xf32>,
      %mul3A_681 = arith.constant 2 : i32
      %mul3A_682 = arith.muli %scan3A_370, %mul3A_681 : i32
      %add3A_683 = arith.constant 1 : i32
      %add3A_684 = arith.addi %mul3A_682, %add3A_683 : i32
      %get3A_685 = arith.index_cast %add3A_684 : i32 to index
      %get3A_686 = arith.constant 64 : index
      %get3A_687 = tpu.vector_load %arg9[%get3A_685, %get3A_686] {strides = array<i32>} : memref<200x128xf32, #tpu.memory_space<vmem>>, vector<1x16xf32>,
      %get3A_688 = vector.shape_cast %get3A_687 : vector<1x16xf32> to vector<16xf32>
      %mul3A_689 = arith.constant 2 : i32
      %mul3A_690 = arith.muli %scan3A_370, %mul3A_689 : i32
      %add3A_691 = arith.constant 1 : i32
      %add3A_692 = arith.addi %mul3A_690, %add3A_691 : i32
      %get3A_693 = arith.index_cast %add3A_692 : i32 to index
      %get3A_694 = arith.constant 64 : index
      %get3A_695 = tpu.vector_load %arg10[%get3A_693, %get3A_694] {strides = array<i32>} : memref<200x128xf32, #tpu.memory_space<vmem>>, vector<1x16xf32>,
      %get3A_696 = vector.shape_cast %get3A_695 : vector<1x16xf32> to vector<16xf32>
      %add3A_697 = arith.addf %get3A_688, %get3A_696 : vector<16xf32>
      %mul3A_698 = arith.constant 2 : i32
      %mul3A_699 = arith.muli %scan3A_370, %mul3A_698 : i32
      %add3A_700 = arith.constant 1 : i32
      %add3A_701 = arith.addi %mul3A_699, %add3A_700 : i32
      %swap3A_702 = arith.index_cast %add3A_701 : i32 to index
      %swap3A_703 = arith.constant 64 : index
      %swap3A_704 = tpu.vector_load %arg9[%swap3A_702, %swap3A_703] {strides = array<i32>} : memref<200x128xf32, #tpu.memory_space<vmem>>, vector<1x16xf32>,
      %swap3A_705 = vector.shape_cast %swap3A_704 : vector<1x16xf32> to vector<16xf32>
      %swap3A_706 = vector.shape_cast %add3A_697 : vector<16xf32> to vector<1x16xf32>
      tpu.vector_store %arg9[%swap3A_702, %swap3A_703], %swap3A_706 {strides = array<i32>} : memref<200x128xf32, #tpu.memory_space<vmem>>, vector<1x16xf32>,
      %mul3A_707 = arith.constant 2 : i32
      %mul3A_708 = arith.muli %scan3A_370, %mul3A_707 : i32
      %add3A_709 = arith.constant 1 : i32
      %add3A_710 = arith.addi %mul3A_708, %add3A_709 : i32
      %get3A_711 = arith.index_cast %add3A_710 : i32 to index
      %get3A_712 = arith.constant 80 : index
      %get3A_713 = tpu.vector_load %arg9[%get3A_711, %get3A_712] {strides = array<i32>} : memref<200x128xf32, #tpu.memory_space<vmem>>, vector<1x16xf32>,
      %get3A_714 = vector.shape_cast %get3A_713 : vector<1x16xf32> to vector<16xf32>
      %mul3A_715 = arith.constant 2 : i32
      %mul3A_716 = arith.muli %scan3A_370, %mul3A_715 : i32
      %add3A_717 = arith.constant 1 : i32
      %add3A_718 = arith.addi %mul3A_716, %add3A_717 : i32
      %get3A_719 = arith.index_cast %add3A_718 : i32 to index
      %get3A_720 = arith.constant 80 : index
      %get3A_721 = tpu.vector_load %arg10[%get3A_719, %get3A_720] {strides = array<i32>} : memref<200x128xf32, #tpu.memory_space<vmem>>, vector<1x16xf32>,
      %get3A_722 = vector.shape_cast %get3A_721 : vector<1x16xf32> to vector<16xf32>
      %add3A_723 = arith.addf %get3A_714, %get3A_722 : vector<16xf32>
      %mul3A_724 = arith.constant 2 : i32
      %mul3A_725 = arith.muli %scan3A_370, %mul3A_724 : i32
      %add3A_726 = arith.constant 1 : i32
      %add3A_727 = arith.addi %mul3A_725, %add3A_726 : i32
      %swap3A_728 = arith.index_cast %add3A_727 : i32 to index
      %swap3A_729 = arith.constant 80 : index
      %swap3A_730 = tpu.vector_load %arg9[%swap3A_728, %swap3A_729] {strides = array<i32>} : memref<200x128xf32, #tpu.memory_space<vmem>>, vector<1x16xf32>,
      %swap3A_731 = vector.shape_cast %swap3A_730 : vector<1x16xf32> to vector<16xf32>
      %swap3A_732 = vector.shape_cast %add3A_723 : vector<16xf32> to vector<1x16xf32>
      tpu.vector_store %arg9[%swap3A_728, %swap3A_729], %swap3A_732 {strides = array<i32>} : memref<200x128xf32, #tpu.memory_space<vmem>>, vector<1x16xf32>,
      %mul3A_733 = arith.constant 2 : i32
      %mul3A_734 = arith.muli %scan3A_370, %mul3A_733 : i32
      %add3A_735 = arith.constant 1 : i32
      %add3A_736 = arith.addi %mul3A_734, %add3A_735 : i32
      %get3A_737 = arith.index_cast %add3A_736 : i32 to index
      %get3A_738 = arith.constant 96 : index
      %get3A_739 = tpu.vector_load %arg9[%get3A_737, %get3A_738] {strides = array<i32>} : memref<200x128xf32, #tpu.memory_space<vmem>>, vector<1x16xf32>,
      %get3A_740 = vector.shape_cast %get3A_739 : vector<1x16xf32> to vector<16xf32>
      %mul3A_741 = arith.constant 2 : i32
      %mul3A_742 = arith.muli %scan3A_370, %mul3A_741 : i32
      %add3A_743 = arith.constant 1 : i32
      %add3A_744 = arith.addi %mul3A_742, %add3A_743 : i32
      %get3A_745 = arith.index_cast %add3A_744 : i32 to index
      %get3A_746 = arith.constant 96 : index
      %get3A_747 = tpu.vector_load %arg10[%get3A_745, %get3A_746] {strides = array<i32>} : memref<200x128xf32, #tpu.memory_space<vmem>>, vector<1x16xf32>,
      %get3A_748 = vector.shape_cast %get3A_747 : vector<1x16xf32> to vector<16xf32>
      %add3A_749 = arith.addf %get3A_740, %get3A_748 : vector<16xf32>
      %mul3A_750 = arith.constant 2 : i32
      %mul3A_751 = arith.muli %scan3A_370, %mul3A_750 : i32
      %add3A_752 = arith.constant 1 : i32
      %add3A_753 = arith.addi %mul3A_751, %add3A_752 : i32
      %swap3A_754 = arith.index_cast %add3A_753 : i32 to index
      %swap3A_755 = arith.constant 96 : index
      %swap3A_756 = tpu.vector_load %arg9[%swap3A_754, %swap3A_755] {strides = array<i32>} : memref<200x128xf32, #tpu.memory_space<vmem>>, vector<1x16xf32>,
      %swap3A_757 = vector.shape_cast %swap3A_756 : vector<1x16xf32> to vector<16xf32>
      %swap3A_758 = vector.shape_cast %add3A_749 : vector<16xf32> to vector<1x16xf32>
      tpu.vector_store %arg9[%swap3A_754, %swap3A_755], %swap3A_758 {strides = array<i32>} : memref<200x128xf32, #tpu.memory_space<vmem>>, vector<1x16xf32>,
      %mul3A_759 = arith.constant 2 : i32
      %mul3A_760 = arith.muli %scan3A_370, %mul3A_759 : i32
      %add3A_761 = arith.constant 1 : i32
      %add3A_762 = arith.addi %mul3A_760, %add3A_761 : i32
      %get3A_763 = arith.index_cast %add3A_762 : i32 to index
      %get3A_764 = arith.constant 112 : index
      %get3A_765 = tpu.vector_load %arg9[%get3A_763, %get3A_764] {strides = array<i32>} : memref<200x128xf32, #tpu.memory_space<vmem>>, vector<1x16xf32>,
      %get3A_766 = vector.shape_cast %get3A_765 : vector<1x16xf32> to vector<16xf32>
      %mul3A_767 = arith.constant 2 : i32
      %mul3A_768 = arith.muli %scan3A_370, %mul3A_767 : i32
      %add3A_769 = arith.constant 1 : i32
      %add3A_770 = arith.addi %mul3A_768, %add3A_769 : i32
      %get3A_771 = arith.index_cast %add3A_770 : i32 to index
      %get3A_772 = arith.constant 112 : index
      %get3A_773 = tpu.vector_load %arg10[%get3A_771, %get3A_772] {strides = array<i32>} : memref<200x128xf32, #tpu.memory_space<vmem>>, vector<1x16xf32>,
      %get3A_774 = vector.shape_cast %get3A_773 : vector<1x16xf32> to vector<16xf32>
      %add3A_775 = arith.addf %get3A_766, %get3A_774 : vector<16xf32>
      %mul3A_776 = arith.constant 2 : i32
      %mul3A_777 = arith.muli %scan3A_370, %mul3A_776 : i32
      %add3A_778 = arith.constant 1 : i32
      %add3A_779 = arith.addi %mul3A_777, %add3A_778 : i32
      %swap3A_780 = arith.index_cast %add3A_779 : i32 to index
      %swap3A_781 = arith.constant 112 : index
      %swap3A_782 = tpu.vector_load %arg9[%swap3A_780, %swap3A_781] {strides = array<i32>} : memref<200x128xf32, #tpu.memory_space<vmem>>, vector<1x16xf32>,
      %swap3A_783 = vector.shape_cast %swap3A_782 : vector<1x16xf32> to vector<16xf32>
      %swap3A_784 = vector.shape_cast %add3A_775 : vector<16xf32> to vector<1x16xf32>
      tpu.vector_store %arg9[%swap3A_780, %swap3A_781], %swap3A_784 {strides = array<i32>} : memref<200x128xf32, #tpu.memory_space<vmem>>, vector<1x16xf32>,
    }
    %scan3A_270 = arith.constant 100 : i32
    %add3A_271 = arith.constant 25000 : i32
    %add3A_272 = arith.addi %mul3A_2, %add3A_271 : i32
    %dma_start3A_273 = arith.constant 2 : i32
    %dma_start3A_274 = arith.constant 0 : i32
    %dma_start3A_275 = tpu.memref_slice %arg5[%add3A_272, %dma_start3A_274] : memref<819200x128xf32, #tpu.memory_space<hbm>> -> memref<200x128xf32, #tpu.memory_space<hbm>>
    %dma_start3A_276 = tpu.memref_slice %arg12[%dma_start3A_273] : memref<3x!tpu.dma_semaphore, #tpu.memory_space<semaphore_mem>> -> memref<1x!tpu.dma_semaphore, #tpu.memory_space<semaphore_mem>>
    %dma_start3A_277 = tpu.memref_squeeze %dma_start3A_276 : memref<1x!tpu.dma_semaphore, #tpu.memory_space<semaphore_mem>> -> memref<!tpu.dma_semaphore, #tpu.memory_space<semaphore_mem>>
    %dma_start3A_278 = arith.constant 0 : i32
    %dma_start3A_279 = tpu.memref_slice %arg5[%add3A_272, %dma_start3A_278] : memref<819200x128xf32, #tpu.memory_space<hbm>> -> memref<200x128xf32, #tpu.memory_space<hbm>>
    tpu.enqueue_dma source(%arg9 : memref<200x128xf32, #tpu.memory_space<vmem>>) target(%dma_start3A_279 : memref<200x128xf32, #tpu.memory_space<hbm>>) target_semaphore(%dma_start3A_277 : memref<!tpu.dma_semaphore, #tpu.memory_space<semaphore_mem>>)
    %add3A_280 = arith.constant 24800 : i32
    %add3A_281 = arith.addi %mul3A_2, %add3A_280 : i32
    %dma_wait3A_282 = arith.constant 1 : i32
    %dma_wait3A_283 = arith.constant 0 : i32
    %dma_wait3A_284 = tpu.memref_slice %arg5[%add3A_281, %dma_wait3A_283] : memref<819200x128xf32, #tpu.memory_space<hbm>> -> memref<200x128xf32, #tpu.memory_space<hbm>>
    %dma_wait3A_285 = tpu.memref_slice %arg12[%dma_wait3A_282] : memref<3x!tpu.dma_semaphore, #tpu.memory_space<semaphore_mem>> -> memref<1x!tpu.dma_semaphore, #tpu.memory_space<semaphore_mem>>
    %dma_wait3A_286 = tpu.memref_squeeze %dma_wait3A_285 : memref<1x!tpu.dma_semaphore, #tpu.memory_space<semaphore_mem>> -> memref<!tpu.dma_semaphore, #tpu.memory_space<semaphore_mem>>
    %dma_wait3A_287 = arith.constant 0 : i32
    %dma_wait3A_288 = tpu.memref_slice %arg5[%add3A_281, %dma_wait3A_287] : memref<819200x128xf32, #tpu.memory_space<hbm>> -> memref<200x128xf32, #tpu.memory_space<hbm>>
    tpu.wait_dma2 semaphore(%dma_wait3A_286 : memref<!tpu.dma_semaphore, #tpu.memory_space<semaphore_mem>>) src(%arg8 : memref<200x128xf32, #tpu.memory_space<vmem>>) dst(%dma_wait3A_288 : memref<200x128xf32, #tpu.memory_space<hbm>>)
    %dma_start3A_289 = arith.constant 1 : i32
    %dma_start3A_290 = arith.constant 25400 : i32
    %dma_start3A_291 = tpu.memref_slice %arg6[%dma_start3A_290] : memref<25600xi32, #tpu.memory_space<vmem>> -> memref<200xi32, #tpu.memory_space<vmem>>
    %dma_start3A_292 = arith.constant 0 : i32
    %dma_start3A_293 = arith.constant 0 : i32
    %dma_start3A_294 = tpu.memref_slice %arg3[%dma_start3A_292, %dma_start3A_293] : memref<1000000x128xf32, #tpu.memory_space<hbm>> -> memref<1000000x128xf32, #tpu.memory_space<hbm>>
    %dma_start3A_295 = tpu.memref_slice %arg11[%dma_start3A_289] : memref<3x!tpu.dma_semaphore, #tpu.memory_space<semaphore_mem>> -> memref<1x!tpu.dma_semaphore, #tpu.memory_space<semaphore_mem>>
    %dma_start3A_296 = tpu.memref_squeeze %dma_start3A_295 : memref<1x!tpu.dma_semaphore, #tpu.memory_space<semaphore_mem>> -> memref<!tpu.dma_semaphore, #tpu.memory_space<semaphore_mem>>
    tpu.enqueue_indirect_dma source(%dma_start3A_294 : memref<1000000x128xf32, #tpu.memory_space<hbm>>) target(%arg8 : memref<200x128xf32, #tpu.memory_space<vmem>>) offsets(%dma_start3A_291 : memref<200xi32, #tpu.memory_space<vmem>>) semaphore(%dma_start3A_296 : memref<!tpu.dma_semaphore, #tpu.memory_space<semaphore_mem>>)
    %dma_wait3A_297 = arith.constant 0 : i32
    %dma_wait3A_298 = arith.constant 25200 : i32
    %dma_wait3A_299 = tpu.memref_slice %arg6[%dma_wait3A_298] : memref<25600xi32, #tpu.memory_space<vmem>> -> memref<200xi32, #tpu.memory_space<vmem>>
    %dma_wait3A_300 = arith.constant 0 : i32
    %dma_wait3A_301 = arith.constant 0 : i32
    %dma_wait3A_302 = tpu.memref_slice %arg3[%dma_wait3A_300, %dma_wait3A_301] : memref<1000000x128xf32, #tpu.memory_space<hbm>> -> memref<1000000x128xf32, #tpu.memory_space<hbm>>
    %dma_wait3A_303 = tpu.memref_slice %arg11[%dma_wait3A_297] : memref<3x!tpu.dma_semaphore, #tpu.memory_space<semaphore_mem>> -> memref<1x!tpu.dma_semaphore, #tpu.memory_space<semaphore_mem>>
    %dma_wait3A_304 = tpu.memref_squeeze %dma_wait3A_303 : memref<1x!tpu.dma_semaphore, #tpu.memory_space<semaphore_mem>> -> memref<!tpu.dma_semaphore, #tpu.memory_space<semaphore_mem>>
    tpu.wait_indirect_dma semaphore(%dma_wait3A_304 : memref<!tpu.dma_semaphore, #tpu.memory_space<semaphore_mem>>) src(%dma_wait3A_302 : memref<1000000x128xf32, #tpu.memory_space<hbm>>) dst(%arg7 : memref<200x128xf32, #tpu.memory_space<vmem>>)
    %scan3A_305 = arith.constant 0 : i32
    %scan3A_306 = arith.constant 0 : i32
    %scan3A_307 = arith.constant 100 : i32
    %scan3A_308 = arith.addi %scan3A_306, %scan3A_307 : i32
    %scan3A_309 = arith.constant 1 : i32
    scf.for %scan3A_370 = %scan3A_306 to %scan3A_308 step %scan3A_309  : i32 {
      %mul3A_371 = arith.constant 2 : i32
      %mul3A_372 = arith.muli %scan3A_370, %mul3A_371 : i32
      %add3A_373 = arith.constant 0 : i32
      %add3A_374 = arith.addi %mul3A_372, %add3A_373 : i32
      %get3A = arith.index_cast %add3A_374 : i32 to index
      %get3A_375 = arith.constant 0 : index
      %get3A_376 = tpu.vector_load %arg7[%get3A, %get3A_375] {strides = array<i32>} : memref<200x128xf32, #tpu.memory_space<vmem>>, vector<1x16xf32>,
      %get3A_377 = vector.shape_cast %get3A_376 : vector<1x16xf32> to vector<16xf32>
      %mul3A_378 = arith.constant 2 : i32
      %mul3A_379 = arith.muli %scan3A_370, %mul3A_378 : i32
      %add3A_380 = arith.constant 0 : i32
      %add3A_381 = arith.addi %mul3A_379, %add3A_380 : i32
      %get3A_382 = arith.index_cast %add3A_381 : i32 to index
      %get3A_383 = arith.constant 0 : index
      %get3A_384 = tpu.vector_load %arg10[%get3A_382, %get3A_383] {strides = array<i32>} : memref<200x128xf32, #tpu.memory_space<vmem>>, vector<1x16xf32>,
      %get3A_385 = vector.shape_cast %get3A_384 : vector<1x16xf32> to vector<16xf32>
      %add3A_386 = arith.addf %get3A_377, %get3A_385 : vector<16xf32>
      %mul3A_387 = arith.constant 2 : i32
      %mul3A_388 = arith.muli %scan3A_370, %mul3A_387 : i32
      %add3A_389 = arith.constant 0 : i32
      %add3A_390 = arith.addi %mul3A_388, %add3A_389 : i32
      %swap3A = arith.index_cast %add3A_390 : i32 to index
      %swap3A_391 = arith.constant 0 : index
      %swap3A_392 = tpu.vector_load %arg7[%swap3A, %swap3A_391] {strides = array<i32>} : memref<200x128xf32, #tpu.memory_space<vmem>>, vector<1x16xf32>,
      %swap3A_393 = vector.shape_cast %swap3A_392 : vector<1x16xf32> to vector<16xf32>
      %swap3A_394 = vector.shape_cast %add3A_386 : vector<16xf32> to vector<1x16xf32>
      tpu.vector_store %arg7[%swap3A, %swap3A_391], %swap3A_394 {strides = array<i32>} : memref<200x128xf32, #tpu.memory_space<vmem>>, vector<1x16xf32>,
      %mul3A_395 = arith.constant 2 : i32
      %mul3A_396 = arith.muli %scan3A_370, %mul3A_395 : i32
      %add3A_397 = arith.constant 0 : i32
      %add3A_398 = arith.addi %mul3A_396, %add3A_397 : i32
      %get3A_399 = arith.index_cast %add3A_398 : i32 to index
      %get3A_400 = arith.constant 16 : index
      %get3A_401 = tpu.vector_load %arg7[%get3A_399, %get3A_400] {strides = array<i32>} : memref<200x128xf32, #tpu.memory_space<vmem>>, vector<1x16xf32>,
      %get3A_402 = vector.shape_cast %get3A_401 : vector<1x16xf32> to vector<16xf32>
      %mul3A_403 = arith.constant 2 : i32
      %mul3A_404 = arith.muli %scan3A_370, %mul3A_403 : i32
      %add3A_405 = arith.constant 0 : i32
      %add3A_406 = arith.addi %mul3A_404, %add3A_405 : i32
      %get3A_407 = arith.index_cast %add3A_406 : i32 to index
      %get3A_408 = arith.constant 16 : index
      %get3A_409 = tpu.vector_load %arg10[%get3A_407, %get3A_408] {strides = array<i32>} : memref<200x128xf32, #tpu.memory_space<vmem>>, vector<1x16xf32>,
      %get3A_410 = vector.shape_cast %get3A_409 : vector<1x16xf32> to vector<16xf32>
      %add3A_411 = arith.addf %get3A_402, %get3A_410 : vector<16xf32>
      %mul3A_412 = arith.constant 2 : i32
      %mul3A_413 = arith.muli %scan3A_370, %mul3A_412 : i32
      %add3A_414 = arith.constant 0 : i32
      %add3A_415 = arith.addi %mul3A_413, %add3A_414 : i32
      %swap3A_416 = arith.index_cast %add3A_415 : i32 to index
      %swap3A_417 = arith.constant 16 : index
      %swap3A_418 = tpu.vector_load %arg7[%swap3A_416, %swap3A_417] {strides = array<i32>} : memref<200x128xf32, #tpu.memory_space<vmem>>, vector<1x16xf32>,
      %swap3A_419 = vector.shape_cast %swap3A_418 : vector<1x16xf32> to vector<16xf32>
      %swap3A_420 = vector.shape_cast %add3A_411 : vector<16xf32> to vector<1x16xf32>
      tpu.vector_store %arg7[%swap3A_416, %swap3A_417], %swap3A_420 {strides = array<i32>} : memref<200x128xf32, #tpu.memory_space<vmem>>, vector<1x16xf32>,
      %mul3A_421 = arith.constant 2 : i32
      %mul3A_422 = arith.muli %scan3A_370, %mul3A_421 : i32
      %add3A_423 = arith.constant 0 : i32
      %add3A_424 = arith.addi %mul3A_422, %add3A_423 : i32
      %get3A_425 = arith.index_cast %add3A_424 : i32 to index
      %get3A_426 = arith.constant 32 : index
      %get3A_427 = tpu.vector_load %arg7[%get3A_425, %get3A_426] {strides = array<i32>} : memref<200x128xf32, #tpu.memory_space<vmem>>, vector<1x16xf32>,
      %get3A_428 = vector.shape_cast %get3A_427 : vector<1x16xf32> to vector<16xf32>
      %mul3A_429 = arith.constant 2 : i32
      %mul3A_430 = arith.muli %scan3A_370, %mul3A_429 : i32
      %add3A_431 = arith.constant 0 : i32
      %add3A_432 = arith.addi %mul3A_430, %add3A_431 : i32
      %get3A_433 = arith.index_cast %add3A_432 : i32 to index
      %get3A_434 = arith.constant 32 : index
      %get3A_435 = tpu.vector_load %arg10[%get3A_433, %get3A_434] {strides = array<i32>} : memref<200x128xf32, #tpu.memory_space<vmem>>, vector<1x16xf32>,
      %get3A_436 = vector.shape_cast %get3A_435 : vector<1x16xf32> to vector<16xf32>
      %add3A_437 = arith.addf %get3A_428, %get3A_436 : vector<16xf32>
      %mul3A_438 = arith.constant 2 : i32
      %mul3A_439 = arith.muli %scan3A_370, %mul3A_438 : i32
      %add3A_440 = arith.constant 0 : i32
      %add3A_441 = arith.addi %mul3A_439, %add3A_440 : i32
      %swap3A_442 = arith.index_cast %add3A_441 : i32 to index
      %swap3A_443 = arith.constant 32 : index
      %swap3A_444 = tpu.vector_load %arg7[%swap3A_442, %swap3A_443] {strides = array<i32>} : memref<200x128xf32, #tpu.memory_space<vmem>>, vector<1x16xf32>,
      %swap3A_445 = vector.shape_cast %swap3A_444 : vector<1x16xf32> to vector<16xf32>
      %swap3A_446 = vector.shape_cast %add3A_437 : vector<16xf32> to vector<1x16xf32>
      tpu.vector_store %arg7[%swap3A_442, %swap3A_443], %swap3A_446 {strides = array<i32>} : memref<200x128xf32, #tpu.memory_space<vmem>>, vector<1x16xf32>,
      %mul3A_447 = arith.constant 2 : i32
      %mul3A_448 = arith.muli %scan3A_370, %mul3A_447 : i32
      %add3A_449 = arith.constant 0 : i32
      %add3A_450 = arith.addi %mul3A_448, %add3A_449 : i32
      %get3A_451 = arith.index_cast %add3A_450 : i32 to index
      %get3A_452 = arith.constant 48 : index
      %get3A_453 = tpu.vector_load %arg7[%get3A_451, %get3A_452] {strides = array<i32>} : memref<200x128xf32, #tpu.memory_space<vmem>>, vector<1x16xf32>,
      %get3A_454 = vector.shape_cast %get3A_453 : vector<1x16xf32> to vector<16xf32>
      %mul3A_455 = arith.constant 2 : i32
      %mul3A_456 = arith.muli %scan3A_370, %mul3A_455 : i32
      %add3A_457 = arith.constant 0 : i32
      %add3A_458 = arith.addi %mul3A_456, %add3A_457 : i32
      %get3A_459 = arith.index_cast %add3A_458 : i32 to index
      %get3A_460 = arith.constant 48 : index
      %get3A_461 = tpu.vector_load %arg10[%get3A_459, %get3A_460] {strides = array<i32>} : memref<200x128xf32, #tpu.memory_space<vmem>>, vector<1x16xf32>,
      %get3A_462 = vector.shape_cast %get3A_461 : vector<1x16xf32> to vector<16xf32>
      %add3A_463 = arith.addf %get3A_454, %get3A_462 : vector<16xf32>
      %mul3A_464 = arith.constant 2 : i32
      %mul3A_465 = arith.muli %scan3A_370, %mul3A_464 : i32
      %add3A_466 = arith.constant 0 : i32
      %add3A_467 = arith.addi %mul3A_465, %add3A_466 : i32
      %swap3A_468 = arith.index_cast %add3A_467 : i32 to index
      %swap3A_469 = arith.constant 48 : index
      %swap3A_470 = tpu.vector_load %arg7[%swap3A_468, %swap3A_469] {strides = array<i32>} : memref<200x128xf32, #tpu.memory_space<vmem>>, vector<1x16xf32>,
      %swap3A_471 = vector.shape_cast %swap3A_470 : vector<1x16xf32> to vector<16xf32>
      %swap3A_472 = vector.shape_cast %add3A_463 : vector<16xf32> to vector<1x16xf32>
      tpu.vector_store %arg7[%swap3A_468, %swap3A_469], %swap3A_472 {strides = array<i32>} : memref<200x128xf32, #tpu.memory_space<vmem>>, vector<1x16xf32>,
      %mul3A_473 = arith.constant 2 : i32
      %mul3A_474 = arith.muli %scan3A_370, %mul3A_473 : i32
      %add3A_475 = arith.constant 0 : i32
      %add3A_476 = arith.addi %mul3A_474, %add3A_475 : i32
      %get3A_477 = arith.index_cast %add3A_476 : i32 to index
      %get3A_478 = arith.constant 64 : index
      %get3A_479 = tpu.vector_load %arg7[%get3A_477, %get3A_478] {strides = array<i32>} : memref<200x128xf32, #tpu.memory_space<vmem>>, vector<1x16xf32>,
      %get3A_480 = vector.shape_cast %get3A_479 : vector<1x16xf32> to vector<16xf32>
      %mul3A_481 = arith.constant 2 : i32
      %mul3A_482 = arith.muli %scan3A_370, %mul3A_481 : i32
      %add3A_483 = arith.constant 0 : i32
      %add3A_484 = arith.addi %mul3A_482, %add3A_483 : i32
      %get3A_485 = arith.index_cast %add3A_484 : i32 to index
      %get3A_486 = arith.constant 64 : index
      %get3A_487 = tpu.vector_load %arg10[%get3A_485, %get3A_486] {strides = array<i32>} : memref<200x128xf32, #tpu.memory_space<vmem>>, vector<1x16xf32>,
      %get3A_488 = vector.shape_cast %get3A_487 : vector<1x16xf32> to vector<16xf32>
      %add3A_489 = arith.addf %get3A_480, %get3A_488 : vector<16xf32>
      %mul3A_490 = arith.constant 2 : i32
      %mul3A_491 = arith.muli %scan3A_370, %mul3A_490 : i32
      %add3A_492 = arith.constant 0 : i32
      %add3A_493 = arith.addi %mul3A_491, %add3A_492 : i32
      %swap3A_494 = arith.index_cast %add3A_493 : i32 to index
      %swap3A_495 = arith.constant 64 : index
      %swap3A_496 = tpu.vector_load %arg7[%swap3A_494, %swap3A_495] {strides = array<i32>} : memref<200x128xf32, #tpu.memory_space<vmem>>, vector<1x16xf32>,
      %swap3A_497 = vector.shape_cast %swap3A_496 : vector<1x16xf32> to vector<16xf32>
      %swap3A_498 = vector.shape_cast %add3A_489 : vector<16xf32> to vector<1x16xf32>
      tpu.vector_store %arg7[%swap3A_494, %swap3A_495], %swap3A_498 {strides = array<i32>} : memref<200x128xf32, #tpu.memory_space<vmem>>, vector<1x16xf32>,
      %mul3A_499 = arith.constant 2 : i32
      %mul3A_500 = arith.muli %scan3A_370, %mul3A_499 : i32
      %add3A_501 = arith.constant 0 : i32
      %add3A_502 = arith.addi %mul3A_500, %add3A_501 : i32
      %get3A_503 = arith.index_cast %add3A_502 : i32 to index
      %get3A_504 = arith.constant 80 : index
      %get3A_505 = tpu.vector_load %arg7[%get3A_503, %get3A_504] {strides = array<i32>} : memref<200x128xf32, #tpu.memory_space<vmem>>, vector<1x16xf32>,
      %get3A_506 = vector.shape_cast %get3A_505 : vector<1x16xf32> to vector<16xf32>
      %mul3A_507 = arith.constant 2 : i32
      %mul3A_508 = arith.muli %scan3A_370, %mul3A_507 : i32
      %add3A_509 = arith.constant 0 : i32
      %add3A_510 = arith.addi %mul3A_508, %add3A_509 : i32
      %get3A_511 = arith.index_cast %add3A_510 : i32 to index
      %get3A_512 = arith.constant 80 : index
      %get3A_513 = tpu.vector_load %arg10[%get3A_511, %get3A_512] {strides = array<i32>} : memref<200x128xf32, #tpu.memory_space<vmem>>, vector<1x16xf32>,
      %get3A_514 = vector.shape_cast %get3A_513 : vector<1x16xf32> to vector<16xf32>
      %add3A_515 = arith.addf %get3A_506, %get3A_514 : vector<16xf32>
      %mul3A_516 = arith.constant 2 : i32
      %mul3A_517 = arith.muli %scan3A_370, %mul3A_516 : i32
      %add3A_518 = arith.constant 0 : i32
      %add3A_519 = arith.addi %mul3A_517, %add3A_518 : i32
      %swap3A_520 = arith.index_cast %add3A_519 : i32 to index
      %swap3A_521 = arith.constant 80 : index
      %swap3A_522 = tpu.vector_load %arg7[%swap3A_520, %swap3A_521] {strides = array<i32>} : memref<200x128xf32, #tpu.memory_space<vmem>>, vector<1x16xf32>,
      %swap3A_523 = vector.shape_cast %swap3A_522 : vector<1x16xf32> to vector<16xf32>
      %swap3A_524 = vector.shape_cast %add3A_515 : vector<16xf32> to vector<1x16xf32>
      tpu.vector_store %arg7[%swap3A_520, %swap3A_521], %swap3A_524 {strides = array<i32>} : memref<200x128xf32, #tpu.memory_space<vmem>>, vector<1x16xf32>,
      %mul3A_525 = arith.constant 2 : i32
      %mul3A_526 = arith.muli %scan3A_370, %mul3A_525 : i32
      %add3A_527 = arith.constant 0 : i32
      %add3A_528 = arith.addi %mul3A_526, %add3A_527 : i32
      %get3A_529 = arith.index_cast %add3A_528 : i32 to index
      %get3A_530 = arith.constant 96 : index
      %get3A_531 = tpu.vector_load %arg7[%get3A_529, %get3A_530] {strides = array<i32>} : memref<200x128xf32, #tpu.memory_space<vmem>>, vector<1x16xf32>,
      %get3A_532 = vector.shape_cast %get3A_531 : vector<1x16xf32> to vector<16xf32>
      %mul3A_533 = arith.constant 2 : i32
      %mul3A_534 = arith.muli %scan3A_370, %mul3A_533 : i32
      %add3A_535 = arith.constant 0 : i32
      %add3A_536 = arith.addi %mul3A_534, %add3A_535 : i32
      %get3A_537 = arith.index_cast %add3A_536 : i32 to index
      %get3A_538 = arith.constant 96 : index
      %get3A_539 = tpu.vector_load %arg10[%get3A_537, %get3A_538] {strides = array<i32>} : memref<200x128xf32, #tpu.memory_space<vmem>>, vector<1x16xf32>,
      %get3A_540 = vector.shape_cast %get3A_539 : vector<1x16xf32> to vector<16xf32>
      %add3A_541 = arith.addf %get3A_532, %get3A_540 : vector<16xf32>
      %mul3A_542 = arith.constant 2 : i32
      %mul3A_543 = arith.muli %scan3A_370, %mul3A_542 : i32
      %add3A_544 = arith.constant 0 : i32
      %add3A_545 = arith.addi %mul3A_543, %add3A_544 : i32
      %swap3A_546 = arith.index_cast %add3A_545 : i32 to index
      %swap3A_547 = arith.constant 96 : index
      %swap3A_548 = tpu.vector_load %arg7[%swap3A_546, %swap3A_547] {strides = array<i32>} : memref<200x128xf32, #tpu.memory_space<vmem>>, vector<1x16xf32>,
      %swap3A_549 = vector.shape_cast %swap3A_548 : vector<1x16xf32> to vector<16xf32>
      %swap3A_550 = vector.shape_cast %add3A_541 : vector<16xf32> to vector<1x16xf32>
      tpu.vector_store %arg7[%swap3A_546, %swap3A_547], %swap3A_550 {strides = array<i32>} : memref<200x128xf32, #tpu.memory_space<vmem>>, vector<1x16xf32>,
      %mul3A_551 = arith.constant 2 : i32
      %mul3A_552 = arith.muli %scan3A_370, %mul3A_551 : i32
      %add3A_553 = arith.constant 0 : i32
      %add3A_554 = arith.addi %mul3A_552, %add3A_553 : i32
      %get3A_555 = arith.index_cast %add3A_554 : i32 to index
      %get3A_556 = arith.constant 112 : index
      %get3A_557 = tpu.vector_load %arg7[%get3A_555, %get3A_556] {strides = array<i32>} : memref<200x128xf32, #tpu.memory_space<vmem>>, vector<1x16xf32>,
      %get3A_558 = vector.shape_cast %get3A_557 : vector<1x16xf32> to vector<16xf32>
      %mul3A_559 = arith.constant 2 : i32
      %mul3A_560 = arith.muli %scan3A_370, %mul3A_559 : i32
      %add3A_561 = arith.constant 0 : i32
      %add3A_562 = arith.addi %mul3A_560, %add3A_561 : i32
      %get3A_563 = arith.index_cast %add3A_562 : i32 to index
      %get3A_564 = arith.constant 112 : index
      %get3A_565 = tpu.vector_load %arg10[%get3A_563, %get3A_564] {strides = array<i32>} : memref<200x128xf32, #tpu.memory_space<vmem>>, vector<1x16xf32>,
      %get3A_566 = vector.shape_cast %get3A_565 : vector<1x16xf32> to vector<16xf32>
      %add3A_567 = arith.addf %get3A_558, %get3A_566 : vector<16xf32>
      %mul3A_568 = arith.constant 2 : i32
      %mul3A_569 = arith.muli %scan3A_370, %mul3A_568 : i32
      %add3A_570 = arith.constant 0 : i32
      %add3A_571 = arith.addi %mul3A_569, %add3A_570 : i32
      %swap3A_572 = arith.index_cast %add3A_571 : i32 to index
      %swap3A_573 = arith.constant 112 : index
      %swap3A_574 = tpu.vector_load %arg7[%swap3A_572, %swap3A_573] {strides = array<i32>} : memref<200x128xf32, #tpu.memory_space<vmem>>, vector<1x16xf32>,
      %swap3A_575 = vector.shape_cast %swap3A_574 : vector<1x16xf32> to vector<16xf32>
      %swap3A_576 = vector.shape_cast %add3A_567 : vector<16xf32> to vector<1x16xf32>
      tpu.vector_store %arg7[%swap3A_572, %swap3A_573], %swap3A_576 {strides = array<i32>} : memref<200x128xf32, #tpu.memory_space<vmem>>, vector<1x16xf32>,
      %mul3A_577 = arith.constant 2 : i32
      %mul3A_578 = arith.muli %scan3A_370, %mul3A_577 : i32
      %add3A_579 = arith.constant 1 : i32
      %add3A_580 = arith.addi %mul3A_578, %add3A_579 : i32
      %get3A_581 = arith.index_cast %add3A_580 : i32 to index
      %get3A_582 = arith.constant 0 : index
      %get3A_583 = tpu.vector_load %arg7[%get3A_581, %get3A_582] {strides = array<i32>} : memref<200x128xf32, #tpu.memory_space<vmem>>, vector<1x16xf32>,
      %get3A_584 = vector.shape_cast %get3A_583 : vector<1x16xf32> to vector<16xf32>
      %mul3A_585 = arith.constant 2 : i32
      %mul3A_586 = arith.muli %scan3A_370, %mul3A_585 : i32
      %add3A_587 = arith.constant 1 : i32
      %add3A_588 = arith.addi %mul3A_586, %add3A_587 : i32
      %get3A_589 = arith.index_cast %add3A_588 : i32 to index
      %get3A_590 = arith.constant 0 : index
      %get3A_591 = tpu.vector_load %arg10[%get3A_589, %get3A_590] {strides = array<i32>} : memref<200x128xf32, #tpu.memory_space<vmem>>, vector<1x16xf32>,
      %get3A_592 = vector.shape_cast %get3A_591 : vector<1x16xf32> to vector<16xf32>
      %add3A_593 = arith.addf %get3A_584, %get3A_592 : vector<16xf32>
      %mul3A_594 = arith.constant 2 : i32
      %mul3A_595 = arith.muli %scan3A_370, %mul3A_594 : i32
      %add3A_596 = arith.constant 1 : i32
      %add3A_597 = arith.addi %mul3A_595, %add3A_596 : i32
      %swap3A_598 = arith.index_cast %add3A_597 : i32 to index
      %swap3A_599 = arith.constant 0 : index
      %swap3A_600 = tpu.vector_load %arg7[%swap3A_598, %swap3A_599] {strides = array<i32>} : memref<200x128xf32, #tpu.memory_space<vmem>>, vector<1x16xf32>,
      %swap3A_601 = vector.shape_cast %swap3A_600 : vector<1x16xf32> to vector<16xf32>
      %swap3A_602 = vector.shape_cast %add3A_593 : vector<16xf32> to vector<1x16xf32>
      tpu.vector_store %arg7[%swap3A_598, %swap3A_599], %swap3A_602 {strides = array<i32>} : memref<200x128xf32, #tpu.memory_space<vmem>>, vector<1x16xf32>,
      %mul3A_603 = arith.constant 2 : i32
      %mul3A_604 = arith.muli %scan3A_370, %mul3A_603 : i32
      %add3A_605 = arith.constant 1 : i32
      %add3A_606 = arith.addi %mul3A_604, %add3A_605 : i32
      %get3A_607 = arith.index_cast %add3A_606 : i32 to index
      %get3A_608 = arith.constant 16 : index
      %get3A_609 = tpu.vector_load %arg7[%get3A_607, %get3A_608] {strides = array<i32>} : memref<200x128xf32, #tpu.memory_space<vmem>>, vector<1x16xf32>,
      %get3A_610 = vector.shape_cast %get3A_609 : vector<1x16xf32> to vector<16xf32>
      %mul3A_611 = arith.constant 2 : i32
      %mul3A_612 = arith.muli %scan3A_370, %mul3A_611 : i32
      %add3A_613 = arith.constant 1 : i32
      %add3A_614 = arith.addi %mul3A_612, %add3A_613 : i32
      %get3A_615 = arith.index_cast %add3A_614 : i32 to index
      %get3A_616 = arith.constant 16 : index
      %get3A_617 = tpu.vector_load %arg10[%get3A_615, %get3A_616] {strides = array<i32>} : memref<200x128xf32, #tpu.memory_space<vmem>>, vector<1x16xf32>,
      %get3A_618 = vector.shape_cast %get3A_617 : vector<1x16xf32> to vector<16xf32>
      %add3A_619 = arith.addf %get3A_610, %get3A_618 : vector<16xf32>
      %mul3A_620 = arith.constant 2 : i32
      %mul3A_621 = arith.muli %scan3A_370, %mul3A_620 : i32
      %add3A_622 = arith.constant 1 : i32
      %add3A_623 = arith.addi %mul3A_621, %add3A_622 : i32
      %swap3A_624 = arith.index_cast %add3A_623 : i32 to index
      %swap3A_625 = arith.constant 16 : index
      %swap3A_626 = tpu.vector_load %arg7[%swap3A_624, %swap3A_625] {strides = array<i32>} : memref<200x128xf32, #tpu.memory_space<vmem>>, vector<1x16xf32>,
      %swap3A_627 = vector.shape_cast %swap3A_626 : vector<1x16xf32> to vector<16xf32>
      %swap3A_628 = vector.shape_cast %add3A_619 : vector<16xf32> to vector<1x16xf32>
      tpu.vector_store %arg7[%swap3A_624, %swap3A_625], %swap3A_628 {strides = array<i32>} : memref<200x128xf32, #tpu.memory_space<vmem>>, vector<1x16xf32>,
      %mul3A_629 = arith.constant 2 : i32
      %mul3A_630 = arith.muli %scan3A_370, %mul3A_629 : i32
      %add3A_631 = arith.constant 1 : i32
      %add3A_632 = arith.addi %mul3A_630, %add3A_631 : i32
      %get3A_633 = arith.index_cast %add3A_632 : i32 to index
      %get3A_634 = arith.constant 32 : index
      %get3A_635 = tpu.vector_load %arg7[%get3A_633, %get3A_634] {strides = array<i32>} : memref<200x128xf32, #tpu.memory_space<vmem>>, vector<1x16xf32>,
      %get3A_636 = vector.shape_cast %get3A_635 : vector<1x16xf32> to vector<16xf32>
      %mul3A_637 = arith.constant 2 : i32
      %mul3A_638 = arith.muli %scan3A_370, %mul3A_637 : i32
      %add3A_639 = arith.constant 1 : i32
      %add3A_640 = arith.addi %mul3A_638, %add3A_639 : i32
      %get3A_641 = arith.index_cast %add3A_640 : i32 to index
      %get3A_642 = arith.constant 32 : index
      %get3A_643 = tpu.vector_load %arg10[%get3A_641, %get3A_642] {strides = array<i32>} : memref<200x128xf32, #tpu.memory_space<vmem>>, vector<1x16xf32>,
      %get3A_644 = vector.shape_cast %get3A_643 : vector<1x16xf32> to vector<16xf32>
      %add3A_645 = arith.addf %get3A_636, %get3A_644 : vector<16xf32>
      %mul3A_646 = arith.constant 2 : i32
      %mul3A_647 = arith.muli %scan3A_370, %mul3A_646 : i32
      %add3A_648 = arith.constant 1 : i32
      %add3A_649 = arith.addi %mul3A_647, %add3A_648 : i32
      %swap3A_650 = arith.index_cast %add3A_649 : i32 to index
      %swap3A_651 = arith.constant 32 : index
      %swap3A_652 = tpu.vector_load %arg7[%swap3A_650, %swap3A_651] {strides = array<i32>} : memref<200x128xf32, #tpu.memory_space<vmem>>, vector<1x16xf32>,
      %swap3A_653 = vector.shape_cast %swap3A_652 : vector<1x16xf32> to vector<16xf32>
      %swap3A_654 = vector.shape_cast %add3A_645 : vector<16xf32> to vector<1x16xf32>
      tpu.vector_store %arg7[%swap3A_650, %swap3A_651], %swap3A_654 {strides = array<i32>} : memref<200x128xf32, #tpu.memory_space<vmem>>, vector<1x16xf32>,
      %mul3A_655 = arith.constant 2 : i32
      %mul3A_656 = arith.muli %scan3A_370, %mul3A_655 : i32
      %add3A_657 = arith.constant 1 : i32
      %add3A_658 = arith.addi %mul3A_656, %add3A_657 : i32
      %get3A_659 = arith.index_cast %add3A_658 : i32 to index
      %get3A_660 = arith.constant 48 : index
      %get3A_661 = tpu.vector_load %arg7[%get3A_659, %get3A_660] {strides = array<i32>} : memref<200x128xf32, #tpu.memory_space<vmem>>, vector<1x16xf32>,
      %get3A_662 = vector.shape_cast %get3A_661 : vector<1x16xf32> to vector<16xf32>
      %mul3A_663 = arith.constant 2 : i32
      %mul3A_664 = arith.muli %scan3A_370, %mul3A_663 : i32
      %add3A_665 = arith.constant 1 : i32
      %add3A_666 = arith.addi %mul3A_664, %add3A_665 : i32
      %get3A_667 = arith.index_cast %add3A_666 : i32 to index
      %get3A_668 = arith.constant 48 : index
      %get3A_669 = tpu.vector_load %arg10[%get3A_667, %get3A_668] {strides = array<i32>} : memref<200x128xf32, #tpu.memory_space<vmem>>, vector<1x16xf32>,
      %get3A_670 = vector.shape_cast %get3A_669 : vector<1x16xf32> to vector<16xf32>
      %add3A_671 = arith.addf %get3A_662, %get3A_670 : vector<16xf32>
      %mul3A_672 = arith.constant 2 : i32
      %mul3A_673 = arith.muli %scan3A_370, %mul3A_672 : i32
      %add3A_674 = arith.constant 1 : i32
      %add3A_675 = arith.addi %mul3A_673, %add3A_674 : i32
      %swap3A_676 = arith.index_cast %add3A_675 : i32 to index
      %swap3A_677 = arith.constant 48 : index
      %swap3A_678 = tpu.vector_load %arg7[%swap3A_676, %swap3A_677] {strides = array<i32>} : memref<200x128xf32, #tpu.memory_space<vmem>>, vector<1x16xf32>,
      %swap3A_679 = vector.shape_cast %swap3A_678 : vector<1x16xf32> to vector<16xf32>
      %swap3A_680 = vector.shape_cast %add3A_671 : vector<16xf32> to vector<1x16xf32>
      tpu.vector_store %arg7[%swap3A_676, %swap3A_677], %swap3A_680 {strides = array<i32>} : memref<200x128xf32, #tpu.memory_space<vmem>>, vector<1x16xf32>,
      %mul3A_681 = arith.constant 2 : i32
      %mul3A_682 = arith.muli %scan3A_370, %mul3A_681 : i32
      %add3A_683 = arith.constant 1 : i32
      %add3A_684 = arith.addi %mul3A_682, %add3A_683 : i32
      %get3A_685 = arith.index_cast %add3A_684 : i32 to index
      %get3A_686 = arith.constant 64 : index
      %get3A_687 = tpu.vector_load %arg7[%get3A_685, %get3A_686] {strides = array<i32>} : memref<200x128xf32, #tpu.memory_space<vmem>>, vector<1x16xf32>,
      %get3A_688 = vector.shape_cast %get3A_687 : vector<1x16xf32> to vector<16xf32>
      %mul3A_689 = arith.constant 2 : i32
      %mul3A_690 = arith.muli %scan3A_370, %mul3A_689 : i32
      %add3A_691 = arith.constant 1 : i32
      %add3A_692 = arith.addi %mul3A_690, %add3A_691 : i32
      %get3A_693 = arith.index_cast %add3A_692 : i32 to index
      %get3A_694 = arith.constant 64 : index
      %get3A_695 = tpu.vector_load %arg10[%get3A_693, %get3A_694] {strides = array<i32>} : memref<200x128xf32, #tpu.memory_space<vmem>>, vector<1x16xf32>,
      %get3A_696 = vector.shape_cast %get3A_695 : vector<1x16xf32> to vector<16xf32>
      %add3A_697 = arith.addf %get3A_688, %get3A_696 : vector<16xf32>
      %mul3A_698 = arith.constant 2 : i32
      %mul3A_699 = arith.muli %scan3A_370, %mul3A_698 : i32
      %add3A_700 = arith.constant 1 : i32
      %add3A_701 = arith.addi %mul3A_699, %add3A_700 : i32
      %swap3A_702 = arith.index_cast %add3A_701 : i32 to index
      %swap3A_703 = arith.constant 64 : index
      %swap3A_704 = tpu.vector_load %arg7[%swap3A_702, %swap3A_703] {strides = array<i32>} : memref<200x128xf32, #tpu.memory_space<vmem>>, vector<1x16xf32>,
      %swap3A_705 = vector.shape_cast %swap3A_704 : vector<1x16xf32> to vector<16xf32>
      %swap3A_706 = vector.shape_cast %add3A_697 : vector<16xf32> to vector<1x16xf32>
      tpu.vector_store %arg7[%swap3A_702, %swap3A_703], %swap3A_706 {strides = array<i32>} : memref<200x128xf32, #tpu.memory_space<vmem>>, vector<1x16xf32>,
      %mul3A_707 = arith.constant 2 : i32
      %mul3A_708 = arith.muli %scan3A_370, %mul3A_707 : i32
      %add3A_709 = arith.constant 1 : i32
      %add3A_710 = arith.addi %mul3A_708, %add3A_709 : i32
      %get3A_711 = arith.index_cast %add3A_710 : i32 to index
      %get3A_712 = arith.constant 80 : index
      %get3A_713 = tpu.vector_load %arg7[%get3A_711, %get3A_712] {strides = array<i32>} : memref<200x128xf32, #tpu.memory_space<vmem>>, vector<1x16xf32>,
      %get3A_714 = vector.shape_cast %get3A_713 : vector<1x16xf32> to vector<16xf32>
      %mul3A_715 = arith.constant 2 : i32
      %mul3A_716 = arith.muli %scan3A_370, %mul3A_715 : i32
      %add3A_717 = arith.constant 1 : i32
      %add3A_718 = arith.addi %mul3A_716, %add3A_717 : i32
      %get3A_719 = arith.index_cast %add3A_718 : i32 to index
      %get3A_720 = arith.constant 80 : index
      %get3A_721 = tpu.vector_load %arg10[%get3A_719, %get3A_720] {strides = array<i32>} : memref<200x128xf32, #tpu.memory_space<vmem>>, vector<1x16xf32>,
      %get3A_722 = vector.shape_cast %get3A_721 : vector<1x16xf32> to vector<16xf32>
      %add3A_723 = arith.addf %get3A_714, %get3A_722 : vector<16xf32>
      %mul3A_724 = arith.constant 2 : i32
      %mul3A_725 = arith.muli %scan3A_370, %mul3A_724 : i32
      %add3A_726 = arith.constant 1 : i32
      %add3A_727 = arith.addi %mul3A_725, %add3A_726 : i32
      %swap3A_728 = arith.index_cast %add3A_727 : i32 to index
      %swap3A_729 = arith.constant 80 : index
      %swap3A_730 = tpu.vector_load %arg7[%swap3A_728, %swap3A_729] {strides = array<i32>} : memref<200x128xf32, #tpu.memory_space<vmem>>, vector<1x16xf32>,
      %swap3A_731 = vector.shape_cast %swap3A_730 : vector<1x16xf32> to vector<16xf32>
      %swap3A_732 = vector.shape_cast %add3A_723 : vector<16xf32> to vector<1x16xf32>
      tpu.vector_store %arg7[%swap3A_728, %swap3A_729], %swap3A_732 {strides = array<i32>} : memref<200x128xf32, #tpu.memory_space<vmem>>, vector<1x16xf32>,
      %mul3A_733 = arith.constant 2 : i32
      %mul3A_734 = arith.muli %scan3A_370, %mul3A_733 : i32
      %add3A_735 = arith.constant 1 : i32
      %add3A_736 = arith.addi %mul3A_734, %add3A_735 : i32
      %get3A_737 = arith.index_cast %add3A_736 : i32 to index
      %get3A_738 = arith.constant 96 : index
      %get3A_739 = tpu.vector_load %arg7[%get3A_737, %get3A_738] {strides = array<i32>} : memref<200x128xf32, #tpu.memory_space<vmem>>, vector<1x16xf32>,
      %get3A_740 = vector.shape_cast %get3A_739 : vector<1x16xf32> to vector<16xf32>
      %mul3A_741 = arith.constant 2 : i32
      %mul3A_742 = arith.muli %scan3A_370, %mul3A_741 : i32
      %add3A_743 = arith.constant 1 : i32
      %add3A_744 = arith.addi %mul3A_742, %add3A_743 : i32
      %get3A_745 = arith.index_cast %add3A_744 : i32 to index
      %get3A_746 = arith.constant 96 : index
      %get3A_747 = tpu.vector_load %arg10[%get3A_745, %get3A_746] {strides = array<i32>} : memref<200x128xf32, #tpu.memory_space<vmem>>, vector<1x16xf32>,
      %get3A_748 = vector.shape_cast %get3A_747 : vector<1x16xf32> to vector<16xf32>
      %add3A_749 = arith.addf %get3A_740, %get3A_748 : vector<16xf32>
      %mul3A_750 = arith.constant 2 : i32
      %mul3A_751 = arith.muli %scan3A_370, %mul3A_750 : i32
      %add3A_752 = arith.constant 1 : i32
      %add3A_753 = arith.addi %mul3A_751, %add3A_752 : i32
      %swap3A_754 = arith.index_cast %add3A_753 : i32 to index
      %swap3A_755 = arith.constant 96 : index
      %swap3A_756 = tpu.vector_load %arg7[%swap3A_754, %swap3A_755] {strides = array<i32>} : memref<200x128xf32, #tpu.memory_space<vmem>>, vector<1x16xf32>,
      %swap3A_757 = vector.shape_cast %swap3A_756 : vector<1x16xf32> to vector<16xf32>
      %swap3A_758 = vector.shape_cast %add3A_749 : vector<16xf32> to vector<1x16xf32>
      tpu.vector_store %arg7[%swap3A_754, %swap3A_755], %swap3A_758 {strides = array<i32>} : memref<200x128xf32, #tpu.memory_space<vmem>>, vector<1x16xf32>,
      %mul3A_759 = arith.constant 2 : i32
      %mul3A_760 = arith.muli %scan3A_370, %mul3A_759 : i32
      %add3A_761 = arith.constant 1 : i32
      %add3A_762 = arith.addi %mul3A_760, %add3A_761 : i32
      %get3A_763 = arith.index_cast %add3A_762 : i32 to index
      %get3A_764 = arith.constant 112 : index
      %get3A_765 = tpu.vector_load %arg7[%get3A_763, %get3A_764] {strides = array<i32>} : memref<200x128xf32, #tpu.memory_space<vmem>>, vector<1x16xf32>,
      %get3A_766 = vector.shape_cast %get3A_765 : vector<1x16xf32> to vector<16xf32>
      %mul3A_767 = arith.constant 2 : i32
      %mul3A_768 = arith.muli %scan3A_370, %mul3A_767 : i32
      %add3A_769 = arith.constant 1 : i32
      %add3A_770 = arith.addi %mul3A_768, %add3A_769 : i32
      %get3A_771 = arith.index_cast %add3A_770 : i32 to index
      %get3A_772 = arith.constant 112 : index
      %get3A_773 = tpu.vector_load %arg10[%get3A_771, %get3A_772] {strides = array<i32>} : memref<200x128xf32, #tpu.memory_space<vmem>>, vector<1x16xf32>,
      %get3A_774 = vector.shape_cast %get3A_773 : vector<1x16xf32> to vector<16xf32>
      %add3A_775 = arith.addf %get3A_766, %get3A_774 : vector<16xf32>
      %mul3A_776 = arith.constant 2 : i32
      %mul3A_777 = arith.muli %scan3A_370, %mul3A_776 : i32
      %add3A_778 = arith.constant 1 : i32
      %add3A_779 = arith.addi %mul3A_777, %add3A_778 : i32
      %swap3A_780 = arith.index_cast %add3A_779 : i32 to index
      %swap3A_781 = arith.constant 112 : index
      %swap3A_782 = tpu.vector_load %arg7[%swap3A_780, %swap3A_781] {strides = array<i32>} : memref<200x128xf32, #tpu.memory_space<vmem>>, vector<1x16xf32>,
      %swap3A_783 = vector.shape_cast %swap3A_782 : vector<1x16xf32> to vector<16xf32>
      %swap3A_784 = vector.shape_cast %add3A_775 : vector<16xf32> to vector<1x16xf32>
      tpu.vector_store %arg7[%swap3A_780, %swap3A_781], %swap3A_784 {strides = array<i32>} : memref<200x128xf32, #tpu.memory_space<vmem>>, vector<1x16xf32>,
    }
    %scan3A_310 = arith.constant 100 : i32
    %add3A_311 = arith.constant 25200 : i32
    %add3A_312 = arith.addi %mul3A_2, %add3A_311 : i32
    %dma_start3A_313 = arith.constant 0 : i32
    %dma_start3A_314 = arith.constant 0 : i32
    %dma_start3A_315 = tpu.memref_slice %arg5[%add3A_312, %dma_start3A_314] : memref<819200x128xf32, #tpu.memory_space<hbm>> -> memref<200x128xf32, #tpu.memory_space<hbm>>
    %dma_start3A_316 = tpu.memref_slice %arg12[%dma_start3A_313] : memref<3x!tpu.dma_semaphore, #tpu.memory_space<semaphore_mem>> -> memref<1x!tpu.dma_semaphore, #tpu.memory_space<semaphore_mem>>
    %dma_start3A_317 = tpu.memref_squeeze %dma_start3A_316 : memref<1x!tpu.dma_semaphore, #tpu.memory_space<semaphore_mem>> -> memref<!tpu.dma_semaphore, #tpu.memory_space<semaphore_mem>>
    %dma_start3A_318 = arith.constant 0 : i32
    %dma_start3A_319 = tpu.memref_slice %arg5[%add3A_312, %dma_start3A_318] : memref<819200x128xf32, #tpu.memory_space<hbm>> -> memref<200x128xf32, #tpu.memory_space<hbm>>
    tpu.enqueue_dma source(%arg7 : memref<200x128xf32, #tpu.memory_space<vmem>>) target(%dma_start3A_319 : memref<200x128xf32, #tpu.memory_space<hbm>>) target_semaphore(%dma_start3A_317 : memref<!tpu.dma_semaphore, #tpu.memory_space<semaphore_mem>>)
    %add3A_320 = arith.constant 25000 : i32
    %add3A_321 = arith.addi %mul3A_2, %add3A_320 : i32
    %dma_wait3A_322 = arith.constant 2 : i32
    %dma_wait3A_323 = arith.constant 0 : i32
    %dma_wait3A_324 = tpu.memref_slice %arg5[%add3A_321, %dma_wait3A_323] : memref<819200x128xf32, #tpu.memory_space<hbm>> -> memref<200x128xf32, #tpu.memory_space<hbm>>
    %dma_wait3A_325 = tpu.memref_slice %arg12[%dma_wait3A_322] : memref<3x!tpu.dma_semaphore, #tpu.memory_space<semaphore_mem>> -> memref<1x!tpu.dma_semaphore, #tpu.memory_space<semaphore_mem>>
    %dma_wait3A_326 = tpu.memref_squeeze %dma_wait3A_325 : memref<1x!tpu.dma_semaphore, #tpu.memory_space<semaphore_mem>> -> memref<!tpu.dma_semaphore, #tpu.memory_space<semaphore_mem>>
    %dma_wait3A_327 = arith.constant 0 : i32
    %dma_wait3A_328 = tpu.memref_slice %arg5[%add3A_321, %dma_wait3A_327] : memref<819200x128xf32, #tpu.memory_space<hbm>> -> memref<200x128xf32, #tpu.memory_space<hbm>>
    tpu.wait_dma2 semaphore(%dma_wait3A_326 : memref<!tpu.dma_semaphore, #tpu.memory_space<semaphore_mem>>) src(%arg9 : memref<200x128xf32, #tpu.memory_space<vmem>>) dst(%dma_wait3A_328 : memref<200x128xf32, #tpu.memory_space<hbm>>)
    %dma_wait3A_329 = arith.constant 1 : i32
    %dma_wait3A_330 = arith.constant 25400 : i32
    %dma_wait3A_331 = tpu.memref_slice %arg6[%dma_wait3A_330] : memref<25600xi32, #tpu.memory_space<vmem>> -> memref<200xi32, #tpu.memory_space<vmem>>
    %dma_wait3A_332 = arith.constant 0 : i32
    %dma_wait3A_333 = arith.constant 0 : i32
    %dma_wait3A_334 = tpu.memref_slice %arg3[%dma_wait3A_332, %dma_wait3A_333] : memref<1000000x128xf32, #tpu.memory_space<hbm>> -> memref<1000000x128xf32, #tpu.memory_space<hbm>>
    %dma_wait3A_335 = tpu.memref_slice %arg11[%dma_wait3A_329] : memref<3x!tpu.dma_semaphore, #tpu.memory_space<semaphore_mem>> -> memref<1x!tpu.dma_semaphore, #tpu.memory_space<semaphore_mem>>
    %dma_wait3A_336 = tpu.memref_squeeze %dma_wait3A_335 : memref<1x!tpu.dma_semaphore, #tpu.memory_space<semaphore_mem>> -> memref<!tpu.dma_semaphore, #tpu.memory_space<semaphore_mem>>
    tpu.wait_indirect_dma semaphore(%dma_wait3A_336 : memref<!tpu.dma_semaphore, #tpu.memory_space<semaphore_mem>>) src(%dma_wait3A_334 : memref<1000000x128xf32, #tpu.memory_space<hbm>>) dst(%arg8 : memref<200x128xf32, #tpu.memory_space<vmem>>)
    %scan3A_337 = arith.constant 0 : i32
    %scan3A_338 = arith.constant 0 : i32
    %scan3A_339 = arith.constant 100 : i32
    %scan3A_340 = arith.addi %scan3A_338, %scan3A_339 : i32
    %scan3A_341 = arith.constant 1 : i32
    scf.for %scan3A_370 = %scan3A_338 to %scan3A_340 step %scan3A_341  : i32 {
      %mul3A_371 = arith.constant 2 : i32
      %mul3A_372 = arith.muli %scan3A_370, %mul3A_371 : i32
      %add3A_373 = arith.constant 0 : i32
      %add3A_374 = arith.addi %mul3A_372, %add3A_373 : i32
      %get3A = arith.index_cast %add3A_374 : i32 to index
      %get3A_375 = arith.constant 0 : index
      %get3A_376 = tpu.vector_load %arg8[%get3A, %get3A_375] {strides = array<i32>} : memref<200x128xf32, #tpu.memory_space<vmem>>, vector<1x16xf32>,
      %get3A_377 = vector.shape_cast %get3A_376 : vector<1x16xf32> to vector<16xf32>
      %mul3A_378 = arith.constant 2 : i32
      %mul3A_379 = arith.muli %scan3A_370, %mul3A_378 : i32
      %add3A_380 = arith.constant 0 : i32
      %add3A_381 = arith.addi %mul3A_379, %add3A_380 : i32
      %get3A_382 = arith.index_cast %add3A_381 : i32 to index
      %get3A_383 = arith.constant 0 : index
      %get3A_384 = tpu.vector_load %arg10[%get3A_382, %get3A_383] {strides = array<i32>} : memref<200x128xf32, #tpu.memory_space<vmem>>, vector<1x16xf32>,
      %get3A_385 = vector.shape_cast %get3A_384 : vector<1x16xf32> to vector<16xf32>
      %add3A_386 = arith.addf %get3A_377, %get3A_385 : vector<16xf32>
      %mul3A_387 = arith.constant 2 : i32
      %mul3A_388 = arith.muli %scan3A_370, %mul3A_387 : i32
      %add3A_389 = arith.constant 0 : i32
      %add3A_390 = arith.addi %mul3A_388, %add3A_389 : i32
      %swap3A = arith.index_cast %add3A_390 : i32 to index
      %swap3A_391 = arith.constant 0 : index
      %swap3A_392 = tpu.vector_load %arg8[%swap3A, %swap3A_391] {strides = array<i32>} : memref<200x128xf32, #tpu.memory_space<vmem>>, vector<1x16xf32>,
      %swap3A_393 = vector.shape_cast %swap3A_392 : vector<1x16xf32> to vector<16xf32>
      %swap3A_394 = vector.shape_cast %add3A_386 : vector<16xf32> to vector<1x16xf32>
      tpu.vector_store %arg8[%swap3A, %swap3A_391], %swap3A_394 {strides = array<i32>} : memref<200x128xf32, #tpu.memory_space<vmem>>, vector<1x16xf32>,
      %mul3A_395 = arith.constant 2 : i32
      %mul3A_396 = arith.muli %scan3A_370, %mul3A_395 : i32
      %add3A_397 = arith.constant 0 : i32
      %add3A_398 = arith.addi %mul3A_396, %add3A_397 : i32
      %get3A_399 = arith.index_cast %add3A_398 : i32 to index
      %get3A_400 = arith.constant 16 : index
      %get3A_401 = tpu.vector_load %arg8[%get3A_399, %get3A_400] {strides = array<i32>} : memref<200x128xf32, #tpu.memory_space<vmem>>, vector<1x16xf32>,
      %get3A_402 = vector.shape_cast %get3A_401 : vector<1x16xf32> to vector<16xf32>
      %mul3A_403 = arith.constant 2 : i32
      %mul3A_404 = arith.muli %scan3A_370, %mul3A_403 : i32
      %add3A_405 = arith.constant 0 : i32
      %add3A_406 = arith.addi %mul3A_404, %add3A_405 : i32
      %get3A_407 = arith.index_cast %add3A_406 : i32 to index
      %get3A_408 = arith.constant 16 : index
      %get3A_409 = tpu.vector_load %arg10[%get3A_407, %get3A_408] {strides = array<i32>} : memref<200x128xf32, #tpu.memory_space<vmem>>, vector<1x16xf32>,
      %get3A_410 = vector.shape_cast %get3A_409 : vector<1x16xf32> to vector<16xf32>
      %add3A_411 = arith.addf %get3A_402, %get3A_410 : vector<16xf32>
      %mul3A_412 = arith.constant 2 : i32
      %mul3A_413 = arith.muli %scan3A_370, %mul3A_412 : i32
      %add3A_414 = arith.constant 0 : i32
      %add3A_415 = arith.addi %mul3A_413, %add3A_414 : i32
      %swap3A_416 = arith.index_cast %add3A_415 : i32 to index
      %swap3A_417 = arith.constant 16 : index
      %swap3A_418 = tpu.vector_load %arg8[%swap3A_416, %swap3A_417] {strides = array<i32>} : memref<200x128xf32, #tpu.memory_space<vmem>>, vector<1x16xf32>,
      %swap3A_419 = vector.shape_cast %swap3A_418 : vector<1x16xf32> to vector<16xf32>
      %swap3A_420 = vector.shape_cast %add3A_411 : vector<16xf32> to vector<1x16xf32>
      tpu.vector_store %arg8[%swap3A_416, %swap3A_417], %swap3A_420 {strides = array<i32>} : memref<200x128xf32, #tpu.memory_space<vmem>>, vector<1x16xf32>,
      %mul3A_421 = arith.constant 2 : i32
      %mul3A_422 = arith.muli %scan3A_370, %mul3A_421 : i32
      %add3A_423 = arith.constant 0 : i32
      %add3A_424 = arith.addi %mul3A_422, %add3A_423 : i32
      %get3A_425 = arith.index_cast %add3A_424 : i32 to index
      %get3A_426 = arith.constant 32 : index
      %get3A_427 = tpu.vector_load %arg8[%get3A_425, %get3A_426] {strides = array<i32>} : memref<200x128xf32, #tpu.memory_space<vmem>>, vector<1x16xf32>,
      %get3A_428 = vector.shape_cast %get3A_427 : vector<1x16xf32> to vector<16xf32>
      %mul3A_429 = arith.constant 2 : i32
      %mul3A_430 = arith.muli %scan3A_370, %mul3A_429 : i32
      %add3A_431 = arith.constant 0 : i32
      %add3A_432 = arith.addi %mul3A_430, %add3A_431 : i32
      %get3A_433 = arith.index_cast %add3A_432 : i32 to index
      %get3A_434 = arith.constant 32 : index
      %get3A_435 = tpu.vector_load %arg10[%get3A_433, %get3A_434] {strides = array<i32>} : memref<200x128xf32, #tpu.memory_space<vmem>>, vector<1x16xf32>,
      %get3A_436 = vector.shape_cast %get3A_435 : vector<1x16xf32> to vector<16xf32>
      %add3A_437 = arith.addf %get3A_428, %get3A_436 : vector<16xf32>
      %mul3A_438 = arith.constant 2 : i32
      %mul3A_439 = arith.muli %scan3A_370, %mul3A_438 : i32
      %add3A_440 = arith.constant 0 : i32
      %add3A_441 = arith.addi %mul3A_439, %add3A_440 : i32
      %swap3A_442 = arith.index_cast %add3A_441 : i32 to index
      %swap3A_443 = arith.constant 32 : index
      %swap3A_444 = tpu.vector_load %arg8[%swap3A_442, %swap3A_443] {strides = array<i32>} : memref<200x128xf32, #tpu.memory_space<vmem>>, vector<1x16xf32>,
      %swap3A_445 = vector.shape_cast %swap3A_444 : vector<1x16xf32> to vector<16xf32>
      %swap3A_446 = vector.shape_cast %add3A_437 : vector<16xf32> to vector<1x16xf32>
      tpu.vector_store %arg8[%swap3A_442, %swap3A_443], %swap3A_446 {strides = array<i32>} : memref<200x128xf32, #tpu.memory_space<vmem>>, vector<1x16xf32>,
      %mul3A_447 = arith.constant 2 : i32
      %mul3A_448 = arith.muli %scan3A_370, %mul3A_447 : i32
      %add3A_449 = arith.constant 0 : i32
      %add3A_450 = arith.addi %mul3A_448, %add3A_449 : i32
      %get3A_451 = arith.index_cast %add3A_450 : i32 to index
      %get3A_452 = arith.constant 48 : index
      %get3A_453 = tpu.vector_load %arg8[%get3A_451, %get3A_452] {strides = array<i32>} : memref<200x128xf32, #tpu.memory_space<vmem>>, vector<1x16xf32>,
      %get3A_454 = vector.shape_cast %get3A_453 : vector<1x16xf32> to vector<16xf32>
      %mul3A_455 = arith.constant 2 : i32
      %mul3A_456 = arith.muli %scan3A_370, %mul3A_455 : i32
      %add3A_457 = arith.constant 0 : i32
      %add3A_458 = arith.addi %mul3A_456, %add3A_457 : i32
      %get3A_459 = arith.index_cast %add3A_458 : i32 to index
      %get3A_460 = arith.constant 48 : index
      %get3A_461 = tpu.vector_load %arg10[%get3A_459, %get3A_460] {strides = array<i32>} : memref<200x128xf32, #tpu.memory_space<vmem>>, vector<1x16xf32>,
      %get3A_462 = vector.shape_cast %get3A_461 : vector<1x16xf32> to vector<16xf32>
      %add3A_463 = arith.addf %get3A_454, %get3A_462 : vector<16xf32>
      %mul3A_464 = arith.constant 2 : i32
      %mul3A_465 = arith.muli %scan3A_370, %mul3A_464 : i32
      %add3A_466 = arith.constant 0 : i32
      %add3A_467 = arith.addi %mul3A_465, %add3A_466 : i32
      %swap3A_468 = arith.index_cast %add3A_467 : i32 to index
      %swap3A_469 = arith.constant 48 : index
      %swap3A_470 = tpu.vector_load %arg8[%swap3A_468, %swap3A_469] {strides = array<i32>} : memref<200x128xf32, #tpu.memory_space<vmem>>, vector<1x16xf32>,
      %swap3A_471 = vector.shape_cast %swap3A_470 : vector<1x16xf32> to vector<16xf32>
      %swap3A_472 = vector.shape_cast %add3A_463 : vector<16xf32> to vector<1x16xf32>
      tpu.vector_store %arg8[%swap3A_468, %swap3A_469], %swap3A_472 {strides = array<i32>} : memref<200x128xf32, #tpu.memory_space<vmem>>, vector<1x16xf32>,
      %mul3A_473 = arith.constant 2 : i32
      %mul3A_474 = arith.muli %scan3A_370, %mul3A_473 : i32
      %add3A_475 = arith.constant 0 : i32
      %add3A_476 = arith.addi %mul3A_474, %add3A_475 : i32
      %get3A_477 = arith.index_cast %add3A_476 : i32 to index
      %get3A_478 = arith.constant 64 : index
      %get3A_479 = tpu.vector_load %arg8[%get3A_477, %get3A_478] {strides = array<i32>} : memref<200x128xf32, #tpu.memory_space<vmem>>, vector<1x16xf32>,
      %get3A_480 = vector.shape_cast %get3A_479 : vector<1x16xf32> to vector<16xf32>
      %mul3A_481 = arith.constant 2 : i32
      %mul3A_482 = arith.muli %scan3A_370, %mul3A_481 : i32
      %add3A_483 = arith.constant 0 : i32
      %add3A_484 = arith.addi %mul3A_482, %add3A_483 : i32
      %get3A_485 = arith.index_cast %add3A_484 : i32 to index
      %get3A_486 = arith.constant 64 : index
      %get3A_487 = tpu.vector_load %arg10[%get3A_485, %get3A_486] {strides = array<i32>} : memref<200x128xf32, #tpu.memory_space<vmem>>, vector<1x16xf32>,
      %get3A_488 = vector.shape_cast %get3A_487 : vector<1x16xf32> to vector<16xf32>
      %add3A_489 = arith.addf %get3A_480, %get3A_488 : vector<16xf32>
      %mul3A_490 = arith.constant 2 : i32
      %mul3A_491 = arith.muli %scan3A_370, %mul3A_490 : i32
      %add3A_492 = arith.constant 0 : i32
      %add3A_493 = arith.addi %mul3A_491, %add3A_492 : i32
      %swap3A_494 = arith.index_cast %add3A_493 : i32 to index
      %swap3A_495 = arith.constant 64 : index
      %swap3A_496 = tpu.vector_load %arg8[%swap3A_494, %swap3A_495] {strides = array<i32>} : memref<200x128xf32, #tpu.memory_space<vmem>>, vector<1x16xf32>,
      %swap3A_497 = vector.shape_cast %swap3A_496 : vector<1x16xf32> to vector<16xf32>
      %swap3A_498 = vector.shape_cast %add3A_489 : vector<16xf32> to vector<1x16xf32>
      tpu.vector_store %arg8[%swap3A_494, %swap3A_495], %swap3A_498 {strides = array<i32>} : memref<200x128xf32, #tpu.memory_space<vmem>>, vector<1x16xf32>,
      %mul3A_499 = arith.constant 2 : i32
      %mul3A_500 = arith.muli %scan3A_370, %mul3A_499 : i32
      %add3A_501 = arith.constant 0 : i32
      %add3A_502 = arith.addi %mul3A_500, %add3A_501 : i32
      %get3A_503 = arith.index_cast %add3A_502 : i32 to index
      %get3A_504 = arith.constant 80 : index
      %get3A_505 = tpu.vector_load %arg8[%get3A_503, %get3A_504] {strides = array<i32>} : memref<200x128xf32, #tpu.memory_space<vmem>>, vector<1x16xf32>,
      %get3A_506 = vector.shape_cast %get3A_505 : vector<1x16xf32> to vector<16xf32>
      %mul3A_507 = arith.constant 2 : i32
      %mul3A_508 = arith.muli %scan3A_370, %mul3A_507 : i32
      %add3A_509 = arith.constant 0 : i32
      %add3A_510 = arith.addi %mul3A_508, %add3A_509 : i32
      %get3A_511 = arith.index_cast %add3A_510 : i32 to index
      %get3A_512 = arith.constant 80 : index
      %get3A_513 = tpu.vector_load %arg10[%get3A_511, %get3A_512] {strides = array<i32>} : memref<200x128xf32, #tpu.memory_space<vmem>>, vector<1x16xf32>,
      %get3A_514 = vector.shape_cast %get3A_513 : vector<1x16xf32> to vector<16xf32>
      %add3A_515 = arith.addf %get3A_506, %get3A_514 : vector<16xf32>
      %mul3A_516 = arith.constant 2 : i32
      %mul3A_517 = arith.muli %scan3A_370, %mul3A_516 : i32
      %add3A_518 = arith.constant 0 : i32
      %add3A_519 = arith.addi %mul3A_517, %add3A_518 : i32
      %swap3A_520 = arith.index_cast %add3A_519 : i32 to index
      %swap3A_521 = arith.constant 80 : index
      %swap3A_522 = tpu.vector_load %arg8[%swap3A_520, %swap3A_521] {strides = array<i32>} : memref<200x128xf32, #tpu.memory_space<vmem>>, vector<1x16xf32>,
      %swap3A_523 = vector.shape_cast %swap3A_522 : vector<1x16xf32> to vector<16xf32>
      %swap3A_524 = vector.shape_cast %add3A_515 : vector<16xf32> to vector<1x16xf32>
      tpu.vector_store %arg8[%swap3A_520, %swap3A_521], %swap3A_524 {strides = array<i32>} : memref<200x128xf32, #tpu.memory_space<vmem>>, vector<1x16xf32>,
      %mul3A_525 = arith.constant 2 : i32
      %mul3A_526 = arith.muli %scan3A_370, %mul3A_525 : i32
      %add3A_527 = arith.constant 0 : i32
      %add3A_528 = arith.addi %mul3A_526, %add3A_527 : i32
      %get3A_529 = arith.index_cast %add3A_528 : i32 to index
      %get3A_530 = arith.constant 96 : index
      %get3A_531 = tpu.vector_load %arg8[%get3A_529, %get3A_530] {strides = array<i32>} : memref<200x128xf32, #tpu.memory_space<vmem>>, vector<1x16xf32>,
      %get3A_532 = vector.shape_cast %get3A_531 : vector<1x16xf32> to vector<16xf32>
      %mul3A_533 = arith.constant 2 : i32
      %mul3A_534 = arith.muli %scan3A_370, %mul3A_533 : i32
      %add3A_535 = arith.constant 0 : i32
      %add3A_536 = arith.addi %mul3A_534, %add3A_535 : i32
      %get3A_537 = arith.index_cast %add3A_536 : i32 to index
      %get3A_538 = arith.constant 96 : index
      %get3A_539 = tpu.vector_load %arg10[%get3A_537, %get3A_538] {strides = array<i32>} : memref<200x128xf32, #tpu.memory_space<vmem>>, vector<1x16xf32>,
      %get3A_540 = vector.shape_cast %get3A_539 : vector<1x16xf32> to vector<16xf32>
      %add3A_541 = arith.addf %get3A_532, %get3A_540 : vector<16xf32>
      %mul3A_542 = arith.constant 2 : i32
      %mul3A_543 = arith.muli %scan3A_370, %mul3A_542 : i32
      %add3A_544 = arith.constant 0 : i32
      %add3A_545 = arith.addi %mul3A_543, %add3A_544 : i32
      %swap3A_546 = arith.index_cast %add3A_545 : i32 to index
      %swap3A_547 = arith.constant 96 : index
      %swap3A_548 = tpu.vector_load %arg8[%swap3A_546, %swap3A_547] {strides = array<i32>} : memref<200x128xf32, #tpu.memory_space<vmem>>, vector<1x16xf32>,
      %swap3A_549 = vector.shape_cast %swap3A_548 : vector<1x16xf32> to vector<16xf32>
      %swap3A_550 = vector.shape_cast %add3A_541 : vector<16xf32> to vector<1x16xf32>
      tpu.vector_store %arg8[%swap3A_546, %swap3A_547], %swap3A_550 {strides = array<i32>} : memref<200x128xf32, #tpu.memory_space<vmem>>, vector<1x16xf32>,
      %mul3A_551 = arith.constant 2 : i32
      %mul3A_552 = arith.muli %scan3A_370, %mul3A_551 : i32
      %add3A_553 = arith.constant 0 : i32
      %add3A_554 = arith.addi %mul3A_552, %add3A_553 : i32
      %get3A_555 = arith.index_cast %add3A_554 : i32 to index
      %get3A_556 = arith.constant 112 : index
      %get3A_557 = tpu.vector_load %arg8[%get3A_555, %get3A_556] {strides = array<i32>} : memref<200x128xf32, #tpu.memory_space<vmem>>, vector<1x16xf32>,
      %get3A_558 = vector.shape_cast %get3A_557 : vector<1x16xf32> to vector<16xf32>
      %mul3A_559 = arith.constant 2 : i32
      %mul3A_560 = arith.muli %scan3A_370, %mul3A_559 : i32
      %add3A_561 = arith.constant 0 : i32
      %add3A_562 = arith.addi %mul3A_560, %add3A_561 : i32
      %get3A_563 = arith.index_cast %add3A_562 : i32 to index
      %get3A_564 = arith.constant 112 : index
      %get3A_565 = tpu.vector_load %arg10[%get3A_563, %get3A_564] {strides = array<i32>} : memref<200x128xf32, #tpu.memory_space<vmem>>, vector<1x16xf32>,
      %get3A_566 = vector.shape_cast %get3A_565 : vector<1x16xf32> to vector<16xf32>
      %add3A_567 = arith.addf %get3A_558, %get3A_566 : vector<16xf32>
      %mul3A_568 = arith.constant 2 : i32
      %mul3A_569 = arith.muli %scan3A_370, %mul3A_568 : i32
      %add3A_570 = arith.constant 0 : i32
      %add3A_571 = arith.addi %mul3A_569, %add3A_570 : i32
      %swap3A_572 = arith.index_cast %add3A_571 : i32 to index
      %swap3A_573 = arith.constant 112 : index
      %swap3A_574 = tpu.vector_load %arg8[%swap3A_572, %swap3A_573] {strides = array<i32>} : memref<200x128xf32, #tpu.memory_space<vmem>>, vector<1x16xf32>,
      %swap3A_575 = vector.shape_cast %swap3A_574 : vector<1x16xf32> to vector<16xf32>
      %swap3A_576 = vector.shape_cast %add3A_567 : vector<16xf32> to vector<1x16xf32>
      tpu.vector_store %arg8[%swap3A_572, %swap3A_573], %swap3A_576 {strides = array<i32>} : memref<200x128xf32, #tpu.memory_space<vmem>>, vector<1x16xf32>,
      %mul3A_577 = arith.constant 2 : i32
      %mul3A_578 = arith.muli %scan3A_370, %mul3A_577 : i32
      %add3A_579 = arith.constant 1 : i32
      %add3A_580 = arith.addi %mul3A_578, %add3A_579 : i32
      %get3A_581 = arith.index_cast %add3A_580 : i32 to index
      %get3A_582 = arith.constant 0 : index
      %get3A_583 = tpu.vector_load %arg8[%get3A_581, %get3A_582] {strides = array<i32>} : memref<200x128xf32, #tpu.memory_space<vmem>>, vector<1x16xf32>,
      %get3A_584 = vector.shape_cast %get3A_583 : vector<1x16xf32> to vector<16xf32>
      %mul3A_585 = arith.constant 2 : i32
      %mul3A_586 = arith.muli %scan3A_370, %mul3A_585 : i32
      %add3A_587 = arith.constant 1 : i32
      %add3A_588 = arith.addi %mul3A_586, %add3A_587 : i32
      %get3A_589 = arith.index_cast %add3A_588 : i32 to index
      %get3A_590 = arith.constant 0 : index
      %get3A_591 = tpu.vector_load %arg10[%get3A_589, %get3A_590] {strides = array<i32>} : memref<200x128xf32, #tpu.memory_space<vmem>>, vector<1x16xf32>,
      %get3A_592 = vector.shape_cast %get3A_591 : vector<1x16xf32> to vector<16xf32>
      %add3A_593 = arith.addf %get3A_584, %get3A_592 : vector<16xf32>
      %mul3A_594 = arith.constant 2 : i32
      %mul3A_595 = arith.muli %scan3A_370, %mul3A_594 : i32
      %add3A_596 = arith.constant 1 : i32
      %add3A_597 = arith.addi %mul3A_595, %add3A_596 : i32
      %swap3A_598 = arith.index_cast %add3A_597 : i32 to index
      %swap3A_599 = arith.constant 0 : index
      %swap3A_600 = tpu.vector_load %arg8[%swap3A_598, %swap3A_599] {strides = array<i32>} : memref<200x128xf32, #tpu.memory_space<vmem>>, vector<1x16xf32>,
      %swap3A_601 = vector.shape_cast %swap3A_600 : vector<1x16xf32> to vector<16xf32>
      %swap3A_602 = vector.shape_cast %add3A_593 : vector<16xf32> to vector<1x16xf32>
      tpu.vector_store %arg8[%swap3A_598, %swap3A_599], %swap3A_602 {strides = array<i32>} : memref<200x128xf32, #tpu.memory_space<vmem>>, vector<1x16xf32>,
      %mul3A_603 = arith.constant 2 : i32
      %mul3A_604 = arith.muli %scan3A_370, %mul3A_603 : i32
      %add3A_605 = arith.constant 1 : i32
      %add3A_606 = arith.addi %mul3A_604, %add3A_605 : i32
      %get3A_607 = arith.index_cast %add3A_606 : i32 to index
      %get3A_608 = arith.constant 16 : index
      %get3A_609 = tpu.vector_load %arg8[%get3A_607, %get3A_608] {strides = array<i32>} : memref<200x128xf32, #tpu.memory_space<vmem>>, vector<1x16xf32>,
      %get3A_610 = vector.shape_cast %get3A_609 : vector<1x16xf32> to vector<16xf32>
      %mul3A_611 = arith.constant 2 : i32
      %mul3A_612 = arith.muli %scan3A_370, %mul3A_611 : i32
      %add3A_613 = arith.constant 1 : i32
      %add3A_614 = arith.addi %mul3A_612, %add3A_613 : i32
      %get3A_615 = arith.index_cast %add3A_614 : i32 to index
      %get3A_616 = arith.constant 16 : index
      %get3A_617 = tpu.vector_load %arg10[%get3A_615, %get3A_616] {strides = array<i32>} : memref<200x128xf32, #tpu.memory_space<vmem>>, vector<1x16xf32>,
      %get3A_618 = vector.shape_cast %get3A_617 : vector<1x16xf32> to vector<16xf32>
      %add3A_619 = arith.addf %get3A_610, %get3A_618 : vector<16xf32>
      %mul3A_620 = arith.constant 2 : i32
      %mul3A_621 = arith.muli %scan3A_370, %mul3A_620 : i32
      %add3A_622 = arith.constant 1 : i32
      %add3A_623 = arith.addi %mul3A_621, %add3A_622 : i32
      %swap3A_624 = arith.index_cast %add3A_623 : i32 to index
      %swap3A_625 = arith.constant 16 : index
      %swap3A_626 = tpu.vector_load %arg8[%swap3A_624, %swap3A_625] {strides = array<i32>} : memref<200x128xf32, #tpu.memory_space<vmem>>, vector<1x16xf32>,
      %swap3A_627 = vector.shape_cast %swap3A_626 : vector<1x16xf32> to vector<16xf32>
      %swap3A_628 = vector.shape_cast %add3A_619 : vector<16xf32> to vector<1x16xf32>
      tpu.vector_store %arg8[%swap3A_624, %swap3A_625], %swap3A_628 {strides = array<i32>} : memref<200x128xf32, #tpu.memory_space<vmem>>, vector<1x16xf32>,
      %mul3A_629 = arith.constant 2 : i32
      %mul3A_630 = arith.muli %scan3A_370, %mul3A_629 : i32
      %add3A_631 = arith.constant 1 : i32
      %add3A_632 = arith.addi %mul3A_630, %add3A_631 : i32
      %get3A_633 = arith.index_cast %add3A_632 : i32 to index
      %get3A_634 = arith.constant 32 : index
      %get3A_635 = tpu.vector_load %arg8[%get3A_633, %get3A_634] {strides = array<i32>} : memref<200x128xf32, #tpu.memory_space<vmem>>, vector<1x16xf32>,
      %get3A_636 = vector.shape_cast %get3A_635 : vector<1x16xf32> to vector<16xf32>
      %mul3A_637 = arith.constant 2 : i32
      %mul3A_638 = arith.muli %scan3A_370, %mul3A_637 : i32
      %add3A_639 = arith.constant 1 : i32
      %add3A_640 = arith.addi %mul3A_638, %add3A_639 : i32
      %get3A_641 = arith.index_cast %add3A_640 : i32 to index
      %get3A_642 = arith.constant 32 : index
      %get3A_643 = tpu.vector_load %arg10[%get3A_641, %get3A_642] {strides = array<i32>} : memref<200x128xf32, #tpu.memory_space<vmem>>, vector<1x16xf32>,
      %get3A_644 = vector.shape_cast %get3A_643 : vector<1x16xf32> to vector<16xf32>
      %add3A_645 = arith.addf %get3A_636, %get3A_644 : vector<16xf32>
      %mul3A_646 = arith.constant 2 : i32
      %mul3A_647 = arith.muli %scan3A_370, %mul3A_646 : i32
      %add3A_648 = arith.constant 1 : i32
      %add3A_649 = arith.addi %mul3A_647, %add3A_648 : i32
      %swap3A_650 = arith.index_cast %add3A_649 : i32 to index
      %swap3A_651 = arith.constant 32 : index
      %swap3A_652 = tpu.vector_load %arg8[%swap3A_650, %swap3A_651] {strides = array<i32>} : memref<200x128xf32, #tpu.memory_space<vmem>>, vector<1x16xf32>,
      %swap3A_653 = vector.shape_cast %swap3A_652 : vector<1x16xf32> to vector<16xf32>
      %swap3A_654 = vector.shape_cast %add3A_645 : vector<16xf32> to vector<1x16xf32>
      tpu.vector_store %arg8[%swap3A_650, %swap3A_651], %swap3A_654 {strides = array<i32>} : memref<200x128xf32, #tpu.memory_space<vmem>>, vector<1x16xf32>,
      %mul3A_655 = arith.constant 2 : i32
      %mul3A_656 = arith.muli %scan3A_370, %mul3A_655 : i32
      %add3A_657 = arith.constant 1 : i32
      %add3A_658 = arith.addi %mul3A_656, %add3A_657 : i32
      %get3A_659 = arith.index_cast %add3A_658 : i32 to index
      %get3A_660 = arith.constant 48 : index
      %get3A_661 = tpu.vector_load %arg8[%get3A_659, %get3A_660] {strides = array<i32>} : memref<200x128xf32, #tpu.memory_space<vmem>>, vector<1x16xf32>,
      %get3A_662 = vector.shape_cast %get3A_661 : vector<1x16xf32> to vector<16xf32>
      %mul3A_663 = arith.constant 2 : i32
      %mul3A_664 = arith.muli %scan3A_370, %mul3A_663 : i32
      %add3A_665 = arith.constant 1 : i32
      %add3A_666 = arith.addi %mul3A_664, %add3A_665 : i32
      %get3A_667 = arith.index_cast %add3A_666 : i32 to index
      %get3A_668 = arith.constant 48 : index
      %get3A_669 = tpu.vector_load %arg10[%get3A_667, %get3A_668] {strides = array<i32>} : memref<200x128xf32, #tpu.memory_space<vmem>>, vector<1x16xf32>,
      %get3A_670 = vector.shape_cast %get3A_669 : vector<1x16xf32> to vector<16xf32>
      %add3A_671 = arith.addf %get3A_662, %get3A_670 : vector<16xf32>
      %mul3A_672 = arith.constant 2 : i32
      %mul3A_673 = arith.muli %scan3A_370, %mul3A_672 : i32
      %add3A_674 = arith.constant 1 : i32
      %add3A_675 = arith.addi %mul3A_673, %add3A_674 : i32
      %swap3A_676 = arith.index_cast %add3A_675 : i32 to index
      %swap3A_677 = arith.constant 48 : index
      %swap3A_678 = tpu.vector_load %arg8[%swap3A_676, %swap3A_677] {strides = array<i32>} : memref<200x128xf32, #tpu.memory_space<vmem>>, vector<1x16xf32>,
      %swap3A_679 = vector.shape_cast %swap3A_678 : vector<1x16xf32> to vector<16xf32>
      %swap3A_680 = vector.shape_cast %add3A_671 : vector<16xf32> to vector<1x16xf32>
      tpu.vector_store %arg8[%swap3A_676, %swap3A_677], %swap3A_680 {strides = array<i32>} : memref<200x128xf32, #tpu.memory_space<vmem>>, vector<1x16xf32>,
      %mul3A_681 = arith.constant 2 : i32
      %mul3A_682 = arith.muli %scan3A_370, %mul3A_681 : i32
      %add3A_683 = arith.constant 1 : i32
      %add3A_684 = arith.addi %mul3A_682, %add3A_683 : i32
      %get3A_685 = arith.index_cast %add3A_684 : i32 to index
      %get3A_686 = arith.constant 64 : index
      %get3A_687 = tpu.vector_load %arg8[%get3A_685, %get3A_686] {strides = array<i32>} : memref<200x128xf32, #tpu.memory_space<vmem>>, vector<1x16xf32>,
      %get3A_688 = vector.shape_cast %get3A_687 : vector<1x16xf32> to vector<16xf32>
      %mul3A_689 = arith.constant 2 : i32
      %mul3A_690 = arith.muli %scan3A_370, %mul3A_689 : i32
      %add3A_691 = arith.constant 1 : i32
      %add3A_692 = arith.addi %mul3A_690, %add3A_691 : i32
      %get3A_693 = arith.index_cast %add3A_692 : i32 to index
      %get3A_694 = arith.constant 64 : index
      %get3A_695 = tpu.vector_load %arg10[%get3A_693, %get3A_694] {strides = array<i32>} : memref<200x128xf32, #tpu.memory_space<vmem>>, vector<1x16xf32>,
      %get3A_696 = vector.shape_cast %get3A_695 : vector<1x16xf32> to vector<16xf32>
      %add3A_697 = arith.addf %get3A_688, %get3A_696 : vector<16xf32>
      %mul3A_698 = arith.constant 2 : i32
      %mul3A_699 = arith.muli %scan3A_370, %mul3A_698 : i32
      %add3A_700 = arith.constant 1 : i32
      %add3A_701 = arith.addi %mul3A_699, %add3A_700 : i32
      %swap3A_702 = arith.index_cast %add3A_701 : i32 to index
      %swap3A_703 = arith.constant 64 : index
      %swap3A_704 = tpu.vector_load %arg8[%swap3A_702, %swap3A_703] {strides = array<i32>} : memref<200x128xf32, #tpu.memory_space<vmem>>, vector<1x16xf32>,
      %swap3A_705 = vector.shape_cast %swap3A_704 : vector<1x16xf32> to vector<16xf32>
      %swap3A_706 = vector.shape_cast %add3A_697 : vector<16xf32> to vector<1x16xf32>
      tpu.vector_store %arg8[%swap3A_702, %swap3A_703], %swap3A_706 {strides = array<i32>} : memref<200x128xf32, #tpu.memory_space<vmem>>, vector<1x16xf32>,
      %mul3A_707 = arith.constant 2 : i32
      %mul3A_708 = arith.muli %scan3A_370, %mul3A_707 : i32
      %add3A_709 = arith.constant 1 : i32
      %add3A_710 = arith.addi %mul3A_708, %add3A_709 : i32
      %get3A_711 = arith.index_cast %add3A_710 : i32 to index
      %get3A_712 = arith.constant 80 : index
      %get3A_713 = tpu.vector_load %arg8[%get3A_711, %get3A_712] {strides = array<i32>} : memref<200x128xf32, #tpu.memory_space<vmem>>, vector<1x16xf32>,
      %get3A_714 = vector.shape_cast %get3A_713 : vector<1x16xf32> to vector<16xf32>
      %mul3A_715 = arith.constant 2 : i32
      %mul3A_716 = arith.muli %scan3A_370, %mul3A_715 : i32
      %add3A_717 = arith.constant 1 : i32
      %add3A_718 = arith.addi %mul3A_716, %add3A_717 : i32
      %get3A_719 = arith.index_cast %add3A_718 : i32 to index
      %get3A_720 = arith.constant 80 : index
      %get3A_721 = tpu.vector_load %arg10[%get3A_719, %get3A_720] {strides = array<i32>} : memref<200x128xf32, #tpu.memory_space<vmem>>, vector<1x16xf32>,
      %get3A_722 = vector.shape_cast %get3A_721 : vector<1x16xf32> to vector<16xf32>
      %add3A_723 = arith.addf %get3A_714, %get3A_722 : vector<16xf32>
      %mul3A_724 = arith.constant 2 : i32
      %mul3A_725 = arith.muli %scan3A_370, %mul3A_724 : i32
      %add3A_726 = arith.constant 1 : i32
      %add3A_727 = arith.addi %mul3A_725, %add3A_726 : i32
      %swap3A_728 = arith.index_cast %add3A_727 : i32 to index
      %swap3A_729 = arith.constant 80 : index
      %swap3A_730 = tpu.vector_load %arg8[%swap3A_728, %swap3A_729] {strides = array<i32>} : memref<200x128xf32, #tpu.memory_space<vmem>>, vector<1x16xf32>,
      %swap3A_731 = vector.shape_cast %swap3A_730 : vector<1x16xf32> to vector<16xf32>
      %swap3A_732 = vector.shape_cast %add3A_723 : vector<16xf32> to vector<1x16xf32>
      tpu.vector_store %arg8[%swap3A_728, %swap3A_729], %swap3A_732 {strides = array<i32>} : memref<200x128xf32, #tpu.memory_space<vmem>>, vector<1x16xf32>,
      %mul3A_733 = arith.constant 2 : i32
      %mul3A_734 = arith.muli %scan3A_370, %mul3A_733 : i32
      %add3A_735 = arith.constant 1 : i32
      %add3A_736 = arith.addi %mul3A_734, %add3A_735 : i32
      %get3A_737 = arith.index_cast %add3A_736 : i32 to index
      %get3A_738 = arith.constant 96 : index
      %get3A_739 = tpu.vector_load %arg8[%get3A_737, %get3A_738] {strides = array<i32>} : memref<200x128xf32, #tpu.memory_space<vmem>>, vector<1x16xf32>,
      %get3A_740 = vector.shape_cast %get3A_739 : vector<1x16xf32> to vector<16xf32>
      %mul3A_741 = arith.constant 2 : i32
      %mul3A_742 = arith.muli %scan3A_370, %mul3A_741 : i32
      %add3A_743 = arith.constant 1 : i32
      %add3A_744 = arith.addi %mul3A_742, %add3A_743 : i32
      %get3A_745 = arith.index_cast %add3A_744 : i32 to index
      %get3A_746 = arith.constant 96 : index
      %get3A_747 = tpu.vector_load %arg10[%get3A_745, %get3A_746] {strides = array<i32>} : memref<200x128xf32, #tpu.memory_space<vmem>>, vector<1x16xf32>,
      %get3A_748 = vector.shape_cast %get3A_747 : vector<1x16xf32> to vector<16xf32>
      %add3A_749 = arith.addf %get3A_740, %get3A_748 : vector<16xf32>
      %mul3A_750 = arith.constant 2 : i32
      %mul3A_751 = arith.muli %scan3A_370, %mul3A_750 : i32
      %add3A_752 = arith.constant 1 : i32
      %add3A_753 = arith.addi %mul3A_751, %add3A_752 : i32
      %swap3A_754 = arith.index_cast %add3A_753 : i32 to index
      %swap3A_755 = arith.constant 96 : index
      %swap3A_756 = tpu.vector_load %arg8[%swap3A_754, %swap3A_755] {strides = array<i32>} : memref<200x128xf32, #tpu.memory_space<vmem>>, vector<1x16xf32>,
      %swap3A_757 = vector.shape_cast %swap3A_756 : vector<1x16xf32> to vector<16xf32>
      %swap3A_758 = vector.shape_cast %add3A_749 : vector<16xf32> to vector<1x16xf32>
      tpu.vector_store %arg8[%swap3A_754, %swap3A_755], %swap3A_758 {strides = array<i32>} : memref<200x128xf32, #tpu.memory_space<vmem>>, vector<1x16xf32>,
      %mul3A_759 = arith.constant 2 : i32
      %mul3A_760 = arith.muli %scan3A_370, %mul3A_759 : i32
      %add3A_761 = arith.constant 1 : i32
      %add3A_762 = arith.addi %mul3A_760, %add3A_761 : i32
      %get3A_763 = arith.index_cast %add3A_762 : i32 to index
      %get3A_764 = arith.constant 112 : index
      %get3A_765 = tpu.vector_load %arg8[%get3A_763, %get3A_764] {strides = array<i32>} : memref<200x128xf32, #tpu.memory_space<vmem>>, vector<1x16xf32>,
      %get3A_766 = vector.shape_cast %get3A_765 : vector<1x16xf32> to vector<16xf32>
      %mul3A_767 = arith.constant 2 : i32
      %mul3A_768 = arith.muli %scan3A_370, %mul3A_767 : i32
      %add3A_769 = arith.constant 1 : i32
      %add3A_770 = arith.addi %mul3A_768, %add3A_769 : i32
      %get3A_771 = arith.index_cast %add3A_770 : i32 to index
      %get3A_772 = arith.constant 112 : index
      %get3A_773 = tpu.vector_load %arg10[%get3A_771, %get3A_772] {strides = array<i32>} : memref<200x128xf32, #tpu.memory_space<vmem>>, vector<1x16xf32>,
      %get3A_774 = vector.shape_cast %get3A_773 : vector<1x16xf32> to vector<16xf32>
      %add3A_775 = arith.addf %get3A_766, %get3A_774 : vector<16xf32>
      %mul3A_776 = arith.constant 2 : i32
      %mul3A_777 = arith.muli %scan3A_370, %mul3A_776 : i32
      %add3A_778 = arith.constant 1 : i32
      %add3A_779 = arith.addi %mul3A_777, %add3A_778 : i32
      %swap3A_780 = arith.index_cast %add3A_779 : i32 to index
      %swap3A_781 = arith.constant 112 : index
      %swap3A_782 = tpu.vector_load %arg8[%swap3A_780, %swap3A_781] {strides = array<i32>} : memref<200x128xf32, #tpu.memory_space<vmem>>, vector<1x16xf32>,
      %swap3A_783 = vector.shape_cast %swap3A_782 : vector<1x16xf32> to vector<16xf32>
      %swap3A_784 = vector.shape_cast %add3A_775 : vector<16xf32> to vector<1x16xf32>
      tpu.vector_store %arg8[%swap3A_780, %swap3A_781], %swap3A_784 {strides = array<i32>} : memref<200x128xf32, #tpu.memory_space<vmem>>, vector<1x16xf32>,
    }
    %scan3A_342 = arith.constant 100 : i32
    %add3A_343 = arith.constant 25400 : i32
    %add3A_344 = arith.addi %mul3A_2, %add3A_343 : i32
    %dma_start3A_345 = arith.constant 1 : i32
    %dma_start3A_346 = arith.constant 0 : i32
    %dma_start3A_347 = tpu.memref_slice %arg5[%add3A_344, %dma_start3A_346] : memref<819200x128xf32, #tpu.memory_space<hbm>> -> memref<200x128xf32, #tpu.memory_space<hbm>>
    %dma_start3A_348 = tpu.memref_slice %arg12[%dma_start3A_345] : memref<3x!tpu.dma_semaphore, #tpu.memory_space<semaphore_mem>> -> memref<1x!tpu.dma_semaphore, #tpu.memory_space<semaphore_mem>>
    %dma_start3A_349 = tpu.memref_squeeze %dma_start3A_348 : memref<1x!tpu.dma_semaphore, #tpu.memory_space<semaphore_mem>> -> memref<!tpu.dma_semaphore, #tpu.memory_space<semaphore_mem>>
    %dma_start3A_350 = arith.constant 0 : i32
    %dma_start3A_351 = tpu.memref_slice %arg5[%add3A_344, %dma_start3A_350] : memref<819200x128xf32, #tpu.memory_space<hbm>> -> memref<200x128xf32, #tpu.memory_space<hbm>>
    tpu.enqueue_dma source(%arg8 : memref<200x128xf32, #tpu.memory_space<vmem>>) target(%dma_start3A_351 : memref<200x128xf32, #tpu.memory_space<hbm>>) target_semaphore(%dma_start3A_349 : memref<!tpu.dma_semaphore, #tpu.memory_space<semaphore_mem>>)
    %add3A_352 = arith.constant 25200 : i32
    %add3A_353 = arith.addi %mul3A_2, %add3A_352 : i32
    %dma_wait3A_354 = arith.constant 0 : i32
    %dma_wait3A_355 = arith.constant 0 : i32
    %dma_wait3A_356 = tpu.memref_slice %arg5[%add3A_353, %dma_wait3A_355] : memref<819200x128xf32, #tpu.memory_space<hbm>> -> memref<200x128xf32, #tpu.memory_space<hbm>>
    %dma_wait3A_357 = tpu.memref_slice %arg12[%dma_wait3A_354] : memref<3x!tpu.dma_semaphore, #tpu.memory_space<semaphore_mem>> -> memref<1x!tpu.dma_semaphore, #tpu.memory_space<semaphore_mem>>
    %dma_wait3A_358 = tpu.memref_squeeze %dma_wait3A_357 : memref<1x!tpu.dma_semaphore, #tpu.memory_space<semaphore_mem>> -> memref<!tpu.dma_semaphore, #tpu.memory_space<semaphore_mem>>
    %dma_wait3A_359 = arith.constant 0 : i32
    %dma_wait3A_360 = tpu.memref_slice %arg5[%add3A_353, %dma_wait3A_359] : memref<819200x128xf32, #tpu.memory_space<hbm>> -> memref<200x128xf32, #tpu.memory_space<hbm>>
    tpu.wait_dma2 semaphore(%dma_wait3A_358 : memref<!tpu.dma_semaphore, #tpu.memory_space<semaphore_mem>>) src(%arg7 : memref<200x128xf32, #tpu.memory_space<vmem>>) dst(%dma_wait3A_360 : memref<200x128xf32, #tpu.memory_space<hbm>>)
    %add3A_361 = arith.constant 25400 : i32
    %add3A_362 = arith.addi %mul3A_2, %add3A_361 : i32
    %dma_wait3A_363 = arith.constant 1 : i32
    %dma_wait3A_364 = arith.constant 0 : i32
    %dma_wait3A_365 = tpu.memref_slice %arg5[%add3A_362, %dma_wait3A_364] : memref<819200x128xf32, #tpu.memory_space<hbm>> -> memref<200x128xf32, #tpu.memory_space<hbm>>
    %dma_wait3A_366 = tpu.memref_slice %arg12[%dma_wait3A_363] : memref<3x!tpu.dma_semaphore, #tpu.memory_space<semaphore_mem>> -> memref<1x!tpu.dma_semaphore, #tpu.memory_space<semaphore_mem>>
    %dma_wait3A_367 = tpu.memref_squeeze %dma_wait3A_366 : memref<1x!tpu.dma_semaphore, #tpu.memory_space<semaphore_mem>> -> memref<!tpu.dma_semaphore, #tpu.memory_space<semaphore_mem>>
    %dma_wait3A_368 = arith.constant 0 : i32
    %dma_wait3A_369 = tpu.memref_slice %arg5[%add3A_362, %dma_wait3A_368] : memref<819200x128xf32, #tpu.memory_space<hbm>> -> memref<200x128xf32, #tpu.memory_space<hbm>>
    tpu.wait_dma2 semaphore(%dma_wait3A_367 : memref<!tpu.dma_semaphore, #tpu.memory_space<semaphore_mem>>) src(%arg8 : memref<200x128xf32, #tpu.memory_space<vmem>>) dst(%dma_wait3A_369 : memref<200x128xf32, #tpu.memory_space<hbm>>)
    return
  }
}

</mosaic_0001>

<sc_bundles>
// kernel: kernel.3.cloned.1.call-start
scs
__scs_entry_jumppad:
0x0: {  	(pc) =	sbr.rel $0x88, $3  }
0x1: {  	(tag) =	ssettag $0x0;
	lr =	simm.s32 $0x1  }
0x2: {  	[smem:$0x3F9F] =	sst lr;
	_ =	strace $0xD0000000  }
0x3: {  	_ = 	snop  }
0x4: {  	_ = 	snop  }
0x5: {  	_ = 	snop  }
0x6: {  	_ = 	snop  }
0x7: {  	_ = 	snop  }
__scs_overlays_trampoline_lowered:
0x8: {  	[smem:$0x3FAE] =	sst s0  }
0x9: {  	[smem:$0x3FAF] =	sst s1  }
0xa: {  	[smem:$0x3FB0] =	sst s2  }
0xb: {  	[smem:$0x3FB1] =	sst s3  }
0xc: {  	[smem:$0x3FB2] =	sst s4  }
0xd: {  	[smem:$0x3FB3] =	sst s5  }
0xe: {  	[smem:$0x3FB4] =	sst s6  }
0xf: {  	[smem:$0x3FB5] =	sst s7  }
0x10: {  	[smem:$0x3FB6] =	sst s8  }
0x11: {  	[smem:$0x3FB7] =	sst s9;
	s0 =	simm.s32 @!p0 $0x0  }
0x12: {  	s1 =	sld [smem:$0x3F9D];
	s0 =	simm.s32 @p0 $0x1  }
0x13: {  	[smem:$0x3FB8] =	sst s0;
	s0 =	simm.s32 @!p1 $0x0  }
0x14: {  	s2 =	sld [smem:$0x3F9C];
	s0 =	simm.s32 @p1 $0x1  }
0x15: {  	[smem:$0x3FB9] =	sst s0;
	s0 =	simm.s32 @!p2 $0x0  }
0x16: {  	s3 =	sld [smem:$0x3FDB];
	s0 =	simm.s32 @p2 $0x1  }
0x17: {  	s4 =	simm.s32 $0x1BF5;
	[smem:$0x3FBB] =	sst s0  }
0x18: {  	s0 =	sld [smem:$0x3F9E];
	_ =	swait.ge [sflag:s4], $0x0  }
0x19: {  	s7 =	sld [smem:$0x3F9F]  }
0x1a: {  	s8 =	sadd.s32 $0xFFFFE003, lr  }
0x1b: {  	s9 =	sadd.s32 $0xFFFFFEF7, lr;
	s5 =	simm.s32 $0xFFFFFFFF;
	p2 =	slt.u32 s8, $0xFFFFF086  }
0x1c: {  	p1 =	slt.u32 s9, $0xF7A;
	s5 =	simm.s32 @!p2 $0x0  }
0x1d: {  	s5 =	simm.s32 @p1 $0x1;
	p0 =	seq.s32 s7, s2  }
0x1e: {  	s7 =	smul.u32 @!p0 $0xF7A, s2;
	p2 =	seq.s32 @!p0 s5, $0x0  }
0x1f: {  	s9 =	smul.u32 $0xF7A, s1;
	s8 =	simm.s32 @!p0 $0x1BF5;
	p2 =	por !p2, p0  }
0x20: {  	[sflag:s8] =	ssyncset.s32 @!p0 $0xFFFFF086;
	s6 =	sadd.s32 @!p0 s3, s7;
	s7 =	simm.s32 @!p0 $0x108  }
0x21: {  	s3 =	sadd.s32 s3, s9;
	s6 =	sadd.s32 @!p0 $0x88, s6;
	s7 =	simm.s32 @p2 $0x1082  }
0x22: {  	[simem:s7], [sflag:s8] =	dma.local @!p0 [hbm:s6], $0xF7A  }
0x23: {  	s9 =	sor.u32 $0xD0000000, s2;
	s6 =	simm.s32 $0x108;
	_ =	swait.ge @!p0 [sflag:s8], $0x0  }
0x24: {  	s3 =	sadd.s32 $0x88, s3;
	s6 =	simm.s32 @!p1 $0x1082;
	[sflag:s4] =	ssyncset.s32 $0xFFFFF086  }
0x25: {  	[simem:s6], [sflag:s4] =	dma.local [hbm:s3], $0xF7A  }
0x26: {  	[smem:$0x3F9F] =	sst s1;
	(tag) =	ssettag s2;
	_ =	strace s9  }
0x27: {  	s1 =	sld [smem:$0x3FAF]  }
0x28: {  	s2 =	sld [smem:$0x3FB0]  }
0x29: {  	s4 =	sld [smem:$0x3FB2]  }
0x2a: {  	p0 =	seq.s32 s5, $0x0;
	s5 =	sld [smem:$0x3FB3]  }
0x2b: {  	s6 =	sld [smem:$0x3FB4]  }
0x2c: {  	s7 =	sld [smem:$0x3FB5]  }
0x2d: {  	s3 =	simm.s32 $0x108;
	s8 =	sld [smem:$0x3FB6]  }
0x2e: {  	s3 =	simm.s32 @!p0 $0x1082;
	s9 =	sld [smem:$0x3FB7]  }
0x2f: {  	lr =	sadd.s32 s0, s3;
	s0 =	sld [smem:$0x3FAE]  }
0x30: {  	s3 =	sld [smem:$0x3FB1]  }
0x31: {  	[smem:$0x3FBA] =	sst s10  }
0x32: {  	s10 =	sld [smem:$0x3FB8];
	_ =	sdelay $0x3  }
0x33: {  	p0 =	seq.s32 s10, $0x1;
	s10 =	sld [smem:$0x3FBA];
	_ =	sdelay $0x3  }
0x34: {  	[smem:$0x3FBA] =	sst s10  }
0x35: {  	s10 =	sld [smem:$0x3FB9];
	_ =	sdelay $0x3  }
0x36: {  	p1 =	seq.s32 s10, $0x1;
	s10 =	sld [smem:$0x3FBA];
	_ =	sdelay $0x3  }
0x37: {  	[smem:$0x3FBA] =	sst s10  }
0x38: {  	s10 =	sld [smem:$0x3FBB]  }
0x39: {  	_ = 	snop;
	(pc) =	sbr.ind lr, $3  }
0x3a: {  	_ = 	snop  }
0x3b: {  	_ = 	snop  }
0x3c: {  	p2 =	seq.s32 s10, $0x1;
	s10 =	sld [smem:$0x3FBA]  }
0x3d: {  	_ =	shalt  }
0x3e: {  	_ =	shalt  }
0x3f: {  	_ =	shalt  }
0x40: {  	_ =	shalt  }
0x41: {  	_ =	shalt  }
0x42: {  	_ =	shalt  }
0x43: {  	_ =	shalt  }
0x44: {  	_ =	shalt  }
0x45: {  	_ =	shalt  }
0x46: {  	_ =	shalt  }
0x47: {  	_ =	shalt  }
0x48: {  	_ =	shalt  }
0x49: {  	_ =	shalt  }
0x4a: {  	_ =	shalt  }
0x4b: {  	_ =	shalt  }
0x4c: {  	_ =	shalt  }
0x4d: {  	_ =	shalt  }
0x4e: {  	_ =	shalt  }
0x4f: {  	_ =	shalt  }
0x50: {  	_ =	shalt  }
0x51: {  	_ =	shalt  }
0x52: {  	_ =	shalt  }
0x53: {  	_ =	shalt  }
0x54: {  	_ =	shalt  }
0x55: {  	_ =	shalt  }
0x56: {  	_ =	shalt  }
0x57: {  	_ =	shalt  }
0x58: {  	_ =	shalt  }
0x59: {  	_ =	shalt  }
0x5a: {  	_ =	shalt  }
0x5b: {  	_ =	shalt  }
0x5c: {  	_ =	shalt  }
0x5d: {  	_ =	shalt  }
0x5e: {  	_ =	shalt  }
0x5f: {  	_ =	shalt  }
0x60: {  	_ =	shalt  }
0x61: {  	_ =	shalt  }
0x62: {  	_ =	shalt  }
0x63: {  	_ =	shalt  }
0x64: {  	_ =	shalt  }
0x65: {  	_ =	shalt  }
0x66: {  	_ =	shalt  }
0x67: {  	_ =	shalt  }
0x68: {  	_ =	shalt  }
0x69: {  	_ =	shalt  }
0x6a: {  	_ =	shalt  }
0x6b: {  	_ =	shalt  }
0x6c: {  	_ =	shalt  }
0x6d: {  	_ =	shalt  }
0x6e: {  	_ =	shalt  }
0x6f: {  	_ =	shalt  }
0x70: {  	_ =	shalt  }
0x71: {  	_ =	shalt  }
0x72: {  	_ =	shalt  }
0x73: {  	_ =	shalt  }
0x74: {  	_ =	shalt  }
0x75: {  	_ =	shalt  }
0x76: {  	_ =	shalt  }
0x77: {  	_ =	shalt  }
0x78: {  	_ =	shalt  }
0x79: {  	_ =	shalt  }
0x7a: {  	_ =	shalt  }
0x7b: {  	_ =	shalt  }
0x7c: {  	_ =	shalt  }
0x7d: {  	_ =	shalt  }
0x7e: {  	_ =	shalt  }
0x7f: {  	_ =	shalt  }
0x80: {  	_ =	shalt  }
0x81: {  	_ =	shalt  }
0x82: {  	_ =	shalt  }
0x83: {  	_ =	shalt  }
0x84: {  	_ =	shalt  }
0x85: {  	_ =	shalt  }
0x86: {  	_ =	shalt  }
0x87: {  	_ =	shalt  }
.Lfunc_end0:
.L_simem_size_0:
called_computation_lowered:
.L_overlay_start_0:
0x88: {  	s2 =	sld [smem:$0x3FD9]  }
0x89: {  	s3 =	sld [smem:$0x3FFE];
	_ =	sdelay $0x1  }
0x8a: {  	s1 =	srdreg.scid  }
0x8b: {  	s0 =	sand.u32 $0x1, s1  }
0x8c: {  	s17 =	sshll.u32 s0, $0xA;
	s2 =	sadd.s32 s3, s2  }
0x8d: {  	s2 =	sadd.s32 s2, s17  }
0x8e: {  	[smem:$0x3FC6] =	sst s2  }
0x8f: {  	_ = 	snop  }
0x90: {  	s2 =	sld [smem:$0x3FC8]  }
0x91: {  	s18 =	sld [smem:$0x3FD0];
	(tm) =	ssettm $0x1  }
0x92: {  	s4 =	sld [smem:$0x3FFB];
	_ =	sdelay $0x3  }
0x93: {  	_ =	strace s4  }
0x94: {  	s4 =	sld [smem:$0x3FFC];
	_ =	sdelay $0x3  }
0x95: {  	_ =	strace s4  }
0x96: {  	s4 =	sld [smem:$0x3FFD];
	_ =	sdelay $0x3  }
0x97: {  	_ =	strace s4  }
0x98: {  	_ =	strace $0x8FFFFFFF  }
0x99: {  	s19 =	sld [smem:$0x3FDB];
	_ =	sdelay $0x1  }
0x9a: {  	s5 =	simm.s32 $_scs_section_size  }
0x9b: {  	s6 =	simm.s32 $_size__tile_overlayer_lowered;
	s7 =	simm.s32 $_tile_overlayer_lowered  }
0x9c: {  	s22 =	simm.s32 $0x1BFF;
	s21 =	sshll.u32 s7, $0x1;
	s4 =	sadd.s32 s5, s19  }
0x9d: {  	s8 =	simm.s32 $0x0;
	s20 =	sshll.u32 s6, $0x1;
	s6 =	sadd.s32 s21, s4  }
0x9e: {  	[timem:s8], [sflag:s22] =	dma.local [hbm:s6], s20  }
0x9f: {  	_ =	swait.ge [sflag:s22], s20  }
0xa0: {  	s5 =	ssub.s32 $0x0, s20;
	[sflag:s22] =	ssyncset.done $0x0  }
0xa1: {  	[sflag:s22] =	ssyncadd.s32 s5;
	_ =	sdelay $0x1  }
0xa2: {  	s23 =	simm.s32 $0x1B8B  }
0xa3: {  	_ =	swait.ge [sflag:s23], $0x1  }
0xa4: {  	[sflag:s23] =	ssyncset.done $0x0  }
0xa5: {  	s25 =	simm.s32 $0x1B8E;
	s24 =	sld [smem:$0x3FFE];
	[sflag:s23] =	ssyncadd.s32 $0xFFFFFFFF  }
0xa6: {  	s26 =	simm.s32 $execute0_lowered;
	[smem:$0x3FD2] =	sst s25  }
0xa7: {  	s6 =	sshll.u32 s26, $0x1;
	_ =	strace $0x80000046;
	[dreg:$0x1] =	wrdreg $0xFFFFFFFF  }
0xa8: {  	s28 =	simm.s32 $_size_execute0_lowered;
	s4 =	sadd.s32 s4, s6;
	[dreg:$0x0] =	wrdreg $0x0  }
0xa9: {  	s6 =	sshll.u32 s28, $0x1;
	[dreg:$0x2] =	wrdreg s4  }
0xaa: {  	[dreg:$0x3] =	wrdreg s6  }
0xab: {  	[dreg:$0x4] =	wrdreg $0xC0  }
0xac: {  	_ =	task [dreg:s8], $0x5FFFF  }
0xad: {  	[dreg:$0x1] =	wrdreg $0xFFFFFFFF  }
0xae: {  	[dreg:$0x0] =	wrdreg $0x60  }
0xaf: {  	[dreg:$0x2] =	wrdreg s24  }
0xb0: {  	[dreg:$0x3] =	wrdreg s2  }
0xb1: {  	[dreg:$0x4] =	wrdreg s18  }
0xb2: {  	[dreg:$0x5] =	wrdreg $0x9  }
0xb3: {  	_ =	task.clear_ibuf [dreg:s8], $0x6FFFF;
	_ =	strace $0x90000046  }
0xb4: {  	s29 =	simm.s32 $0x9;
	_ =	strace $0x80000048  }
0xb5: {  	_ =	swait.ge [sflag:s29], $0x1  }
0xb6: {  	[sflag:s29] =	ssyncadd.s32 $0xFFFFFFFF  }
0xb7: {  	_ =	strace $0x90000048  }
0xb8: {  	_ =	sfence  }
0xb9: {  	s30 =	sld [smem:$0x0];
	_ =	sdelay $0x2  }
0xba: {  	s31 =	sshll.u32 s1, $0xD;
	s1 =	sshrl.u32 s1, $0x2  }
0xbb: {  	s3 =	sand.u32 $0x4000, s31;
	s1 =	sadd.s32 s1, s30  }
0xbc: {  	s0 =	sor.u32 s3, s0;
	s1 =	sshll.u32 s1, $0x11  }
0xbd: {  	s0 =	sor.u32 s1, s0  }
0xbe: {  	s0 =	sadd.s32 $0x8F2B, s0  }
0xbf: {  	[sflag:s0] =	ssyncadd.remote.s32 $0x1  }
0xc0: {  	_ =	sfence.sel $0xFFFF  }
0xc1: {  	[dreg:$0x0] =	wrdreg $0xFFFFFFFF;
	(pc) =	sbr.abs _section_cstart, $3  }
0xc2: {  	[dreg:$0x1] =	wrdreg $0xFFFFFFFF  }
0xc3: {  	_ =	task.clear_ibuf [dreg:s8], $0x2FFFF;
	_ =	strace $0x9FFFFFFF  }
0xc4: {  	(tm) =	ssettm $0x7FFFFFFF  }
0xc5: {  	_ =	shalt  }
tec
execute0_lowered:
.L_overlay_start_1:
0x0: {  	(tag) =	ssettag $0x1  }
0x1: {  	s0 =	rddreg [dreg:$0x0]  }
0x2: {  	s2 =	rddreg [dreg:$0x1]  }
0x3: {  	s3 =	rddreg [dreg:$0x2]  }
0x4: {  	s1 =	srdreg.scid;
	s5 =	stileid.u32;
	s4 =	simm.s32 $0x0  }
0x5: {  	s19 =	simm.s32 $0xC8;
	s21 =	simm.s32 $0x7;
	s29 =	simm.s32 $0x12C00  }
0x6: {  	s30 =	simm.s32 $0x2;
	s31 =	simm.s32 $0x4;
	s20 =	simm.s32 $0x5  }
0x7: {  	s28 =	simm.s32 $0x6;
	s1 =	sand.u32 $0x1, s1;
	s5 =	sshll.u32 s5, $0x1  }
0x8: {  	[smem:$0x7FF] =	sst s4;
	s7 =	sadd.s32 $0x600, s0;
	s6 =	sor.u32 s1, s5  }
0x9: {  	s0 =	sadd.s32 $0x19600, s0;
	s1 =	ssub.s32 $0x2, s1;
	s5 =	smul.u32 $0x6400, s6  }
0xa: {  	_ =	strace $0x80000047;
	s22 =	sshrl.u32 s1, $0x1;
	s8 =	smul.u32 $0x64000, s6  }
0xb: {  	[dreg:$0x4] =	wrdreg s0;
	s6 =	smul.u32 $0x320000, s6;
	s0 =	ssub.s32 s1, s22  }
0xc: {  	s22 =	simm.s32 $0x6400;
	s23 =	sor.u32 $0xC8, s5;
	s9 =	sshrl.u32 s5, $0x3  }
0xd: {  	s24 =	sshrl.u32 s6, $0x3;
	s12 =	sor.u32 $0x258, s5;
	s18 =	smax.u32 s0, $0x1  }
0xe: {  	s0 =	simm.s32 $0x0;
	s10 =	sshrl.u32 s23, $0x3;
	s9 =	sadd.s32 s7, s9  }
0xf: {  	s1 =	sshll.u32 s23, $0x4;
	[dreg:$0x5] =	wrdreg s9;
	s7 =	sadd.s32 s7, s10  }
0x10: {  	s9 =	sadd.s32 s3, s8;
	s1 =	sadd.s32 s3, s1;
	[dreg:$0x6] =	wrdreg s7  }
0x11: {  	s23 =	simm.s32 $0x8;
	[dreg:$0x7] =	wrdreg s1;
	s25 =	sadd.s32 $0x1900, s9  }
0x12: {  	s1 =	sadd.s32 s3, s24;
	s24 =	simm.s32 $0x9;
	[dreg:$0x8] =	wrdreg s25  }
0x13: {  	s26 =	sadd.s32 $0x60180, s1;
	s14 =	sadd.s32 $0x60E00, s1;
	s15 =	sadd.s32 $0x61A80, s1  }
0x14: {  	s16 =	sadd.s32 $0x62700, s1;
	s17 =	sadd.s32 $0x63380, s1;
	s25 =	simm.s32 $0xC800  }
0x15: {  	s1 =	simm.s32 $0x3;
	[dreg:$0x9] =	wrdreg s26;
	s26 =	simm.s32 $0x1  }
.LBB2_1:
0x16: {  	s6 =	rddreg [dreg:$0x5]  }
0x17: {  	[tilespmem:s4], [sflag:$0x7] =	stream.linear.gather [hbm4b:s6+s4], $0xC8, $0x38;
	[tilespmem:$0x1F400] =	vst v63  }
0x18: {  	s11 =	rddreg [dreg:$0x6]  }
0x19: {  	[tilespmem:s19], [sflag:$0x8] =	stream.linear.gather [hbm4b:s11+s4], $0x6338, $0x38;
	[tilespmem:$0x1F400] =	vst v63  }
0x1a: {  	s13 =	rddreg [dreg:$0x4];
	s7 =	simm.s32 $0x19000  }
0x1b: {  	[tilespmem:s7], [sflag:$0x9] =	stream.linear.gather [hbm4b:s13+s4], $0x6400, $0x38;
	[tilespmem:$0x1F400] =	vst v63  }
0x1c: {  	_ =	swait.ge [sflag:s21], $0xC8  }
0x1d: {  	[sflag:s21] =	ssyncset.done $0x0  }
0x1e: {  	[sflag:s21] =	ssyncadd.s32 $0xFFFFFF38  }
0x1f: {  	[tilespmem:s22], [sflag:$0x1] =	stream.indirect.gather [hbm4b:s2+s19], $0x80, s4, s19, $0xb8;
	[tilespmem:$0x1F400] =	vst v63  }
0x20: {  	_ =	swait.ge [sflag:s23], $0x6338  }
0x21: {  	[sflag:s23] =	ssyncset.done $0x0  }
0x22: {  	[sflag:s23] =	ssyncadd.s32 $0xFFFF9CC8  }
0x23: {  	_ =	swait.ge [sflag:s24], $0x6400  }
0x24: {  	[sflag:s24] =	ssyncset.done $0x0  }
0x25: {  	[sflag:s24] =	ssyncadd.s32 $0xFFFF9C00  }
0x26: {  	[tilespmem:s25], [sflag:$0x2] =	stream.indirect.gather [hbm4b:s2+s19], $0x80, s19, s19, $0xb8;
	[tilespmem:$0x1F400] =	vst v63  }
0x27: {  	_ =	swait.ge [sflag:s26], $0x6400  }
0x28: {  	[sflag:s26] =	ssyncset.done $0x0  }
0x29: {  	s6 =	simm.s32 $0xF0;
	[sflag:s26] =	ssyncadd.s32 $0xFFFF9C00  }
0x2a: {  	v6 =	vld [tilespmem:s6+$0x18F10]  }
0x2b: {  	v7 =	vld [tilespmem:s6+$0x18F20]  }
0x2c: {  	v8 =	vld [tilespmem:s6+$0x18F30]  }
0x2d: {  	v9 =	vld [tilespmem:s6+$0x18F40]  }
0x2e: {  	v10 =	vld [tilespmem:s6+$0x18F50]  }
0x2f: {  	v11 =	vld [tilespmem:s6+$0x18F60]  }
0x30: {  	v12 =	vld [tilespmem:s6+$0x18F70]  }
0x31: {  	v13 =	vld [tilespmem:s6+$0x18F80]  }
0x32: {  	v14 =	vld [tilespmem:s6+$0x18F90]  }
0x33: {  	v15 =	vld [tilespmem:s6+$0x18FA0]  }
0x34: {  	v5 =	vld [tilespmem:s6+$0x18FB0]  }
0x35: {  	v4 =	vld [tilespmem:s6+$0x18FC0]  }
0x36: {  	v3 =	vld [tilespmem:s6+$0x18FD0]  }
0x37: {  	v2 =	vld [tilespmem:s6+$0x18FE0]  }
0x38: {  	v1 =	vld [tilespmem:s6+$0x18FF0]  }
0x39: {  	v0 =	vld [tilespmem:s6+$0x19000]  }
0x3a: {  	v16 =	vld [tilespmem:s6+$0x6310]  }
0x3b: {  	v17 =	vld [tilespmem:s6+$0x6320]  }
0x3c: {  	v18 =	vld [tilespmem:s6+$0x6330]  }
0x3d: {  	v19 =	vld [tilespmem:s6+$0x6340]  }
0x3e: {  	v20 =	vld [tilespmem:s6+$0x6350]  }
0x3f: {  	v60 =	vld [tilespmem:s6+$0x6360];
	v6 =	vadd.f32 v6, v16  }
0x40: {  	v21 =	vld [tilespmem:s6+$0x6370];
	v7 =	vadd.f32 v7, v17  }
0x41: {  	v61 =	vld [tilespmem:s6+$0x6380];
	[tilespmem:s6+$0x6310] =	vst v6;
	v6 =	vadd.f32 v8, v18  }
0x42: {  	v62 =	vld [tilespmem:s6+$0x6390];
	[tilespmem:s6+$0x6320] =	vst v7;
	v7 =	vadd.f32 v9, v19  }
0x43: {  	v63 =	vld [tilespmem:s6+$0x63A0];
	[tilespmem:s6+$0x6330] =	vst v6;
	v6 =	vadd.f32 v10, v20  }
0x44: {  	v8 =	vadd.f32 v11, v60;
	[tilespmem:s6+$0x6340] =	vst v7;
	v7 =	vld [tilespmem:s6+$0x63B0]  }
0x45: {  	v9 =	vadd.f32 v12, v21;
	[tilespmem:s6+$0x6350] =	vst v6;
	v6 =	vld [tilespmem:s6+$0x63C0]  }
0x46: {  	[tilespmem:s6+$0x6360] =	vst v8;
	v8 =	vld [tilespmem:s6+$0x63D0];
	v10 =	vadd.f32 v13, v61  }
0x47: {  	v12 =	vadd.f32 v14, v62;
	[tilespmem:s6+$0x6370] =	vst v9;
	v9 =	vld [tilespmem:s6+$0x63E0]  }
0x48: {  	s7 =	simm.s32 $0x7C0;
	v11 =	vadd.f32 v15, v63;
	[tilespmem:s6+$0x6380] =	vst v10;
	v10 =	vld [tilespmem:s6+$0x63F0]  }
.LBB2_2:
0x49: {  	s8 =	sshra.s32 s7, $0x2;
	p0 =	sne.s32 s7, $0x18FC0;
	[tilespmem:s6+$0x6390] =	vst v12;
	v5 =	vadd.f32 v5, v7;
	v7 =	vld [tilespmem:s6+$0x6400]  }
0x4a: {  	v12 =	vld [tilespmem:s8+$0x18F10];
	[tilespmem:s6+$0x63A0] =	vst v11;
	v4 =	vadd.f32 v4, v6  }
0x4b: {  	v6 =	vld [tilespmem:s8+$0x18F20];
	[tilespmem:s6+$0x63B0] =	vst v5;
	v3 =	vadd.f32 v3, v8  }
0x4c: {  	v8 =	vld [tilespmem:s8+$0x18F30];
	[tilespmem:s6+$0x63C0] =	vst v4;
	v2 =	vadd.f32 v2, v9  }
0x4d: {  	v9 =	vld [tilespmem:s8+$0x18F40];
	[tilespmem:s6+$0x63D0] =	vst v3;
	v1 =	vadd.f32 v1, v10  }
0x4e: {  	v10 =	vld [tilespmem:s8+$0x18F50];
	[tilespmem:s6+$0x63E0] =	vst v2;
	v0 =	vadd.f32 v0, v7  }
0x4f: {  	v7 =	vld [tilespmem:s8+$0x18F60];
	[tilespmem:s6+$0x63F0] =	vst v1  }
0x50: {  	v11 =	vld [tilespmem:s8+$0x18F70];
	[tilespmem:s6+$0x6400] =	vst v0;
	s6 =	smov.u32 s8  }
0x51: {  	v13 =	vld [tilespmem:s6+$0x18F80]  }
0x52: {  	v14 =	vld [tilespmem:s6+$0x18F90]  }
0x53: {  	v15 =	vld [tilespmem:s6+$0x18FA0]  }
0x54: {  	v5 =	vld [tilespmem:s6+$0x18FB0]  }
0x55: {  	v4 =	vld [tilespmem:s6+$0x18FC0]  }
0x56: {  	v3 =	vld [tilespmem:s6+$0x18FD0]  }
0x57: {  	v2 =	vld [tilespmem:s6+$0x18FE0]  }
0x58: {  	v1 =	vld [tilespmem:s6+$0x18FF0]  }
0x59: {  	v0 =	vld [tilespmem:s6+$0x19000]  }
0x5a: {  	v16 =	vld [tilespmem:s6+$0x6310]  }
0x5b: {  	v17 =	vld [tilespmem:s6+$0x6320]  }
0x5c: {  	v18 =	vld [tilespmem:s6+$0x6330]  }
0x5d: {  	v19 =	vld [tilespmem:s6+$0x6340]  }
0x5e: {  	v20 =	vld [tilespmem:s6+$0x6350]  }
0x5f: {  	v12 =	vadd.f32 v12, v16;
	v16 =	vld [tilespmem:s6+$0x6360]  }
0x60: {  	v6 =	vadd.f32 v6, v17;
	v17 =	vld [tilespmem:s6+$0x6370]  }
0x61: {  	[tilespmem:s6+$0x6310] =	vst v12;
	v8 =	vadd.f32 v8, v18;
	v12 =	vld [tilespmem:s6+$0x6380]  }
0x62: {  	[tilespmem:s6+$0x6320] =	vst v6;
	v6 =	vadd.f32 v9, v19;
	v9 =	vld [tilespmem:s6+$0x6390]  }
0x63: {  	[tilespmem:s6+$0x6330] =	vst v8;
	v8 =	vadd.f32 v10, v20;
	v10 =	vld [tilespmem:s6+$0x63A0]  }
.Ltmp0:
0x64: {  	[tilespmem:s6+$0x6340] =	vst v6;
	v16 =	vadd.f32 v7, v16;
	v7 =	vld [tilespmem:s6+$0x63B0];
	(pc) =	sbr.rel @p0 .LBB2_2-.Ltmp0, $4  }
0x65: {  	[tilespmem:s6+$0x6350] =	vst v8;
	v11 =	vadd.f32 v11, v17;
	v6 =	vld [tilespmem:s6+$0x63C0]  }
0x66: {  	[tilespmem:s6+$0x6360] =	vst v16;
	v13 =	vadd.f32 v13, v12;
	v8 =	vld [tilespmem:s6+$0x63D0]  }
0x67: {  	[tilespmem:s6+$0x6370] =	vst v11;
	v12 =	vadd.f32 v14, v9;
	v9 =	vld [tilespmem:s6+$0x63E0]  }
0x68: {  	s7 =	sadd.s32 $0x400, s7;
	[tilespmem:s6+$0x6380] =	vst v13;
	v11 =	vadd.f32 v15, v10;
	v10 =	vld [tilespmem:s6+$0x63F0]  }
0x69: {  	[tilespmem:s6+$0x6390] =	vst v12;
	v5 =	vadd.f32 v5, v7;
	v7 =	vld [tilespmem:s6+$0x6400]  }
0x6a: {  	[tilespmem:s6+$0x63A0] =	vst v11;
	v4 =	vadd.f32 v4, v6  }
0x6b: {  	[tilespmem:s6+$0x63B0] =	vst v5;
	v3 =	vadd.f32 v3, v8  }
0x6c: {  	[tilespmem:s6+$0x63C0] =	vst v4;
	v2 =	vadd.f32 v2, v9  }
0x6d: {  	[tilespmem:s6+$0x63D0] =	vst v3;
	v1 =	vadd.f32 v1, v10  }
0x6e: {  	[tilespmem:s6+$0x63E0] =	vst v2;
	v0 =	vadd.f32 v0, v7  }
0x6f: {  	[tilespmem:s6+$0x63F0] =	vst v1  }
0x70: {  	[tilespmem:s6+$0x6400] =	vst v0  }
0x71: {  	[hbm4b:s9+s4] =	stream.linear.scatter [tilespmem:s22], [sflag:$0x4], $0x6400, $0x38;
	[tilespmem:$0x1F400] =	vst v63  }
0x72: {  	s13 =	simm.s32 $0x190  }
0x73: {  	[tilespmem:s29], [sflag:$0x3] =	stream.indirect.gather [hbm4b:s2+s19], $0x80, s13, s19, $0xb8;
	[tilespmem:$0x1F400] =	vst v63  }
0x74: {  	_ =	swait.ge [sflag:s30], $0x6400  }
0x75: {  	[sflag:s30] =	ssyncset.done $0x0  }
0x76: {  	s6 =	simm.s32 $0xF0;
	[sflag:s30] =	ssyncadd.s32 $0xFFFF9C00  }
0x77: {  	v6 =	vld [tilespmem:s6+$0x18F10]  }
0x78: {  	v7 =	vld [tilespmem:s6+$0x18F20]  }
0x79: {  	v8 =	vld [tilespmem:s6+$0x18F30]  }
0x7a: {  	v9 =	vld [tilespmem:s6+$0x18F40]  }
0x7b: {  	v10 =	vld [tilespmem:s6+$0x18F50]  }
0x7c: {  	v11 =	vld [tilespmem:s6+$0x18F60]  }
0x7d: {  	v12 =	vld [tilespmem:s6+$0x18F70]  }
0x7e: {  	v13 =	vld [tilespmem:s6+$0x18F80]  }
0x7f: {  	v14 =	vld [tilespmem:s6+$0x18F90]  }
0x80: {  	v15 =	vld [tilespmem:s6+$0x18FA0]  }
0x81: {  	v5 =	vld [tilespmem:s6+$0x18FB0]  }
0x82: {  	v4 =	vld [tilespmem:s6+$0x18FC0]  }
0x83: {  	v3 =	vld [tilespmem:s6+$0x18FD0]  }
0x84: {  	v2 =	vld [tilespmem:s6+$0x18FE0]  }
0x85: {  	v1 =	vld [tilespmem:s6+$0x18FF0]  }
0x86: {  	v0 =	vld [tilespmem:s6+$0x19000]  }
0x87: {  	v16 =	vld [tilespmem:s6+$0xC710]  }
0x88: {  	v17 =	vld [tilespmem:s6+$0xC720]  }
0x89: {  	v18 =	vld [tilespmem:s6+$0xC730]  }
0x8a: {  	v19 =	vld [tilespmem:s6+$0xC740]  }
0x8b: {  	v20 =	vld [tilespmem:s6+$0xC750]  }
0x8c: {  	v60 =	vld [tilespmem:s6+$0xC760];
	v6 =	vadd.f32 v6, v16  }
0x8d: {  	v21 =	vld [tilespmem:s6+$0xC770];
	v7 =	vadd.f32 v7, v17  }
0x8e: {  	v61 =	vld [tilespmem:s6+$0xC780];
	[tilespmem:s6+$0xC710] =	vst v6;
	v6 =	vadd.f32 v8, v18  }
0x8f: {  	v62 =	vld [tilespmem:s6+$0xC790];
	[tilespmem:s6+$0xC720] =	vst v7;
	v7 =	vadd.f32 v9, v19  }
0x90: {  	v63 =	vld [tilespmem:s6+$0xC7A0];
	[tilespmem:s6+$0xC730] =	vst v6;
	v6 =	vadd.f32 v10, v20  }
0x91: {  	v8 =	vadd.f32 v11, v60;
	[tilespmem:s6+$0xC740] =	vst v7;
	v7 =	vld [tilespmem:s6+$0xC7B0]  }
0x92: {  	v9 =	vadd.f32 v12, v21;
	[tilespmem:s6+$0xC750] =	vst v6;
	v6 =	vld [tilespmem:s6+$0xC7C0]  }
0x93: {  	[tilespmem:s6+$0xC760] =	vst v8;
	v8 =	vld [tilespmem:s6+$0xC7D0];
	v10 =	vadd.f32 v13, v61  }
0x94: {  	v12 =	vadd.f32 v14, v62;
	[tilespmem:s6+$0xC770] =	vst v9;
	v9 =	vld [tilespmem:s6+$0xC7E0]  }
0x95: {  	s7 =	simm.s32 $0x7C0;
	v11 =	vadd.f32 v15, v63;
	[tilespmem:s6+$0xC780] =	vst v10;
	v10 =	vld [tilespmem:s6+$0xC7F0]  }
.LBB2_4:
0x96: {  	s8 =	sshra.s32 s7, $0x2;
	p0 =	sne.s32 s7, $0x18FC0;
	[tilespmem:s6+$0xC790] =	vst v12;
	v5 =	vadd.f32 v5, v7;
	v7 =	vld [tilespmem:s6+$0xC800]  }
0x97: {  	v12 =	vld [tilespmem:s8+$0x18F10];
	[tilespmem:s6+$0xC7A0] =	vst v11;
	v4 =	vadd.f32 v4, v6  }
0x98: {  	v6 =	vld [tilespmem:s8+$0x18F20];
	[tilespmem:s6+$0xC7B0] =	vst v5;
	v3 =	vadd.f32 v3, v8  }
0x99: {  	v8 =	vld [tilespmem:s8+$0x18F30];
	[tilespmem:s6+$0xC7C0] =	vst v4;
	v2 =	vadd.f32 v2, v9  }
0x9a: {  	v9 =	vld [tilespmem:s8+$0x18F40];
	[tilespmem:s6+$0xC7D0] =	vst v3;
	v1 =	vadd.f32 v1, v10  }
0x9b: {  	v10 =	vld [tilespmem:s8+$0x18F50];
	[tilespmem:s6+$0xC7E0] =	vst v2;
	v0 =	vadd.f32 v0, v7  }
0x9c: {  	v7 =	vld [tilespmem:s8+$0x18F60];
	[tilespmem:s6+$0xC7F0] =	vst v1  }
0x9d: {  	v11 =	vld [tilespmem:s8+$0x18F70];
	[tilespmem:s6+$0xC800] =	vst v0;
	s6 =	smov.u32 s8  }
0x9e: {  	v13 =	vld [tilespmem:s6+$0x18F80]  }
0x9f: {  	v14 =	vld [tilespmem:s6+$0x18F90]  }
0xa0: {  	v15 =	vld [tilespmem:s6+$0x18FA0]  }
0xa1: {  	v5 =	vld [tilespmem:s6+$0x18FB0]  }
0xa2: {  	v4 =	vld [tilespmem:s6+$0x18FC0]  }
0xa3: {  	v3 =	vld [tilespmem:s6+$0x18FD0]  }
0xa4: {  	v2 =	vld [tilespmem:s6+$0x18FE0]  }
0xa5: {  	v1 =	vld [tilespmem:s6+$0x18FF0]  }
0xa6: {  	v0 =	vld [tilespmem:s6+$0x19000]  }
0xa7: {  	v16 =	vld [tilespmem:s6+$0xC710]  }
0xa8: {  	v17 =	vld [tilespmem:s6+$0xC720]  }
0xa9: {  	v18 =	vld [tilespmem:s6+$0xC730]  }
0xaa: {  	v19 =	vld [tilespmem:s6+$0xC740]  }
0xab: {  	v20 =	vld [tilespmem:s6+$0xC750]  }
0xac: {  	v12 =	vadd.f32 v12, v16;
	v16 =	vld [tilespmem:s6+$0xC760]  }
0xad: {  	v6 =	vadd.f32 v6, v17;
	v17 =	vld [tilespmem:s6+$0xC770]  }
0xae: {  	[tilespmem:s6+$0xC710] =	vst v12;
	v8 =	vadd.f32 v8, v18;
	v12 =	vld [tilespmem:s6+$0xC780]  }
0xaf: {  	[tilespmem:s6+$0xC720] =	vst v6;
	v6 =	vadd.f32 v9, v19;
	v9 =	vld [tilespmem:s6+$0xC790]  }
0xb0: {  	[tilespmem:s6+$0xC730] =	vst v8;
	v8 =	vadd.f32 v10, v20;
	v10 =	vld [tilespmem:s6+$0xC7A0]  }
.Ltmp1:
0xb1: {  	[tilespmem:s6+$0xC740] =	vst v6;
	v16 =	vadd.f32 v7, v16;
	v7 =	vld [tilespmem:s6+$0xC7B0];
	(pc) =	sbr.rel @p0 .LBB2_4-.Ltmp1, $4  }
0xb2: {  	[tilespmem:s6+$0xC750] =	vst v8;
	v11 =	vadd.f32 v11, v17;
	v6 =	vld [tilespmem:s6+$0xC7C0]  }
0xb3: {  	[tilespmem:s6+$0xC760] =	vst v16;
	v13 =	vadd.f32 v13, v12;
	v8 =	vld [tilespmem:s6+$0xC7D0]  }
0xb4: {  	[tilespmem:s6+$0xC770] =	vst v11;
	v12 =	vadd.f32 v14, v9;
	v9 =	vld [tilespmem:s6+$0xC7E0]  }
0xb5: {  	s7 =	sadd.s32 $0x400, s7;
	[tilespmem:s6+$0xC780] =	vst v13;
	v11 =	vadd.f32 v15, v10;
	v10 =	vld [tilespmem:s6+$0xC7F0]  }
0xb6: {  	[tilespmem:s6+$0xC790] =	vst v12;
	v5 =	vadd.f32 v5, v7;
	v7 =	vld [tilespmem:s6+$0xC800]  }
0xb7: {  	[tilespmem:s6+$0xC7A0] =	vst v11;
	v4 =	vadd.f32 v4, v6  }
0xb8: {  	[tilespmem:s6+$0xC7B0] =	vst v5;
	v3 =	vadd.f32 v3, v8  }
0xb9: {  	[tilespmem:s6+$0xC7C0] =	vst v4;
	v2 =	vadd.f32 v2, v9  }
0xba: {  	[tilespmem:s6+$0xC7D0] =	vst v3;
	v1 =	vadd.f32 v1, v10  }
0xbb: {  	[tilespmem:s6+$0xC7E0] =	vst v2;
	v0 =	vadd.f32 v0, v7  }
0xbc: {  	[tilespmem:s6+$0xC7F0] =	vst v1  }
0xbd: {  	s11 =	rddreg [dreg:$0x7];
	[tilespmem:s6+$0xC800] =	vst v0  }
0xbe: {  	[hbm4b:s11+s4] =	stream.linear.scatter [tilespmem:s25], [sflag:$0x5], $0x6400, $0x38;
	[tilespmem:$0x1F400] =	vst v63  }
0xbf: {  	_ =	swait.ge [sflag:s31], $0x6400  }
0xc0: {  	[sflag:s31] =	ssyncset.done $0x0  }
0xc1: {  	s13 =	simm.s32 $0x258;
	[sflag:s31] =	ssyncadd.s32 $0xFFFF9C00  }
0xc2: {  	[tilespmem:s22], [sflag:$0x1] =	stream.indirect.gather [hbm4b:s2+s19], $0x80, s13, s19, $0xb8;
	[tilespmem:$0x1F400] =	vst v63  }
0xc3: {  	_ =	swait.ge [sflag:s1], $0x6400  }
0xc4: {  	[sflag:s1] =	ssyncset.done $0x0  }
0xc5: {  	s6 =	simm.s32 $0xF0;
	[sflag:s1] =	ssyncadd.s32 $0xFFFF9C00  }
0xc6: {  	v6 =	vld [tilespmem:s6+$0x18F10]  }
0xc7: {  	v7 =	vld [tilespmem:s6+$0x18F20]  }
0xc8: {  	v8 =	vld [tilespmem:s6+$0x18F30]  }
0xc9: {  	v9 =	vld [tilespmem:s6+$0x18F40]  }
0xca: {  	v10 =	vld [tilespmem:s6+$0x18F50]  }
0xcb: {  	v11 =	vld [tilespmem:s6+$0x18F60]  }
0xcc: {  	v12 =	vld [tilespmem:s6+$0x18F70]  }
0xcd: {  	v13 =	vld [tilespmem:s6+$0x18F80]  }
0xce: {  	v14 =	vld [tilespmem:s6+$0x18F90]  }
0xcf: {  	v15 =	vld [tilespmem:s6+$0x18FA0]  }
0xd0: {  	v5 =	vld [tilespmem:s6+$0x18FB0]  }
0xd1: {  	v4 =	vld [tilespmem:s6+$0x18FC0]  }
0xd2: {  	v3 =	vld [tilespmem:s6+$0x18FD0]  }
0xd3: {  	v2 =	vld [tilespmem:s6+$0x18FE0]  }
0xd4: {  	v1 =	vld [tilespmem:s6+$0x18FF0]  }
0xd5: {  	v0 =	vld [tilespmem:s6+$0x19000]  }
0xd6: {  	v16 =	vld [tilespmem:s6+$0x12B10]  }
0xd7: {  	v17 =	vld [tilespmem:s6+$0x12B20]  }
0xd8: {  	v18 =	vld [tilespmem:s6+$0x12B30]  }
0xd9: {  	v19 =	vld [tilespmem:s6+$0x12B40]  }
0xda: {  	v20 =	vld [tilespmem:s6+$0x12B50]  }
0xdb: {  	v60 =	vld [tilespmem:s6+$0x12B60];
	v6 =	vadd.f32 v6, v16  }
0xdc: {  	v21 =	vld [tilespmem:s6+$0x12B70];
	v7 =	vadd.f32 v7, v17  }
0xdd: {  	v61 =	vld [tilespmem:s6+$0x12B80];
	[tilespmem:s6+$0x12B10] =	vst v6;
	v6 =	vadd.f32 v8, v18  }
0xde: {  	v62 =	vld [tilespmem:s6+$0x12B90];
	[tilespmem:s6+$0x12B20] =	vst v7;
	v7 =	vadd.f32 v9, v19  }
0xdf: {  	v63 =	vld [tilespmem:s6+$0x12BA0];
	[tilespmem:s6+$0x12B30] =	vst v6;
	v6 =	vadd.f32 v10, v20  }
0xe0: {  	v8 =	vadd.f32 v11, v60;
	[tilespmem:s6+$0x12B40] =	vst v7;
	v7 =	vld [tilespmem:s6+$0x12BB0]  }
0xe1: {  	v9 =	vadd.f32 v12, v21;
	[tilespmem:s6+$0x12B50] =	vst v6;
	v6 =	vld [tilespmem:s6+$0x12BC0]  }
0xe2: {  	[tilespmem:s6+$0x12B60] =	vst v8;
	v8 =	vld [tilespmem:s6+$0x12BD0];
	v10 =	vadd.f32 v13, v61  }
0xe3: {  	v12 =	vadd.f32 v14, v62;
	[tilespmem:s6+$0x12B70] =	vst v9;
	v9 =	vld [tilespmem:s6+$0x12BE0]  }
0xe4: {  	s7 =	simm.s32 $0x7C0;
	v11 =	vadd.f32 v15, v63;
	[tilespmem:s6+$0x12B80] =	vst v10;
	v10 =	vld [tilespmem:s6+$0x12BF0]  }
.LBB2_6:
0xe5: {  	s8 =	sshra.s32 s7, $0x2;
	p0 =	sne.s32 s7, $0x18FC0;
	[tilespmem:s6+$0x12B90] =	vst v12;
	v5 =	vadd.f32 v5, v7;
	v7 =	vld [tilespmem:s6+$0x12C00]  }
0xe6: {  	v12 =	vld [tilespmem:s8+$0x18F10];
	[tilespmem:s6+$0x12BA0] =	vst v11;
	v4 =	vadd.f32 v4, v6  }
0xe7: {  	v6 =	vld [tilespmem:s8+$0x18F20];
	[tilespmem:s6+$0x12BB0] =	vst v5;
	v3 =	vadd.f32 v3, v8  }
0xe8: {  	v8 =	vld [tilespmem:s8+$0x18F30];
	[tilespmem:s6+$0x12BC0] =	vst v4;
	v2 =	vadd.f32 v2, v9  }
0xe9: {  	v9 =	vld [tilespmem:s8+$0x18F40];
	[tilespmem:s6+$0x12BD0] =	vst v3;
	v1 =	vadd.f32 v1, v10  }
0xea: {  	v10 =	vld [tilespmem:s8+$0x18F50];
	[tilespmem:s6+$0x12BE0] =	vst v2;
	v0 =	vadd.f32 v0, v7  }
0xeb: {  	v7 =	vld [tilespmem:s8+$0x18F60];
	[tilespmem:s6+$0x12BF0] =	vst v1  }
0xec: {  	v11 =	vld [tilespmem:s8+$0x18F70];
	[tilespmem:s6+$0x12C00] =	vst v0;
	s6 =	smov.u32 s8  }
0xed: {  	v13 =	vld [tilespmem:s6+$0x18F80]  }
0xee: {  	v14 =	vld [tilespmem:s6+$0x18F90]  }
0xef: {  	v15 =	vld [tilespmem:s6+$0x18FA0]  }
0xf0: {  	v5 =	vld [tilespmem:s6+$0x18FB0]  }
0xf1: {  	v4 =	vld [tilespmem:s6+$0x18FC0]  }
0xf2: {  	v3 =	vld [tilespmem:s6+$0x18FD0]  }
0xf3: {  	v2 =	vld [tilespmem:s6+$0x18FE0]  }
0xf4: {  	v1 =	vld [tilespmem:s6+$0x18FF0]  }
0xf5: {  	v0 =	vld [tilespmem:s6+$0x19000]  }
0xf6: {  	v16 =	vld [tilespmem:s6+$0x12B10]  }
0xf7: {  	v17 =	vld [tilespmem:s6+$0x12B20]  }
0xf8: {  	v18 =	vld [tilespmem:s6+$0x12B30]  }
0xf9: {  	v19 =	vld [tilespmem:s6+$0x12B40]  }
0xfa: {  	v20 =	vld [tilespmem:s6+$0x12B50]  }
0xfb: {  	v12 =	vadd.f32 v12, v16;
	v16 =	vld [tilespmem:s6+$0x12B60]  }
0xfc: {  	v6 =	vadd.f32 v6, v17;
	v17 =	vld [tilespmem:s6+$0x12B70]  }
0xfd: {  	[tilespmem:s6+$0x12B10] =	vst v12;
	v8 =	vadd.f32 v8, v18;
	v12 =	vld [tilespmem:s6+$0x12B80]  }
0xfe: {  	[tilespmem:s6+$0x12B20] =	vst v6;
	v6 =	vadd.f32 v9, v19;
	v9 =	vld [tilespmem:s6+$0x12B90]  }
0xff: {  	[tilespmem:s6+$0x12B30] =	vst v8;
	v8 =	vadd.f32 v10, v20;
	v10 =	vld [tilespmem:s6+$0x12BA0]  }
.Ltmp2:
0x100: {  	[tilespmem:s6+$0x12B40] =	vst v6;
	v16 =	vadd.f32 v7, v16;
	v7 =	vld [tilespmem:s6+$0x12BB0];
	(pc) =	sbr.rel @p0 .LBB2_6-.Ltmp2, $4  }
0x101: {  	[tilespmem:s6+$0x12B50] =	vst v8;
	v11 =	vadd.f32 v11, v17;
	v6 =	vld [tilespmem:s6+$0x12BC0]  }
0x102: {  	[tilespmem:s6+$0x12B60] =	vst v16;
	v13 =	vadd.f32 v13, v12;
	v8 =	vld [tilespmem:s6+$0x12BD0]  }
0x103: {  	[tilespmem:s6+$0x12B70] =	vst v11;
	v12 =	vadd.f32 v14, v9;
	v9 =	vld [tilespmem:s6+$0x12BE0]  }
0x104: {  	s7 =	sadd.s32 $0x400, s7;
	[tilespmem:s6+$0x12B80] =	vst v13;
	v11 =	vadd.f32 v15, v10;
	v10 =	vld [tilespmem:s6+$0x12BF0]  }
0x105: {  	[tilespmem:s6+$0x12B90] =	vst v12;
	v5 =	vadd.f32 v5, v7;
	v63 =	vld [tilespmem:s6+$0x12C00]  }
0x106: {  	[tilespmem:s6+$0x12BA0] =	vst v11;
	v4 =	vadd.f32 v4, v6  }
0x107: {  	[tilespmem:s6+$0x12BB0] =	vst v5;
	v3 =	vadd.f32 v3, v8  }
0x108: {  	[tilespmem:s6+$0x12BC0] =	vst v4;
	v2 =	vadd.f32 v2, v9  }
0x109: {  	[tilespmem:s6+$0x12BD0] =	vst v3;
	v1 =	vadd.f32 v1, v10  }
0x10a: {  	[tilespmem:s6+$0x12BE0] =	vst v2;
	v0 =	vadd.f32 v0, v63  }
0x10b: {  	[tilespmem:s6+$0x12BF0] =	vst v1  }
0x10c: {  	s7 =	rddreg [dreg:$0x8];
	[tilespmem:s6+$0x12C00] =	vst v0;
	s6 =	simm.s32 $0x0  }
0x10d: {  	[hbm4b:s7+s6] =	stream.linear.scatter [tilespmem:s29], [sflag:$0x6], $0x6400, $0x38;
	[tilespmem:$0x1F400] =	vst v63  }
.LBB2_8:
0x10e: {  	_ =	swait.ge [sflag:s20], $0x6400;
	s7 =	smul.u32 $0x258, s6  }
0x10f: {  	[sflag:s20] =	ssyncset.done $0x0  }
0x110: {  	[sflag:s20] =	ssyncadd.s32 $0xFFFF9C00;
	s8 =	sadd.s32 $0x320, s7  }
0x111: {  	[tilespmem:s25], [sflag:$0x2] =	stream.indirect.gather [hbm4b:s2+s19], $0x80, s8, s19, $0xb8;
	[tilespmem:$0x1F400] =	vst v63  }
0x112: {  	_ =	swait.ge [sflag:s26], $0x6400  }
0x113: {  	[sflag:s26] =	ssyncset.done $0x0  }
0x114: {  	s10 =	simm.s32 $0xF0;
	[sflag:s26] =	ssyncadd.s32 $0xFFFF9C00  }
0x115: {  	v6 =	vld [tilespmem:s10+$0x18F10]  }
0x116: {  	v7 =	vld [tilespmem:s10+$0x18F20]  }
0x117: {  	v8 =	vld [tilespmem:s10+$0x18F30]  }
0x118: {  	v9 =	vld [tilespmem:s10+$0x18F40]  }
0x119: {  	v10 =	vld [tilespmem:s10+$0x18F50]  }
0x11a: {  	v11 =	vld [tilespmem:s10+$0x18F60]  }
0x11b: {  	v12 =	vld [tilespmem:s10+$0x18F70]  }
0x11c: {  	v13 =	vld [tilespmem:s10+$0x18F80]  }
0x11d: {  	v14 =	vld [tilespmem:s10+$0x18F90]  }
0x11e: {  	v15 =	vld [tilespmem:s10+$0x18FA0]  }
0x11f: {  	v5 =	vld [tilespmem:s10+$0x18FB0]  }
0x120: {  	v4 =	vld [tilespmem:s10+$0x18FC0]  }
0x121: {  	v3 =	vld [tilespmem:s10+$0x18FD0]  }
0x122: {  	v2 =	vld [tilespmem:s10+$0x18FE0]  }
0x123: {  	v1 =	vld [tilespmem:s10+$0x18FF0]  }
0x124: {  	v0 =	vld [tilespmem:s10+$0x19000]  }
0x125: {  	v16 =	vld [tilespmem:s10+$0x6310]  }
0x126: {  	v17 =	vld [tilespmem:s10+$0x6320]  }
0x127: {  	v18 =	vld [tilespmem:s10+$0x6330]  }
0x128: {  	v19 =	vld [tilespmem:s10+$0x6340]  }
0x129: {  	v20 =	vld [tilespmem:s10+$0x6350]  }
0x12a: {  	v60 =	vld [tilespmem:s10+$0x6360];
	v6 =	vadd.f32 v6, v16  }
0x12b: {  	v21 =	vld [tilespmem:s10+$0x6370];
	v7 =	vadd.f32 v7, v17  }
0x12c: {  	v61 =	vld [tilespmem:s10+$0x6380];
	[tilespmem:s10+$0x6310] =	vst v6;
	v6 =	vadd.f32 v8, v18  }
0x12d: {  	v62 =	vld [tilespmem:s10+$0x6390];
	[tilespmem:s10+$0x6320] =	vst v7;
	v7 =	vadd.f32 v9, v19  }
0x12e: {  	v63 =	vld [tilespmem:s10+$0x63A0];
	[tilespmem:s10+$0x6330] =	vst v6;
	v6 =	vadd.f32 v10, v20  }
0x12f: {  	v8 =	vadd.f32 v11, v60;
	[tilespmem:s10+$0x6340] =	vst v7;
	v7 =	vld [tilespmem:s10+$0x63B0]  }
0x130: {  	v9 =	vadd.f32 v12, v21;
	[tilespmem:s10+$0x6350] =	vst v6;
	v6 =	vld [tilespmem:s10+$0x63C0]  }
0x131: {  	[tilespmem:s10+$0x6360] =	vst v8;
	v8 =	vld [tilespmem:s10+$0x63D0];
	v10 =	vadd.f32 v13, v61  }
0x132: {  	v12 =	vadd.f32 v14, v62;
	[tilespmem:s10+$0x6370] =	vst v9;
	v9 =	vld [tilespmem:s10+$0x63E0]  }
0x133: {  	s11 =	simm.s32 $0x7C0;
	v11 =	vadd.f32 v15, v63;
	[tilespmem:s10+$0x6380] =	vst v10;
	v10 =	vld [tilespmem:s10+$0x63F0]  }
.LBB2_9:
0x134: {  	s13 =	sshra.s32 s11, $0x2;
	p0 =	sne.s32 s11, $0x18FC0;
	[tilespmem:s10+$0x6390] =	vst v12;
	v5 =	vadd.f32 v5, v7;
	v7 =	vld [tilespmem:s10+$0x6400]  }
0x135: {  	v12 =	vld [tilespmem:s13+$0x18F10];
	[tilespmem:s10+$0x63A0] =	vst v11;
	v4 =	vadd.f32 v4, v6  }
0x136: {  	v6 =	vld [tilespmem:s13+$0x18F20];
	[tilespmem:s10+$0x63B0] =	vst v5;
	v3 =	vadd.f32 v3, v8  }
0x137: {  	v8 =	vld [tilespmem:s13+$0x18F30];
	[tilespmem:s10+$0x63C0] =	vst v4;
	v2 =	vadd.f32 v2, v9  }
0x138: {  	v9 =	vld [tilespmem:s13+$0x18F40];
	[tilespmem:s10+$0x63D0] =	vst v3;
	v1 =	vadd.f32 v1, v10  }
0x139: {  	v10 =	vld [tilespmem:s13+$0x18F50];
	[tilespmem:s10+$0x63E0] =	vst v2;
	v0 =	vadd.f32 v0, v7  }
0x13a: {  	v7 =	vld [tilespmem:s13+$0x18F60];
	[tilespmem:s10+$0x63F0] =	vst v1  }
0x13b: {  	v11 =	vld [tilespmem:s13+$0x18F70];
	[tilespmem:s10+$0x6400] =	vst v0;
	s10 =	smov.u32 s13  }
0x13c: {  	v13 =	vld [tilespmem:s10+$0x18F80]  }
0x13d: {  	v14 =	vld [tilespmem:s10+$0x18F90]  }
0x13e: {  	v15 =	vld [tilespmem:s10+$0x18FA0]  }
0x13f: {  	v5 =	vld [tilespmem:s10+$0x18FB0]  }
0x140: {  	v4 =	vld [tilespmem:s10+$0x18FC0]  }
0x141: {  	v3 =	vld [tilespmem:s10+$0x18FD0]  }
0x142: {  	v2 =	vld [tilespmem:s10+$0x18FE0]  }
0x143: {  	v1 =	vld [tilespmem:s10+$0x18FF0]  }
0x144: {  	v0 =	vld [tilespmem:s10+$0x19000]  }
0x145: {  	v16 =	vld [tilespmem:s10+$0x6310]  }
0x146: {  	v17 =	vld [tilespmem:s10+$0x6320]  }
0x147: {  	v18 =	vld [tilespmem:s10+$0x6330]  }
0x148: {  	v19 =	vld [tilespmem:s10+$0x6340]  }
0x149: {  	v20 =	vld [tilespmem:s10+$0x6350]  }
0x14a: {  	v12 =	vadd.f32 v12, v16;
	v16 =	vld [tilespmem:s10+$0x6360]  }
0x14b: {  	v6 =	vadd.f32 v6, v17;
	v17 =	vld [tilespmem:s10+$0x6370]  }
0x14c: {  	[tilespmem:s10+$0x6310] =	vst v12;
	v8 =	vadd.f32 v8, v18;
	v12 =	vld [tilespmem:s10+$0x6380]  }
0x14d: {  	[tilespmem:s10+$0x6320] =	vst v6;
	v6 =	vadd.f32 v9, v19;
	v9 =	vld [tilespmem:s10+$0x6390]  }
0x14e: {  	[tilespmem:s10+$0x6330] =	vst v8;
	v8 =	vadd.f32 v10, v20;
	v10 =	vld [tilespmem:s10+$0x63A0]  }
.Ltmp3:
0x14f: {  	[tilespmem:s10+$0x6340] =	vst v6;
	v16 =	vadd.f32 v7, v16;
	v7 =	vld [tilespmem:s10+$0x63B0];
	(pc) =	sbr.rel @p0 .LBB2_9-.Ltmp3, $4  }
0x150: {  	[tilespmem:s10+$0x6350] =	vst v8;
	v11 =	vadd.f32 v11, v17;
	v6 =	vld [tilespmem:s10+$0x63C0]  }
0x151: {  	[tilespmem:s10+$0x6360] =	vst v16;
	v13 =	vadd.f32 v13, v12;
	v8 =	vld [tilespmem:s10+$0x63D0]  }
0x152: {  	[tilespmem:s10+$0x6370] =	vst v11;
	v12 =	vadd.f32 v14, v9;
	v9 =	vld [tilespmem:s10+$0x63E0]  }
0x153: {  	s11 =	sadd.s32 $0x400, s11;
	[tilespmem:s10+$0x6380] =	vst v13;
	v11 =	vadd.f32 v15, v10;
	v10 =	vld [tilespmem:s10+$0x63F0]  }
0x154: {  	[tilespmem:s10+$0x6390] =	vst v12;
	v5 =	vadd.f32 v5, v7;
	v7 =	vld [tilespmem:s10+$0x6400]  }
0x155: {  	[tilespmem:s10+$0x63A0] =	vst v11;
	v4 =	vadd.f32 v4, v6  }
0x156: {  	[tilespmem:s10+$0x63B0] =	vst v5;
	v3 =	vadd.f32 v3, v8  }
0x157: {  	[tilespmem:s10+$0x63C0] =	vst v4;
	v2 =	vadd.f32 v2, v9  }
0x158: {  	[tilespmem:s10+$0x63D0] =	vst v3;
	v1 =	vadd.f32 v1, v10  }
0x159: {  	s11 =	sadd.s32 s7, s12;
	[tilespmem:s10+$0x63E0] =	vst v2;
	v0 =	vadd.f32 v0, v7  }
0x15a: {  	s11 =	sshll.u32 s11, $0x4;
	[tilespmem:s10+$0x63F0] =	vst v1  }
0x15b: {  	s13 =	sadd.s32 s3, s11;
	[tilespmem:s10+$0x6400] =	vst v0  }
0x15c: {  	[hbm4b:s13+s4] =	stream.linear.scatter [tilespmem:s22], [sflag:$0x4], $0x6400, $0x38;
	[tilespmem:$0x1F400] =	vst v63  }
0x15d: {  	_ =	swait.ge [sflag:s28], $0x6400  }
0x15e: {  	[sflag:s28] =	ssyncset.done $0x0  }
0x15f: {  	s7 =	sadd.s32 $0x3E8, s7;
	[sflag:s28] =	ssyncadd.s32 $0xFFFF9C00  }
0x160: {  	[tilespmem:s29], [sflag:$0x3] =	stream.indirect.gather [hbm4b:s2+s19], $0x80, s7, s19, $0xb8;
	[tilespmem:$0x1F400] =	vst v63  }
0x161: {  	_ =	swait.ge [sflag:s30], $0x6400  }
0x162: {  	[sflag:s30] =	ssyncset.done $0x0  }
0x163: {  	s10 =	simm.s32 $0xF0;
	[sflag:s30] =	ssyncadd.s32 $0xFFFF9C00  }
0x164: {  	v6 =	vld [tilespmem:s10+$0x18F10]  }
0x165: {  	v7 =	vld [tilespmem:s10+$0x18F20]  }
0x166: {  	v8 =	vld [tilespmem:s10+$0x18F30]  }
0x167: {  	v9 =	vld [tilespmem:s10+$0x18F40]  }
0x168: {  	v10 =	vld [tilespmem:s10+$0x18F50]  }
0x169: {  	v11 =	vld [tilespmem:s10+$0x18F60]  }
0x16a: {  	v12 =	vld [tilespmem:s10+$0x18F70]  }
0x16b: {  	v13 =	vld [tilespmem:s10+$0x18F80]  }
0x16c: {  	v14 =	vld [tilespmem:s10+$0x18F90]  }
0x16d: {  	v15 =	vld [tilespmem:s10+$0x18FA0]  }
0x16e: {  	v5 =	vld [tilespmem:s10+$0x18FB0]  }
0x16f: {  	v4 =	vld [tilespmem:s10+$0x18FC0]  }
0x170: {  	v3 =	vld [tilespmem:s10+$0x18FD0]  }
0x171: {  	v2 =	vld [tilespmem:s10+$0x18FE0]  }
0x172: {  	v1 =	vld [tilespmem:s10+$0x18FF0]  }
0x173: {  	v0 =	vld [tilespmem:s10+$0x19000]  }
0x174: {  	v16 =	vld [tilespmem:s10+$0xC710]  }
0x175: {  	v17 =	vld [tilespmem:s10+$0xC720]  }
0x176: {  	v18 =	vld [tilespmem:s10+$0xC730]  }
0x177: {  	v19 =	vld [tilespmem:s10+$0xC740]  }
0x178: {  	v20 =	vld [tilespmem:s10+$0xC750]  }
0x179: {  	v60 =	vld [tilespmem:s10+$0xC760];
	v6 =	vadd.f32 v6, v16  }
0x17a: {  	v21 =	vld [tilespmem:s10+$0xC770];
	v7 =	vadd.f32 v7, v17  }
0x17b: {  	v61 =	vld [tilespmem:s10+$0xC780];
	[tilespmem:s10+$0xC710] =	vst v6;
	v6 =	vadd.f32 v8, v18  }
0x17c: {  	v62 =	vld [tilespmem:s10+$0xC790];
	[tilespmem:s10+$0xC720] =	vst v7;
	v7 =	vadd.f32 v9, v19  }
0x17d: {  	v63 =	vld [tilespmem:s10+$0xC7A0];
	[tilespmem:s10+$0xC730] =	vst v6;
	v6 =	vadd.f32 v10, v20  }
0x17e: {  	v8 =	vadd.f32 v11, v60;
	[tilespmem:s10+$0xC740] =	vst v7;
	v7 =	vld [tilespmem:s10+$0xC7B0]  }
0x17f: {  	v9 =	vadd.f32 v12, v21;
	[tilespmem:s10+$0xC750] =	vst v6;
	v6 =	vld [tilespmem:s10+$0xC7C0]  }
0x180: {  	[tilespmem:s10+$0xC760] =	vst v8;
	v8 =	vld [tilespmem:s10+$0xC7D0];
	v10 =	vadd.f32 v13, v61  }
0x181: {  	v12 =	vadd.f32 v14, v62;
	[tilespmem:s10+$0xC770] =	vst v9;
	v9 =	vld [tilespmem:s10+$0xC7E0]  }
0x182: {  	s11 =	simm.s32 $0x7C0;
	v11 =	vadd.f32 v15, v63;
	[tilespmem:s10+$0xC780] =	vst v10;
	v10 =	vld [tilespmem:s10+$0xC7F0]  }
.LBB2_11:
0x183: {  	s13 =	sshra.s32 s11, $0x2;
	p0 =	sne.s32 s11, $0x18FC0;
	[tilespmem:s10+$0xC790] =	vst v12;
	v5 =	vadd.f32 v5, v7;
	v7 =	vld [tilespmem:s10+$0xC800]  }
0x184: {  	v12 =	vld [tilespmem:s13+$0x18F10];
	[tilespmem:s10+$0xC7A0] =	vst v11;
	v4 =	vadd.f32 v4, v6  }
0x185: {  	v6 =	vld [tilespmem:s13+$0x18F20];
	[tilespmem:s10+$0xC7B0] =	vst v5;
	v3 =	vadd.f32 v3, v8  }
0x186: {  	v8 =	vld [tilespmem:s13+$0x18F30];
	[tilespmem:s10+$0xC7C0] =	vst v4;
	v2 =	vadd.f32 v2, v9  }
0x187: {  	v9 =	vld [tilespmem:s13+$0x18F40];
	[tilespmem:s10+$0xC7D0] =	vst v3;
	v1 =	vadd.f32 v1, v10  }
0x188: {  	v10 =	vld [tilespmem:s13+$0x18F50];
	[tilespmem:s10+$0xC7E0] =	vst v2;
	v0 =	vadd.f32 v0, v7  }
0x189: {  	v7 =	vld [tilespmem:s13+$0x18F60];
	[tilespmem:s10+$0xC7F0] =	vst v1  }
0x18a: {  	v11 =	vld [tilespmem:s13+$0x18F70];
	[tilespmem:s10+$0xC800] =	vst v0;
	s10 =	smov.u32 s13  }
0x18b: {  	v13 =	vld [tilespmem:s10+$0x18F80]  }
0x18c: {  	v14 =	vld [tilespmem:s10+$0x18F90]  }
0x18d: {  	v15 =	vld [tilespmem:s10+$0x18FA0]  }
0x18e: {  	v5 =	vld [tilespmem:s10+$0x18FB0]  }
0x18f: {  	v4 =	vld [tilespmem:s10+$0x18FC0]  }
0x190: {  	v3 =	vld [tilespmem:s10+$0x18FD0]  }
0x191: {  	v2 =	vld [tilespmem:s10+$0x18FE0]  }
0x192: {  	v1 =	vld [tilespmem:s10+$0x18FF0]  }
0x193: {  	v0 =	vld [tilespmem:s10+$0x19000]  }
0x194: {  	v16 =	vld [tilespmem:s10+$0xC710]  }
0x195: {  	v17 =	vld [tilespmem:s10+$0xC720]  }
0x196: {  	v18 =	vld [tilespmem:s10+$0xC730]  }
0x197: {  	v19 =	vld [tilespmem:s10+$0xC740]  }
0x198: {  	v20 =	vld [tilespmem:s10+$0xC750]  }
0x199: {  	v12 =	vadd.f32 v12, v16;
	v16 =	vld [tilespmem:s10+$0xC760]  }
0x19a: {  	v6 =	vadd.f32 v6, v17;
	v17 =	vld [tilespmem:s10+$0xC770]  }
0x19b: {  	[tilespmem:s10+$0xC710] =	vst v12;
	v8 =	vadd.f32 v8, v18;
	v12 =	vld [tilespmem:s10+$0xC780]  }
0x19c: {  	[tilespmem:s10+$0xC720] =	vst v6;
	v6 =	vadd.f32 v9, v19;
	v9 =	vld [tilespmem:s10+$0xC790]  }
0x19d: {  	[tilespmem:s10+$0xC730] =	vst v8;
	v8 =	vadd.f32 v10, v20;
	v10 =	vld [tilespmem:s10+$0xC7A0]  }
.Ltmp4:
0x19e: {  	[tilespmem:s10+$0xC740] =	vst v6;
	v16 =	vadd.f32 v7, v16;
	v7 =	vld [tilespmem:s10+$0xC7B0];
	(pc) =	sbr.rel @p0 .LBB2_11-.Ltmp4, $4  }
0x19f: {  	[tilespmem:s10+$0xC750] =	vst v8;
	v11 =	vadd.f32 v11, v17;
	v6 =	vld [tilespmem:s10+$0xC7C0]  }
0x1a0: {  	[tilespmem:s10+$0xC760] =	vst v16;
	v13 =	vadd.f32 v13, v12;
	v8 =	vld [tilespmem:s10+$0xC7D0]  }
0x1a1: {  	[tilespmem:s10+$0xC770] =	vst v11;
	v12 =	vadd.f32 v14, v9;
	v9 =	vld [tilespmem:s10+$0xC7E0]  }
0x1a2: {  	s11 =	sadd.s32 $0x400, s11;
	[tilespmem:s10+$0xC780] =	vst v13;
	v11 =	vadd.f32 v15, v10;
	v10 =	vld [tilespmem:s10+$0xC7F0]  }
0x1a3: {  	[tilespmem:s10+$0xC790] =	vst v12;
	v5 =	vadd.f32 v5, v7;
	v7 =	vld [tilespmem:s10+$0xC800]  }
0x1a4: {  	[tilespmem:s10+$0xC7A0] =	vst v11;
	v4 =	vadd.f32 v4, v6  }
0x1a5: {  	[tilespmem:s10+$0xC7B0] =	vst v5;
	v3 =	vadd.f32 v3, v8  }
0x1a6: {  	[tilespmem:s10+$0xC7C0] =	vst v4;
	v2 =	vadd.f32 v2, v9  }
0x1a7: {  	[tilespmem:s10+$0xC7D0] =	vst v3;
	v1 =	vadd.f32 v1, v10  }
0x1a8: {  	s8 =	sadd.s32 s5, s8;
	[tilespmem:s10+$0xC7E0] =	vst v2;
	v0 =	vadd.f32 v0, v7  }
0x1a9: {  	s8 =	sshll.u32 s8, $0x4;
	[tilespmem:s10+$0xC7F0] =	vst v1  }
0x1aa: {  	s13 =	smul.u32 $0x960, s6;
	s8 =	sadd.s32 s3, s8;
	[tilespmem:s10+$0xC800] =	vst v0  }
0x1ab: {  	[hbm4b:s8+s4] =	stream.linear.scatter [tilespmem:s25], [sflag:$0x5], $0x6400, $0x38;
	[tilespmem:$0x1F400] =	vst v63  }
0x1ac: {  	_ =	swait.ge [sflag:s31], $0x6400  }
0x1ad: {  	s8 =	sshra.s32 s13, $0x2;
	[sflag:s31] =	ssyncset.done $0x0  }
0x1ae: {  	s8 =	sadd.s32 $0x4B0, s8;
	[sflag:s31] =	ssyncadd.s32 $0xFFFF9C00  }
0x1af: {  	[tilespmem:s22], [sflag:$0x1] =	stream.indirect.gather [hbm4b:s2+s19], $0x80, s8, s19, $0xb8;
	[tilespmem:$0x1F400] =	vst v63  }
0x1b0: {  	_ =	swait.ge [sflag:s1], $0x6400  }
0x1b1: {  	[sflag:s1] =	ssyncset.done $0x0  }
0x1b2: {  	s8 =	simm.s32 $0xF0;
	[sflag:s1] =	ssyncadd.s32 $0xFFFF9C00  }
0x1b3: {  	v6 =	vld [tilespmem:s8+$0x18F10]  }
0x1b4: {  	v7 =	vld [tilespmem:s8+$0x18F20]  }
0x1b5: {  	v8 =	vld [tilespmem:s8+$0x18F30]  }
0x1b6: {  	v9 =	vld [tilespmem:s8+$0x18F40]  }
0x1b7: {  	v10 =	vld [tilespmem:s8+$0x18F50]  }
0x1b8: {  	v11 =	vld [tilespmem:s8+$0x18F60]  }
0x1b9: {  	v12 =	vld [tilespmem:s8+$0x18F70]  }
0x1ba: {  	v13 =	vld [tilespmem:s8+$0x18F80]  }
0x1bb: {  	v14 =	vld [tilespmem:s8+$0x18F90]  }
0x1bc: {  	v15 =	vld [tilespmem:s8+$0x18FA0]  }
0x1bd: {  	v5 =	vld [tilespmem:s8+$0x18FB0]  }
0x1be: {  	v4 =	vld [tilespmem:s8+$0x18FC0]  }
0x1bf: {  	v3 =	vld [tilespmem:s8+$0x18FD0]  }
0x1c0: {  	v2 =	vld [tilespmem:s8+$0x18FE0]  }
0x1c1: {  	v1 =	vld [tilespmem:s8+$0x18FF0]  }
0x1c2: {  	v0 =	vld [tilespmem:s8+$0x19000]  }
0x1c3: {  	v16 =	vld [tilespmem:s8+$0x12B10]  }
0x1c4: {  	v17 =	vld [tilespmem:s8+$0x12B20]  }
0x1c5: {  	v18 =	vld [tilespmem:s8+$0x12B30]  }
0x1c6: {  	v19 =	vld [tilespmem:s8+$0x12B40]  }
0x1c7: {  	v20 =	vld [tilespmem:s8+$0x12B50]  }
0x1c8: {  	v60 =	vld [tilespmem:s8+$0x12B60];
	v6 =	vadd.f32 v6, v16  }
0x1c9: {  	v21 =	vld [tilespmem:s8+$0x12B70];
	v7 =	vadd.f32 v7, v17  }
0x1ca: {  	v61 =	vld [tilespmem:s8+$0x12B80];
	[tilespmem:s8+$0x12B10] =	vst v6;
	v6 =	vadd.f32 v8, v18  }
0x1cb: {  	v62 =	vld [tilespmem:s8+$0x12B90];
	[tilespmem:s8+$0x12B20] =	vst v7;
	v7 =	vadd.f32 v9, v19  }
0x1cc: {  	v63 =	vld [tilespmem:s8+$0x12BA0];
	[tilespmem:s8+$0x12B30] =	vst v6;
	v6 =	vadd.f32 v10, v20  }
0x1cd: {  	v8 =	vadd.f32 v11, v60;
	[tilespmem:s8+$0x12B40] =	vst v7;
	v7 =	vld [tilespmem:s8+$0x12BB0]  }
0x1ce: {  	v9 =	vadd.f32 v12, v21;
	[tilespmem:s8+$0x12B50] =	vst v6;
	v6 =	vld [tilespmem:s8+$0x12BC0]  }
0x1cf: {  	[tilespmem:s8+$0x12B60] =	vst v8;
	v8 =	vld [tilespmem:s8+$0x12BD0];
	v10 =	vadd.f32 v13, v61  }
0x1d0: {  	v12 =	vadd.f32 v14, v62;
	[tilespmem:s8+$0x12B70] =	vst v9;
	v9 =	vld [tilespmem:s8+$0x12BE0]  }
0x1d1: {  	s10 =	simm.s32 $0x7C0;
	v11 =	vadd.f32 v15, v63;
	[tilespmem:s8+$0x12B80] =	vst v10;
	v10 =	vld [tilespmem:s8+$0x12BF0]  }
.LBB2_13:
0x1d2: {  	s11 =	sshra.s32 s10, $0x2;
	p0 =	sne.s32 s10, $0x18FC0;
	[tilespmem:s8+$0x12B90] =	vst v12;
	v5 =	vadd.f32 v5, v7;
	v7 =	vld [tilespmem:s8+$0x12C00]  }
0x1d3: {  	v12 =	vld [tilespmem:s11+$0x18F10];
	[tilespmem:s8+$0x12BA0] =	vst v11;
	v4 =	vadd.f32 v4, v6  }
0x1d4: {  	v6 =	vld [tilespmem:s11+$0x18F20];
	[tilespmem:s8+$0x12BB0] =	vst v5;
	v3 =	vadd.f32 v3, v8  }
0x1d5: {  	v8 =	vld [tilespmem:s11+$0x18F30];
	[tilespmem:s8+$0x12BC0] =	vst v4;
	v2 =	vadd.f32 v2, v9  }
0x1d6: {  	v9 =	vld [tilespmem:s11+$0x18F40];
	[tilespmem:s8+$0x12BD0] =	vst v3;
	v1 =	vadd.f32 v1, v10  }
0x1d7: {  	v10 =	vld [tilespmem:s11+$0x18F50];
	[tilespmem:s8+$0x12BE0] =	vst v2;
	v0 =	vadd.f32 v0, v7  }
0x1d8: {  	v7 =	vld [tilespmem:s11+$0x18F60];
	[tilespmem:s8+$0x12BF0] =	vst v1  }
0x1d9: {  	v11 =	vld [tilespmem:s11+$0x18F70];
	[tilespmem:s8+$0x12C00] =	vst v0;
	s8 =	smov.u32 s11  }
0x1da: {  	v13 =	vld [tilespmem:s8+$0x18F80]  }
0x1db: {  	v14 =	vld [tilespmem:s8+$0x18F90]  }
0x1dc: {  	v15 =	vld [tilespmem:s8+$0x18FA0]  }
0x1dd: {  	v5 =	vld [tilespmem:s8+$0x18FB0]  }
0x1de: {  	v4 =	vld [tilespmem:s8+$0x18FC0]  }
0x1df: {  	v3 =	vld [tilespmem:s8+$0x18FD0]  }
0x1e0: {  	v2 =	vld [tilespmem:s8+$0x18FE0]  }
0x1e1: {  	v1 =	vld [tilespmem:s8+$0x18FF0]  }
0x1e2: {  	v0 =	vld [tilespmem:s8+$0x19000]  }
0x1e3: {  	v16 =	vld [tilespmem:s8+$0x12B10]  }
0x1e4: {  	v17 =	vld [tilespmem:s8+$0x12B20]  }
0x1e5: {  	v18 =	vld [tilespmem:s8+$0x12B30]  }
0x1e6: {  	v19 =	vld [tilespmem:s8+$0x12B40]  }
0x1e7: {  	v20 =	vld [tilespmem:s8+$0x12B50]  }
0x1e8: {  	v12 =	vadd.f32 v12, v16;
	v16 =	vld [tilespmem:s8+$0x12B60]  }
0x1e9: {  	v6 =	vadd.f32 v6, v17;
	v17 =	vld [tilespmem:s8+$0x12B70]  }
0x1ea: {  	[tilespmem:s8+$0x12B10] =	vst v12;
	v8 =	vadd.f32 v8, v18;
	v12 =	vld [tilespmem:s8+$0x12B80]  }
0x1eb: {  	[tilespmem:s8+$0x12B20] =	vst v6;
	v6 =	vadd.f32 v9, v19;
	v9 =	vld [tilespmem:s8+$0x12B90]  }
0x1ec: {  	[tilespmem:s8+$0x12B30] =	vst v8;
	v8 =	vadd.f32 v10, v20;
	v10 =	vld [tilespmem:s8+$0x12BA0]  }
.Ltmp5:
0x1ed: {  	[tilespmem:s8+$0x12B40] =	vst v6;
	v16 =	vadd.f32 v7, v16;
	v7 =	vld [tilespmem:s8+$0x12BB0];
	(pc) =	sbr.rel @p0 .LBB2_13-.Ltmp5, $4  }
0x1ee: {  	[tilespmem:s8+$0x12B50] =	vst v8;
	v11 =	vadd.f32 v11, v17;
	v6 =	vld [tilespmem:s8+$0x12BC0]  }
0x1ef: {  	[tilespmem:s8+$0x12B60] =	vst v16;
	v13 =	vadd.f32 v13, v12;
	v8 =	vld [tilespmem:s8+$0x12BD0]  }
0x1f0: {  	[tilespmem:s8+$0x12B70] =	vst v11;
	v12 =	vadd.f32 v14, v9;
	v9 =	vld [tilespmem:s8+$0x12BE0]  }
0x1f1: {  	s10 =	sadd.s32 $0x400, s10;
	[tilespmem:s8+$0x12B80] =	vst v13;
	v11 =	vadd.f32 v15, v10;
	v10 =	vld [tilespmem:s8+$0x12BF0]  }
0x1f2: {  	[tilespmem:s8+$0x12B90] =	vst v12;
	v5 =	vadd.f32 v5, v7;
	v63 =	vld [tilespmem:s8+$0x12C00]  }
0x1f3: {  	[tilespmem:s8+$0x12BA0] =	vst v11;
	v4 =	vadd.f32 v4, v6  }
0x1f4: {  	s6 =	sadd.s32 $0x1, s6;
	[tilespmem:s8+$0x12BB0] =	vst v5;
	v3 =	vadd.f32 v3, v8  }
0x1f5: {  	p0 =	sne.s32 s6, $0x28;
	[tilespmem:s8+$0x12BC0] =	vst v4;
	v2 =	vadd.f32 v2, v9  }
.Ltmp6:
0x1f6: {  	[tilespmem:s8+$0x12BD0] =	vst v3;
	v1 =	vadd.f32 v1, v10;
	(pc) =	sbr.rel @p0 .LBB2_8-.Ltmp6, $4  }
0x1f7: {  	s7 =	sadd.s32 s5, s7;
	[tilespmem:s8+$0x12BE0] =	vst v2;
	v0 =	vadd.f32 v0, v63  }
0x1f8: {  	s7 =	sshll.u32 s7, $0x4;
	[tilespmem:s8+$0x12BF0] =	vst v1  }
0x1f9: {  	s7 =	sadd.s32 s3, s7;
	[tilespmem:s8+$0x12C00] =	vst v0  }
0x1fa: {  	[hbm4b:s7+s4] =	stream.linear.scatter [tilespmem:s29], [sflag:$0x6], $0x6400, $0x38;
	[tilespmem:$0x1F400] =	vst v63  }
0x1fb: {  	_ =	swait.ge [sflag:s20], $0x6400  }
0x1fc: {  	[sflag:s20] =	ssyncset.done $0x0  }
0x1fd: {  	s6 =	simm.s32 $0x60E0;
	[sflag:s20] =	ssyncadd.s32 $0xFFFF9C00  }
0x1fe: {  	[tilespmem:s25], [sflag:$0x2] =	stream.indirect.gather [hbm4b:s2+s19], $0x80, s6, s19, $0xb8;
	[tilespmem:$0x1F400] =	vst v63  }
0x1ff: {  	_ =	swait.ge [sflag:s26], $0x6400  }
0x200: {  	[sflag:s26] =	ssyncset.done $0x0  }
0x201: {  	s6 =	simm.s32 $0xF0;
	[sflag:s26] =	ssyncadd.s32 $0xFFFF9C00  }
0x202: {  	v6 =	vld [tilespmem:s6+$0x18F10]  }
0x203: {  	v7 =	vld [tilespmem:s6+$0x18F20]  }
0x204: {  	v8 =	vld [tilespmem:s6+$0x18F30]  }
0x205: {  	v9 =	vld [tilespmem:s6+$0x18F40]  }
0x206: {  	v10 =	vld [tilespmem:s6+$0x18F50]  }
0x207: {  	v11 =	vld [tilespmem:s6+$0x18F60]  }
0x208: {  	v12 =	vld [tilespmem:s6+$0x18F70]  }
0x209: {  	v13 =	vld [tilespmem:s6+$0x18F80]  }
0x20a: {  	v14 =	vld [tilespmem:s6+$0x18F90]  }
0x20b: {  	v15 =	vld [tilespmem:s6+$0x18FA0]  }
0x20c: {  	v5 =	vld [tilespmem:s6+$0x18FB0]  }
0x20d: {  	v4 =	vld [tilespmem:s6+$0x18FC0]  }
0x20e: {  	v3 =	vld [tilespmem:s6+$0x18FD0]  }
0x20f: {  	v2 =	vld [tilespmem:s6+$0x18FE0]  }
0x210: {  	v1 =	vld [tilespmem:s6+$0x18FF0]  }
0x211: {  	v0 =	vld [tilespmem:s6+$0x19000]  }
0x212: {  	v16 =	vld [tilespmem:s6+$0x6310]  }
0x213: {  	v17 =	vld [tilespmem:s6+$0x6320]  }
0x214: {  	v18 =	vld [tilespmem:s6+$0x6330]  }
0x215: {  	v19 =	vld [tilespmem:s6+$0x6340]  }
0x216: {  	v20 =	vld [tilespmem:s6+$0x6350]  }
0x217: {  	v60 =	vld [tilespmem:s6+$0x6360];
	v6 =	vadd.f32 v6, v16  }
0x218: {  	v21 =	vld [tilespmem:s6+$0x6370];
	v7 =	vadd.f32 v7, v17  }
0x219: {  	v61 =	vld [tilespmem:s6+$0x6380];
	[tilespmem:s6+$0x6310] =	vst v6;
	v6 =	vadd.f32 v8, v18  }
0x21a: {  	v62 =	vld [tilespmem:s6+$0x6390];
	[tilespmem:s6+$0x6320] =	vst v7;
	v7 =	vadd.f32 v9, v19  }
0x21b: {  	v63 =	vld [tilespmem:s6+$0x63A0];
	[tilespmem:s6+$0x6330] =	vst v6;
	v6 =	vadd.f32 v10, v20  }
0x21c: {  	v8 =	vadd.f32 v11, v60;
	[tilespmem:s6+$0x6340] =	vst v7;
	v7 =	vld [tilespmem:s6+$0x63B0]  }
0x21d: {  	v9 =	vadd.f32 v12, v21;
	[tilespmem:s6+$0x6350] =	vst v6;
	v6 =	vld [tilespmem:s6+$0x63C0]  }
0x21e: {  	[tilespmem:s6+$0x6360] =	vst v8;
	v8 =	vld [tilespmem:s6+$0x63D0];
	v10 =	vadd.f32 v13, v61  }
0x21f: {  	v12 =	vadd.f32 v14, v62;
	[tilespmem:s6+$0x6370] =	vst v9;
	v9 =	vld [tilespmem:s6+$0x63E0]  }
0x220: {  	s7 =	simm.s32 $0x7C0;
	v11 =	vadd.f32 v15, v63;
	[tilespmem:s6+$0x6380] =	vst v10;
	v10 =	vld [tilespmem:s6+$0x63F0]  }
.LBB2_16:
0x221: {  	s8 =	sshra.s32 s7, $0x2;
	p0 =	sne.s32 s7, $0x18FC0;
	[tilespmem:s6+$0x6390] =	vst v12;
	v5 =	vadd.f32 v5, v7;
	v7 =	vld [tilespmem:s6+$0x6400]  }
0x222: {  	v12 =	vld [tilespmem:s8+$0x18F10];
	[tilespmem:s6+$0x63A0] =	vst v11;
	v4 =	vadd.f32 v4, v6  }
0x223: {  	v6 =	vld [tilespmem:s8+$0x18F20];
	[tilespmem:s6+$0x63B0] =	vst v5;
	v3 =	vadd.f32 v3, v8  }
0x224: {  	v8 =	vld [tilespmem:s8+$0x18F30];
	[tilespmem:s6+$0x63C0] =	vst v4;
	v2 =	vadd.f32 v2, v9  }
0x225: {  	v9 =	vld [tilespmem:s8+$0x18F40];
	[tilespmem:s6+$0x63D0] =	vst v3;
	v1 =	vadd.f32 v1, v10  }
0x226: {  	v10 =	vld [tilespmem:s8+$0x18F50];
	[tilespmem:s6+$0x63E0] =	vst v2;
	v0 =	vadd.f32 v0, v7  }
0x227: {  	v7 =	vld [tilespmem:s8+$0x18F60];
	[tilespmem:s6+$0x63F0] =	vst v1  }
0x228: {  	v11 =	vld [tilespmem:s8+$0x18F70];
	[tilespmem:s6+$0x6400] =	vst v0;
	s6 =	smov.u32 s8  }
0x229: {  	v13 =	vld [tilespmem:s6+$0x18F80]  }
0x22a: {  	v14 =	vld [tilespmem:s6+$0x18F90]  }
0x22b: {  	v15 =	vld [tilespmem:s6+$0x18FA0]  }
0x22c: {  	v5 =	vld [tilespmem:s6+$0x18FB0]  }
0x22d: {  	v4 =	vld [tilespmem:s6+$0x18FC0]  }
0x22e: {  	v3 =	vld [tilespmem:s6+$0x18FD0]  }
0x22f: {  	v2 =	vld [tilespmem:s6+$0x18FE0]  }
0x230: {  	v1 =	vld [tilespmem:s6+$0x18FF0]  }
0x231: {  	v0 =	vld [tilespmem:s6+$0x19000]  }
0x232: {  	v16 =	vld [tilespmem:s6+$0x6310]  }
0x233: {  	v17 =	vld [tilespmem:s6+$0x6320]  }
0x234: {  	v18 =	vld [tilespmem:s6+$0x6330]  }
0x235: {  	v19 =	vld [tilespmem:s6+$0x6340]  }
0x236: {  	v20 =	vld [tilespmem:s6+$0x6350]  }
0x237: {  	v12 =	vadd.f32 v12, v16;
	v16 =	vld [tilespmem:s6+$0x6360]  }
0x238: {  	v6 =	vadd.f32 v6, v17;
	v17 =	vld [tilespmem:s6+$0x6370]  }
0x239: {  	[tilespmem:s6+$0x6310] =	vst v12;
	v8 =	vadd.f32 v8, v18;
	v12 =	vld [tilespmem:s6+$0x6380]  }
0x23a: {  	[tilespmem:s6+$0x6320] =	vst v6;
	v6 =	vadd.f32 v9, v19;
	v9 =	vld [tilespmem:s6+$0x6390]  }
0x23b: {  	[tilespmem:s6+$0x6330] =	vst v8;
	v8 =	vadd.f32 v10, v20;
	v10 =	vld [tilespmem:s6+$0x63A0]  }
.Ltmp7:
0x23c: {  	[tilespmem:s6+$0x6340] =	vst v6;
	v16 =	vadd.f32 v7, v16;
	v7 =	vld [tilespmem:s6+$0x63B0];
	(pc) =	sbr.rel @p0 .LBB2_16-.Ltmp7, $4  }
0x23d: {  	[tilespmem:s6+$0x6350] =	vst v8;
	v11 =	vadd.f32 v11, v17;
	v6 =	vld [tilespmem:s6+$0x63C0]  }
0x23e: {  	[tilespmem:s6+$0x6360] =	vst v16;
	v13 =	vadd.f32 v13, v12;
	v8 =	vld [tilespmem:s6+$0x63D0]  }
0x23f: {  	[tilespmem:s6+$0x6370] =	vst v11;
	v12 =	vadd.f32 v14, v9;
	v9 =	vld [tilespmem:s6+$0x63E0]  }
0x240: {  	s7 =	sadd.s32 $0x400, s7;
	[tilespmem:s6+$0x6380] =	vst v13;
	v11 =	vadd.f32 v15, v10;
	v10 =	vld [tilespmem:s6+$0x63F0]  }
0x241: {  	[tilespmem:s6+$0x6390] =	vst v12;
	v5 =	vadd.f32 v5, v7;
	v7 =	vld [tilespmem:s6+$0x6400]  }
0x242: {  	[tilespmem:s6+$0x63A0] =	vst v11;
	v4 =	vadd.f32 v4, v6  }
0x243: {  	[tilespmem:s6+$0x63B0] =	vst v5;
	v3 =	vadd.f32 v3, v8  }
0x244: {  	[tilespmem:s6+$0x63C0] =	vst v4;
	v2 =	vadd.f32 v2, v9  }
0x245: {  	[tilespmem:s6+$0x63D0] =	vst v3;
	v1 =	vadd.f32 v1, v10  }
0x246: {  	[tilespmem:s6+$0x63E0] =	vst v2;
	v0 =	vadd.f32 v0, v7  }
0x247: {  	[tilespmem:s6+$0x63F0] =	vst v1  }
0x248: {  	s11 =	rddreg [dreg:$0x9];
	[tilespmem:s6+$0x6400] =	vst v0  }
0x249: {  	[hbm4b:s11+s4] =	stream.linear.scatter [tilespmem:s22], [sflag:$0x4], $0x6400, $0x38;
	[tilespmem:$0x1F400] =	vst v63  }
0x24a: {  	_ =	swait.ge [sflag:s28], $0x6400  }
0x24b: {  	[sflag:s28] =	ssyncset.done $0x0  }
0x24c: {  	s13 =	simm.s32 $0x61A8;
	[sflag:s28] =	ssyncadd.s32 $0xFFFF9C00  }
0x24d: {  	[tilespmem:s29], [sflag:$0x3] =	stream.indirect.gather [hbm4b:s2+s19], $0x80, s13, s19, $0xb8;
	[tilespmem:$0x1F400] =	vst v63  }
0x24e: {  	_ =	swait.ge [sflag:s30], $0x6400  }
0x24f: {  	[sflag:s30] =	ssyncset.done $0x0  }
0x250: {  	s6 =	simm.s32 $0xF0;
	[sflag:s30] =	ssyncadd.s32 $0xFFFF9C00  }
0x251: {  	v6 =	vld [tilespmem:s6+$0x18F10]  }
0x252: {  	v7 =	vld [tilespmem:s6+$0x18F20]  }
0x253: {  	v8 =	vld [tilespmem:s6+$0x18F30]  }
0x254: {  	v9 =	vld [tilespmem:s6+$0x18F40]  }
0x255: {  	v10 =	vld [tilespmem:s6+$0x18F50]  }
0x256: {  	v11 =	vld [tilespmem:s6+$0x18F60]  }
0x257: {  	v12 =	vld [tilespmem:s6+$0x18F70]  }
0x258: {  	v13 =	vld [tilespmem:s6+$0x18F80]  }
0x259: {  	v14 =	vld [tilespmem:s6+$0x18F90]  }
0x25a: {  	v15 =	vld [tilespmem:s6+$0x18FA0]  }
0x25b: {  	v5 =	vld [tilespmem:s6+$0x18FB0]  }
0x25c: {  	v4 =	vld [tilespmem:s6+$0x18FC0]  }
0x25d: {  	v3 =	vld [tilespmem:s6+$0x18FD0]  }
0x25e: {  	v2 =	vld [tilespmem:s6+$0x18FE0]  }
0x25f: {  	v1 =	vld [tilespmem:s6+$0x18FF0]  }
0x260: {  	v0 =	vld [tilespmem:s6+$0x19000]  }
0x261: {  	v16 =	vld [tilespmem:s6+$0xC710]  }
0x262: {  	v17 =	vld [tilespmem:s6+$0xC720]  }
0x263: {  	v18 =	vld [tilespmem:s6+$0xC730]  }
0x264: {  	v19 =	vld [tilespmem:s6+$0xC740]  }
0x265: {  	v20 =	vld [tilespmem:s6+$0xC750]  }
0x266: {  	v60 =	vld [tilespmem:s6+$0xC760];
	v6 =	vadd.f32 v6, v16  }
0x267: {  	v21 =	vld [tilespmem:s6+$0xC770];
	v7 =	vadd.f32 v7, v17  }
0x268: {  	v61 =	vld [tilespmem:s6+$0xC780];
	[tilespmem:s6+$0xC710] =	vst v6;
	v6 =	vadd.f32 v8, v18  }
0x269: {  	v62 =	vld [tilespmem:s6+$0xC790];
	[tilespmem:s6+$0xC720] =	vst v7;
	v7 =	vadd.f32 v9, v19  }
0x26a: {  	v63 =	vld [tilespmem:s6+$0xC7A0];
	[tilespmem:s6+$0xC730] =	vst v6;
	v6 =	vadd.f32 v10, v20  }
0x26b: {  	v8 =	vadd.f32 v11, v60;
	[tilespmem:s6+$0xC740] =	vst v7;
	v7 =	vld [tilespmem:s6+$0xC7B0]  }
0x26c: {  	v9 =	vadd.f32 v12, v21;
	[tilespmem:s6+$0xC750] =	vst v6;
	v6 =	vld [tilespmem:s6+$0xC7C0]  }
0x26d: {  	[tilespmem:s6+$0xC760] =	vst v8;
	v8 =	vld [tilespmem:s6+$0xC7D0];
	v10 =	vadd.f32 v13, v61  }
0x26e: {  	v12 =	vadd.f32 v14, v62;
	[tilespmem:s6+$0xC770] =	vst v9;
	v9 =	vld [tilespmem:s6+$0xC7E0]  }
0x26f: {  	s7 =	simm.s32 $0x7C0;
	v11 =	vadd.f32 v15, v63;
	[tilespmem:s6+$0xC780] =	vst v10;
	v10 =	vld [tilespmem:s6+$0xC7F0]  }
.LBB2_18:
0x270: {  	s8 =	sshra.s32 s7, $0x2;
	p0 =	sne.s32 s7, $0x18FC0;
	[tilespmem:s6+$0xC790] =	vst v12;
	v5 =	vadd.f32 v5, v7;
	v7 =	vld [tilespmem:s6+$0xC800]  }
0x271: {  	v12 =	vld [tilespmem:s8+$0x18F10];
	[tilespmem:s6+$0xC7A0] =	vst v11;
	v4 =	vadd.f32 v4, v6  }
0x272: {  	v6 =	vld [tilespmem:s8+$0x18F20];
	[tilespmem:s6+$0xC7B0] =	vst v5;
	v3 =	vadd.f32 v3, v8  }
0x273: {  	v8 =	vld [tilespmem:s8+$0x18F30];
	[tilespmem:s6+$0xC7C0] =	vst v4;
	v2 =	vadd.f32 v2, v9  }
0x274: {  	v9 =	vld [tilespmem:s8+$0x18F40];
	[tilespmem:s6+$0xC7D0] =	vst v3;
	v1 =	vadd.f32 v1, v10  }
0x275: {  	v10 =	vld [tilespmem:s8+$0x18F50];
	[tilespmem:s6+$0xC7E0] =	vst v2;
	v0 =	vadd.f32 v0, v7  }
0x276: {  	v7 =	vld [tilespmem:s8+$0x18F60];
	[tilespmem:s6+$0xC7F0] =	vst v1  }
0x277: {  	v11 =	vld [tilespmem:s8+$0x18F70];
	[tilespmem:s6+$0xC800] =	vst v0;
	s6 =	smov.u32 s8  }
0x278: {  	v13 =	vld [tilespmem:s6+$0x18F80]  }
0x279: {  	v14 =	vld [tilespmem:s6+$0x18F90]  }
0x27a: {  	v15 =	vld [tilespmem:s6+$0x18FA0]  }
0x27b: {  	v5 =	vld [tilespmem:s6+$0x18FB0]  }
0x27c: {  	v4 =	vld [tilespmem:s6+$0x18FC0]  }
0x27d: {  	v3 =	vld [tilespmem:s6+$0x18FD0]  }
0x27e: {  	v2 =	vld [tilespmem:s6+$0x18FE0]  }
0x27f: {  	v1 =	vld [tilespmem:s6+$0x18FF0]  }
0x280: {  	v0 =	vld [tilespmem:s6+$0x19000]  }
0x281: {  	v16 =	vld [tilespmem:s6+$0xC710]  }
0x282: {  	v17 =	vld [tilespmem:s6+$0xC720]  }
0x283: {  	v18 =	vld [tilespmem:s6+$0xC730]  }
0x284: {  	v19 =	vld [tilespmem:s6+$0xC740]  }
0x285: {  	v20 =	vld [tilespmem:s6+$0xC750]  }
0x286: {  	v12 =	vadd.f32 v12, v16;
	v16 =	vld [tilespmem:s6+$0xC760]  }
0x287: {  	v6 =	vadd.f32 v6, v17;
	v17 =	vld [tilespmem:s6+$0xC770]  }
0x288: {  	[tilespmem:s6+$0xC710] =	vst v12;
	v8 =	vadd.f32 v8, v18;
	v12 =	vld [tilespmem:s6+$0xC780]  }
0x289: {  	[tilespmem:s6+$0xC720] =	vst v6;
	v6 =	vadd.f32 v9, v19;
	v9 =	vld [tilespmem:s6+$0xC790]  }
0x28a: {  	[tilespmem:s6+$0xC730] =	vst v8;
	v8 =	vadd.f32 v10, v20;
	v10 =	vld [tilespmem:s6+$0xC7A0]  }
.Ltmp8:
0x28b: {  	[tilespmem:s6+$0xC740] =	vst v6;
	v16 =	vadd.f32 v7, v16;
	v7 =	vld [tilespmem:s6+$0xC7B0];
	(pc) =	sbr.rel @p0 .LBB2_18-.Ltmp8, $4  }
0x28c: {  	[tilespmem:s6+$0xC750] =	vst v8;
	v11 =	vadd.f32 v11, v17;
	v6 =	vld [tilespmem:s6+$0xC7C0]  }
0x28d: {  	[tilespmem:s6+$0xC760] =	vst v16;
	v13 =	vadd.f32 v13, v12;
	v8 =	vld [tilespmem:s6+$0xC7D0]  }
0x28e: {  	[tilespmem:s6+$0xC770] =	vst v11;
	v12 =	vadd.f32 v14, v9;
	v9 =	vld [tilespmem:s6+$0xC7E0]  }
0x28f: {  	s7 =	sadd.s32 $0x400, s7;
	[tilespmem:s6+$0xC780] =	vst v13;
	v11 =	vadd.f32 v15, v10;
	v10 =	vld [tilespmem:s6+$0xC7F0]  }
0x290: {  	[tilespmem:s6+$0xC790] =	vst v12;
	v5 =	vadd.f32 v5, v7;
	v7 =	vld [tilespmem:s6+$0xC800]  }
0x291: {  	[tilespmem:s6+$0xC7A0] =	vst v11;
	v4 =	vadd.f32 v4, v6  }
0x292: {  	[tilespmem:s6+$0xC7B0] =	vst v5;
	v3 =	vadd.f32 v3, v8  }
0x293: {  	[tilespmem:s6+$0xC7C0] =	vst v4;
	v2 =	vadd.f32 v2, v9  }
0x294: {  	[tilespmem:s6+$0xC7D0] =	vst v3;
	v1 =	vadd.f32 v1, v10  }
0x295: {  	[tilespmem:s6+$0xC7E0] =	vst v2;
	v0 =	vadd.f32 v0, v7  }
0x296: {  	[tilespmem:s6+$0xC7F0] =	vst v1  }
0x297: {  	[tilespmem:s6+$0xC800] =	vst v0  }
0x298: {  	[hbm4b:s14+s4] =	stream.linear.scatter [tilespmem:s25], [sflag:$0x5], $0x6400, $0x38;
	[tilespmem:$0x1F400] =	vst v63  }
0x299: {  	_ =	swait.ge [sflag:s31], $0x6400  }
0x29a: {  	[sflag:s31] =	ssyncset.done $0x0  }
0x29b: {  	s13 =	simm.s32 $0x6270;
	[sflag:s31] =	ssyncadd.s32 $0xFFFF9C00  }
0x29c: {  	[tilespmem:s22], [sflag:$0x1] =	stream.indirect.gather [hbm4b:s2+s19], $0x80, s13, s19, $0xb8;
	[tilespmem:$0x1F400] =	vst v63  }
0x29d: {  	_ =	swait.ge [sflag:s1], $0x6400  }
0x29e: {  	[sflag:s1] =	ssyncset.done $0x0  }
0x29f: {  	s6 =	simm.s32 $0xF0;
	[sflag:s1] =	ssyncadd.s32 $0xFFFF9C00  }
0x2a0: {  	v6 =	vld [tilespmem:s6+$0x18F10]  }
0x2a1: {  	v7 =	vld [tilespmem:s6+$0x18F20]  }
0x2a2: {  	v8 =	vld [tilespmem:s6+$0x18F30]  }
0x2a3: {  	v9 =	vld [tilespmem:s6+$0x18F40]  }
0x2a4: {  	v10 =	vld [tilespmem:s6+$0x18F50]  }
0x2a5: {  	v11 =	vld [tilespmem:s6+$0x18F60]  }
0x2a6: {  	v12 =	vld [tilespmem:s6+$0x18F70]  }
0x2a7: {  	v13 =	vld [tilespmem:s6+$0x18F80]  }
0x2a8: {  	v14 =	vld [tilespmem:s6+$0x18F90]  }
0x2a9: {  	v15 =	vld [tilespmem:s6+$0x18FA0]  }
0x2aa: {  	v5 =	vld [tilespmem:s6+$0x18FB0]  }
0x2ab: {  	v4 =	vld [tilespmem:s6+$0x18FC0]  }
0x2ac: {  	v3 =	vld [tilespmem:s6+$0x18FD0]  }
0x2ad: {  	v2 =	vld [tilespmem:s6+$0x18FE0]  }
0x2ae: {  	v1 =	vld [tilespmem:s6+$0x18FF0]  }
0x2af: {  	v0 =	vld [tilespmem:s6+$0x19000]  }
0x2b0: {  	v16 =	vld [tilespmem:s6+$0x12B10]  }
0x2b1: {  	v17 =	vld [tilespmem:s6+$0x12B20]  }
0x2b2: {  	v18 =	vld [tilespmem:s6+$0x12B30]  }
0x2b3: {  	v19 =	vld [tilespmem:s6+$0x12B40]  }
0x2b4: {  	v20 =	vld [tilespmem:s6+$0x12B50]  }
0x2b5: {  	v60 =	vld [tilespmem:s6+$0x12B60];
	v6 =	vadd.f32 v6, v16  }
0x2b6: {  	v21 =	vld [tilespmem:s6+$0x12B70];
	v7 =	vadd.f32 v7, v17  }
0x2b7: {  	v61 =	vld [tilespmem:s6+$0x12B80];
	[tilespmem:s6+$0x12B10] =	vst v6;
	v6 =	vadd.f32 v8, v18  }
0x2b8: {  	v62 =	vld [tilespmem:s6+$0x12B90];
	[tilespmem:s6+$0x12B20] =	vst v7;
	v7 =	vadd.f32 v9, v19  }
0x2b9: {  	v63 =	vld [tilespmem:s6+$0x12BA0];
	[tilespmem:s6+$0x12B30] =	vst v6;
	v6 =	vadd.f32 v10, v20  }
0x2ba: {  	v8 =	vadd.f32 v11, v60;
	[tilespmem:s6+$0x12B40] =	vst v7;
	v7 =	vld [tilespmem:s6+$0x12BB0]  }
0x2bb: {  	v9 =	vadd.f32 v12, v21;
	[tilespmem:s6+$0x12B50] =	vst v6;
	v6 =	vld [tilespmem:s6+$0x12BC0]  }
0x2bc: {  	[tilespmem:s6+$0x12B60] =	vst v8;
	v8 =	vld [tilespmem:s6+$0x12BD0];
	v10 =	vadd.f32 v13, v61  }
0x2bd: {  	v12 =	vadd.f32 v14, v62;
	[tilespmem:s6+$0x12B70] =	vst v9;
	v9 =	vld [tilespmem:s6+$0x12BE0]  }
0x2be: {  	s7 =	simm.s32 $0x7C0;
	v11 =	vadd.f32 v15, v63;
	[tilespmem:s6+$0x12B80] =	vst v10;
	v10 =	vld [tilespmem:s6+$0x12BF0]  }
.LBB2_20:
0x2bf: {  	s8 =	sshra.s32 s7, $0x2;
	p0 =	sne.s32 s7, $0x18FC0;
	[tilespmem:s6+$0x12B90] =	vst v12;
	v5 =	vadd.f32 v5, v7;
	v7 =	vld [tilespmem:s6+$0x12C00]  }
0x2c0: {  	v12 =	vld [tilespmem:s8+$0x18F10];
	[tilespmem:s6+$0x12BA0] =	vst v11;
	v4 =	vadd.f32 v4, v6  }
0x2c1: {  	v6 =	vld [tilespmem:s8+$0x18F20];
	[tilespmem:s6+$0x12BB0] =	vst v5;
	v3 =	vadd.f32 v3, v8  }
0x2c2: {  	v8 =	vld [tilespmem:s8+$0x18F30];
	[tilespmem:s6+$0x12BC0] =	vst v4;
	v2 =	vadd.f32 v2, v9  }
0x2c3: {  	v9 =	vld [tilespmem:s8+$0x18F40];
	[tilespmem:s6+$0x12BD0] =	vst v3;
	v1 =	vadd.f32 v1, v10  }
0x2c4: {  	v10 =	vld [tilespmem:s8+$0x18F50];
	[tilespmem:s6+$0x12BE0] =	vst v2;
	v0 =	vadd.f32 v0, v7  }
0x2c5: {  	v7 =	vld [tilespmem:s8+$0x18F60];
	[tilespmem:s6+$0x12BF0] =	vst v1  }
0x2c6: {  	v11 =	vld [tilespmem:s8+$0x18F70];
	[tilespmem:s6+$0x12C00] =	vst v0;
	s6 =	smov.u32 s8  }
0x2c7: {  	v13 =	vld [tilespmem:s6+$0x18F80]  }
0x2c8: {  	v14 =	vld [tilespmem:s6+$0x18F90]  }
0x2c9: {  	v15 =	vld [tilespmem:s6+$0x18FA0]  }
0x2ca: {  	v5 =	vld [tilespmem:s6+$0x18FB0]  }
0x2cb: {  	v4 =	vld [tilespmem:s6+$0x18FC0]  }
0x2cc: {  	v3 =	vld [tilespmem:s6+$0x18FD0]  }
0x2cd: {  	v2 =	vld [tilespmem:s6+$0x18FE0]  }
0x2ce: {  	v1 =	vld [tilespmem:s6+$0x18FF0]  }
0x2cf: {  	v0 =	vld [tilespmem:s6+$0x19000]  }
0x2d0: {  	v16 =	vld [tilespmem:s6+$0x12B10]  }
0x2d1: {  	v17 =	vld [tilespmem:s6+$0x12B20]  }
0x2d2: {  	v18 =	vld [tilespmem:s6+$0x12B30]  }
0x2d3: {  	v19 =	vld [tilespmem:s6+$0x12B40]  }
0x2d4: {  	v20 =	vld [tilespmem:s6+$0x12B50]  }
0x2d5: {  	v12 =	vadd.f32 v12, v16;
	v16 =	vld [tilespmem:s6+$0x12B60]  }
0x2d6: {  	v6 =	vadd.f32 v6, v17;
	v17 =	vld [tilespmem:s6+$0x12B70]  }
0x2d7: {  	[tilespmem:s6+$0x12B10] =	vst v12;
	v8 =	vadd.f32 v8, v18;
	v12 =	vld [tilespmem:s6+$0x12B80]  }
0x2d8: {  	[tilespmem:s6+$0x12B20] =	vst v6;
	v6 =	vadd.f32 v9, v19;
	v9 =	vld [tilespmem:s6+$0x12B90]  }
0x2d9: {  	[tilespmem:s6+$0x12B30] =	vst v8;
	v8 =	vadd.f32 v10, v20;
	v10 =	vld [tilespmem:s6+$0x12BA0]  }
.Ltmp9:
0x2da: {  	[tilespmem:s6+$0x12B40] =	vst v6;
	v16 =	vadd.f32 v7, v16;
	v7 =	vld [tilespmem:s6+$0x12BB0];
	(pc) =	sbr.rel @p0 .LBB2_20-.Ltmp9, $4  }
0x2db: {  	[tilespmem:s6+$0x12B50] =	vst v8;
	v11 =	vadd.f32 v11, v17;
	v6 =	vld [tilespmem:s6+$0x12BC0]  }
0x2dc: {  	[tilespmem:s6+$0x12B60] =	vst v16;
	v13 =	vadd.f32 v13, v12;
	v8 =	vld [tilespmem:s6+$0x12BD0]  }
0x2dd: {  	[tilespmem:s6+$0x12B70] =	vst v11;
	v12 =	vadd.f32 v14, v9;
	v9 =	vld [tilespmem:s6+$0x12BE0]  }
0x2de: {  	s7 =	sadd.s32 $0x400, s7;
	[tilespmem:s6+$0x12B80] =	vst v13;
	v11 =	vadd.f32 v15, v10;
	v10 =	vld [tilespmem:s6+$0x12BF0]  }
0x2df: {  	[tilespmem:s6+$0x12B90] =	vst v12;
	v5 =	vadd.f32 v5, v7;
	v7 =	vld [tilespmem:s6+$0x12C00]  }
0x2e0: {  	[tilespmem:s6+$0x12BA0] =	vst v11;
	v4 =	vadd.f32 v4, v6  }
0x2e1: {  	[tilespmem:s6+$0x12BB0] =	vst v5;
	v3 =	vadd.f32 v3, v8  }
0x2e2: {  	[tilespmem:s6+$0x12BC0] =	vst v4;
	v2 =	vadd.f32 v2, v9  }
0x2e3: {  	[tilespmem:s6+$0x12BD0] =	vst v3;
	v1 =	vadd.f32 v1, v10  }
0x2e4: {  	[tilespmem:s6+$0x12BE0] =	vst v2;
	v0 =	vadd.f32 v0, v7  }
0x2e5: {  	[tilespmem:s6+$0x12BF0] =	vst v1  }
0x2e6: {  	[tilespmem:s6+$0x12C00] =	vst v0  }
0x2e7: {  	[hbm4b:s15+s4] =	stream.linear.scatter [tilespmem:s29], [sflag:$0x6], $0x6400, $0x38;
	[tilespmem:$0x1F400] =	vst v63  }
0x2e8: {  	_ =	swait.ge [sflag:s20], $0x6400  }
0x2e9: {  	[sflag:s20] =	ssyncset.done $0x0  }
0x2ea: {  	s13 =	simm.s32 $0x6338;
	[sflag:s20] =	ssyncadd.s32 $0xFFFF9C00  }
0x2eb: {  	[tilespmem:s25], [sflag:$0x2] =	stream.indirect.gather [hbm4b:s2+s19], $0x80, s13, s19, $0xb8;
	[tilespmem:$0x1F400] =	vst v63  }
0x2ec: {  	_ =	swait.ge [sflag:s26], $0x6400  }
0x2ed: {  	[sflag:s26] =	ssyncset.done $0x0  }
0x2ee: {  	s6 =	simm.s32 $0xF0;
	[sflag:s26] =	ssyncadd.s32 $0xFFFF9C00  }
0x2ef: {  	v6 =	vld [tilespmem:s6+$0x18F10]  }
0x2f0: {  	v7 =	vld [tilespmem:s6+$0x18F20]  }
0x2f1: {  	v8 =	vld [tilespmem:s6+$0x18F30]  }
0x2f2: {  	v9 =	vld [tilespmem:s6+$0x18F40]  }
0x2f3: {  	v10 =	vld [tilespmem:s6+$0x18F50]  }
0x2f4: {  	v11 =	vld [tilespmem:s6+$0x18F60]  }
0x2f5: {  	v12 =	vld [tilespmem:s6+$0x18F70]  }
0x2f6: {  	v13 =	vld [tilespmem:s6+$0x18F80]  }
0x2f7: {  	v14 =	vld [tilespmem:s6+$0x18F90]  }
0x2f8: {  	v15 =	vld [tilespmem:s6+$0x18FA0]  }
0x2f9: {  	v5 =	vld [tilespmem:s6+$0x18FB0]  }
0x2fa: {  	v4 =	vld [tilespmem:s6+$0x18FC0]  }
0x2fb: {  	v3 =	vld [tilespmem:s6+$0x18FD0]  }
0x2fc: {  	v2 =	vld [tilespmem:s6+$0x18FE0]  }
0x2fd: {  	v1 =	vld [tilespmem:s6+$0x18FF0]  }
0x2fe: {  	v0 =	vld [tilespmem:s6+$0x19000]  }
0x2ff: {  	v16 =	vld [tilespmem:s6+$0x6310]  }
0x300: {  	v17 =	vld [tilespmem:s6+$0x6320]  }
0x301: {  	v18 =	vld [tilespmem:s6+$0x6330]  }
0x302: {  	v19 =	vld [tilespmem:s6+$0x6340]  }
0x303: {  	v20 =	vld [tilespmem:s6+$0x6350]  }
0x304: {  	v60 =	vld [tilespmem:s6+$0x6360];
	v6 =	vadd.f32 v6, v16  }
0x305: {  	v21 =	vld [tilespmem:s6+$0x6370];
	v7 =	vadd.f32 v7, v17  }
0x306: {  	v61 =	vld [tilespmem:s6+$0x6380];
	[tilespmem:s6+$0x6310] =	vst v6;
	v6 =	vadd.f32 v8, v18  }
0x307: {  	v62 =	vld [tilespmem:s6+$0x6390];
	[tilespmem:s6+$0x6320] =	vst v7;
	v7 =	vadd.f32 v9, v19  }
0x308: {  	v63 =	vld [tilespmem:s6+$0x63A0];
	[tilespmem:s6+$0x6330] =	vst v6;
	v6 =	vadd.f32 v10, v20  }
0x309: {  	v8 =	vadd.f32 v11, v60;
	[tilespmem:s6+$0x6340] =	vst v7;
	v7 =	vld [tilespmem:s6+$0x63B0]  }
0x30a: {  	v9 =	vadd.f32 v12, v21;
	[tilespmem:s6+$0x6350] =	vst v6;
	v6 =	vld [tilespmem:s6+$0x63C0]  }
0x30b: {  	[tilespmem:s6+$0x6360] =	vst v8;
	v8 =	vld [tilespmem:s6+$0x63D0];
	v10 =	vadd.f32 v13, v61  }
0x30c: {  	v12 =	vadd.f32 v14, v62;
	[tilespmem:s6+$0x6370] =	vst v9;
	v9 =	vld [tilespmem:s6+$0x63E0]  }
0x30d: {  	s7 =	simm.s32 $0x7C0;
	v11 =	vadd.f32 v15, v63;
	[tilespmem:s6+$0x6380] =	vst v10;
	v10 =	vld [tilespmem:s6+$0x63F0]  }
.LBB2_22:
0x30e: {  	s8 =	sshra.s32 s7, $0x2;
	p0 =	sne.s32 s7, $0x18FC0;
	[tilespmem:s6+$0x6390] =	vst v12;
	v5 =	vadd.f32 v5, v7;
	v7 =	vld [tilespmem:s6+$0x6400]  }
0x30f: {  	v12 =	vld [tilespmem:s8+$0x18F10];
	[tilespmem:s6+$0x63A0] =	vst v11;
	v4 =	vadd.f32 v4, v6  }
0x310: {  	v6 =	vld [tilespmem:s8+$0x18F20];
	[tilespmem:s6+$0x63B0] =	vst v5;
	v3 =	vadd.f32 v3, v8  }
0x311: {  	v8 =	vld [tilespmem:s8+$0x18F30];
	[tilespmem:s6+$0x63C0] =	vst v4;
	v2 =	vadd.f32 v2, v9  }
0x312: {  	v9 =	vld [tilespmem:s8+$0x18F40];
	[tilespmem:s6+$0x63D0] =	vst v3;
	v1 =	vadd.f32 v1, v10  }
0x313: {  	v10 =	vld [tilespmem:s8+$0x18F50];
	[tilespmem:s6+$0x63E0] =	vst v2;
	v0 =	vadd.f32 v0, v7  }
0x314: {  	v7 =	vld [tilespmem:s8+$0x18F60];
	[tilespmem:s6+$0x63F0] =	vst v1  }
0x315: {  	v11 =	vld [tilespmem:s8+$0x18F70];
	[tilespmem:s6+$0x6400] =	vst v0;
	s6 =	smov.u32 s8  }
0x316: {  	v13 =	vld [tilespmem:s6+$0x18F80]  }
0x317: {  	v14 =	vld [tilespmem:s6+$0x18F90]  }
0x318: {  	v15 =	vld [tilespmem:s6+$0x18FA0]  }
0x319: {  	v5 =	vld [tilespmem:s6+$0x18FB0]  }
0x31a: {  	v4 =	vld [tilespmem:s6+$0x18FC0]  }
0x31b: {  	v3 =	vld [tilespmem:s6+$0x18FD0]  }
0x31c: {  	v2 =	vld [tilespmem:s6+$0x18FE0]  }
0x31d: {  	v1 =	vld [tilespmem:s6+$0x18FF0]  }
0x31e: {  	v0 =	vld [tilespmem:s6+$0x19000]  }
0x31f: {  	v16 =	vld [tilespmem:s6+$0x6310]  }
0x320: {  	v17 =	vld [tilespmem:s6+$0x6320]  }
0x321: {  	v18 =	vld [tilespmem:s6+$0x6330]  }
0x322: {  	v19 =	vld [tilespmem:s6+$0x6340]  }
0x323: {  	v20 =	vld [tilespmem:s6+$0x6350]  }
0x324: {  	v12 =	vadd.f32 v12, v16;
	v16 =	vld [tilespmem:s6+$0x6360]  }
0x325: {  	v6 =	vadd.f32 v6, v17;
	v17 =	vld [tilespmem:s6+$0x6370]  }
0x326: {  	[tilespmem:s6+$0x6310] =	vst v12;
	v8 =	vadd.f32 v8, v18;
	v12 =	vld [tilespmem:s6+$0x6380]  }
0x327: {  	[tilespmem:s6+$0x6320] =	vst v6;
	v6 =	vadd.f32 v9, v19;
	v9 =	vld [tilespmem:s6+$0x6390]  }
0x328: {  	[tilespmem:s6+$0x6330] =	vst v8;
	v8 =	vadd.f32 v10, v20;
	v10 =	vld [tilespmem:s6+$0x63A0]  }
.Ltmp10:
0x329: {  	[tilespmem:s6+$0x6340] =	vst v6;
	v16 =	vadd.f32 v7, v16;
	v7 =	vld [tilespmem:s6+$0x63B0];
	(pc) =	sbr.rel @p0 .LBB2_22-.Ltmp10, $4  }
0x32a: {  	[tilespmem:s6+$0x6350] =	vst v8;
	v11 =	vadd.f32 v11, v17;
	v6 =	vld [tilespmem:s6+$0x63C0]  }
0x32b: {  	[tilespmem:s6+$0x6360] =	vst v16;
	v13 =	vadd.f32 v13, v12;
	v8 =	vld [tilespmem:s6+$0x63D0]  }
0x32c: {  	[tilespmem:s6+$0x6370] =	vst v11;
	v12 =	vadd.f32 v14, v9;
	v9 =	vld [tilespmem:s6+$0x63E0]  }
0x32d: {  	s7 =	sadd.s32 $0x400, s7;
	[tilespmem:s6+$0x6380] =	vst v13;
	v11 =	vadd.f32 v15, v10;
	v10 =	vld [tilespmem:s6+$0x63F0]  }
0x32e: {  	[tilespmem:s6+$0x6390] =	vst v12;
	v5 =	vadd.f32 v5, v7;
	v7 =	vld [tilespmem:s6+$0x6400]  }
0x32f: {  	[tilespmem:s6+$0x63A0] =	vst v11;
	v4 =	vadd.f32 v4, v6  }
0x330: {  	[tilespmem:s6+$0x63B0] =	vst v5;
	v3 =	vadd.f32 v3, v8  }
0x331: {  	[tilespmem:s6+$0x63C0] =	vst v4;
	v2 =	vadd.f32 v2, v9  }
0x332: {  	[tilespmem:s6+$0x63D0] =	vst v3;
	v1 =	vadd.f32 v1, v10  }
0x333: {  	[tilespmem:s6+$0x63E0] =	vst v2;
	v0 =	vadd.f32 v0, v7  }
0x334: {  	[tilespmem:s6+$0x63F0] =	vst v1  }
0x335: {  	[tilespmem:s6+$0x6400] =	vst v0  }
0x336: {  	[hbm4b:s16+s4] =	stream.linear.scatter [tilespmem:s22], [sflag:$0x4], $0x6400, $0x38;
	[tilespmem:$0x1F400] =	vst v63  }
0x337: {  	_ =	swait.ge [sflag:s28], $0x6400  }
0x338: {  	[sflag:s28] =	ssyncset.done $0x0  }
0x339: {  	[sflag:s28] =	ssyncadd.s32 $0xFFFF9C00  }
0x33a: {  	_ =	swait.ge [sflag:s30], $0x6400  }
0x33b: {  	[sflag:s30] =	ssyncset.done $0x0  }
0x33c: {  	s6 =	simm.s32 $0xF0;
	[sflag:s30] =	ssyncadd.s32 $0xFFFF9C00  }
0x33d: {  	v6 =	vld [tilespmem:s6+$0x18F10]  }
0x33e: {  	v7 =	vld [tilespmem:s6+$0x18F20]  }
0x33f: {  	v8 =	vld [tilespmem:s6+$0x18F30]  }
0x340: {  	v9 =	vld [tilespmem:s6+$0x18F40]  }
0x341: {  	v10 =	vld [tilespmem:s6+$0x18F50]  }
0x342: {  	v11 =	vld [tilespmem:s6+$0x18F60]  }
0x343: {  	v12 =	vld [tilespmem:s6+$0x18F70]  }
0x344: {  	v13 =	vld [tilespmem:s6+$0x18F80]  }
0x345: {  	v14 =	vld [tilespmem:s6+$0x18F90]  }
0x346: {  	v15 =	vld [tilespmem:s6+$0x18FA0]  }
0x347: {  	v5 =	vld [tilespmem:s6+$0x18FB0]  }
0x348: {  	v4 =	vld [tilespmem:s6+$0x18FC0]  }
0x349: {  	v3 =	vld [tilespmem:s6+$0x18FD0]  }
0x34a: {  	v2 =	vld [tilespmem:s6+$0x18FE0]  }
0x34b: {  	v1 =	vld [tilespmem:s6+$0x18FF0]  }
0x34c: {  	v0 =	vld [tilespmem:s6+$0x19000]  }
0x34d: {  	v16 =	vld [tilespmem:s6+$0xC710]  }
0x34e: {  	v17 =	vld [tilespmem:s6+$0xC720]  }
0x34f: {  	v18 =	vld [tilespmem:s6+$0xC730]  }
0x350: {  	v19 =	vld [tilespmem:s6+$0xC740]  }
0x351: {  	v20 =	vld [tilespmem:s6+$0xC750]  }
0x352: {  	v60 =	vld [tilespmem:s6+$0xC760];
	v6 =	vadd.f32 v6, v16  }
0x353: {  	v21 =	vld [tilespmem:s6+$0xC770];
	v7 =	vadd.f32 v7, v17  }
0x354: {  	v61 =	vld [tilespmem:s6+$0xC780];
	[tilespmem:s6+$0xC710] =	vst v6;
	v6 =	vadd.f32 v8, v18  }
0x355: {  	v62 =	vld [tilespmem:s6+$0xC790];
	[tilespmem:s6+$0xC720] =	vst v7;
	v7 =	vadd.f32 v9, v19  }
0x356: {  	v63 =	vld [tilespmem:s6+$0xC7A0];
	[tilespmem:s6+$0xC730] =	vst v6;
	v6 =	vadd.f32 v10, v20  }
0x357: {  	v8 =	vadd.f32 v11, v60;
	[tilespmem:s6+$0xC740] =	vst v7;
	v7 =	vld [tilespmem:s6+$0xC7B0]  }
0x358: {  	v9 =	vadd.f32 v12, v21;
	[tilespmem:s6+$0xC750] =	vst v6;
	v6 =	vld [tilespmem:s6+$0xC7C0]  }
0x359: {  	[tilespmem:s6+$0xC760] =	vst v8;
	v8 =	vld [tilespmem:s6+$0xC7D0];
	v10 =	vadd.f32 v13, v61  }
0x35a: {  	v12 =	vadd.f32 v14, v62;
	[tilespmem:s6+$0xC770] =	vst v9;
	v9 =	vld [tilespmem:s6+$0xC7E0]  }
0x35b: {  	s7 =	simm.s32 $0x7C0;
	v11 =	vadd.f32 v15, v63;
	[tilespmem:s6+$0xC780] =	vst v10;
	v10 =	vld [tilespmem:s6+$0xC7F0]  }
.LBB2_24:
0x35c: {  	s8 =	sshra.s32 s7, $0x2;
	p0 =	sne.s32 s7, $0x18FC0;
	[tilespmem:s6+$0xC790] =	vst v12;
	v5 =	vadd.f32 v5, v7;
	v7 =	vld [tilespmem:s6+$0xC800]  }
0x35d: {  	v12 =	vld [tilespmem:s8+$0x18F10];
	[tilespmem:s6+$0xC7A0] =	vst v11;
	v4 =	vadd.f32 v4, v6  }
0x35e: {  	v6 =	vld [tilespmem:s8+$0x18F20];
	[tilespmem:s6+$0xC7B0] =	vst v5;
	v3 =	vadd.f32 v3, v8  }
0x35f: {  	v8 =	vld [tilespmem:s8+$0x18F30];
	[tilespmem:s6+$0xC7C0] =	vst v4;
	v2 =	vadd.f32 v2, v9  }
0x360: {  	v9 =	vld [tilespmem:s8+$0x18F40];
	[tilespmem:s6+$0xC7D0] =	vst v3;
	v1 =	vadd.f32 v1, v10  }
0x361: {  	v10 =	vld [tilespmem:s8+$0x18F50];
	[tilespmem:s6+$0xC7E0] =	vst v2;
	v0 =	vadd.f32 v0, v7  }
0x362: {  	v7 =	vld [tilespmem:s8+$0x18F60];
	[tilespmem:s6+$0xC7F0] =	vst v1  }
0x363: {  	v11 =	vld [tilespmem:s8+$0x18F70];
	[tilespmem:s6+$0xC800] =	vst v0;
	s6 =	smov.u32 s8  }
0x364: {  	v13 =	vld [tilespmem:s6+$0x18F80]  }
0x365: {  	v14 =	vld [tilespmem:s6+$0x18F90]  }
0x366: {  	v15 =	vld [tilespmem:s6+$0x18FA0]  }
0x367: {  	v5 =	vld [tilespmem:s6+$0x18FB0]  }
0x368: {  	v4 =	vld [tilespmem:s6+$0x18FC0]  }
0x369: {  	v3 =	vld [tilespmem:s6+$0x18FD0]  }
0x36a: {  	v2 =	vld [tilespmem:s6+$0x18FE0]  }
0x36b: {  	v1 =	vld [tilespmem:s6+$0x18FF0]  }
0x36c: {  	v0 =	vld [tilespmem:s6+$0x19000]  }
0x36d: {  	v16 =	vld [tilespmem:s6+$0xC710]  }
0x36e: {  	v17 =	vld [tilespmem:s6+$0xC720]  }
0x36f: {  	v18 =	vld [tilespmem:s6+$0xC730]  }
0x370: {  	v19 =	vld [tilespmem:s6+$0xC740]  }
0x371: {  	v20 =	vld [tilespmem:s6+$0xC750]  }
0x372: {  	v12 =	vadd.f32 v12, v16;
	v16 =	vld [tilespmem:s6+$0xC760]  }
0x373: {  	v6 =	vadd.f32 v6, v17;
	v17 =	vld [tilespmem:s6+$0xC770]  }
0x374: {  	[tilespmem:s6+$0xC710] =	vst v12;
	v8 =	vadd.f32 v8, v18;
	v12 =	vld [tilespmem:s6+$0xC780]  }
0x375: {  	[tilespmem:s6+$0xC720] =	vst v6;
	v6 =	vadd.f32 v9, v19;
	v9 =	vld [tilespmem:s6+$0xC790]  }
0x376: {  	[tilespmem:s6+$0xC730] =	vst v8;
	v8 =	vadd.f32 v10, v20;
	v10 =	vld [tilespmem:s6+$0xC7A0]  }
.Ltmp11:
0x377: {  	[tilespmem:s6+$0xC740] =	vst v6;
	v16 =	vadd.f32 v7, v16;
	v7 =	vld [tilespmem:s6+$0xC7B0];
	(pc) =	sbr.rel @p0 .LBB2_24-.Ltmp11, $4  }
0x378: {  	[tilespmem:s6+$0xC750] =	vst v8;
	v11 =	vadd.f32 v11, v17;
	v6 =	vld [tilespmem:s6+$0xC7C0]  }
0x379: {  	[tilespmem:s6+$0xC760] =	vst v16;
	v13 =	vadd.f32 v13, v12;
	v8 =	vld [tilespmem:s6+$0xC7D0]  }
0x37a: {  	[tilespmem:s6+$0xC770] =	vst v11;
	v12 =	vadd.f32 v14, v9;
	v9 =	vld [tilespmem:s6+$0xC7E0]  }
0x37b: {  	s7 =	sadd.s32 $0x400, s7;
	[tilespmem:s6+$0xC780] =	vst v13;
	v11 =	vadd.f32 v15, v10;
	v10 =	vld [tilespmem:s6+$0xC7F0]  }
0x37c: {  	[tilespmem:s6+$0xC790] =	vst v12;
	v5 =	vadd.f32 v5, v7;
	v63 =	vld [tilespmem:s6+$0xC800]  }
0x37d: {  	[tilespmem:s6+$0xC7A0] =	vst v11;
	v4 =	vadd.f32 v4, v6  }
0x37e: {  	[tilespmem:s6+$0xC7B0] =	vst v5;
	v3 =	vadd.f32 v3, v8  }
0x37f: {  	[tilespmem:s6+$0xC7C0] =	vst v4;
	v2 =	vadd.f32 v2, v9  }
0x380: {  	[tilespmem:s6+$0xC7D0] =	vst v3;
	v1 =	vadd.f32 v1, v10  }
0x381: {  	[tilespmem:s6+$0xC7E0] =	vst v2;
	v0 =	vadd.f32 v0, v63  }
0x382: {  	[tilespmem:s6+$0xC7F0] =	vst v1  }
0x383: {  	s0 =	sadd.s32 $0x1, s0;
	[tilespmem:s6+$0xC800] =	vst v0  }
0x384: {  	[hbm4b:s17+s4] =	stream.linear.scatter [tilespmem:s25], [sflag:$0x5], $0x6400, $0x38;
	[tilespmem:$0x1F400] =	vst v63  }
0x385: {  	p0 =	sne.s32 s0, s18;
	_ =	swait.ge [sflag:s31], $0x6400  }
.Ltmp12:
0x386: {  	[sflag:s31] =	ssyncset.done $0x0;
	(pc) =	sbr.rel @p0 .LBB2_1-.Ltmp12, $4  }
0x387: {  	[sflag:s31] =	ssyncadd.s32 $0xFFFF9C00  }
0x388: {  	_ =	swait.ge [sflag:s20], $0x6400  }
0x389: {  	[sflag:s20] =	ssyncset.done $0x0  }
0x38a: {  	[sflag:s20] =	ssyncadd.s32 $0xFFFF9C00  }
0x38b: {  	_ =	sfence.sel $0x180000  }
0x38c: {  	[bflag:$0x0] =	sbarrier.arrive $0xFFFF  }
0x38d: {  	_ =	strace $0x90000047  }
0x38e: {  	s0 =	stileid.u32;
	[bflag:$0x2] =	sbarrier.arrive $0xFFFF  }
0x38f: {  	p0 =	sne.s32 s0, $0x0;
	s0 =	rddreg [dreg:$0x3]  }
0x390: {  	s0 =	sadd.s32 @!p0 $0x100000, s0  }
0x391: {  	[sflag:s0] =	ssyncadd.tile.s32 @!p0 $0x1;
	_ =	shalt  }
.Lfunc_end2:
_tile_overlayer_lowered:
.L_overlay_start_2:
0x392: {  	(tag) =	ssettag $0x2  }
0x393: {  	s0 =	rddreg [dreg:$0x0];
	s2 =	stileid.u32  }
0x394: {  	s1 =	rddreg [dreg:$0x1];
	p0 =	sne.s32 s2, $0x0  }
0x395: {  	s3 =	rddreg [dreg:$0x2];
	[bflag:$0x3] =	sbarrier.arrive $0xFFFF;
	s2 =	simm.s32 @!p0 $0x1C0A  }
0x396: {  	[timem:s3], [sflag:s2] =	dma.local @!p0 [hbm:s0], s1  }
0x397: {  	s0 =	simm.s32 @!p0 $0xA  }
0x398: {  	_ =	swait.ge @!p0 [sflag:s0], s1  }
0x399: {  	s1 =	ssub.s32 @!p0 $0x0, s1;
	[sflag:s0] =	ssyncset.done @!p0 $0x0  }
0x39a: {  	[sflag:s0] =	ssyncadd.s32 @!p0 s1  }
0x39b: {  	[bflag:$0x3] =	sbarrier.arrive $0xFFFF  }
0x39c: {  	_ =	shalt  }

</sc_bundles>
